<compile_context>
chip_gen: v7x
topology: tpu7x:2x2x1
jax: 0.10.2.dev20260603
libtpu: 0.0.44.dev20260713+nightly
codegen_flags: <defaults>
</compile_context>

<pallas_src>
import functools

import jax
import jax.numpy as jnp
from jax import lax
from jax.experimental import pallas as pl
from jax.experimental.pallas import tpu as pltpu
from jax.experimental.pallas import tpu_sc as plsc

NC = 2
NS = 16
L = 16
CH = 128
RB = 1024
C0_SHARE = 0.5


def _sc_mesh():
    return plsc.VectorSubcoreMesh(
        core_axis_name="c", subcore_axis_name="s", num_cores=NC, num_subcores=NS
    )


def _make_sc_deg(chunks, NP):
    rpt = NP // NS
    BK = 8
    cpt = chunks // (NC * NS)

    @functools.partial(
        pl.kernel,
        out_type=jax.ShapeDtypeStruct((NC, NP), jnp.float32),
        mesh=_sc_mesh(),
        scratch_types=[
            pltpu.VMEM_SHARED((NP,), jnp.float32),
            pltpu.VMEM((cpt, CH), jnp.int32),
            pltpu.VMEM((CH,), jnp.float32),
            pltpu.SemaphoreType.DMA,
        ],
    )
    def sc_deg(dst_ref, z1_ref, out_ref, dacc, didx, ones, sem):
        c = lax.axis_index("c")
        s = lax.axis_index("s")
        tid = c * NS + s
        r0 = s * rpt
        pltpu.sync_copy(z1_ref.at[pl.ds(r0, rpt)], dacc.at[pl.ds(r0, rpt)])
        pltpu.sync_copy(dst_ref.at[pl.ds(tid * cpt, cpt)], didx)
        for i in range(CH // L):
            ones[pl.ds(i * L, L)] = jnp.full((L,), 1.0, jnp.float32)
        plsc.subcore_barrier()

        def body(jb, carry):
            for i in range(BK):
                pltpu.async_copy(ones, dacc.at[didx.at[jb * BK + i]], sem, add=True)
            for i in range(BK):
                pltpu.make_async_copy(z1_ref.at[pl.ds(0, CH)], ones, sem).wait()
            return carry

        lax.fori_loop(0, cpt // BK, body, 0)
        plsc.subcore_barrier()
        pltpu.sync_copy(dacc.at[pl.ds(r0, rpt)], out_ref.at[c, pl.ds(r0, rpt)])

    return sc_deg


def _make_sc_mp(c0pt, c1pt, NP, D):
    rpt = NP // NS
    mxh = 40

    @functools.partial(
        pl.kernel,
        out_type=jax.ShapeDtypeStruct((NC, NP, D), jnp.float32),
        mesh=_sc_mesh(),
        scratch_types=[
            pltpu.VMEM_SHARED((NP, D), jnp.float32),
            pltpu.VMEM((mxh, CH), jnp.int32),
            pltpu.VMEM((mxh, CH), jnp.int32),
            pltpu.VMEM((CH, D), jnp.float32),
            pltpu.VMEM((CH, D), jnp.float32),
            pltpu.SemaphoreType.DMA,
            pltpu.SemaphoreType.DMA,
        ],
    )
    def sc_mp(src_ref, dst_ref, mp_ref, zero_ref, out_ref, acc,
              sidx, didx, rows0, rows1, sem0, sem1):
        c = lax.axis_index("c")
        s = lax.axis_index("s")
        r0 = s * rpt

        def run_edges(cpt, chunk_base):
            HF = mxh if cpt % mxh == 0 else (32 if cpt % 32 == 0 else 16)
            for h in range(cpt // HF):
                pltpu.sync_copy(src_ref.at[pl.ds(chunk_base + h * HF, HF)],
                                sidx.at[pl.ds(0, HF)])
                pltpu.sync_copy(dst_ref.at[pl.ds(chunk_base + h * HF, HF)],
                                didx.at[pl.ds(0, HF)])
                if h == 0:
                    plsc.subcore_barrier()

                pltpu.async_copy(mp_ref.at[sidx.at[0]], rows0, sem0)
                pltpu.async_copy(mp_ref.at[sidx.at[1]], rows1, sem1)
                nj2 = HF // 2

                def body(j2, carry):
                    a = 2 * j2
                    pltpu.make_async_copy(zero_ref.at[pl.ds(0, CH)],
                                          rows0, sem0).wait()
                    pltpu.sync_copy(rows0, acc.at[didx.at[a]], add=True)

                    @pl.when(j2 < nj2 - 1)
                    def _():
                        pltpu.async_copy(mp_ref.at[sidx.at[a + 2]], rows0, sem0)

                    pltpu.make_async_copy(zero_ref.at[pl.ds(0, CH)],
                                          rows1, sem1).wait()
                    pltpu.sync_copy(rows1, acc.at[didx.at[a + 1]], add=True)

                    @pl.when(j2 < nj2 - 1)
                    def _():
                        pltpu.async_copy(mp_ref.at[sidx.at[a + 3]], rows1, sem1)

                    return carry

                lax.fori_loop(0, nj2, body, 0)

        @pl.when(c == 0)
        def _():
            pltpu.sync_copy(mp_ref.at[pl.ds(r0, rpt)], acc.at[pl.ds(r0, rpt)])
            run_edges(c0pt, s * c0pt)

        @pl.when(c != 0)
        def _():
            pltpu.sync_copy(zero_ref.at[pl.ds(r0, rpt)], acc.at[pl.ds(r0, rpt)])
            run_edges(c1pt, NS * c0pt + s * c1pt)

        plsc.subcore_barrier()
        pltpu.sync_copy(acc.at[pl.ds(r0, rpt)], out_ref.at[c, pl.ds(r0, rpt)])

    return sc_mp


def _tc_first(xp, deg4, W, NP, D):
    G = NP // RB

    def body(x_ref, deg_ref, w_ref, o_ref):
        dinv = lax.rsqrt(deg_ref[0, 0, 0, :] + deg_ref[1, 0, 0, :] + 1.0)
        h = jnp.dot(x_ref[...], w_ref[...], preferred_element_type=jnp.float32)
        o_ref[...] = dinv[:, None] * h

    return pl.pallas_call(
        body,
        grid=(G,),
        in_specs=[
            pl.BlockSpec((RB, D), lambda i: (i, 0)),
            pl.BlockSpec((NC, 1, 1, RB), lambda i: (0, i, 0, 0)),
            pl.BlockSpec((D, D), lambda i: (0, 0)),
        ],
        out_specs=pl.BlockSpec((RB, D), lambda i: (i, 0)),
        out_shape=jax.ShapeDtypeStruct((NP, D), jnp.float32),
    )(xp, deg4, W)


def _tc_mid(accp, deg4, W, bias, NP, D):
    G = NP // RB

    def body(a_ref, deg_ref, w_ref, b_ref, o_ref):
        dinv = lax.rsqrt(deg_ref[0, 0, 0, :] + deg_ref[1, 0, 0, :] + 1.0)
        a = a_ref[0] + a_ref[1]
        z = jnp.maximum(dinv[:, None] * a + b_ref[...], 0.0)
        h = jnp.dot(z, w_ref[...], preferred_element_type=jnp.float32)
        o_ref[...] = dinv[:, None] * h

    return pl.pallas_call(
        body,
        grid=(G,),
        in_specs=[
            pl.BlockSpec((NC, RB, D), lambda i: (0, i, 0)),
            pl.BlockSpec((NC, 1, 1, RB), lambda i: (0, i, 0, 0)),
            pl.BlockSpec((D, D), lambda i: (0, 0)),
            pl.BlockSpec((1, D), lambda i: (0, 0)),
        ],
        out_specs=pl.BlockSpec((RB, D), lambda i: (i, 0)),
        out_shape=jax.ShapeDtypeStruct((NP, D), jnp.float32),
    )(accp, deg4, W, bias)


def _tc_last(accp, deg4, bias, NP, D):
    G = NP // RB

    def body(a_ref, deg_ref, b_ref, o_ref):
        dinv = lax.rsqrt(deg_ref[0, 0, 0, :] + deg_ref[1, 0, 0, :] + 1.0)
        a = a_ref[0] + a_ref[1]
        o_ref[...] = jnp.maximum(dinv[:, None] * a + b_ref[...], 0.0)

    return pl.pallas_call(
        body,
        grid=(G,),
        in_specs=[
            pl.BlockSpec((NC, RB, D), lambda i: (0, i, 0)),
            pl.BlockSpec((NC, 1, 1, RB), lambda i: (0, i, 0, 0)),
            pl.BlockSpec((1, D), lambda i: (0, 0)),
        ],
        out_specs=pl.BlockSpec((RB, D), lambda i: (i, 0)),
        out_shape=jax.ShapeDtypeStruct((NP, D), jnp.float32),
    )(accp, deg4, bias)


def kernel(x, edge_index, W1, b1, W2, b2, W3, b3):
    N, D = x.shape
    E = edge_index.shape[1]
    NP = -(-N // RB) * RB
    NT = NC * NS
    tot = -(-E // (NT * 16 * CH)) * 16 * NC
    c0pt = max(16, int(round(tot * C0_SHARE / 16.0)) * 16)
    c1pt = tot - c0pt
    chunks = (c0pt + c1pt) * NS
    ET = chunks * CH
    PAD = ET - E

    i32 = jnp.int32
    pad_iota = jnp.arange(PAD, dtype=i32)
    pad_rows = N + pad_iota % (NP - N)
    src = jnp.concatenate([edge_index[0].astype(i32), pad_rows])
    dst = jnp.concatenate([edge_index[1].astype(i32), pad_rows])
    src2 = src.reshape(chunks, CH)
    dst2 = dst.reshape(chunks, CH)
    xp = jnp.pad(x, ((0, NP - N), (0, 0)))
    z2 = jnp.zeros((NP, D), jnp.float32)
    z1 = jnp.zeros((NP,), jnp.float32)

    sc_deg = _make_sc_deg(chunks, NP)
    sc_mp = _make_sc_mp(c0pt, c1pt, NP, D)

    degp = sc_deg(dst2, z1)
    deg4 = degp.reshape(NC, NP // RB, 1, RB)

    m1 = _tc_first(xp, deg4, W1, NP, D)
    a1 = sc_mp(src2, dst2, m1, z2)
    m2 = _tc_mid(a1, deg4, W2, b1.reshape(1, D), NP, D)
    a2 = sc_mp(src2, dst2, m2, z2)
    m3 = _tc_mid(a2, deg4, W3, b2.reshape(1, D), NP, D)
    a3 = sc_mp(src2, dst2, m3, z2)
    out = _tc_last(a3, deg4, b3.reshape(1, D), NP, D)
    return out[:N][None, :, :]

# --- scband reference (transcript-rebuilt; emitter-appended) ---
"""Pipeline reference for scband-fixed-gcnmodel-83562883711396 (READ-ONLY COPY).

The authoritative reference and input builder live on the scoring server;
editing this copy changes nothing except your own understanding.
"""

import jax, jax.numpy as jnp
import numpy as np

N = 10000
E = 320000
D_IN = 128
D_HID = 128
D_OUT = 128


def setup_inputs(seed: int = 0) -> dict:
    key = jax.random.key(seed)
    ks = jax.random.split(key, 8)
    x = jax.random.normal(ks[0], (N, D_IN), dtype=jnp.float32)
    edge_index = jax.random.randint(ks[1], (2, E), 0, N, dtype=jnp.int64)
    # GCNConv learned params (glorot-ish init)
    W1 = jax.random.normal(ks[2], (D_IN, D_HID), dtype=jnp.float32) * (1.0 / np.sqrt(D_IN))
    b1 = jnp.zeros((D_HID,), dtype=jnp.float32)
    W2 = jax.random.normal(ks[3], (D_HID, D_HID), dtype=jnp.float32) * (1.0 / np.sqrt(D_HID))
    b2 = jnp.zeros((D_HID,), dtype=jnp.float32)
    W3 = jax.random.normal(ks[4], (D_HID, D_OUT), dtype=jnp.float32) * (1.0 / np.sqrt(D_HID))
    b3 = jnp.zeros((D_OUT,), dtype=jnp.float32)
    return {"x": x, "edge_index": edge_index, "W1": W1, "b1": b1, "W2": W2, "b2": b2, "W3": W3, "b3": b3}


def _gcn_conv(x, src, dst, deg_inv_sqrt_src, deg_inv_sqrt_dst, W, b):
    # PyG GCNConv: x' = D^{-1/2}(A+I)D^{-1/2} X W + b  (self-loops already in src/dst)
    n = x.shape[0]
    h = x @ W
    norm = (deg_inv_sqrt_src * deg_inv_sqrt_dst)[:, None]
    msgs = norm * jnp.take(h, src, axis=0)
    out = jnp.zeros((n, W.shape[1]), dtype=x.dtype).at[dst].add(msgs)
    return out + b


def reference(x, edge_index, W1, b1, W2, b2, W3, b3):
    n = x.shape[0]
    loop = jnp.arange(n, dtype=edge_index.dtype)
    src = jnp.concatenate([edge_index[0], loop])
    dst = jnp.concatenate([edge_index[1], loop])
    deg = jnp.zeros((n,), dtype=x.dtype).at[dst].add(1.0)
    dinv = jax.lax.rsqrt(deg)  # deg >= 1 due to self loops
    dis = jnp.take(dinv, src)
    did = jnp.take(dinv, dst)
    # layer 1 + relu (dropout p=0.0 -> identity)
    h = _gcn_conv(x, src, dst, dis, did, W1, b1)
    h = jax.nn.relu(h)
    # layer 2 + relu
    h = _gcn_conv(h, src, dst, dis, did, W2, b2)
    h = jax.nn.relu(h)
    # layer 3 + relu (model applies relu+dropout after every layer, including last)
    h = _gcn_conv(h, src, dst, dis, did, W3, b3)
    h = jax.nn.relu(h)
    # torch.stack over the single-graph data_list -> leading dim of 1
    return h[None, :, :]

if __name__ == "__main__":
    import jax
    _d = setup_inputs()
    print(jax.jit(kernel)(*tuple(_d.values())))

</pallas_src>

<mosaic_0001>
#map = affine_map<(d0, d1) -> (0, 0)>
#map1 = affine_map<(d0, d1) -> (0, 0, 0)>
module attributes {stable_mosaic.version = 14 : i64} {
  func.func @sc_mp(%arg0: i32, %arg1: i32, %arg2: memref<2560x128xi32, #tpu.memory_space<hbm>>, %arg3: memref<2560x128xi32, #tpu.memory_space<hbm>>, %arg4: memref<10240x128xf32, #tpu.memory_space<hbm>>, %arg5: memref<10240x128xf32, #tpu.memory_space<hbm>>, %arg6: memref<2x10240x128xf32, #tpu.memory_space<hbm>>, %arg7: memref<10240x128xf32, #tpu.memory_space<vmem_shared>>, %arg8: memref<40x128xi32, #tpu.memory_space<vmem>>, %arg9: memref<40x128xi32, #tpu.memory_space<vmem>>, %arg10: memref<128x128xf32, #tpu.memory_space<vmem>>, %arg11: memref<128x128xf32, #tpu.memory_space<vmem>>, %arg12: memref<!tpu.dma_semaphore, #tpu.memory_space<semaphore_mem>>, %arg13: memref<!tpu.dma_semaphore, #tpu.memory_space<semaphore_mem>>) attributes {dimension_semantics = [#tpu.dimension_semantics<core_parallel>, #tpu.dimension_semantics<subcore_parallel>], iteration_bounds = array<i64: 2, 16>, scalar_prefetch = 0 : i64, scratch_operands = 7 : i64, tpu.core_type = #tpu.core_type<sc_vector_subcore>, window_params = [{transform_indices = #map}, {transform_indices = #map}, {transform_indices = #map}, {transform_indices = #map}, {transform_indices = #map1}]} {
    %mul3A = arith.constant 640 : i32
    %mul3A_0 = arith.muli %arg1, %mul3A : i32
    %eq3A = arith.constant 0 : i32
    %eq3A_1 = arith.cmpi eq, %arg0, %eq3A : i32
    %convert_element_type3A = arith.extui %eq3A_1 : i1 to i32
    %cond3A = arith.constant 0 : i32
    %cond3A_2 = arith.cmpi ne, %convert_element_type3A, %cond3A : i32
    scf.if %cond3A_2 {
      "tpu.region"() ({
        %run_scoped3A = tpu.sem_alloc : memref<!tpu.dma_semaphore, #tpu.memory_space<semaphore_mem>>
        %dma_start3A_55 = arith.constant 0 : i32
        %dma_start3A_56 = tpu.memref_slice %arg7[%mul3A_0, %dma_start3A_55] : memref<10240x128xf32, #tpu.memory_space<vmem_shared>> -> memref<640x128xf32, #tpu.memory_space<vmem_shared>>
        %dma_start3A_57 = arith.constant 0 : i32
        %dma_start3A_58 = tpu.memref_slice %arg4[%mul3A_0, %dma_start3A_57] : memref<10240x128xf32, #tpu.memory_space<hbm>> -> memref<640x128xf32, #tpu.memory_space<hbm>>
        tpu.enqueue_dma source(%dma_start3A_58 : memref<640x128xf32, #tpu.memory_space<hbm>>) target(%dma_start3A_56 : memref<640x128xf32, #tpu.memory_space<vmem_shared>>) target_semaphore(%run_scoped3A : memref<!tpu.dma_semaphore, #tpu.memory_space<semaphore_mem>>)
        %dma_wait3A = arith.constant 0 : i32
        %dma_wait3A_59 = tpu.memref_slice %arg7[%mul3A_0, %dma_wait3A] : memref<10240x128xf32, #tpu.memory_space<vmem_shared>> -> memref<640x128xf32, #tpu.memory_space<vmem_shared>>
        %dma_wait3A_60 = arith.constant 0 : i32
        %dma_wait3A_61 = tpu.memref_slice %arg4[%mul3A_0, %dma_wait3A_60] : memref<10240x128xf32, #tpu.memory_space<hbm>> -> memref<640x128xf32, #tpu.memory_space<hbm>>
        tpu.wait_dma2 semaphore(%run_scoped3A : memref<!tpu.dma_semaphore, #tpu.memory_space<semaphore_mem>>) src(%dma_wait3A_61 : memref<640x128xf32, #tpu.memory_space<hbm>>) dst(%dma_wait3A_59 : memref<640x128xf32, #tpu.memory_space<vmem_shared>>)
        tpu.yield
      }) : () -> ()
      %mul3A_7 = arith.constant 80 : i32
      %mul3A_8 = arith.muli %arg1, %mul3A_7 : i32
      %add3A = arith.constant 0 : i32
      %add3A_9 = arith.addi %mul3A_8, %add3A : i32
      "tpu.region"() ({
        %run_scoped3A = tpu.sem_alloc : memref<!tpu.dma_semaphore, #tpu.memory_space<semaphore_mem>>
        %dma_start3A_55 = arith.constant 0 : i32
        %dma_start3A_56 = arith.constant 0 : i32
        %dma_start3A_57 = tpu.memref_slice %arg8[%dma_start3A_55, %dma_start3A_56] : memref<40x128xi32, #tpu.memory_space<vmem>> -> memref<40x128xi32, #tpu.memory_space<vmem>>
        %dma_start3A_58 = arith.constant 0 : i32
        %dma_start3A_59 = tpu.memref_slice %arg2[%add3A_9, %dma_start3A_58] : memref<2560x128xi32, #tpu.memory_space<hbm>> -> memref<40x128xi32, #tpu.memory_space<hbm>>
        %dma_start3A_60 = arith.constant 0 : i32
        %dma_start3A_61 = arith.constant 0 : i32
        %dma_start3A_62 = tpu.memref_slice %arg8[%dma_start3A_60, %dma_start3A_61] : memref<40x128xi32, #tpu.memory_space<vmem>> -> memref<40x128xi32, #tpu.memory_space<vmem>>
        %dma_start3A_63 = arith.constant 0 : i32
        %dma_start3A_64 = tpu.memref_slice %arg2[%add3A_9, %dma_start3A_63] : memref<2560x128xi32, #tpu.memory_space<hbm>> -> memref<40x128xi32, #tpu.memory_space<hbm>>
        tpu.enqueue_dma source(%dma_start3A_64 : memref<40x128xi32, #tpu.memory_space<hbm>>) target(%dma_start3A_62 : memref<40x128xi32, #tpu.memory_space<vmem>>) target_semaphore(%run_scoped3A : memref<!tpu.dma_semaphore, #tpu.memory_space<semaphore_mem>>)
        %dma_wait3A = arith.constant 0 : i32
        %dma_wait3A_65 = arith.constant 0 : i32
        %dma_wait3A_66 = tpu.memref_slice %arg8[%dma_wait3A, %dma_wait3A_65] : memref<40x128xi32, #tpu.memory_space<vmem>> -> memref<40x128xi32, #tpu.memory_space<vmem>>
        %dma_wait3A_67 = arith.constant 0 : i32
        %dma_wait3A_68 = tpu.memref_slice %arg2[%add3A_9, %dma_wait3A_67] : memref<2560x128xi32, #tpu.memory_space<hbm>> -> memref<40x128xi32, #tpu.memory_space<hbm>>
        %dma_wait3A_69 = arith.constant 0 : i32
        %dma_wait3A_70 = arith.constant 0 : i32
        %dma_wait3A_71 = tpu.memref_slice %arg8[%dma_wait3A_69, %dma_wait3A_70] : memref<40x128xi32, #tpu.memory_space<vmem>> -> memref<40x128xi32, #tpu.memory_space<vmem>>
        %dma_wait3A_72 = arith.constant 0 : i32
        %dma_wait3A_73 = tpu.memref_slice %arg2[%add3A_9, %dma_wait3A_72] : memref<2560x128xi32, #tpu.memory_space<hbm>> -> memref<40x128xi32, #tpu.memory_space<hbm>>
        tpu.wait_dma2 semaphore(%run_scoped3A : memref<!tpu.dma_semaphore, #tpu.memory_space<semaphore_mem>>) src(%dma_wait3A_73 : memref<40x128xi32, #tpu.memory_space<hbm>>) dst(%dma_wait3A_71 : memref<40x128xi32, #tpu.memory_space<vmem>>)
        tpu.yield
      }) : () -> ()
      %add3A_10 = arith.constant 0 : i32
      %add3A_11 = arith.addi %mul3A_8, %add3A_10 : i32
      "tpu.region"() ({
        %run_scoped3A = tpu.sem_alloc : memref<!tpu.dma_semaphore, #tpu.memory_space<semaphore_mem>>
        %dma_start3A_55 = arith.constant 0 : i32
        %dma_start3A_56 = arith.constant 0 : i32
        %dma_start3A_57 = tpu.memref_slice %arg9[%dma_start3A_55, %dma_start3A_56] : memref<40x128xi32, #tpu.memory_space<vmem>> -> memref<40x128xi32, #tpu.memory_space<vmem>>
        %dma_start3A_58 = arith.constant 0 : i32
        %dma_start3A_59 = tpu.memref_slice %arg3[%add3A_11, %dma_start3A_58] : memref<2560x128xi32, #tpu.memory_space<hbm>> -> memref<40x128xi32, #tpu.memory_space<hbm>>
        %dma_start3A_60 = arith.constant 0 : i32
        %dma_start3A_61 = arith.constant 0 : i32
        %dma_start3A_62 = tpu.memref_slice %arg9[%dma_start3A_60, %dma_start3A_61] : memref<40x128xi32, #tpu.memory_space<vmem>> -> memref<40x128xi32, #tpu.memory_space<vmem>>
        %dma_start3A_63 = arith.constant 0 : i32
        %dma_start3A_64 = tpu.memref_slice %arg3[%add3A_11, %dma_start3A_63] : memref<2560x128xi32, #tpu.memory_space<hbm>> -> memref<40x128xi32, #tpu.memory_space<hbm>>
        tpu.enqueue_dma source(%dma_start3A_64 : memref<40x128xi32, #tpu.memory_space<hbm>>) target(%dma_start3A_62 : memref<40x128xi32, #tpu.memory_space<vmem>>) target_semaphore(%run_scoped3A : memref<!tpu.dma_semaphore, #tpu.memory_space<semaphore_mem>>)
        %dma_wait3A = arith.constant 0 : i32
        %dma_wait3A_65 = arith.constant 0 : i32
        %dma_wait3A_66 = tpu.memref_slice %arg9[%dma_wait3A, %dma_wait3A_65] : memref<40x128xi32, #tpu.memory_space<vmem>> -> memref<40x128xi32, #tpu.memory_space<vmem>>
        %dma_wait3A_67 = arith.constant 0 : i32
        %dma_wait3A_68 = tpu.memref_slice %arg3[%add3A_11, %dma_wait3A_67] : memref<2560x128xi32, #tpu.memory_space<hbm>> -> memref<40x128xi32, #tpu.memory_space<hbm>>
        %dma_wait3A_69 = arith.constant 0 : i32
        %dma_wait3A_70 = arith.constant 0 : i32
        %dma_wait3A_71 = tpu.memref_slice %arg9[%dma_wait3A_69, %dma_wait3A_70] : memref<40x128xi32, #tpu.memory_space<vmem>> -> memref<40x128xi32, #tpu.memory_space<vmem>>
        %dma_wait3A_72 = arith.constant 0 : i32
        %dma_wait3A_73 = tpu.memref_slice %arg3[%add3A_11, %dma_wait3A_72] : memref<2560x128xi32, #tpu.memory_space<hbm>> -> memref<40x128xi32, #tpu.memory_space<hbm>>
        tpu.wait_dma2 semaphore(%run_scoped3A : memref<!tpu.dma_semaphore, #tpu.memory_space<semaphore_mem>>) src(%dma_wait3A_73 : memref<40x128xi32, #tpu.memory_space<hbm>>) dst(%dma_wait3A_71 : memref<40x128xi32, #tpu.memory_space<vmem>>)
        tpu.yield
      }) : () -> ()
      %barrier3A_12 = arith.constant 0 : index
      tpu.barrier barrier_id(%barrier3A_12)
      %dma_start3A = arith.constant 0 : i32
      %dma_start3A_13 = arith.constant 0 : i32
      %dma_start3A_14 = tpu.memref_slice %arg8[%dma_start3A, %dma_start3A_13] : memref<40x128xi32, #tpu.memory_space<vmem>> -> memref<1x128xi32, #tpu.memory_space<vmem>>
      %dma_start3A_15 = tpu.memref_squeeze %dma_start3A_14 : memref<1x128xi32, #tpu.memory_space<vmem>> -> memref<128xi32, #tpu.memory_space<vmem>>
      %dma_start3A_16 = arith.constant 0 : i32
      %dma_start3A_17 = arith.constant 0 : i32
      %dma_start3A_18 = tpu.memref_slice %arg4[%dma_start3A_16, %dma_start3A_17] : memref<10240x128xf32, #tpu.memory_space<hbm>> -> memref<10240x128xf32, #tpu.memory_space<hbm>>
      tpu.enqueue_indirect_dma source(%dma_start3A_18 : memref<10240x128xf32, #tpu.memory_space<hbm>>) target(%arg10 : memref<128x128xf32, #tpu.memory_space<vmem>>) offsets(%dma_start3A_15 : memref<128xi32, #tpu.memory_space<vmem>>) semaphore(%arg12 : memref<!tpu.dma_semaphore, #tpu.memory_space<semaphore_mem>>)
      %dma_start3A_19 = arith.constant 1 : i32
      %dma_start3A_20 = arith.constant 0 : i32
      %dma_start3A_21 = tpu.memref_slice %arg8[%dma_start3A_19, %dma_start3A_20] : memref<40x128xi32, #tpu.memory_space<vmem>> -> memref<1x128xi32, #tpu.memory_space<vmem>>
      %dma_start3A_22 = tpu.memref_squeeze %dma_start3A_21 : memref<1x128xi32, #tpu.memory_space<vmem>> -> memref<128xi32, #tpu.memory_space<vmem>>
      %dma_start3A_23 = arith.constant 0 : i32
      %dma_start3A_24 = arith.constant 0 : i32
      %dma_start3A_25 = tpu.memref_slice %arg4[%dma_start3A_23, %dma_start3A_24] : memref<10240x128xf32, #tpu.memory_space<hbm>> -> memref<10240x128xf32, #tpu.memory_space<hbm>>
      tpu.enqueue_indirect_dma source(%dma_start3A_25 : memref<10240x128xf32, #tpu.memory_space<hbm>>) target(%arg11 : memref<128x128xf32, #tpu.memory_space<vmem>>) offsets(%dma_start3A_22 : memref<128xi32, #tpu.memory_space<vmem>>) semaphore(%arg13 : memref<!tpu.dma_semaphore, #tpu.memory_space<semaphore_mem>>)
      %scan3A = arith.constant 0 : i32
      %scan3A_26 = arith.constant 0 : i32
      %scan3A_27 = arith.constant 20 : i32
      %scan3A_28 = arith.addi %scan3A_26, %scan3A_27 : i32
      %scan3A_29 = arith.constant 1 : i32
      scf.for %scan3A_55 = %scan3A_26 to %scan3A_28 step %scan3A_29  : i32 {
        %mul3A_56 = arith.constant 2 : i32
        %mul3A_57 = arith.muli %mul3A_56, %scan3A_55 : i32
        %dma_wait3A = arith.constant 0 : i32
        %dma_wait3A_58 = arith.constant 0 : i32
        %dma_wait3A_59 = tpu.memref_slice %arg5[%dma_wait3A, %dma_wait3A_58] : memref<10240x128xf32, #tpu.memory_space<hbm>> -> memref<128x128xf32, #tpu.memory_space<hbm>>
        %dma_wait3A_60 = arith.constant 0 : i32
        %dma_wait3A_61 = arith.constant 0 : i32
        %dma_wait3A_62 = tpu.memref_slice %arg5[%dma_wait3A_60, %dma_wait3A_61] : memref<10240x128xf32, #tpu.memory_space<hbm>> -> memref<128x128xf32, #tpu.memory_space<hbm>>
        tpu.wait_dma2 semaphore(%arg12 : memref<!tpu.dma_semaphore, #tpu.memory_space<semaphore_mem>>) src(%dma_wait3A_62 : memref<128x128xf32, #tpu.memory_space<hbm>>) dst(%arg10 : memref<128x128xf32, #tpu.memory_space<vmem>>)
        "tpu.region"() ({
          %run_scoped3A = tpu.sem_alloc : memref<!tpu.dma_semaphore, #tpu.memory_space<semaphore_mem>>
          %dma_start3A_80 = arith.constant 0 : i32
          %dma_start3A_81 = tpu.memref_slice %arg9[%mul3A_57, %dma_start3A_80] : memref<40x128xi32, #tpu.memory_space<vmem>> -> memref<1x128xi32, #tpu.memory_space<vmem>>
          %dma_start3A_82 = tpu.memref_squeeze %dma_start3A_81 : memref<1x128xi32, #tpu.memory_space<vmem>> -> memref<128xi32, #tpu.memory_space<vmem>>
          %dma_start3A_83 = arith.constant 0 : i32
          %dma_start3A_84 = arith.constant 0 : i32
          %dma_start3A_85 = tpu.memref_slice %arg7[%dma_start3A_83, %dma_start3A_84] : memref<10240x128xf32, #tpu.memory_space<vmem_shared>> -> memref<10240x128xf32, #tpu.memory_space<vmem_shared>>
          tpu.enqueue_indirect_dma source(%arg10 : memref<128x128xf32, #tpu.memory_space<vmem>>) target(%dma_start3A_85 : memref<10240x128xf32, #tpu.memory_space<vmem_shared>>) offsets(%dma_start3A_82 : memref<128xi32, #tpu.memory_space<vmem>>) semaphore(%run_scoped3A : memref<!tpu.dma_semaphore, #tpu.memory_space<semaphore_mem>>) {add = true}
          %dma_wait3A_86 = arith.constant 0 : i32
          %dma_wait3A_87 = tpu.memref_slice %arg9[%mul3A_57, %dma_wait3A_86] : memref<40x128xi32, #tpu.memory_space<vmem>> -> memref<1x128xi32, #tpu.memory_space<vmem>>
          %dma_wait3A_88 = tpu.memref_squeeze %dma_wait3A_87 : memref<1x128xi32, #tpu.memory_space<vmem>> -> memref<128xi32, #tpu.memory_space<vmem>>
          %dma_wait3A_89 = arith.constant 0 : i32
          %dma_wait3A_90 = arith.constant 0 : i32
          %dma_wait3A_91 = tpu.memref_slice %arg7[%dma_wait3A_89, %dma_wait3A_90] : memref<10240x128xf32, #tpu.memory_space<vmem_shared>> -> memref<10240x128xf32, #tpu.memory_space<vmem_shared>>
          tpu.wait_indirect_dma semaphore(%run_scoped3A : memref<!tpu.dma_semaphore, #tpu.memory_space<semaphore_mem>>) src(%arg10 : memref<128x128xf32, #tpu.memory_space<vmem>>) dst(%dma_wait3A_91 : memref<10240x128xf32, #tpu.memory_space<vmem_shared>>)
          tpu.yield
        }) : () -> ()
        %lt3A = arith.constant 19 : i32
        %lt3A_63 = arith.cmpi slt, %scan3A_55, %lt3A : i32
        %convert_element_type3A_64 = arith.extui %lt3A_63 : i1 to i32
        %cond3A_65 = arith.constant 0 : i32
        %cond3A_66 = arith.cmpi ne, %convert_element_type3A_64, %cond3A_65 : i32
        scf.if %cond3A_66 {
          %add3A_80 = arith.constant 2 : i32
          %add3A_81 = arith.addi %mul3A_57, %add3A_80 : i32
          %dma_start3A_82 = arith.constant 0 : i32
          %dma_start3A_83 = tpu.memref_slice %arg8[%add3A_81, %dma_start3A_82] : memref<40x128xi32, #tpu.memory_space<vmem>> -> memref<1x128xi32, #tpu.memory_space<vmem>>
          %dma_start3A_84 = tpu.memref_squeeze %dma_start3A_83 : memref<1x128xi32, #tpu.memory_space<vmem>> -> memref<128xi32, #tpu.memory_space<vmem>>
          %dma_start3A_85 = arith.constant 0 : i32
          %dma_start3A_86 = arith.constant 0 : i32
          %dma_start3A_87 = tpu.memref_slice %arg4[%dma_start3A_85, %dma_start3A_86] : memref<10240x128xf32, #tpu.memory_space<hbm>> -> memref<10240x128xf32, #tpu.memory_space<hbm>>
          tpu.enqueue_indirect_dma source(%dma_start3A_87 : memref<10240x128xf32, #tpu.memory_space<hbm>>) target(%arg10 : memref<128x128xf32, #tpu.memory_space<vmem>>) offsets(%dma_start3A_84 : memref<128xi32, #tpu.memory_space<vmem>>) semaphore(%arg12 : memref<!tpu.dma_semaphore, #tpu.memory_space<semaphore_mem>>)
        } else {
        }
        %dma_wait3A_67 = arith.constant 0 : i32
        %dma_wait3A_68 = arith.constant 0 : i32
        %dma_wait3A_69 = tpu.memref_slice %arg5[%dma_wait3A_67, %dma_wait3A_68] : memref<10240x128xf32, #tpu.memory_space<hbm>> -> memref<128x128xf32, #tpu.memory_space<hbm>>
        %dma_wait3A_70 = arith.constant 0 : i32
        %dma_wait3A_71 = arith.constant 0 : i32
        %dma_wait3A_72 = tpu.memref_slice %arg5[%dma_wait3A_70, %dma_wait3A_71] : memref<10240x128xf32, #tpu.memory_space<hbm>> -> memref<128x128xf32, #tpu.memory_space<hbm>>
        tpu.wait_dma2 semaphore(%arg13 : memref<!tpu.dma_semaphore, #tpu.memory_space<semaphore_mem>>) src(%dma_wait3A_72 : memref<128x128xf32, #tpu.memory_space<hbm>>) dst(%arg11 : memref<128x128xf32, #tpu.memory_space<vmem>>)
        %add3A_73 = arith.constant 1 : i32
        %add3A_74 = arith.addi %mul3A_57, %add3A_73 : i32
        "tpu.region"() ({
          %run_scoped3A = tpu.sem_alloc : memref<!tpu.dma_semaphore, #tpu.memory_space<semaphore_mem>>
          %dma_start3A_80 = arith.constant 0 : i32
          %dma_start3A_81 = tpu.memref_slice %arg9[%add3A_74, %dma_start3A_80] : memref<40x128xi32, #tpu.memory_space<vmem>> -> memref<1x128xi32, #tpu.memory_space<vmem>>
          %dma_start3A_82 = tpu.memref_squeeze %dma_start3A_81 : memref<1x128xi32, #tpu.memory_space<vmem>> -> memref<128xi32, #tpu.memory_space<vmem>>
          %dma_start3A_83 = arith.constant 0 : i32
          %dma_start3A_84 = arith.constant 0 : i32
          %dma_start3A_85 = tpu.memref_slice %arg7[%dma_start3A_83, %dma_start3A_84] : memref<10240x128xf32, #tpu.memory_space<vmem_shared>> -> memref<10240x128xf32, #tpu.memory_space<vmem_shared>>
          tpu.enqueue_indirect_dma source(%arg11 : memref<128x128xf32, #tpu.memory_space<vmem>>) target(%dma_start3A_85 : memref<10240x128xf32, #tpu.memory_space<vmem_shared>>) offsets(%dma_start3A_82 : memref<128xi32, #tpu.memory_space<vmem>>) semaphore(%run_scoped3A : memref<!tpu.dma_semaphore, #tpu.memory_space<semaphore_mem>>) {add = true}
          %dma_wait3A_86 = arith.constant 0 : i32
          %dma_wait3A_87 = tpu.memref_slice %arg9[%add3A_74, %dma_wait3A_86] : memref<40x128xi32, #tpu.memory_space<vmem>> -> memref<1x128xi32, #tpu.memory_space<vmem>>
          %dma_wait3A_88 = tpu.memref_squeeze %dma_wait3A_87 : memref<1x128xi32, #tpu.memory_space<vmem>> -> memref<128xi32, #tpu.memory_space<vmem>>
          %dma_wait3A_89 = arith.constant 0 : i32
          %dma_wait3A_90 = arith.constant 0 : i32
          %dma_wait3A_91 = tpu.memref_slice %arg7[%dma_wait3A_89, %dma_wait3A_90] : memref<10240x128xf32, #tpu.memory_space<vmem_shared>> -> memref<10240x128xf32, #tpu.memory_space<vmem_shared>>
          tpu.wait_indirect_dma semaphore(%run_scoped3A : memref<!tpu.dma_semaphore, #tpu.memory_space<semaphore_mem>>) src(%arg11 : memref<128x128xf32, #tpu.memory_space<vmem>>) dst(%dma_wait3A_91 : memref<10240x128xf32, #tpu.memory_space<vmem_shared>>)
          tpu.yield
        }) : () -> ()
        %lt3A_75 = arith.constant 19 : i32
        %lt3A_76 = arith.cmpi slt, %scan3A_55, %lt3A_75 : i32
        %convert_element_type3A_77 = arith.extui %lt3A_76 : i1 to i32
        %cond3A_78 = arith.constant 0 : i32
        %cond3A_79 = arith.cmpi ne, %convert_element_type3A_77, %cond3A_78 : i32
        scf.if %cond3A_79 {
          %add3A_80 = arith.constant 3 : i32
          %add3A_81 = arith.addi %mul3A_57, %add3A_80 : i32
          %dma_start3A_82 = arith.constant 0 : i32
          %dma_start3A_83 = tpu.memref_slice %arg8[%add3A_81, %dma_start3A_82] : memref<40x128xi32, #tpu.memory_space<vmem>> -> memref<1x128xi32, #tpu.memory_space<vmem>>
          %dma_start3A_84 = tpu.memref_squeeze %dma_start3A_83 : memref<1x128xi32, #tpu.memory_space<vmem>> -> memref<128xi32, #tpu.memory_space<vmem>>
          %dma_start3A_85 = arith.constant 0 : i32
          %dma_start3A_86 = arith.constant 0 : i32
          %dma_start3A_87 = tpu.memref_slice %arg4[%dma_start3A_85, %dma_start3A_86] : memref<10240x128xf32, #tpu.memory_space<hbm>> -> memref<10240x128xf32, #tpu.memory_space<hbm>>
          tpu.enqueue_indirect_dma source(%dma_start3A_87 : memref<10240x128xf32, #tpu.memory_space<hbm>>) target(%arg11 : memref<128x128xf32, #tpu.memory_space<vmem>>) offsets(%dma_start3A_84 : memref<128xi32, #tpu.memory_space<vmem>>) semaphore(%arg13 : memref<!tpu.dma_semaphore, #tpu.memory_space<semaphore_mem>>)
        } else {
        }
      }
      %scan3A_30 = arith.constant 20 : i32
      %add3A_31 = arith.constant 40 : i32
      %add3A_32 = arith.addi %mul3A_8, %add3A_31 : i32
      "tpu.region"() ({
        %run_scoped3A = tpu.sem_alloc : memref<!tpu.dma_semaphore, #tpu.memory_space<semaphore_mem>>
        %dma_start3A_55 = arith.constant 0 : i32
        %dma_start3A_56 = arith.constant 0 : i32
        %dma_start3A_57 = tpu.memref_slice %arg8[%dma_start3A_55, %dma_start3A_56] : memref<40x128xi32, #tpu.memory_space<vmem>> -> memref<40x128xi32, #tpu.memory_space<vmem>>
        %dma_start3A_58 = arith.constant 0 : i32
        %dma_start3A_59 = tpu.memref_slice %arg2[%add3A_32, %dma_start3A_58] : memref<2560x128xi32, #tpu.memory_space<hbm>> -> memref<40x128xi32, #tpu.memory_space<hbm>>
        %dma_start3A_60 = arith.constant 0 : i32
        %dma_start3A_61 = arith.constant 0 : i32
        %dma_start3A_62 = tpu.memref_slice %arg8[%dma_start3A_60, %dma_start3A_61] : memref<40x128xi32, #tpu.memory_space<vmem>> -> memref<40x128xi32, #tpu.memory_space<vmem>>
        %dma_start3A_63 = arith.constant 0 : i32
        %dma_start3A_64 = tpu.memref_slice %arg2[%add3A_32, %dma_start3A_63] : memref<2560x128xi32, #tpu.memory_space<hbm>> -> memref<40x128xi32, #tpu.memory_space<hbm>>
        tpu.enqueue_dma source(%dma_start3A_64 : memref<40x128xi32, #tpu.memory_space<hbm>>) target(%dma_start3A_62 : memref<40x128xi32, #tpu.memory_space<vmem>>) target_semaphore(%run_scoped3A : memref<!tpu.dma_semaphore, #tpu.memory_space<semaphore_mem>>)
        %dma_wait3A = arith.constant 0 : i32
        %dma_wait3A_65 = arith.constant 0 : i32
        %dma_wait3A_66 = tpu.memref_slice %arg8[%dma_wait3A, %dma_wait3A_65] : memref<40x128xi32, #tpu.memory_space<vmem>> -> memref<40x128xi32, #tpu.memory_space<vmem>>
        %dma_wait3A_67 = arith.constant 0 : i32
        %dma_wait3A_68 = tpu.memref_slice %arg2[%add3A_32, %dma_wait3A_67] : memref<2560x128xi32, #tpu.memory_space<hbm>> -> memref<40x128xi32, #tpu.memory_space<hbm>>
        %dma_wait3A_69 = arith.constant 0 : i32
        %dma_wait3A_70 = arith.constant 0 : i32
        %dma_wait3A_71 = tpu.memref_slice %arg8[%dma_wait3A_69, %dma_wait3A_70] : memref<40x128xi32, #tpu.memory_space<vmem>> -> memref<40x128xi32, #tpu.memory_space<vmem>>
        %dma_wait3A_72 = arith.constant 0 : i32
        %dma_wait3A_73 = tpu.memref_slice %arg2[%add3A_32, %dma_wait3A_72] : memref<2560x128xi32, #tpu.memory_space<hbm>> -> memref<40x128xi32, #tpu.memory_space<hbm>>
        tpu.wait_dma2 semaphore(%run_scoped3A : memref<!tpu.dma_semaphore, #tpu.memory_space<semaphore_mem>>) src(%dma_wait3A_73 : memref<40x128xi32, #tpu.memory_space<hbm>>) dst(%dma_wait3A_71 : memref<40x128xi32, #tpu.memory_space<vmem>>)
        tpu.yield
      }) : () -> ()
      %add3A_33 = arith.constant 40 : i32
      %add3A_34 = arith.addi %mul3A_8, %add3A_33 : i32
      "tpu.region"() ({
        %run_scoped3A = tpu.sem_alloc : memref<!tpu.dma_semaphore, #tpu.memory_space<semaphore_mem>>
        %dma_start3A_55 = arith.constant 0 : i32
        %dma_start3A_56 = arith.constant 0 : i32
        %dma_start3A_57 = tpu.memref_slice %arg9[%dma_start3A_55, %dma_start3A_56] : memref<40x128xi32, #tpu.memory_space<vmem>> -> memref<40x128xi32, #tpu.memory_space<vmem>>
        %dma_start3A_58 = arith.constant 0 : i32
        %dma_start3A_59 = tpu.memref_slice %arg3[%add3A_34, %dma_start3A_58] : memref<2560x128xi32, #tpu.memory_space<hbm>> -> memref<40x128xi32, #tpu.memory_space<hbm>>
        %dma_start3A_60 = arith.constant 0 : i32
        %dma_start3A_61 = arith.constant 0 : i32
        %dma_start3A_62 = tpu.memref_slice %arg9[%dma_start3A_60, %dma_start3A_61] : memref<40x128xi32, #tpu.memory_space<vmem>> -> memref<40x128xi32, #tpu.memory_space<vmem>>
        %dma_start3A_63 = arith.constant 0 : i32
        %dma_start3A_64 = tpu.memref_slice %arg3[%add3A_34, %dma_start3A_63] : memref<2560x128xi32, #tpu.memory_space<hbm>> -> memref<40x128xi32, #tpu.memory_space<hbm>>
        tpu.enqueue_dma source(%dma_start3A_64 : memref<40x128xi32, #tpu.memory_space<hbm>>) target(%dma_start3A_62 : memref<40x128xi32, #tpu.memory_space<vmem>>) target_semaphore(%run_scoped3A : memref<!tpu.dma_semaphore, #tpu.memory_space<semaphore_mem>>)
        %dma_wait3A = arith.constant 0 : i32
        %dma_wait3A_65 = arith.constant 0 : i32
        %dma_wait3A_66 = tpu.memref_slice %arg9[%dma_wait3A, %dma_wait3A_65] : memref<40x128xi32, #tpu.memory_space<vmem>> -> memref<40x128xi32, #tpu.memory_space<vmem>>
        %dma_wait3A_67 = arith.constant 0 : i32
        %dma_wait3A_68 = tpu.memref_slice %arg3[%add3A_34, %dma_wait3A_67] : memref<2560x128xi32, #tpu.memory_space<hbm>> -> memref<40x128xi32, #tpu.memory_space<hbm>>
        %dma_wait3A_69 = arith.constant 0 : i32
        %dma_wait3A_70 = arith.constant 0 : i32
        %dma_wait3A_71 = tpu.memref_slice %arg9[%dma_wait3A_69, %dma_wait3A_70] : memref<40x128xi32, #tpu.memory_space<vmem>> -> memref<40x128xi32, #tpu.memory_space<vmem>>
        %dma_wait3A_72 = arith.constant 0 : i32
        %dma_wait3A_73 = tpu.memref_slice %arg3[%add3A_34, %dma_wait3A_72] : memref<2560x128xi32, #tpu.memory_space<hbm>> -> memref<40x128xi32, #tpu.memory_space<hbm>>
        tpu.wait_dma2 semaphore(%run_scoped3A : memref<!tpu.dma_semaphore, #tpu.memory_space<semaphore_mem>>) src(%dma_wait3A_73 : memref<40x128xi32, #tpu.memory_space<hbm>>) dst(%dma_wait3A_71 : memref<40x128xi32, #tpu.memory_space<vmem>>)
        tpu.yield
      }) : () -> ()
      %dma_start3A_35 = arith.constant 0 : i32
      %dma_start3A_36 = arith.constant 0 : i32
      %dma_start3A_37 = tpu.memref_slice %arg8[%dma_start3A_35, %dma_start3A_36] : memref<40x128xi32, #tpu.memory_space<vmem>> -> memref<1x128xi32, #tpu.memory_space<vmem>>
      %dma_start3A_38 = tpu.memref_squeeze %dma_start3A_37 : memref<1x128xi32, #tpu.memory_space<vmem>> -> memref<128xi32, #tpu.memory_space<vmem>>
      %dma_start3A_39 = arith.constant 0 : i32
      %dma_start3A_40 = arith.constant 0 : i32
      %dma_start3A_41 = tpu.memref_slice %arg4[%dma_start3A_39, %dma_start3A_40] : memref<10240x128xf32, #tpu.memory_space<hbm>> -> memref<10240x128xf32, #tpu.memory_space<hbm>>
      tpu.enqueue_indirect_dma source(%dma_start3A_41 : memref<10240x128xf32, #tpu.memory_space<hbm>>) target(%arg10 : memref<128x128xf32, #tpu.memory_space<vmem>>) offsets(%dma_start3A_38 : memref<128xi32, #tpu.memory_space<vmem>>) semaphore(%arg12 : memref<!tpu.dma_semaphore, #tpu.memory_space<semaphore_mem>>)
      %dma_start3A_42 = arith.constant 1 : i32
      %dma_start3A_43 = arith.constant 0 : i32
      %dma_start3A_44 = tpu.memref_slice %arg8[%dma_start3A_42, %dma_start3A_43] : memref<40x128xi32, #tpu.memory_space<vmem>> -> memref<1x128xi32, #tpu.memory_space<vmem>>
      %dma_start3A_45 = tpu.memref_squeeze %dma_start3A_44 : memref<1x128xi32, #tpu.memory_space<vmem>> -> memref<128xi32, #tpu.memory_space<vmem>>
      %dma_start3A_46 = arith.constant 0 : i32
      %dma_start3A_47 = arith.constant 0 : i32
      %dma_start3A_48 = tpu.memref_slice %arg4[%dma_start3A_46, %dma_start3A_47] : memref<10240x128xf32, #tpu.memory_space<hbm>> -> memref<10240x128xf32, #tpu.memory_space<hbm>>
      tpu.enqueue_indirect_dma source(%dma_start3A_48 : memref<10240x128xf32, #tpu.memory_space<hbm>>) target(%arg11 : memref<128x128xf32, #tpu.memory_space<vmem>>) offsets(%dma_start3A_45 : memref<128xi32, #tpu.memory_space<vmem>>) semaphore(%arg13 : memref<!tpu.dma_semaphore, #tpu.memory_space<semaphore_mem>>)
      %scan3A_49 = arith.constant 0 : i32
      %scan3A_50 = arith.constant 0 : i32
      %scan3A_51 = arith.constant 20 : i32
      %scan3A_52 = arith.addi %scan3A_50, %scan3A_51 : i32
      %scan3A_53 = arith.constant 1 : i32
      scf.for %scan3A_55 = %scan3A_50 to %scan3A_52 step %scan3A_53  : i32 {
        %mul3A_56 = arith.constant 2 : i32
        %mul3A_57 = arith.muli %mul3A_56, %scan3A_55 : i32
        %dma_wait3A = arith.constant 0 : i32
        %dma_wait3A_58 = arith.constant 0 : i32
        %dma_wait3A_59 = tpu.memref_slice %arg5[%dma_wait3A, %dma_wait3A_58] : memref<10240x128xf32, #tpu.memory_space<hbm>> -> memref<128x128xf32, #tpu.memory_space<hbm>>
        %dma_wait3A_60 = arith.constant 0 : i32
        %dma_wait3A_61 = arith.constant 0 : i32
        %dma_wait3A_62 = tpu.memref_slice %arg5[%dma_wait3A_60, %dma_wait3A_61] : memref<10240x128xf32, #tpu.memory_space<hbm>> -> memref<128x128xf32, #tpu.memory_space<hbm>>
        tpu.wait_dma2 semaphore(%arg12 : memref<!tpu.dma_semaphore, #tpu.memory_space<semaphore_mem>>) src(%dma_wait3A_62 : memref<128x128xf32, #tpu.memory_space<hbm>>) dst(%arg10 : memref<128x128xf32, #tpu.memory_space<vmem>>)
        "tpu.region"() ({
          %run_scoped3A = tpu.sem_alloc : memref<!tpu.dma_semaphore, #tpu.memory_space<semaphore_mem>>
          %dma_start3A_80 = arith.constant 0 : i32
          %dma_start3A_81 = tpu.memref_slice %arg9[%mul3A_57, %dma_start3A_80] : memref<40x128xi32, #tpu.memory_space<vmem>> -> memref<1x128xi32, #tpu.memory_space<vmem>>
          %dma_start3A_82 = tpu.memref_squeeze %dma_start3A_81 : memref<1x128xi32, #tpu.memory_space<vmem>> -> memref<128xi32, #tpu.memory_space<vmem>>
          %dma_start3A_83 = arith.constant 0 : i32
          %dma_start3A_84 = arith.constant 0 : i32
          %dma_start3A_85 = tpu.memref_slice %arg7[%dma_start3A_83, %dma_start3A_84] : memref<10240x128xf32, #tpu.memory_space<vmem_shared>> -> memref<10240x128xf32, #tpu.memory_space<vmem_shared>>
          tpu.enqueue_indirect_dma source(%arg10 : memref<128x128xf32, #tpu.memory_space<vmem>>) target(%dma_start3A_85 : memref<10240x128xf32, #tpu.memory_space<vmem_shared>>) offsets(%dma_start3A_82 : memref<128xi32, #tpu.memory_space<vmem>>) semaphore(%run_scoped3A : memref<!tpu.dma_semaphore, #tpu.memory_space<semaphore_mem>>) {add = true}
          %dma_wait3A_86 = arith.constant 0 : i32
          %dma_wait3A_87 = tpu.memref_slice %arg9[%mul3A_57, %dma_wait3A_86] : memref<40x128xi32, #tpu.memory_space<vmem>> -> memref<1x128xi32, #tpu.memory_space<vmem>>
          %dma_wait3A_88 = tpu.memref_squeeze %dma_wait3A_87 : memref<1x128xi32, #tpu.memory_space<vmem>> -> memref<128xi32, #tpu.memory_space<vmem>>
          %dma_wait3A_89 = arith.constant 0 : i32
          %dma_wait3A_90 = arith.constant 0 : i32
          %dma_wait3A_91 = tpu.memref_slice %arg7[%dma_wait3A_89, %dma_wait3A_90] : memref<10240x128xf32, #tpu.memory_space<vmem_shared>> -> memref<10240x128xf32, #tpu.memory_space<vmem_shared>>
          tpu.wait_indirect_dma semaphore(%run_scoped3A : memref<!tpu.dma_semaphore, #tpu.memory_space<semaphore_mem>>) src(%arg10 : memref<128x128xf32, #tpu.memory_space<vmem>>) dst(%dma_wait3A_91 : memref<10240x128xf32, #tpu.memory_space<vmem_shared>>)
          tpu.yield
        }) : () -> ()
        %lt3A = arith.constant 19 : i32
        %lt3A_63 = arith.cmpi slt, %scan3A_55, %lt3A : i32
        %convert_element_type3A_64 = arith.extui %lt3A_63 : i1 to i32
        %cond3A_65 = arith.constant 0 : i32
        %cond3A_66 = arith.cmpi ne, %convert_element_type3A_64, %cond3A_65 : i32
        scf.if %cond3A_66 {
          %add3A_80 = arith.constant 2 : i32
          %add3A_81 = arith.addi %mul3A_57, %add3A_80 : i32
          %dma_start3A_82 = arith.constant 0 : i32
          %dma_start3A_83 = tpu.memref_slice %arg8[%add3A_81, %dma_start3A_82] : memref<40x128xi32, #tpu.memory_space<vmem>> -> memref<1x128xi32, #tpu.memory_space<vmem>>
          %dma_start3A_84 = tpu.memref_squeeze %dma_start3A_83 : memref<1x128xi32, #tpu.memory_space<vmem>> -> memref<128xi32, #tpu.memory_space<vmem>>
          %dma_start3A_85 = arith.constant 0 : i32
          %dma_start3A_86 = arith.constant 0 : i32
          %dma_start3A_87 = tpu.memref_slice %arg4[%dma_start3A_85, %dma_start3A_86] : memref<10240x128xf32, #tpu.memory_space<hbm>> -> memref<10240x128xf32, #tpu.memory_space<hbm>>
          tpu.enqueue_indirect_dma source(%dma_start3A_87 : memref<10240x128xf32, #tpu.memory_space<hbm>>) target(%arg10 : memref<128x128xf32, #tpu.memory_space<vmem>>) offsets(%dma_start3A_84 : memref<128xi32, #tpu.memory_space<vmem>>) semaphore(%arg12 : memref<!tpu.dma_semaphore, #tpu.memory_space<semaphore_mem>>)
        } else {
        }
        %dma_wait3A_67 = arith.constant 0 : i32
        %dma_wait3A_68 = arith.constant 0 : i32
        %dma_wait3A_69 = tpu.memref_slice %arg5[%dma_wait3A_67, %dma_wait3A_68] : memref<10240x128xf32, #tpu.memory_space<hbm>> -> memref<128x128xf32, #tpu.memory_space<hbm>>
        %dma_wait3A_70 = arith.constant 0 : i32
        %dma_wait3A_71 = arith.constant 0 : i32
        %dma_wait3A_72 = tpu.memref_slice %arg5[%dma_wait3A_70, %dma_wait3A_71] : memref<10240x128xf32, #tpu.memory_space<hbm>> -> memref<128x128xf32, #tpu.memory_space<hbm>>
        tpu.wait_dma2 semaphore(%arg13 : memref<!tpu.dma_semaphore, #tpu.memory_space<semaphore_mem>>) src(%dma_wait3A_72 : memref<128x128xf32, #tpu.memory_space<hbm>>) dst(%arg11 : memref<128x128xf32, #tpu.memory_space<vmem>>)
        %add3A_73 = arith.constant 1 : i32
        %add3A_74 = arith.addi %mul3A_57, %add3A_73 : i32
        "tpu.region"() ({
          %run_scoped3A = tpu.sem_alloc : memref<!tpu.dma_semaphore, #tpu.memory_space<semaphore_mem>>
          %dma_start3A_80 = arith.constant 0 : i32
          %dma_start3A_81 = tpu.memref_slice %arg9[%add3A_74, %dma_start3A_80] : memref<40x128xi32, #tpu.memory_space<vmem>> -> memref<1x128xi32, #tpu.memory_space<vmem>>
          %dma_start3A_82 = tpu.memref_squeeze %dma_start3A_81 : memref<1x128xi32, #tpu.memory_space<vmem>> -> memref<128xi32, #tpu.memory_space<vmem>>
          %dma_start3A_83 = arith.constant 0 : i32
          %dma_start3A_84 = arith.constant 0 : i32
          %dma_start3A_85 = tpu.memref_slice %arg7[%dma_start3A_83, %dma_start3A_84] : memref<10240x128xf32, #tpu.memory_space<vmem_shared>> -> memref<10240x128xf32, #tpu.memory_space<vmem_shared>>
          tpu.enqueue_indirect_dma source(%arg11 : memref<128x128xf32, #tpu.memory_space<vmem>>) target(%dma_start3A_85 : memref<10240x128xf32, #tpu.memory_space<vmem_shared>>) offsets(%dma_start3A_82 : memref<128xi32, #tpu.memory_space<vmem>>) semaphore(%run_scoped3A : memref<!tpu.dma_semaphore, #tpu.memory_space<semaphore_mem>>) {add = true}
          %dma_wait3A_86 = arith.constant 0 : i32
          %dma_wait3A_87 = tpu.memref_slice %arg9[%add3A_74, %dma_wait3A_86] : memref<40x128xi32, #tpu.memory_space<vmem>> -> memref<1x128xi32, #tpu.memory_space<vmem>>
          %dma_wait3A_88 = tpu.memref_squeeze %dma_wait3A_87 : memref<1x128xi32, #tpu.memory_space<vmem>> -> memref<128xi32, #tpu.memory_space<vmem>>
          %dma_wait3A_89 = arith.constant 0 : i32
          %dma_wait3A_90 = arith.constant 0 : i32
          %dma_wait3A_91 = tpu.memref_slice %arg7[%dma_wait3A_89, %dma_wait3A_90] : memref<10240x128xf32, #tpu.memory_space<vmem_shared>> -> memref<10240x128xf32, #tpu.memory_space<vmem_shared>>
          tpu.wait_indirect_dma semaphore(%run_scoped3A : memref<!tpu.dma_semaphore, #tpu.memory_space<semaphore_mem>>) src(%arg11 : memref<128x128xf32, #tpu.memory_space<vmem>>) dst(%dma_wait3A_91 : memref<10240x128xf32, #tpu.memory_space<vmem_shared>>)
          tpu.yield
        }) : () -> ()
        %lt3A_75 = arith.constant 19 : i32
        %lt3A_76 = arith.cmpi slt, %scan3A_55, %lt3A_75 : i32
        %convert_element_type3A_77 = arith.extui %lt3A_76 : i1 to i32
        %cond3A_78 = arith.constant 0 : i32
        %cond3A_79 = arith.cmpi ne, %convert_element_type3A_77, %cond3A_78 : i32
        scf.if %cond3A_79 {
          %add3A_80 = arith.constant 3 : i32
          %add3A_81 = arith.addi %mul3A_57, %add3A_80 : i32
          %dma_start3A_82 = arith.constant 0 : i32
          %dma_start3A_83 = tpu.memref_slice %arg8[%add3A_81, %dma_start3A_82] : memref<40x128xi32, #tpu.memory_space<vmem>> -> memref<1x128xi32, #tpu.memory_space<vmem>>
          %dma_start3A_84 = tpu.memref_squeeze %dma_start3A_83 : memref<1x128xi32, #tpu.memory_space<vmem>> -> memref<128xi32, #tpu.memory_space<vmem>>
          %dma_start3A_85 = arith.constant 0 : i32
          %dma_start3A_86 = arith.constant 0 : i32
          %dma_start3A_87 = tpu.memref_slice %arg4[%dma_start3A_85, %dma_start3A_86] : memref<10240x128xf32, #tpu.memory_space<hbm>> -> memref<10240x128xf32, #tpu.memory_space<hbm>>
          tpu.enqueue_indirect_dma source(%dma_start3A_87 : memref<10240x128xf32, #tpu.memory_space<hbm>>) target(%arg11 : memref<128x128xf32, #tpu.memory_space<vmem>>) offsets(%dma_start3A_84 : memref<128xi32, #tpu.memory_space<vmem>>) semaphore(%arg13 : memref<!tpu.dma_semaphore, #tpu.memory_space<semaphore_mem>>)
        } else {
        }
      }
      %scan3A_54 = arith.constant 20 : i32
    } else {
    }
    %ne3A = arith.constant 0 : i32
    %ne3A_3 = arith.cmpi ne, %arg0, %ne3A : i32
    %convert_element_type3A_4 = arith.extui %ne3A_3 : i1 to i32
    %cond3A_5 = arith.constant 0 : i32
    %cond3A_6 = arith.cmpi ne, %convert_element_type3A_4, %cond3A_5 : i32
    scf.if %cond3A_6 {
      "tpu.region"() ({
        %run_scoped3A = tpu.sem_alloc : memref<!tpu.dma_semaphore, #tpu.memory_space<semaphore_mem>>
        %dma_start3A_57 = arith.constant 0 : i32
        %dma_start3A_58 = tpu.memref_slice %arg7[%mul3A_0, %dma_start3A_57] : memref<10240x128xf32, #tpu.memory_space<vmem_shared>> -> memref<640x128xf32, #tpu.memory_space<vmem_shared>>
        %dma_start3A_59 = arith.constant 0 : i32
        %dma_start3A_60 = tpu.memref_slice %arg5[%mul3A_0, %dma_start3A_59] : memref<10240x128xf32, #tpu.memory_space<hbm>> -> memref<640x128xf32, #tpu.memory_space<hbm>>
        tpu.enqueue_dma source(%dma_start3A_60 : memref<640x128xf32, #tpu.memory_space<hbm>>) target(%dma_start3A_58 : memref<640x128xf32, #tpu.memory_space<vmem_shared>>) target_semaphore(%run_scoped3A : memref<!tpu.dma_semaphore, #tpu.memory_space<semaphore_mem>>)
        %dma_wait3A = arith.constant 0 : i32
        %dma_wait3A_61 = tpu.memref_slice %arg7[%mul3A_0, %dma_wait3A] : memref<10240x128xf32, #tpu.memory_space<vmem_shared>> -> memref<640x128xf32, #tpu.memory_space<vmem_shared>>
        %dma_wait3A_62 = arith.constant 0 : i32
        %dma_wait3A_63 = tpu.memref_slice %arg5[%mul3A_0, %dma_wait3A_62] : memref<10240x128xf32, #tpu.memory_space<hbm>> -> memref<640x128xf32, #tpu.memory_space<hbm>>
        tpu.wait_dma2 semaphore(%run_scoped3A : memref<!tpu.dma_semaphore, #tpu.memory_space<semaphore_mem>>) src(%dma_wait3A_63 : memref<640x128xf32, #tpu.memory_space<hbm>>) dst(%dma_wait3A_61 : memref<640x128xf32, #tpu.memory_space<vmem_shared>>)
        tpu.yield
      }) : () -> ()
      %mul3A_7 = arith.constant 80 : i32
      %mul3A_8 = arith.muli %arg1, %mul3A_7 : i32
      %add3A = arith.constant 1280 : i32
      %add3A_9 = arith.addi %add3A, %mul3A_8 : i32
      %add3A_10 = arith.constant 0 : i32
      %add3A_11 = arith.addi %add3A_9, %add3A_10 : i32
      "tpu.region"() ({
        %run_scoped3A = tpu.sem_alloc : memref<!tpu.dma_semaphore, #tpu.memory_space<semaphore_mem>>
        %dma_start3A_57 = arith.constant 0 : i32
        %dma_start3A_58 = arith.constant 0 : i32
        %dma_start3A_59 = tpu.memref_slice %arg8[%dma_start3A_57, %dma_start3A_58] : memref<40x128xi32, #tpu.memory_space<vmem>> -> memref<40x128xi32, #tpu.memory_space<vmem>>
        %dma_start3A_60 = arith.constant 0 : i32
        %dma_start3A_61 = tpu.memref_slice %arg2[%add3A_11, %dma_start3A_60] : memref<2560x128xi32, #tpu.memory_space<hbm>> -> memref<40x128xi32, #tpu.memory_space<hbm>>
        %dma_start3A_62 = arith.constant 0 : i32
        %dma_start3A_63 = arith.constant 0 : i32
        %dma_start3A_64 = tpu.memref_slice %arg8[%dma_start3A_62, %dma_start3A_63] : memref<40x128xi32, #tpu.memory_space<vmem>> -> memref<40x128xi32, #tpu.memory_space<vmem>>
        %dma_start3A_65 = arith.constant 0 : i32
        %dma_start3A_66 = tpu.memref_slice %arg2[%add3A_11, %dma_start3A_65] : memref<2560x128xi32, #tpu.memory_space<hbm>> -> memref<40x128xi32, #tpu.memory_space<hbm>>
        tpu.enqueue_dma source(%dma_start3A_66 : memref<40x128xi32, #tpu.memory_space<hbm>>) target(%dma_start3A_64 : memref<40x128xi32, #tpu.memory_space<vmem>>) target_semaphore(%run_scoped3A : memref<!tpu.dma_semaphore, #tpu.memory_space<semaphore_mem>>)
        %dma_wait3A = arith.constant 0 : i32
        %dma_wait3A_67 = arith.constant 0 : i32
        %dma_wait3A_68 = tpu.memref_slice %arg8[%dma_wait3A, %dma_wait3A_67] : memref<40x128xi32, #tpu.memory_space<vmem>> -> memref<40x128xi32, #tpu.memory_space<vmem>>
        %dma_wait3A_69 = arith.constant 0 : i32
        %dma_wait3A_70 = tpu.memref_slice %arg2[%add3A_11, %dma_wait3A_69] : memref<2560x128xi32, #tpu.memory_space<hbm>> -> memref<40x128xi32, #tpu.memory_space<hbm>>
        %dma_wait3A_71 = arith.constant 0 : i32
        %dma_wait3A_72 = arith.constant 0 : i32
        %dma_wait3A_73 = tpu.memref_slice %arg8[%dma_wait3A_71, %dma_wait3A_72] : memref<40x128xi32, #tpu.memory_space<vmem>> -> memref<40x128xi32, #tpu.memory_space<vmem>>
        %dma_wait3A_74 = arith.constant 0 : i32
        %dma_wait3A_75 = tpu.memref_slice %arg2[%add3A_11, %dma_wait3A_74] : memref<2560x128xi32, #tpu.memory_space<hbm>> -> memref<40x128xi32, #tpu.memory_space<hbm>>
        tpu.wait_dma2 semaphore(%run_scoped3A : memref<!tpu.dma_semaphore, #tpu.memory_space<semaphore_mem>>) src(%dma_wait3A_75 : memref<40x128xi32, #tpu.memory_space<hbm>>) dst(%dma_wait3A_73 : memref<40x128xi32, #tpu.memory_space<vmem>>)
        tpu.yield
      }) : () -> ()
      %add3A_12 = arith.constant 0 : i32
      %add3A_13 = arith.addi %add3A_9, %add3A_12 : i32
      "tpu.region"() ({
        %run_scoped3A = tpu.sem_alloc : memref<!tpu.dma_semaphore, #tpu.memory_space<semaphore_mem>>
        %dma_start3A_57 = arith.constant 0 : i32
        %dma_start3A_58 = arith.constant 0 : i32
        %dma_start3A_59 = tpu.memref_slice %arg9[%dma_start3A_57, %dma_start3A_58] : memref<40x128xi32, #tpu.memory_space<vmem>> -> memref<40x128xi32, #tpu.memory_space<vmem>>
        %dma_start3A_60 = arith.constant 0 : i32
        %dma_start3A_61 = tpu.memref_slice %arg3[%add3A_13, %dma_start3A_60] : memref<2560x128xi32, #tpu.memory_space<hbm>> -> memref<40x128xi32, #tpu.memory_space<hbm>>
        %dma_start3A_62 = arith.constant 0 : i32
        %dma_start3A_63 = arith.constant 0 : i32
        %dma_start3A_64 = tpu.memref_slice %arg9[%dma_start3A_62, %dma_start3A_63] : memref<40x128xi32, #tpu.memory_space<vmem>> -> memref<40x128xi32, #tpu.memory_space<vmem>>
        %dma_start3A_65 = arith.constant 0 : i32
        %dma_start3A_66 = tpu.memref_slice %arg3[%add3A_13, %dma_start3A_65] : memref<2560x128xi32, #tpu.memory_space<hbm>> -> memref<40x128xi32, #tpu.memory_space<hbm>>
        tpu.enqueue_dma source(%dma_start3A_66 : memref<40x128xi32, #tpu.memory_space<hbm>>) target(%dma_start3A_64 : memref<40x128xi32, #tpu.memory_space<vmem>>) target_semaphore(%run_scoped3A : memref<!tpu.dma_semaphore, #tpu.memory_space<semaphore_mem>>)
        %dma_wait3A = arith.constant 0 : i32
        %dma_wait3A_67 = arith.constant 0 : i32
        %dma_wait3A_68 = tpu.memref_slice %arg9[%dma_wait3A, %dma_wait3A_67] : memref<40x128xi32, #tpu.memory_space<vmem>> -> memref<40x128xi32, #tpu.memory_space<vmem>>
        %dma_wait3A_69 = arith.constant 0 : i32
        %dma_wait3A_70 = tpu.memref_slice %arg3[%add3A_13, %dma_wait3A_69] : memref<2560x128xi32, #tpu.memory_space<hbm>> -> memref<40x128xi32, #tpu.memory_space<hbm>>
        %dma_wait3A_71 = arith.constant 0 : i32
        %dma_wait3A_72 = arith.constant 0 : i32
        %dma_wait3A_73 = tpu.memref_slice %arg9[%dma_wait3A_71, %dma_wait3A_72] : memref<40x128xi32, #tpu.memory_space<vmem>> -> memref<40x128xi32, #tpu.memory_space<vmem>>
        %dma_wait3A_74 = arith.constant 0 : i32
        %dma_wait3A_75 = tpu.memref_slice %arg3[%add3A_13, %dma_wait3A_74] : memref<2560x128xi32, #tpu.memory_space<hbm>> -> memref<40x128xi32, #tpu.memory_space<hbm>>
        tpu.wait_dma2 semaphore(%run_scoped3A : memref<!tpu.dma_semaphore, #tpu.memory_space<semaphore_mem>>) src(%dma_wait3A_75 : memref<40x128xi32, #tpu.memory_space<hbm>>) dst(%dma_wait3A_73 : memref<40x128xi32, #tpu.memory_space<vmem>>)
        tpu.yield
      }) : () -> ()
      %barrier3A_14 = arith.constant 0 : index
      tpu.barrier barrier_id(%barrier3A_14)
      %dma_start3A = arith.constant 0 : i32
      %dma_start3A_15 = arith.constant 0 : i32
      %dma_start3A_16 = tpu.memref_slice %arg8[%dma_start3A, %dma_start3A_15] : memref<40x128xi32, #tpu.memory_space<vmem>> -> memref<1x128xi32, #tpu.memory_space<vmem>>
      %dma_start3A_17 = tpu.memref_squeeze %dma_start3A_16 : memref<1x128xi32, #tpu.memory_space<vmem>> -> memref<128xi32, #tpu.memory_space<vmem>>
      %dma_start3A_18 = arith.constant 0 : i32
      %dma_start3A_19 = arith.constant 0 : i32
      %dma_start3A_20 = tpu.memref_slice %arg4[%dma_start3A_18, %dma_start3A_19] : memref<10240x128xf32, #tpu.memory_space<hbm>> -> memref<10240x128xf32, #tpu.memory_space<hbm>>
      tpu.enqueue_indirect_dma source(%dma_start3A_20 : memref<10240x128xf32, #tpu.memory_space<hbm>>) target(%arg10 : memref<128x128xf32, #tpu.memory_space<vmem>>) offsets(%dma_start3A_17 : memref<128xi32, #tpu.memory_space<vmem>>) semaphore(%arg12 : memref<!tpu.dma_semaphore, #tpu.memory_space<semaphore_mem>>)
      %dma_start3A_21 = arith.constant 1 : i32
      %dma_start3A_22 = arith.constant 0 : i32
      %dma_start3A_23 = tpu.memref_slice %arg8[%dma_start3A_21, %dma_start3A_22] : memref<40x128xi32, #tpu.memory_space<vmem>> -> memref<1x128xi32, #tpu.memory_space<vmem>>
      %dma_start3A_24 = tpu.memref_squeeze %dma_start3A_23 : memref<1x128xi32, #tpu.memory_space<vmem>> -> memref<128xi32, #tpu.memory_space<vmem>>
      %dma_start3A_25 = arith.constant 0 : i32
      %dma_start3A_26 = arith.constant 0 : i32
      %dma_start3A_27 = tpu.memref_slice %arg4[%dma_start3A_25, %dma_start3A_26] : memref<10240x128xf32, #tpu.memory_space<hbm>> -> memref<10240x128xf32, #tpu.memory_space<hbm>>
      tpu.enqueue_indirect_dma source(%dma_start3A_27 : memref<10240x128xf32, #tpu.memory_space<hbm>>) target(%arg11 : memref<128x128xf32, #tpu.memory_space<vmem>>) offsets(%dma_start3A_24 : memref<128xi32, #tpu.memory_space<vmem>>) semaphore(%arg13 : memref<!tpu.dma_semaphore, #tpu.memory_space<semaphore_mem>>)
      %scan3A = arith.constant 0 : i32
      %scan3A_28 = arith.constant 0 : i32
      %scan3A_29 = arith.constant 20 : i32
      %scan3A_30 = arith.addi %scan3A_28, %scan3A_29 : i32
      %scan3A_31 = arith.constant 1 : i32
      scf.for %scan3A_57 = %scan3A_28 to %scan3A_30 step %scan3A_31  : i32 {
        %mul3A_58 = arith.constant 2 : i32
        %mul3A_59 = arith.muli %mul3A_58, %scan3A_57 : i32
        %dma_wait3A = arith.constant 0 : i32
        %dma_wait3A_60 = arith.constant 0 : i32
        %dma_wait3A_61 = tpu.memref_slice %arg5[%dma_wait3A, %dma_wait3A_60] : memref<10240x128xf32, #tpu.memory_space<hbm>> -> memref<128x128xf32, #tpu.memory_space<hbm>>
        %dma_wait3A_62 = arith.constant 0 : i32
        %dma_wait3A_63 = arith.constant 0 : i32
        %dma_wait3A_64 = tpu.memref_slice %arg5[%dma_wait3A_62, %dma_wait3A_63] : memref<10240x128xf32, #tpu.memory_space<hbm>> -> memref<128x128xf32, #tpu.memory_space<hbm>>
        tpu.wait_dma2 semaphore(%arg12 : memref<!tpu.dma_semaphore, #tpu.memory_space<semaphore_mem>>) src(%dma_wait3A_64 : memref<128x128xf32, #tpu.memory_space<hbm>>) dst(%arg10 : memref<128x128xf32, #tpu.memory_space<vmem>>)
        "tpu.region"() ({
          %run_scoped3A = tpu.sem_alloc : memref<!tpu.dma_semaphore, #tpu.memory_space<semaphore_mem>>
          %dma_start3A_82 = arith.constant 0 : i32
          %dma_start3A_83 = tpu.memref_slice %arg9[%mul3A_59, %dma_start3A_82] : memref<40x128xi32, #tpu.memory_space<vmem>> -> memref<1x128xi32, #tpu.memory_space<vmem>>
          %dma_start3A_84 = tpu.memref_squeeze %dma_start3A_83 : memref<1x128xi32, #tpu.memory_space<vmem>> -> memref<128xi32, #tpu.memory_space<vmem>>
          %dma_start3A_85 = arith.constant 0 : i32
          %dma_start3A_86 = arith.constant 0 : i32
          %dma_start3A_87 = tpu.memref_slice %arg7[%dma_start3A_85, %dma_start3A_86] : memref<10240x128xf32, #tpu.memory_space<vmem_shared>> -> memref<10240x128xf32, #tpu.memory_space<vmem_shared>>
          tpu.enqueue_indirect_dma source(%arg10 : memref<128x128xf32, #tpu.memory_space<vmem>>) target(%dma_start3A_87 : memref<10240x128xf32, #tpu.memory_space<vmem_shared>>) offsets(%dma_start3A_84 : memref<128xi32, #tpu.memory_space<vmem>>) semaphore(%run_scoped3A : memref<!tpu.dma_semaphore, #tpu.memory_space<semaphore_mem>>) {add = true}
          %dma_wait3A_88 = arith.constant 0 : i32
          %dma_wait3A_89 = tpu.memref_slice %arg9[%mul3A_59, %dma_wait3A_88] : memref<40x128xi32, #tpu.memory_space<vmem>> -> memref<1x128xi32, #tpu.memory_space<vmem>>
          %dma_wait3A_90 = tpu.memref_squeeze %dma_wait3A_89 : memref<1x128xi32, #tpu.memory_space<vmem>> -> memref<128xi32, #tpu.memory_space<vmem>>
          %dma_wait3A_91 = arith.constant 0 : i32
          %dma_wait3A_92 = arith.constant 0 : i32
          %dma_wait3A_93 = tpu.memref_slice %arg7[%dma_wait3A_91, %dma_wait3A_92] : memref<10240x128xf32, #tpu.memory_space<vmem_shared>> -> memref<10240x128xf32, #tpu.memory_space<vmem_shared>>
          tpu.wait_indirect_dma semaphore(%run_scoped3A : memref<!tpu.dma_semaphore, #tpu.memory_space<semaphore_mem>>) src(%arg10 : memref<128x128xf32, #tpu.memory_space<vmem>>) dst(%dma_wait3A_93 : memref<10240x128xf32, #tpu.memory_space<vmem_shared>>)
          tpu.yield
        }) : () -> ()
        %lt3A = arith.constant 19 : i32
        %lt3A_65 = arith.cmpi slt, %scan3A_57, %lt3A : i32
        %convert_element_type3A_66 = arith.extui %lt3A_65 : i1 to i32
        %cond3A_67 = arith.constant 0 : i32
        %cond3A_68 = arith.cmpi ne, %convert_element_type3A_66, %cond3A_67 : i32
        scf.if %cond3A_68 {
          %add3A_82 = arith.constant 2 : i32
          %add3A_83 = arith.addi %mul3A_59, %add3A_82 : i32
          %dma_start3A_84 = arith.constant 0 : i32
          %dma_start3A_85 = tpu.memref_slice %arg8[%add3A_83, %dma_start3A_84] : memref<40x128xi32, #tpu.memory_space<vmem>> -> memref<1x128xi32, #tpu.memory_space<vmem>>
          %dma_start3A_86 = tpu.memref_squeeze %dma_start3A_85 : memref<1x128xi32, #tpu.memory_space<vmem>> -> memref<128xi32, #tpu.memory_space<vmem>>
          %dma_start3A_87 = arith.constant 0 : i32
          %dma_start3A_88 = arith.constant 0 : i32
          %dma_start3A_89 = tpu.memref_slice %arg4[%dma_start3A_87, %dma_start3A_88] : memref<10240x128xf32, #tpu.memory_space<hbm>> -> memref<10240x128xf32, #tpu.memory_space<hbm>>
          tpu.enqueue_indirect_dma source(%dma_start3A_89 : memref<10240x128xf32, #tpu.memory_space<hbm>>) target(%arg10 : memref<128x128xf32, #tpu.memory_space<vmem>>) offsets(%dma_start3A_86 : memref<128xi32, #tpu.memory_space<vmem>>) semaphore(%arg12 : memref<!tpu.dma_semaphore, #tpu.memory_space<semaphore_mem>>)
        } else {
        }
        %dma_wait3A_69 = arith.constant 0 : i32
        %dma_wait3A_70 = arith.constant 0 : i32
        %dma_wait3A_71 = tpu.memref_slice %arg5[%dma_wait3A_69, %dma_wait3A_70] : memref<10240x128xf32, #tpu.memory_space<hbm>> -> memref<128x128xf32, #tpu.memory_space<hbm>>
        %dma_wait3A_72 = arith.constant 0 : i32
        %dma_wait3A_73 = arith.constant 0 : i32
        %dma_wait3A_74 = tpu.memref_slice %arg5[%dma_wait3A_72, %dma_wait3A_73] : memref<10240x128xf32, #tpu.memory_space<hbm>> -> memref<128x128xf32, #tpu.memory_space<hbm>>
        tpu.wait_dma2 semaphore(%arg13 : memref<!tpu.dma_semaphore, #tpu.memory_space<semaphore_mem>>) src(%dma_wait3A_74 : memref<128x128xf32, #tpu.memory_space<hbm>>) dst(%arg11 : memref<128x128xf32, #tpu.memory_space<vmem>>)
        %add3A_75 = arith.constant 1 : i32
        %add3A_76 = arith.addi %mul3A_59, %add3A_75 : i32
        "tpu.region"() ({
          %run_scoped3A = tpu.sem_alloc : memref<!tpu.dma_semaphore, #tpu.memory_space<semaphore_mem>>
          %dma_start3A_82 = arith.constant 0 : i32
          %dma_start3A_83 = tpu.memref_slice %arg9[%add3A_76, %dma_start3A_82] : memref<40x128xi32, #tpu.memory_space<vmem>> -> memref<1x128xi32, #tpu.memory_space<vmem>>
          %dma_start3A_84 = tpu.memref_squeeze %dma_start3A_83 : memref<1x128xi32, #tpu.memory_space<vmem>> -> memref<128xi32, #tpu.memory_space<vmem>>
          %dma_start3A_85 = arith.constant 0 : i32
          %dma_start3A_86 = arith.constant 0 : i32
          %dma_start3A_87 = tpu.memref_slice %arg7[%dma_start3A_85, %dma_start3A_86] : memref<10240x128xf32, #tpu.memory_space<vmem_shared>> -> memref<10240x128xf32, #tpu.memory_space<vmem_shared>>
          tpu.enqueue_indirect_dma source(%arg11 : memref<128x128xf32, #tpu.memory_space<vmem>>) target(%dma_start3A_87 : memref<10240x128xf32, #tpu.memory_space<vmem_shared>>) offsets(%dma_start3A_84 : memref<128xi32, #tpu.memory_space<vmem>>) semaphore(%run_scoped3A : memref<!tpu.dma_semaphore, #tpu.memory_space<semaphore_mem>>) {add = true}
          %dma_wait3A_88 = arith.constant 0 : i32
          %dma_wait3A_89 = tpu.memref_slice %arg9[%add3A_76, %dma_wait3A_88] : memref<40x128xi32, #tpu.memory_space<vmem>> -> memref<1x128xi32, #tpu.memory_space<vmem>>
          %dma_wait3A_90 = tpu.memref_squeeze %dma_wait3A_89 : memref<1x128xi32, #tpu.memory_space<vmem>> -> memref<128xi32, #tpu.memory_space<vmem>>
          %dma_wait3A_91 = arith.constant 0 : i32
          %dma_wait3A_92 = arith.constant 0 : i32
          %dma_wait3A_93 = tpu.memref_slice %arg7[%dma_wait3A_91, %dma_wait3A_92] : memref<10240x128xf32, #tpu.memory_space<vmem_shared>> -> memref<10240x128xf32, #tpu.memory_space<vmem_shared>>
          tpu.wait_indirect_dma semaphore(%run_scoped3A : memref<!tpu.dma_semaphore, #tpu.memory_space<semaphore_mem>>) src(%arg11 : memref<128x128xf32, #tpu.memory_space<vmem>>) dst(%dma_wait3A_93 : memref<10240x128xf32, #tpu.memory_space<vmem_shared>>)
          tpu.yield
        }) : () -> ()
        %lt3A_77 = arith.constant 19 : i32
        %lt3A_78 = arith.cmpi slt, %scan3A_57, %lt3A_77 : i32
        %convert_element_type3A_79 = arith.extui %lt3A_78 : i1 to i32
        %cond3A_80 = arith.constant 0 : i32
        %cond3A_81 = arith.cmpi ne, %convert_element_type3A_79, %cond3A_80 : i32
        scf.if %cond3A_81 {
          %add3A_82 = arith.constant 3 : i32
          %add3A_83 = arith.addi %mul3A_59, %add3A_82 : i32
          %dma_start3A_84 = arith.constant 0 : i32
          %dma_start3A_85 = tpu.memref_slice %arg8[%add3A_83, %dma_start3A_84] : memref<40x128xi32, #tpu.memory_space<vmem>> -> memref<1x128xi32, #tpu.memory_space<vmem>>
          %dma_start3A_86 = tpu.memref_squeeze %dma_start3A_85 : memref<1x128xi32, #tpu.memory_space<vmem>> -> memref<128xi32, #tpu.memory_space<vmem>>
          %dma_start3A_87 = arith.constant 0 : i32
          %dma_start3A_88 = arith.constant 0 : i32
          %dma_start3A_89 = tpu.memref_slice %arg4[%dma_start3A_87, %dma_start3A_88] : memref<10240x128xf32, #tpu.memory_space<hbm>> -> memref<10240x128xf32, #tpu.memory_space<hbm>>
          tpu.enqueue_indirect_dma source(%dma_start3A_89 : memref<10240x128xf32, #tpu.memory_space<hbm>>) target(%arg11 : memref<128x128xf32, #tpu.memory_space<vmem>>) offsets(%dma_start3A_86 : memref<128xi32, #tpu.memory_space<vmem>>) semaphore(%arg13 : memref<!tpu.dma_semaphore, #tpu.memory_space<semaphore_mem>>)
        } else {
        }
      }
      %scan3A_32 = arith.constant 20 : i32
      %add3A_33 = arith.constant 40 : i32
      %add3A_34 = arith.addi %add3A_9, %add3A_33 : i32
      "tpu.region"() ({
        %run_scoped3A = tpu.sem_alloc : memref<!tpu.dma_semaphore, #tpu.memory_space<semaphore_mem>>
        %dma_start3A_57 = arith.constant 0 : i32
        %dma_start3A_58 = arith.constant 0 : i32
        %dma_start3A_59 = tpu.memref_slice %arg8[%dma_start3A_57, %dma_start3A_58] : memref<40x128xi32, #tpu.memory_space<vmem>> -> memref<40x128xi32, #tpu.memory_space<vmem>>
        %dma_start3A_60 = arith.constant 0 : i32
        %dma_start3A_61 = tpu.memref_slice %arg2[%add3A_34, %dma_start3A_60] : memref<2560x128xi32, #tpu.memory_space<hbm>> -> memref<40x128xi32, #tpu.memory_space<hbm>>
        %dma_start3A_62 = arith.constant 0 : i32
        %dma_start3A_63 = arith.constant 0 : i32
        %dma_start3A_64 = tpu.memref_slice %arg8[%dma_start3A_62, %dma_start3A_63] : memref<40x128xi32, #tpu.memory_space<vmem>> -> memref<40x128xi32, #tpu.memory_space<vmem>>
        %dma_start3A_65 = arith.constant 0 : i32
        %dma_start3A_66 = tpu.memref_slice %arg2[%add3A_34, %dma_start3A_65] : memref<2560x128xi32, #tpu.memory_space<hbm>> -> memref<40x128xi32, #tpu.memory_space<hbm>>
        tpu.enqueue_dma source(%dma_start3A_66 : memref<40x128xi32, #tpu.memory_space<hbm>>) target(%dma_start3A_64 : memref<40x128xi32, #tpu.memory_space<vmem>>) target_semaphore(%run_scoped3A : memref<!tpu.dma_semaphore, #tpu.memory_space<semaphore_mem>>)
        %dma_wait3A = arith.constant 0 : i32
        %dma_wait3A_67 = arith.constant 0 : i32
        %dma_wait3A_68 = tpu.memref_slice %arg8[%dma_wait3A, %dma_wait3A_67] : memref<40x128xi32, #tpu.memory_space<vmem>> -> memref<40x128xi32, #tpu.memory_space<vmem>>
        %dma_wait3A_69 = arith.constant 0 : i32
        %dma_wait3A_70 = tpu.memref_slice %arg2[%add3A_34, %dma_wait3A_69] : memref<2560x128xi32, #tpu.memory_space<hbm>> -> memref<40x128xi32, #tpu.memory_space<hbm>>
        %dma_wait3A_71 = arith.constant 0 : i32
        %dma_wait3A_72 = arith.constant 0 : i32
        %dma_wait3A_73 = tpu.memref_slice %arg8[%dma_wait3A_71, %dma_wait3A_72] : memref<40x128xi32, #tpu.memory_space<vmem>> -> memref<40x128xi32, #tpu.memory_space<vmem>>
        %dma_wait3A_74 = arith.constant 0 : i32
        %dma_wait3A_75 = tpu.memref_slice %arg2[%add3A_34, %dma_wait3A_74] : memref<2560x128xi32, #tpu.memory_space<hbm>> -> memref<40x128xi32, #tpu.memory_space<hbm>>
        tpu.wait_dma2 semaphore(%run_scoped3A : memref<!tpu.dma_semaphore, #tpu.memory_space<semaphore_mem>>) src(%dma_wait3A_75 : memref<40x128xi32, #tpu.memory_space<hbm>>) dst(%dma_wait3A_73 : memref<40x128xi32, #tpu.memory_space<vmem>>)
        tpu.yield
      }) : () -> ()
      %add3A_35 = arith.constant 40 : i32
      %add3A_36 = arith.addi %add3A_9, %add3A_35 : i32
      "tpu.region"() ({
        %run_scoped3A = tpu.sem_alloc : memref<!tpu.dma_semaphore, #tpu.memory_space<semaphore_mem>>
        %dma_start3A_57 = arith.constant 0 : i32
        %dma_start3A_58 = arith.constant 0 : i32
        %dma_start3A_59 = tpu.memref_slice %arg9[%dma_start3A_57, %dma_start3A_58] : memref<40x128xi32, #tpu.memory_space<vmem>> -> memref<40x128xi32, #tpu.memory_space<vmem>>
        %dma_start3A_60 = arith.constant 0 : i32
        %dma_start3A_61 = tpu.memref_slice %arg3[%add3A_36, %dma_start3A_60] : memref<2560x128xi32, #tpu.memory_space<hbm>> -> memref<40x128xi32, #tpu.memory_space<hbm>>
        %dma_start3A_62 = arith.constant 0 : i32
        %dma_start3A_63 = arith.constant 0 : i32
        %dma_start3A_64 = tpu.memref_slice %arg9[%dma_start3A_62, %dma_start3A_63] : memref<40x128xi32, #tpu.memory_space<vmem>> -> memref<40x128xi32, #tpu.memory_space<vmem>>
        %dma_start3A_65 = arith.constant 0 : i32
        %dma_start3A_66 = tpu.memref_slice %arg3[%add3A_36, %dma_start3A_65] : memref<2560x128xi32, #tpu.memory_space<hbm>> -> memref<40x128xi32, #tpu.memory_space<hbm>>
        tpu.enqueue_dma source(%dma_start3A_66 : memref<40x128xi32, #tpu.memory_space<hbm>>) target(%dma_start3A_64 : memref<40x128xi32, #tpu.memory_space<vmem>>) target_semaphore(%run_scoped3A : memref<!tpu.dma_semaphore, #tpu.memory_space<semaphore_mem>>)
        %dma_wait3A = arith.constant 0 : i32
        %dma_wait3A_67 = arith.constant 0 : i32
        %dma_wait3A_68 = tpu.memref_slice %arg9[%dma_wait3A, %dma_wait3A_67] : memref<40x128xi32, #tpu.memory_space<vmem>> -> memref<40x128xi32, #tpu.memory_space<vmem>>
        %dma_wait3A_69 = arith.constant 0 : i32
        %dma_wait3A_70 = tpu.memref_slice %arg3[%add3A_36, %dma_wait3A_69] : memref<2560x128xi32, #tpu.memory_space<hbm>> -> memref<40x128xi32, #tpu.memory_space<hbm>>
        %dma_wait3A_71 = arith.constant 0 : i32
        %dma_wait3A_72 = arith.constant 0 : i32
        %dma_wait3A_73 = tpu.memref_slice %arg9[%dma_wait3A_71, %dma_wait3A_72] : memref<40x128xi32, #tpu.memory_space<vmem>> -> memref<40x128xi32, #tpu.memory_space<vmem>>
        %dma_wait3A_74 = arith.constant 0 : i32
        %dma_wait3A_75 = tpu.memref_slice %arg3[%add3A_36, %dma_wait3A_74] : memref<2560x128xi32, #tpu.memory_space<hbm>> -> memref<40x128xi32, #tpu.memory_space<hbm>>
        tpu.wait_dma2 semaphore(%run_scoped3A : memref<!tpu.dma_semaphore, #tpu.memory_space<semaphore_mem>>) src(%dma_wait3A_75 : memref<40x128xi32, #tpu.memory_space<hbm>>) dst(%dma_wait3A_73 : memref<40x128xi32, #tpu.memory_space<vmem>>)
        tpu.yield
      }) : () -> ()
      %dma_start3A_37 = arith.constant 0 : i32
      %dma_start3A_38 = arith.constant 0 : i32
      %dma_start3A_39 = tpu.memref_slice %arg8[%dma_start3A_37, %dma_start3A_38] : memref<40x128xi32, #tpu.memory_space<vmem>> -> memref<1x128xi32, #tpu.memory_space<vmem>>
      %dma_start3A_40 = tpu.memref_squeeze %dma_start3A_39 : memref<1x128xi32, #tpu.memory_space<vmem>> -> memref<128xi32, #tpu.memory_space<vmem>>
      %dma_start3A_41 = arith.constant 0 : i32
      %dma_start3A_42 = arith.constant 0 : i32
      %dma_start3A_43 = tpu.memref_slice %arg4[%dma_start3A_41, %dma_start3A_42] : memref<10240x128xf32, #tpu.memory_space<hbm>> -> memref<10240x128xf32, #tpu.memory_space<hbm>>
      tpu.enqueue_indirect_dma source(%dma_start3A_43 : memref<10240x128xf32, #tpu.memory_space<hbm>>) target(%arg10 : memref<128x128xf32, #tpu.memory_space<vmem>>) offsets(%dma_start3A_40 : memref<128xi32, #tpu.memory_space<vmem>>) semaphore(%arg12 : memref<!tpu.dma_semaphore, #tpu.memory_space<semaphore_mem>>)
      %dma_start3A_44 = arith.constant 1 : i32
      %dma_start3A_45 = arith.constant 0 : i32
      %dma_start3A_46 = tpu.memref_slice %arg8[%dma_start3A_44, %dma_start3A_45] : memref<40x128xi32, #tpu.memory_space<vmem>> -> memref<1x128xi32, #tpu.memory_space<vmem>>
      %dma_start3A_47 = tpu.memref_squeeze %dma_start3A_46 : memref<1x128xi32, #tpu.memory_space<vmem>> -> memref<128xi32, #tpu.memory_space<vmem>>
      %dma_start3A_48 = arith.constant 0 : i32
      %dma_start3A_49 = arith.constant 0 : i32
      %dma_start3A_50 = tpu.memref_slice %arg4[%dma_start3A_48, %dma_start3A_49] : memref<10240x128xf32, #tpu.memory_space<hbm>> -> memref<10240x128xf32, #tpu.memory_space<hbm>>
      tpu.enqueue_indirect_dma source(%dma_start3A_50 : memref<10240x128xf32, #tpu.memory_space<hbm>>) target(%arg11 : memref<128x128xf32, #tpu.memory_space<vmem>>) offsets(%dma_start3A_47 : memref<128xi32, #tpu.memory_space<vmem>>) semaphore(%arg13 : memref<!tpu.dma_semaphore, #tpu.memory_space<semaphore_mem>>)
      %scan3A_51 = arith.constant 0 : i32
      %scan3A_52 = arith.constant 0 : i32
      %scan3A_53 = arith.constant 20 : i32
      %scan3A_54 = arith.addi %scan3A_52, %scan3A_53 : i32
      %scan3A_55 = arith.constant 1 : i32
      scf.for %scan3A_57 = %scan3A_52 to %scan3A_54 step %scan3A_55  : i32 {
        %mul3A_58 = arith.constant 2 : i32
        %mul3A_59 = arith.muli %mul3A_58, %scan3A_57 : i32
        %dma_wait3A = arith.constant 0 : i32
        %dma_wait3A_60 = arith.constant 0 : i32
        %dma_wait3A_61 = tpu.memref_slice %arg5[%dma_wait3A, %dma_wait3A_60] : memref<10240x128xf32, #tpu.memory_space<hbm>> -> memref<128x128xf32, #tpu.memory_space<hbm>>
        %dma_wait3A_62 = arith.constant 0 : i32
        %dma_wait3A_63 = arith.constant 0 : i32
        %dma_wait3A_64 = tpu.memref_slice %arg5[%dma_wait3A_62, %dma_wait3A_63] : memref<10240x128xf32, #tpu.memory_space<hbm>> -> memref<128x128xf32, #tpu.memory_space<hbm>>
        tpu.wait_dma2 semaphore(%arg12 : memref<!tpu.dma_semaphore, #tpu.memory_space<semaphore_mem>>) src(%dma_wait3A_64 : memref<128x128xf32, #tpu.memory_space<hbm>>) dst(%arg10 : memref<128x128xf32, #tpu.memory_space<vmem>>)
        "tpu.region"() ({
          %run_scoped3A = tpu.sem_alloc : memref<!tpu.dma_semaphore, #tpu.memory_space<semaphore_mem>>
          %dma_start3A_82 = arith.constant 0 : i32
          %dma_start3A_83 = tpu.memref_slice %arg9[%mul3A_59, %dma_start3A_82] : memref<40x128xi32, #tpu.memory_space<vmem>> -> memref<1x128xi32, #tpu.memory_space<vmem>>
          %dma_start3A_84 = tpu.memref_squeeze %dma_start3A_83 : memref<1x128xi32, #tpu.memory_space<vmem>> -> memref<128xi32, #tpu.memory_space<vmem>>
          %dma_start3A_85 = arith.constant 0 : i32
          %dma_start3A_86 = arith.constant 0 : i32
          %dma_start3A_87 = tpu.memref_slice %arg7[%dma_start3A_85, %dma_start3A_86] : memref<10240x128xf32, #tpu.memory_space<vmem_shared>> -> memref<10240x128xf32, #tpu.memory_space<vmem_shared>>
          tpu.enqueue_indirect_dma source(%arg10 : memref<128x128xf32, #tpu.memory_space<vmem>>) target(%dma_start3A_87 : memref<10240x128xf32, #tpu.memory_space<vmem_shared>>) offsets(%dma_start3A_84 : memref<128xi32, #tpu.memory_space<vmem>>) semaphore(%run_scoped3A : memref<!tpu.dma_semaphore, #tpu.memory_space<semaphore_mem>>) {add = true}
          %dma_wait3A_88 = arith.constant 0 : i32
          %dma_wait3A_89 = tpu.memref_slice %arg9[%mul3A_59, %dma_wait3A_88] : memref<40x128xi32, #tpu.memory_space<vmem>> -> memref<1x128xi32, #tpu.memory_space<vmem>>
          %dma_wait3A_90 = tpu.memref_squeeze %dma_wait3A_89 : memref<1x128xi32, #tpu.memory_space<vmem>> -> memref<128xi32, #tpu.memory_space<vmem>>
          %dma_wait3A_91 = arith.constant 0 : i32
          %dma_wait3A_92 = arith.constant 0 : i32
          %dma_wait3A_93 = tpu.memref_slice %arg7[%dma_wait3A_91, %dma_wait3A_92] : memref<10240x128xf32, #tpu.memory_space<vmem_shared>> -> memref<10240x128xf32, #tpu.memory_space<vmem_shared>>
          tpu.wait_indirect_dma semaphore(%run_scoped3A : memref<!tpu.dma_semaphore, #tpu.memory_space<semaphore_mem>>) src(%arg10 : memref<128x128xf32, #tpu.memory_space<vmem>>) dst(%dma_wait3A_93 : memref<10240x128xf32, #tpu.memory_space<vmem_shared>>)
          tpu.yield
        }) : () -> ()
        %lt3A = arith.constant 19 : i32
        %lt3A_65 = arith.cmpi slt, %scan3A_57, %lt3A : i32
        %convert_element_type3A_66 = arith.extui %lt3A_65 : i1 to i32
        %cond3A_67 = arith.constant 0 : i32
        %cond3A_68 = arith.cmpi ne, %convert_element_type3A_66, %cond3A_67 : i32
        scf.if %cond3A_68 {
          %add3A_82 = arith.constant 2 : i32
          %add3A_83 = arith.addi %mul3A_59, %add3A_82 : i32
          %dma_start3A_84 = arith.constant 0 : i32
          %dma_start3A_85 = tpu.memref_slice %arg8[%add3A_83, %dma_start3A_84] : memref<40x128xi32, #tpu.memory_space<vmem>> -> memref<1x128xi32, #tpu.memory_space<vmem>>
          %dma_start3A_86 = tpu.memref_squeeze %dma_start3A_85 : memref<1x128xi32, #tpu.memory_space<vmem>> -> memref<128xi32, #tpu.memory_space<vmem>>
          %dma_start3A_87 = arith.constant 0 : i32
          %dma_start3A_88 = arith.constant 0 : i32
          %dma_start3A_89 = tpu.memref_slice %arg4[%dma_start3A_87, %dma_start3A_88] : memref<10240x128xf32, #tpu.memory_space<hbm>> -> memref<10240x128xf32, #tpu.memory_space<hbm>>
          tpu.enqueue_indirect_dma source(%dma_start3A_89 : memref<10240x128xf32, #tpu.memory_space<hbm>>) target(%arg10 : memref<128x128xf32, #tpu.memory_space<vmem>>) offsets(%dma_start3A_86 : memref<128xi32, #tpu.memory_space<vmem>>) semaphore(%arg12 : memref<!tpu.dma_semaphore, #tpu.memory_space<semaphore_mem>>)
        } else {
        }
        %dma_wait3A_69 = arith.constant 0 : i32
        %dma_wait3A_70 = arith.constant 0 : i32
        %dma_wait3A_71 = tpu.memref_slice %arg5[%dma_wait3A_69, %dma_wait3A_70] : memref<10240x128xf32, #tpu.memory_space<hbm>> -> memref<128x128xf32, #tpu.memory_space<hbm>>
        %dma_wait3A_72 = arith.constant 0 : i32
        %dma_wait3A_73 = arith.constant 0 : i32
        %dma_wait3A_74 = tpu.memref_slice %arg5[%dma_wait3A_72, %dma_wait3A_73] : memref<10240x128xf32, #tpu.memory_space<hbm>> -> memref<128x128xf32, #tpu.memory_space<hbm>>
        tpu.wait_dma2 semaphore(%arg13 : memref<!tpu.dma_semaphore, #tpu.memory_space<semaphore_mem>>) src(%dma_wait3A_74 : memref<128x128xf32, #tpu.memory_space<hbm>>) dst(%arg11 : memref<128x128xf32, #tpu.memory_space<vmem>>)
        %add3A_75 = arith.constant 1 : i32
        %add3A_76 = arith.addi %mul3A_59, %add3A_75 : i32
        "tpu.region"() ({
          %run_scoped3A = tpu.sem_alloc : memref<!tpu.dma_semaphore, #tpu.memory_space<semaphore_mem>>
          %dma_start3A_82 = arith.constant 0 : i32
          %dma_start3A_83 = tpu.memref_slice %arg9[%add3A_76, %dma_start3A_82] : memref<40x128xi32, #tpu.memory_space<vmem>> -> memref<1x128xi32, #tpu.memory_space<vmem>>
          %dma_start3A_84 = tpu.memref_squeeze %dma_start3A_83 : memref<1x128xi32, #tpu.memory_space<vmem>> -> memref<128xi32, #tpu.memory_space<vmem>>
          %dma_start3A_85 = arith.constant 0 : i32
          %dma_start3A_86 = arith.constant 0 : i32
          %dma_start3A_87 = tpu.memref_slice %arg7[%dma_start3A_85, %dma_start3A_86] : memref<10240x128xf32, #tpu.memory_space<vmem_shared>> -> memref<10240x128xf32, #tpu.memory_space<vmem_shared>>
          tpu.enqueue_indirect_dma source(%arg11 : memref<128x128xf32, #tpu.memory_space<vmem>>) target(%dma_start3A_87 : memref<10240x128xf32, #tpu.memory_space<vmem_shared>>) offsets(%dma_start3A_84 : memref<128xi32, #tpu.memory_space<vmem>>) semaphore(%run_scoped3A : memref<!tpu.dma_semaphore, #tpu.memory_space<semaphore_mem>>) {add = true}
          %dma_wait3A_88 = arith.constant 0 : i32
          %dma_wait3A_89 = tpu.memref_slice %arg9[%add3A_76, %dma_wait3A_88] : memref<40x128xi32, #tpu.memory_space<vmem>> -> memref<1x128xi32, #tpu.memory_space<vmem>>
          %dma_wait3A_90 = tpu.memref_squeeze %dma_wait3A_89 : memref<1x128xi32, #tpu.memory_space<vmem>> -> memref<128xi32, #tpu.memory_space<vmem>>
          %dma_wait3A_91 = arith.constant 0 : i32
          %dma_wait3A_92 = arith.constant 0 : i32
          %dma_wait3A_93 = tpu.memref_slice %arg7[%dma_wait3A_91, %dma_wait3A_92] : memref<10240x128xf32, #tpu.memory_space<vmem_shared>> -> memref<10240x128xf32, #tpu.memory_space<vmem_shared>>
          tpu.wait_indirect_dma semaphore(%run_scoped3A : memref<!tpu.dma_semaphore, #tpu.memory_space<semaphore_mem>>) src(%arg11 : memref<128x128xf32, #tpu.memory_space<vmem>>) dst(%dma_wait3A_93 : memref<10240x128xf32, #tpu.memory_space<vmem_shared>>)
          tpu.yield
        }) : () -> ()
        %lt3A_77 = arith.constant 19 : i32
        %lt3A_78 = arith.cmpi slt, %scan3A_57, %lt3A_77 : i32
        %convert_element_type3A_79 = arith.extui %lt3A_78 : i1 to i32
        %cond3A_80 = arith.constant 0 : i32
        %cond3A_81 = arith.cmpi ne, %convert_element_type3A_79, %cond3A_80 : i32
        scf.if %cond3A_81 {
          %add3A_82 = arith.constant 3 : i32
          %add3A_83 = arith.addi %mul3A_59, %add3A_82 : i32
          %dma_start3A_84 = arith.constant 0 : i32
          %dma_start3A_85 = tpu.memref_slice %arg8[%add3A_83, %dma_start3A_84] : memref<40x128xi32, #tpu.memory_space<vmem>> -> memref<1x128xi32, #tpu.memory_space<vmem>>
          %dma_start3A_86 = tpu.memref_squeeze %dma_start3A_85 : memref<1x128xi32, #tpu.memory_space<vmem>> -> memref<128xi32, #tpu.memory_space<vmem>>
          %dma_start3A_87 = arith.constant 0 : i32
          %dma_start3A_88 = arith.constant 0 : i32
          %dma_start3A_89 = tpu.memref_slice %arg4[%dma_start3A_87, %dma_start3A_88] : memref<10240x128xf32, #tpu.memory_space<hbm>> -> memref<10240x128xf32, #tpu.memory_space<hbm>>
          tpu.enqueue_indirect_dma source(%dma_start3A_89 : memref<10240x128xf32, #tpu.memory_space<hbm>>) target(%arg11 : memref<128x128xf32, #tpu.memory_space<vmem>>) offsets(%dma_start3A_86 : memref<128xi32, #tpu.memory_space<vmem>>) semaphore(%arg13 : memref<!tpu.dma_semaphore, #tpu.memory_space<semaphore_mem>>)
        } else {
        }
      }
      %scan3A_56 = arith.constant 20 : i32
    } else {
    }
    %barrier3A = arith.constant 0 : index
    tpu.barrier barrier_id(%barrier3A)
    "tpu.region"() ({
      %run_scoped3A = tpu.sem_alloc : memref<!tpu.dma_semaphore, #tpu.memory_space<semaphore_mem>>
      %dma_start3A = arith.constant 0 : i32
      %dma_start3A_7 = tpu.memref_slice %arg6[%arg0, %mul3A_0, %dma_start3A] : memref<2x10240x128xf32, #tpu.memory_space<hbm>> -> memref<1x640x128xf32, #tpu.memory_space<hbm>>
      %dma_start3A_8 = tpu.memref_squeeze %dma_start3A_7 : memref<1x640x128xf32, #tpu.memory_space<hbm>> -> memref<640x128xf32, #tpu.memory_space<hbm>>
      %dma_start3A_9 = arith.constant 0 : i32
      %dma_start3A_10 = tpu.memref_slice %arg7[%mul3A_0, %dma_start3A_9] : memref<10240x128xf32, #tpu.memory_space<vmem_shared>> -> memref<640x128xf32, #tpu.memory_space<vmem_shared>>
      tpu.enqueue_dma source(%dma_start3A_10 : memref<640x128xf32, #tpu.memory_space<vmem_shared>>) target(%dma_start3A_8 : memref<640x128xf32, #tpu.memory_space<hbm>>) target_semaphore(%run_scoped3A : memref<!tpu.dma_semaphore, #tpu.memory_space<semaphore_mem>>)
      %dma_wait3A = arith.constant 0 : i32
      %dma_wait3A_11 = tpu.memref_slice %arg6[%arg0, %mul3A_0, %dma_wait3A] : memref<2x10240x128xf32, #tpu.memory_space<hbm>> -> memref<1x640x128xf32, #tpu.memory_space<hbm>>
      %dma_wait3A_12 = tpu.memref_squeeze %dma_wait3A_11 : memref<1x640x128xf32, #tpu.memory_space<hbm>> -> memref<640x128xf32, #tpu.memory_space<hbm>>
      %dma_wait3A_13 = arith.constant 0 : i32
      %dma_wait3A_14 = tpu.memref_slice %arg7[%mul3A_0, %dma_wait3A_13] : memref<10240x128xf32, #tpu.memory_space<vmem_shared>> -> memref<640x128xf32, #tpu.memory_space<vmem_shared>>
      tpu.wait_dma2 semaphore(%run_scoped3A : memref<!tpu.dma_semaphore, #tpu.memory_space<semaphore_mem>>) src(%dma_wait3A_14 : memref<640x128xf32, #tpu.memory_space<vmem_shared>>) dst(%dma_wait3A_12 : memref<640x128xf32, #tpu.memory_space<hbm>>)
      tpu.yield
    }) : () -> ()
    return
  }
}

#map = affine_map<(d0, d1) -> (0, 0)>
#map1 = affine_map<(d0, d1) -> (0)>
module attributes {stable_mosaic.version = 14 : i64} {
  func.func @sc_deg(%arg0: i32, %arg1: i32, %arg2: memref<2560x128xi32, #tpu.memory_space<hbm>>, %arg3: memref<10240xf32, #tpu.memory_space<hbm>>, %arg4: memref<2x10240xf32, #tpu.memory_space<hbm>>, %arg5: memref<10240xf32, #tpu.memory_space<vmem_shared>>, %arg6: memref<80x128xi32, #tpu.memory_space<vmem>>, %arg7: memref<128xf32, #tpu.memory_space<vmem>>, %arg8: memref<!tpu.dma_semaphore, #tpu.memory_space<semaphore_mem>>) attributes {dimension_semantics = [#tpu.dimension_semantics<core_parallel>, #tpu.dimension_semantics<subcore_parallel>], iteration_bounds = array<i64: 2, 16>, scalar_prefetch = 0 : i64, scratch_operands = 4 : i64, tpu.core_type = #tpu.core_type<sc_vector_subcore>, window_params = [{transform_indices = #map}, {transform_indices = #map1}, {transform_indices = #map}]} {
    %mul3A = arith.constant 16 : i32
    %mul3A_0 = arith.muli %arg0, %mul3A : i32
    %add3A = arith.addi %mul3A_0, %arg1 : i32
    %mul3A_1 = arith.constant 640 : i32
    %mul3A_2 = arith.muli %arg1, %mul3A_1 : i32
    "tpu.region"() ({
      %run_scoped3A = tpu.sem_alloc : memref<!tpu.dma_semaphore, #tpu.memory_space<semaphore_mem>>
      %dma_start3A = tpu.memref_slice %arg5[%mul3A_2] : memref<10240xf32, #tpu.memory_space<vmem_shared>> -> memref<640xf32, #tpu.memory_space<vmem_shared>>
      %dma_start3A_57 = tpu.memref_slice %arg3[%mul3A_2] : memref<10240xf32, #tpu.memory_space<hbm>> -> memref<640xf32, #tpu.memory_space<hbm>>
      tpu.enqueue_dma source(%dma_start3A_57 : memref<640xf32, #tpu.memory_space<hbm>>) target(%dma_start3A : memref<640xf32, #tpu.memory_space<vmem_shared>>) target_semaphore(%run_scoped3A : memref<!tpu.dma_semaphore, #tpu.memory_space<semaphore_mem>>)
      %dma_wait3A = tpu.memref_slice %arg5[%mul3A_2] : memref<10240xf32, #tpu.memory_space<vmem_shared>> -> memref<640xf32, #tpu.memory_space<vmem_shared>>
      %dma_wait3A_58 = tpu.memref_slice %arg3[%mul3A_2] : memref<10240xf32, #tpu.memory_space<hbm>> -> memref<640xf32, #tpu.memory_space<hbm>>
      tpu.wait_dma2 semaphore(%run_scoped3A : memref<!tpu.dma_semaphore, #tpu.memory_space<semaphore_mem>>) src(%dma_wait3A_58 : memref<640xf32, #tpu.memory_space<hbm>>) dst(%dma_wait3A : memref<640xf32, #tpu.memory_space<vmem_shared>>)
      tpu.yield
    }) : () -> ()
    %mul3A_3 = arith.constant 80 : i32
    %mul3A_4 = arith.muli %add3A, %mul3A_3 : i32
    "tpu.region"() ({
      %run_scoped3A = tpu.sem_alloc : memref<!tpu.dma_semaphore, #tpu.memory_space<semaphore_mem>>
      %dma_start3A = arith.constant 0 : i32
      %dma_start3A_57 = tpu.memref_slice %arg2[%mul3A_4, %dma_start3A] : memref<2560x128xi32, #tpu.memory_space<hbm>> -> memref<80x128xi32, #tpu.memory_space<hbm>>
      %dma_start3A_58 = arith.constant 0 : i32
      %dma_start3A_59 = tpu.memref_slice %arg2[%mul3A_4, %dma_start3A_58] : memref<2560x128xi32, #tpu.memory_space<hbm>> -> memref<80x128xi32, #tpu.memory_space<hbm>>
      tpu.enqueue_dma source(%dma_start3A_59 : memref<80x128xi32, #tpu.memory_space<hbm>>) target(%arg6 : memref<80x128xi32, #tpu.memory_space<vmem>>) target_semaphore(%run_scoped3A : memref<!tpu.dma_semaphore, #tpu.memory_space<semaphore_mem>>)
      %dma_wait3A = arith.constant 0 : i32
      %dma_wait3A_60 = tpu.memref_slice %arg2[%mul3A_4, %dma_wait3A] : memref<2560x128xi32, #tpu.memory_space<hbm>> -> memref<80x128xi32, #tpu.memory_space<hbm>>
      %dma_wait3A_61 = arith.constant 0 : i32
      %dma_wait3A_62 = tpu.memref_slice %arg2[%mul3A_4, %dma_wait3A_61] : memref<2560x128xi32, #tpu.memory_space<hbm>> -> memref<80x128xi32, #tpu.memory_space<hbm>>
      tpu.wait_dma2 semaphore(%run_scoped3A : memref<!tpu.dma_semaphore, #tpu.memory_space<semaphore_mem>>) src(%dma_wait3A_62 : memref<80x128xi32, #tpu.memory_space<hbm>>) dst(%arg6 : memref<80x128xi32, #tpu.memory_space<vmem>>)
      tpu.yield
    }) : () -> ()
    %broadcast_in_dim3A = arith.constant 1.000000e+00 : f32
    %broadcast_in_dim3A_5 = vector.broadcast %broadcast_in_dim3A : f32 to vector<16xf32>
    %swap3A = arith.constant 0 : index
    %swap3A_6 = tpu.vector_load %arg7[%swap3A] {strides = array<i32>} : memref<128xf32, #tpu.memory_space<vmem>>, vector<16xf32>,
    %swap3A_7 = vector.shape_cast %swap3A_6 : vector<16xf32> to vector<16xf32>
    %swap3A_8 = vector.shape_cast %broadcast_in_dim3A_5 : vector<16xf32> to vector<16xf32>
    tpu.vector_store %arg7[%swap3A], %swap3A_8 {strides = array<i32>} : memref<128xf32, #tpu.memory_space<vmem>>, vector<16xf32>,
    %broadcast_in_dim3A_9 = arith.constant 1.000000e+00 : f32
    %broadcast_in_dim3A_10 = vector.broadcast %broadcast_in_dim3A_9 : f32 to vector<16xf32>
    %swap3A_11 = arith.constant 16 : index
    %swap3A_12 = tpu.vector_load %arg7[%swap3A_11] {strides = array<i32>} : memref<128xf32, #tpu.memory_space<vmem>>, vector<16xf32>,
    %swap3A_13 = vector.shape_cast %swap3A_12 : vector<16xf32> to vector<16xf32>
    %swap3A_14 = vector.shape_cast %broadcast_in_dim3A_10 : vector<16xf32> to vector<16xf32>
    tpu.vector_store %arg7[%swap3A_11], %swap3A_14 {strides = array<i32>} : memref<128xf32, #tpu.memory_space<vmem>>, vector<16xf32>,
    %broadcast_in_dim3A_15 = arith.constant 1.000000e+00 : f32
    %broadcast_in_dim3A_16 = vector.broadcast %broadcast_in_dim3A_15 : f32 to vector<16xf32>
    %swap3A_17 = arith.constant 32 : index
    %swap3A_18 = tpu.vector_load %arg7[%swap3A_17] {strides = array<i32>} : memref<128xf32, #tpu.memory_space<vmem>>, vector<16xf32>,
    %swap3A_19 = vector.shape_cast %swap3A_18 : vector<16xf32> to vector<16xf32>
    %swap3A_20 = vector.shape_cast %broadcast_in_dim3A_16 : vector<16xf32> to vector<16xf32>
    tpu.vector_store %arg7[%swap3A_17], %swap3A_20 {strides = array<i32>} : memref<128xf32, #tpu.memory_space<vmem>>, vector<16xf32>,
    %broadcast_in_dim3A_21 = arith.constant 1.000000e+00 : f32
    %broadcast_in_dim3A_22 = vector.broadcast %broadcast_in_dim3A_21 : f32 to vector<16xf32>
    %swap3A_23 = arith.constant 48 : index
    %swap3A_24 = tpu.vector_load %arg7[%swap3A_23] {strides = array<i32>} : memref<128xf32, #tpu.memory_space<vmem>>, vector<16xf32>,
    %swap3A_25 = vector.shape_cast %swap3A_24 : vector<16xf32> to vector<16xf32>
    %swap3A_26 = vector.shape_cast %broadcast_in_dim3A_22 : vector<16xf32> to vector<16xf32>
    tpu.vector_store %arg7[%swap3A_23], %swap3A_26 {strides = array<i32>} : memref<128xf32, #tpu.memory_space<vmem>>, vector<16xf32>,
    %broadcast_in_dim3A_27 = arith.constant 1.000000e+00 : f32
    %broadcast_in_dim3A_28 = vector.broadcast %broadcast_in_dim3A_27 : f32 to vector<16xf32>
    %swap3A_29 = arith.constant 64 : index
    %swap3A_30 = tpu.vector_load %arg7[%swap3A_29] {strides = array<i32>} : memref<128xf32, #tpu.memory_space<vmem>>, vector<16xf32>,
    %swap3A_31 = vector.shape_cast %swap3A_30 : vector<16xf32> to vector<16xf32>
    %swap3A_32 = vector.shape_cast %broadcast_in_dim3A_28 : vector<16xf32> to vector<16xf32>
    tpu.vector_store %arg7[%swap3A_29], %swap3A_32 {strides = array<i32>} : memref<128xf32, #tpu.memory_space<vmem>>, vector<16xf32>,
    %broadcast_in_dim3A_33 = arith.constant 1.000000e+00 : f32
    %broadcast_in_dim3A_34 = vector.broadcast %broadcast_in_dim3A_33 : f32 to vector<16xf32>
    %swap3A_35 = arith.constant 80 : index
    %swap3A_36 = tpu.vector_load %arg7[%swap3A_35] {strides = array<i32>} : memref<128xf32, #tpu.memory_space<vmem>>, vector<16xf32>,
    %swap3A_37 = vector.shape_cast %swap3A_36 : vector<16xf32> to vector<16xf32>
    %swap3A_38 = vector.shape_cast %broadcast_in_dim3A_34 : vector<16xf32> to vector<16xf32>
    tpu.vector_store %arg7[%swap3A_35], %swap3A_38 {strides = array<i32>} : memref<128xf32, #tpu.memory_space<vmem>>, vector<16xf32>,
    %broadcast_in_dim3A_39 = arith.constant 1.000000e+00 : f32
    %broadcast_in_dim3A_40 = vector.broadcast %broadcast_in_dim3A_39 : f32 to vector<16xf32>
    %swap3A_41 = arith.constant 96 : index
    %swap3A_42 = tpu.vector_load %arg7[%swap3A_41] {strides = array<i32>} : memref<128xf32, #tpu.memory_space<vmem>>, vector<16xf32>,
    %swap3A_43 = vector.shape_cast %swap3A_42 : vector<16xf32> to vector<16xf32>
    %swap3A_44 = vector.shape_cast %broadcast_in_dim3A_40 : vector<16xf32> to vector<16xf32>
    tpu.vector_store %arg7[%swap3A_41], %swap3A_44 {strides = array<i32>} : memref<128xf32, #tpu.memory_space<vmem>>, vector<16xf32>,
    %broadcast_in_dim3A_45 = arith.constant 1.000000e+00 : f32
    %broadcast_in_dim3A_46 = vector.broadcast %broadcast_in_dim3A_45 : f32 to vector<16xf32>
    %swap3A_47 = arith.constant 112 : index
    %swap3A_48 = tpu.vector_load %arg7[%swap3A_47] {strides = array<i32>} : memref<128xf32, #tpu.memory_space<vmem>>, vector<16xf32>,
    %swap3A_49 = vector.shape_cast %swap3A_48 : vector<16xf32> to vector<16xf32>
    %swap3A_50 = vector.shape_cast %broadcast_in_dim3A_46 : vector<16xf32> to vector<16xf32>
    tpu.vector_store %arg7[%swap3A_47], %swap3A_50 {strides = array<i32>} : memref<128xf32, #tpu.memory_space<vmem>>, vector<16xf32>,
    %barrier3A = arith.constant 0 : index
    tpu.barrier barrier_id(%barrier3A)
    %scan3A = arith.constant 0 : i32
    %scan3A_51 = arith.constant 0 : i32
    %scan3A_52 = arith.constant 10 : i32
    %scan3A_53 = arith.addi %scan3A_51, %scan3A_52 : i32
    %scan3A_54 = arith.constant 1 : i32
    scf.for %scan3A_57 = %scan3A_51 to %scan3A_53 step %scan3A_54  : i32 {
      %mul3A_58 = arith.constant 8 : i32
      %mul3A_59 = arith.muli %scan3A_57, %mul3A_58 : i32
      %add3A_60 = arith.constant 0 : i32
      %add3A_61 = arith.addi %mul3A_59, %add3A_60 : i32
      %dma_start3A = arith.constant 0 : i32
      %dma_start3A_62 = tpu.memref_slice %arg6[%add3A_61, %dma_start3A] : memref<80x128xi32, #tpu.memory_space<vmem>> -> memref<1x128xi32, #tpu.memory_space<vmem>>
      %dma_start3A_63 = tpu.memref_squeeze %dma_start3A_62 : memref<1x128xi32, #tpu.memory_space<vmem>> -> memref<128xi32, #tpu.memory_space<vmem>>
      %dma_start3A_64 = arith.constant 0 : i32
      %dma_start3A_65 = tpu.memref_slice %arg5[%dma_start3A_64] : memref<10240xf32, #tpu.memory_space<vmem_shared>> -> memref<10240xf32, #tpu.memory_space<vmem_shared>>
      tpu.enqueue_indirect_dma source(%arg7 : memref<128xf32, #tpu.memory_space<vmem>>) target(%dma_start3A_65 : memref<10240xf32, #tpu.memory_space<vmem_shared>>) offsets(%dma_start3A_63 : memref<128xi32, #tpu.memory_space<vmem>>) semaphore(%arg8 : memref<!tpu.dma_semaphore, #tpu.memory_space<semaphore_mem>>) {add = true}
      %mul3A_66 = arith.constant 8 : i32
      %mul3A_67 = arith.muli %scan3A_57, %mul3A_66 : i32
      %add3A_68 = arith.constant 1 : i32
      %add3A_69 = arith.addi %mul3A_67, %add3A_68 : i32
      %dma_start3A_70 = arith.constant 0 : i32
      %dma_start3A_71 = tpu.memref_slice %arg6[%add3A_69, %dma_start3A_70] : memref<80x128xi32, #tpu.memory_space<vmem>> -> memref<1x128xi32, #tpu.memory_space<vmem>>
      %dma_start3A_72 = tpu.memref_squeeze %dma_start3A_71 : memref<1x128xi32, #tpu.memory_space<vmem>> -> memref<128xi32, #tpu.memory_space<vmem>>
      %dma_start3A_73 = arith.constant 0 : i32
      %dma_start3A_74 = tpu.memref_slice %arg5[%dma_start3A_73] : memref<10240xf32, #tpu.memory_space<vmem_shared>> -> memref<10240xf32, #tpu.memory_space<vmem_shared>>
      tpu.enqueue_indirect_dma source(%arg7 : memref<128xf32, #tpu.memory_space<vmem>>) target(%dma_start3A_74 : memref<10240xf32, #tpu.memory_space<vmem_shared>>) offsets(%dma_start3A_72 : memref<128xi32, #tpu.memory_space<vmem>>) semaphore(%arg8 : memref<!tpu.dma_semaphore, #tpu.memory_space<semaphore_mem>>) {add = true}
      %mul3A_75 = arith.constant 8 : i32
      %mul3A_76 = arith.muli %scan3A_57, %mul3A_75 : i32
      %add3A_77 = arith.constant 2 : i32
      %add3A_78 = arith.addi %mul3A_76, %add3A_77 : i32
      %dma_start3A_79 = arith.constant 0 : i32
      %dma_start3A_80 = tpu.memref_slice %arg6[%add3A_78, %dma_start3A_79] : memref<80x128xi32, #tpu.memory_space<vmem>> -> memref<1x128xi32, #tpu.memory_space<vmem>>
      %dma_start3A_81 = tpu.memref_squeeze %dma_start3A_80 : memref<1x128xi32, #tpu.memory_space<vmem>> -> memref<128xi32, #tpu.memory_space<vmem>>
      %dma_start3A_82 = arith.constant 0 : i32
      %dma_start3A_83 = tpu.memref_slice %arg5[%dma_start3A_82] : memref<10240xf32, #tpu.memory_space<vmem_shared>> -> memref<10240xf32, #tpu.memory_space<vmem_shared>>
      tpu.enqueue_indirect_dma source(%arg7 : memref<128xf32, #tpu.memory_space<vmem>>) target(%dma_start3A_83 : memref<10240xf32, #tpu.memory_space<vmem_shared>>) offsets(%dma_start3A_81 : memref<128xi32, #tpu.memory_space<vmem>>) semaphore(%arg8 : memref<!tpu.dma_semaphore, #tpu.memory_space<semaphore_mem>>) {add = true}
      %mul3A_84 = arith.constant 8 : i32
      %mul3A_85 = arith.muli %scan3A_57, %mul3A_84 : i32
      %add3A_86 = arith.constant 3 : i32
      %add3A_87 = arith.addi %mul3A_85, %add3A_86 : i32
      %dma_start3A_88 = arith.constant 0 : i32
      %dma_start3A_89 = tpu.memref_slice %arg6[%add3A_87, %dma_start3A_88] : memref<80x128xi32, #tpu.memory_space<vmem>> -> memref<1x128xi32, #tpu.memory_space<vmem>>
      %dma_start3A_90 = tpu.memref_squeeze %dma_start3A_89 : memref<1x128xi32, #tpu.memory_space<vmem>> -> memref<128xi32, #tpu.memory_space<vmem>>
      %dma_start3A_91 = arith.constant 0 : i32
      %dma_start3A_92 = tpu.memref_slice %arg5[%dma_start3A_91] : memref<10240xf32, #tpu.memory_space<vmem_shared>> -> memref<10240xf32, #tpu.memory_space<vmem_shared>>
      tpu.enqueue_indirect_dma source(%arg7 : memref<128xf32, #tpu.memory_space<vmem>>) target(%dma_start3A_92 : memref<10240xf32, #tpu.memory_space<vmem_shared>>) offsets(%dma_start3A_90 : memref<128xi32, #tpu.memory_space<vmem>>) semaphore(%arg8 : memref<!tpu.dma_semaphore, #tpu.memory_space<semaphore_mem>>) {add = true}
      %mul3A_93 = arith.constant 8 : i32
      %mul3A_94 = arith.muli %scan3A_57, %mul3A_93 : i32
      %add3A_95 = arith.constant 4 : i32
      %add3A_96 = arith.addi %mul3A_94, %add3A_95 : i32
      %dma_start3A_97 = arith.constant 0 : i32
      %dma_start3A_98 = tpu.memref_slice %arg6[%add3A_96, %dma_start3A_97] : memref<80x128xi32, #tpu.memory_space<vmem>> -> memref<1x128xi32, #tpu.memory_space<vmem>>
      %dma_start3A_99 = tpu.memref_squeeze %dma_start3A_98 : memref<1x128xi32, #tpu.memory_space<vmem>> -> memref<128xi32, #tpu.memory_space<vmem>>
      %dma_start3A_100 = arith.constant 0 : i32
      %dma_start3A_101 = tpu.memref_slice %arg5[%dma_start3A_100] : memref<10240xf32, #tpu.memory_space<vmem_shared>> -> memref<10240xf32, #tpu.memory_space<vmem_shared>>
      tpu.enqueue_indirect_dma source(%arg7 : memref<128xf32, #tpu.memory_space<vmem>>) target(%dma_start3A_101 : memref<10240xf32, #tpu.memory_space<vmem_shared>>) offsets(%dma_start3A_99 : memref<128xi32, #tpu.memory_space<vmem>>) semaphore(%arg8 : memref<!tpu.dma_semaphore, #tpu.memory_space<semaphore_mem>>) {add = true}
      %mul3A_102 = arith.constant 8 : i32
      %mul3A_103 = arith.muli %scan3A_57, %mul3A_102 : i32
      %add3A_104 = arith.constant 5 : i32
      %add3A_105 = arith.addi %mul3A_103, %add3A_104 : i32
      %dma_start3A_106 = arith.constant 0 : i32
      %dma_start3A_107 = tpu.memref_slice %arg6[%add3A_105, %dma_start3A_106] : memref<80x128xi32, #tpu.memory_space<vmem>> -> memref<1x128xi32, #tpu.memory_space<vmem>>
      %dma_start3A_108 = tpu.memref_squeeze %dma_start3A_107 : memref<1x128xi32, #tpu.memory_space<vmem>> -> memref<128xi32, #tpu.memory_space<vmem>>
      %dma_start3A_109 = arith.constant 0 : i32
      %dma_start3A_110 = tpu.memref_slice %arg5[%dma_start3A_109] : memref<10240xf32, #tpu.memory_space<vmem_shared>> -> memref<10240xf32, #tpu.memory_space<vmem_shared>>
      tpu.enqueue_indirect_dma source(%arg7 : memref<128xf32, #tpu.memory_space<vmem>>) target(%dma_start3A_110 : memref<10240xf32, #tpu.memory_space<vmem_shared>>) offsets(%dma_start3A_108 : memref<128xi32, #tpu.memory_space<vmem>>) semaphore(%arg8 : memref<!tpu.dma_semaphore, #tpu.memory_space<semaphore_mem>>) {add = true}
      %mul3A_111 = arith.constant 8 : i32
      %mul3A_112 = arith.muli %scan3A_57, %mul3A_111 : i32
      %add3A_113 = arith.constant 6 : i32
      %add3A_114 = arith.addi %mul3A_112, %add3A_113 : i32
      %dma_start3A_115 = arith.constant 0 : i32
      %dma_start3A_116 = tpu.memref_slice %arg6[%add3A_114, %dma_start3A_115] : memref<80x128xi32, #tpu.memory_space<vmem>> -> memref<1x128xi32, #tpu.memory_space<vmem>>
      %dma_start3A_117 = tpu.memref_squeeze %dma_start3A_116 : memref<1x128xi32, #tpu.memory_space<vmem>> -> memref<128xi32, #tpu.memory_space<vmem>>
      %dma_start3A_118 = arith.constant 0 : i32
      %dma_start3A_119 = tpu.memref_slice %arg5[%dma_start3A_118] : memref<10240xf32, #tpu.memory_space<vmem_shared>> -> memref<10240xf32, #tpu.memory_space<vmem_shared>>
      tpu.enqueue_indirect_dma source(%arg7 : memref<128xf32, #tpu.memory_space<vmem>>) target(%dma_start3A_119 : memref<10240xf32, #tpu.memory_space<vmem_shared>>) offsets(%dma_start3A_117 : memref<128xi32, #tpu.memory_space<vmem>>) semaphore(%arg8 : memref<!tpu.dma_semaphore, #tpu.memory_space<semaphore_mem>>) {add = true}
      %mul3A_120 = arith.constant 8 : i32
      %mul3A_121 = arith.muli %scan3A_57, %mul3A_120 : i32
      %add3A_122 = arith.constant 7 : i32
      %add3A_123 = arith.addi %mul3A_121, %add3A_122 : i32
      %dma_start3A_124 = arith.constant 0 : i32
      %dma_start3A_125 = tpu.memref_slice %arg6[%add3A_123, %dma_start3A_124] : memref<80x128xi32, #tpu.memory_space<vmem>> -> memref<1x128xi32, #tpu.memory_space<vmem>>
      %dma_start3A_126 = tpu.memref_squeeze %dma_start3A_125 : memref<1x128xi32, #tpu.memory_space<vmem>> -> memref<128xi32, #tpu.memory_space<vmem>>
      %dma_start3A_127 = arith.constant 0 : i32
      %dma_start3A_128 = tpu.memref_slice %arg5[%dma_start3A_127] : memref<10240xf32, #tpu.memory_space<vmem_shared>> -> memref<10240xf32, #tpu.memory_space<vmem_shared>>
      tpu.enqueue_indirect_dma source(%arg7 : memref<128xf32, #tpu.memory_space<vmem>>) target(%dma_start3A_128 : memref<10240xf32, #tpu.memory_space<vmem_shared>>) offsets(%dma_start3A_126 : memref<128xi32, #tpu.memory_space<vmem>>) semaphore(%arg8 : memref<!tpu.dma_semaphore, #tpu.memory_space<semaphore_mem>>) {add = true}
      %dma_wait3A = arith.constant 0 : i32
      %dma_wait3A_129 = tpu.memref_slice %arg3[%dma_wait3A] : memref<10240xf32, #tpu.memory_space<hbm>> -> memref<128xf32, #tpu.memory_space<hbm>>
      %dma_wait3A_130 = arith.constant 0 : i32
      %dma_wait3A_131 = tpu.memref_slice %arg3[%dma_wait3A_130] : memref<10240xf32, #tpu.memory_space<hbm>> -> memref<128xf32, #tpu.memory_space<hbm>>
      tpu.wait_dma2 semaphore(%arg8 : memref<!tpu.dma_semaphore, #tpu.memory_space<semaphore_mem>>) src(%dma_wait3A_131 : memref<128xf32, #tpu.memory_space<hbm>>) dst(%arg7 : memref<128xf32, #tpu.memory_space<vmem>>)
      %dma_wait3A_132 = arith.constant 0 : i32
      %dma_wait3A_133 = tpu.memref_slice %arg3[%dma_wait3A_132] : memref<10240xf32, #tpu.memory_space<hbm>> -> memref<128xf32, #tpu.memory_space<hbm>>
      %dma_wait3A_134 = arith.constant 0 : i32
      %dma_wait3A_135 = tpu.memref_slice %arg3[%dma_wait3A_134] : memref<10240xf32, #tpu.memory_space<hbm>> -> memref<128xf32, #tpu.memory_space<hbm>>
      tpu.wait_dma2 semaphore(%arg8 : memref<!tpu.dma_semaphore, #tpu.memory_space<semaphore_mem>>) src(%dma_wait3A_135 : memref<128xf32, #tpu.memory_space<hbm>>) dst(%arg7 : memref<128xf32, #tpu.memory_space<vmem>>)
      %dma_wait3A_136 = arith.constant 0 : i32
      %dma_wait3A_137 = tpu.memref_slice %arg3[%dma_wait3A_136] : memref<10240xf32, #tpu.memory_space<hbm>> -> memref<128xf32, #tpu.memory_space<hbm>>
      %dma_wait3A_138 = arith.constant 0 : i32
      %dma_wait3A_139 = tpu.memref_slice %arg3[%dma_wait3A_138] : memref<10240xf32, #tpu.memory_space<hbm>> -> memref<128xf32, #tpu.memory_space<hbm>>
      tpu.wait_dma2 semaphore(%arg8 : memref<!tpu.dma_semaphore, #tpu.memory_space<semaphore_mem>>) src(%dma_wait3A_139 : memref<128xf32, #tpu.memory_space<hbm>>) dst(%arg7 : memref<128xf32, #tpu.memory_space<vmem>>)
      %dma_wait3A_140 = arith.constant 0 : i32
      %dma_wait3A_141 = tpu.memref_slice %arg3[%dma_wait3A_140] : memref<10240xf32, #tpu.memory_space<hbm>> -> memref<128xf32, #tpu.memory_space<hbm>>
      %dma_wait3A_142 = arith.constant 0 : i32
      %dma_wait3A_143 = tpu.memref_slice %arg3[%dma_wait3A_142] : memref<10240xf32, #tpu.memory_space<hbm>> -> memref<128xf32, #tpu.memory_space<hbm>>
      tpu.wait_dma2 semaphore(%arg8 : memref<!tpu.dma_semaphore, #tpu.memory_space<semaphore_mem>>) src(%dma_wait3A_143 : memref<128xf32, #tpu.memory_space<hbm>>) dst(%arg7 : memref<128xf32, #tpu.memory_space<vmem>>)
      %dma_wait3A_144 = arith.constant 0 : i32
      %dma_wait3A_145 = tpu.memref_slice %arg3[%dma_wait3A_144] : memref<10240xf32, #tpu.memory_space<hbm>> -> memref<128xf32, #tpu.memory_space<hbm>>
      %dma_wait3A_146 = arith.constant 0 : i32
      %dma_wait3A_147 = tpu.memref_slice %arg3[%dma_wait3A_146] : memref<10240xf32, #tpu.memory_space<hbm>> -> memref<128xf32, #tpu.memory_space<hbm>>
      tpu.wait_dma2 semaphore(%arg8 : memref<!tpu.dma_semaphore, #tpu.memory_space<semaphore_mem>>) src(%dma_wait3A_147 : memref<128xf32, #tpu.memory_space<hbm>>) dst(%arg7 : memref<128xf32, #tpu.memory_space<vmem>>)
      %dma_wait3A_148 = arith.constant 0 : i32
      %dma_wait3A_149 = tpu.memref_slice %arg3[%dma_wait3A_148] : memref<10240xf32, #tpu.memory_space<hbm>> -> memref<128xf32, #tpu.memory_space<hbm>>
      %dma_wait3A_150 = arith.constant 0 : i32
      %dma_wait3A_151 = tpu.memref_slice %arg3[%dma_wait3A_150] : memref<10240xf32, #tpu.memory_space<hbm>> -> memref<128xf32, #tpu.memory_space<hbm>>
      tpu.wait_dma2 semaphore(%arg8 : memref<!tpu.dma_semaphore, #tpu.memory_space<semaphore_mem>>) src(%dma_wait3A_151 : memref<128xf32, #tpu.memory_space<hbm>>) dst(%arg7 : memref<128xf32, #tpu.memory_space<vmem>>)
      %dma_wait3A_152 = arith.constant 0 : i32
      %dma_wait3A_153 = tpu.memref_slice %arg3[%dma_wait3A_152] : memref<10240xf32, #tpu.memory_space<hbm>> -> memref<128xf32, #tpu.memory_space<hbm>>
      %dma_wait3A_154 = arith.constant 0 : i32
      %dma_wait3A_155 = tpu.memref_slice %arg3[%dma_wait3A_154] : memref<10240xf32, #tpu.memory_space<hbm>> -> memref<128xf32, #tpu.memory_space<hbm>>
      tpu.wait_dma2 semaphore(%arg8 : memref<!tpu.dma_semaphore, #tpu.memory_space<semaphore_mem>>) src(%dma_wait3A_155 : memref<128xf32, #tpu.memory_space<hbm>>) dst(%arg7 : memref<128xf32, #tpu.memory_space<vmem>>)
      %dma_wait3A_156 = arith.constant 0 : i32
      %dma_wait3A_157 = tpu.memref_slice %arg3[%dma_wait3A_156] : memref<10240xf32, #tpu.memory_space<hbm>> -> memref<128xf32, #tpu.memory_space<hbm>>
      %dma_wait3A_158 = arith.constant 0 : i32
      %dma_wait3A_159 = tpu.memref_slice %arg3[%dma_wait3A_158] : memref<10240xf32, #tpu.memory_space<hbm>> -> memref<128xf32, #tpu.memory_space<hbm>>
      tpu.wait_dma2 semaphore(%arg8 : memref<!tpu.dma_semaphore, #tpu.memory_space<semaphore_mem>>) src(%dma_wait3A_159 : memref<128xf32, #tpu.memory_space<hbm>>) dst(%arg7 : memref<128xf32, #tpu.memory_space<vmem>>)
    }
    %scan3A_55 = arith.constant 10 : i32
    %barrier3A_56 = arith.constant 0 : index
    tpu.barrier barrier_id(%barrier3A_56)
    "tpu.region"() ({
      %run_scoped3A = tpu.sem_alloc : memref<!tpu.dma_semaphore, #tpu.memory_space<semaphore_mem>>
      %dma_start3A = tpu.memref_slice %arg4[%arg0, %mul3A_2] : memref<2x10240xf32, #tpu.memory_space<hbm>> -> memref<1x640xf32, #tpu.memory_space<hbm>>
      %dma_start3A_57 = tpu.memref_squeeze %dma_start3A : memref<1x640xf32, #tpu.memory_space<hbm>> -> memref<640xf32, #tpu.memory_space<hbm>>
      %dma_start3A_58 = tpu.memref_slice %arg5[%mul3A_2] : memref<10240xf32, #tpu.memory_space<vmem_shared>> -> memref<640xf32, #tpu.memory_space<vmem_shared>>
      tpu.enqueue_dma source(%dma_start3A_58 : memref<640xf32, #tpu.memory_space<vmem_shared>>) target(%dma_start3A_57 : memref<640xf32, #tpu.memory_space<hbm>>) target_semaphore(%run_scoped3A : memref<!tpu.dma_semaphore, #tpu.memory_space<semaphore_mem>>)
      %dma_wait3A = tpu.memref_slice %arg4[%arg0, %mul3A_2] : memref<2x10240xf32, #tpu.memory_space<hbm>> -> memref<1x640xf32, #tpu.memory_space<hbm>>
      %dma_wait3A_59 = tpu.memref_squeeze %dma_wait3A : memref<1x640xf32, #tpu.memory_space<hbm>> -> memref<640xf32, #tpu.memory_space<hbm>>
      %dma_wait3A_60 = tpu.memref_slice %arg5[%mul3A_2] : memref<10240xf32, #tpu.memory_space<vmem_shared>> -> memref<640xf32, #tpu.memory_space<vmem_shared>>
      tpu.wait_dma2 semaphore(%run_scoped3A : memref<!tpu.dma_semaphore, #tpu.memory_space<semaphore_mem>>) src(%dma_wait3A_60 : memref<640xf32, #tpu.memory_space<vmem_shared>>) dst(%dma_wait3A_59 : memref<640xf32, #tpu.memory_space<hbm>>)
      tpu.yield
    }) : () -> ()
    return
  }
}

#map = affine_map<(d0, d1) -> (0, 0)>
#map1 = affine_map<(d0, d1) -> (0, 0, 0)>
module attributes {stable_mosaic.version = 14 : i64} {
  func.func @sc_mp(%arg0: i32, %arg1: i32, %arg2: memref<2560x128xi32, #tpu.memory_space<hbm>>, %arg3: memref<2560x128xi32, #tpu.memory_space<hbm>>, %arg4: memref<10240x128xf32, #tpu.memory_space<hbm>>, %arg5: memref<10240x128xf32, #tpu.memory_space<hbm>>, %arg6: memref<2x10240x128xf32, #tpu.memory_space<hbm>>, %arg7: memref<10240x128xf32, #tpu.memory_space<vmem_shared>>, %arg8: memref<40x128xi32, #tpu.memory_space<vmem>>, %arg9: memref<40x128xi32, #tpu.memory_space<vmem>>, %arg10: memref<128x128xf32, #tpu.memory_space<vmem>>, %arg11: memref<128x128xf32, #tpu.memory_space<vmem>>, %arg12: memref<!tpu.dma_semaphore, #tpu.memory_space<semaphore_mem>>, %arg13: memref<!tpu.dma_semaphore, #tpu.memory_space<semaphore_mem>>) attributes {dimension_semantics = [#tpu.dimension_semantics<core_parallel>, #tpu.dimension_semantics<subcore_parallel>], iteration_bounds = array<i64: 2, 16>, scalar_prefetch = 0 : i64, scratch_operands = 7 : i64, tpu.core_type = #tpu.core_type<sc_vector_subcore>, window_params = [{transform_indices = #map}, {transform_indices = #map}, {transform_indices = #map}, {transform_indices = #map}, {transform_indices = #map1}]} {
    %mul3A = arith.constant 640 : i32
    %mul3A_0 = arith.muli %arg1, %mul3A : i32
    %eq3A = arith.constant 0 : i32
    %eq3A_1 = arith.cmpi eq, %arg0, %eq3A : i32
    %convert_element_type3A = arith.extui %eq3A_1 : i1 to i32
    %cond3A = arith.constant 0 : i32
    %cond3A_2 = arith.cmpi ne, %convert_element_type3A, %cond3A : i32
    scf.if %cond3A_2 {
      "tpu.region"() ({
        %run_scoped3A = tpu.sem_alloc : memref<!tpu.dma_semaphore, #tpu.memory_space<semaphore_mem>>
        %dma_start3A_55 = arith.constant 0 : i32
        %dma_start3A_56 = tpu.memref_slice %arg7[%mul3A_0, %dma_start3A_55] : memref<10240x128xf32, #tpu.memory_space<vmem_shared>> -> memref<640x128xf32, #tpu.memory_space<vmem_shared>>
        %dma_start3A_57 = arith.constant 0 : i32
        %dma_start3A_58 = tpu.memref_slice %arg4[%mul3A_0, %dma_start3A_57] : memref<10240x128xf32, #tpu.memory_space<hbm>> -> memref<640x128xf32, #tpu.memory_space<hbm>>
        tpu.enqueue_dma source(%dma_start3A_58 : memref<640x128xf32, #tpu.memory_space<hbm>>) target(%dma_start3A_56 : memref<640x128xf32, #tpu.memory_space<vmem_shared>>) target_semaphore(%run_scoped3A : memref<!tpu.dma_semaphore, #tpu.memory_space<semaphore_mem>>)
        %dma_wait3A = arith.constant 0 : i32
        %dma_wait3A_59 = tpu.memref_slice %arg7[%mul3A_0, %dma_wait3A] : memref<10240x128xf32, #tpu.memory_space<vmem_shared>> -> memref<640x128xf32, #tpu.memory_space<vmem_shared>>
        %dma_wait3A_60 = arith.constant 0 : i32
        %dma_wait3A_61 = tpu.memref_slice %arg4[%mul3A_0, %dma_wait3A_60] : memref<10240x128xf32, #tpu.memory_space<hbm>> -> memref<640x128xf32, #tpu.memory_space<hbm>>
        tpu.wait_dma2 semaphore(%run_scoped3A : memref<!tpu.dma_semaphore, #tpu.memory_space<semaphore_mem>>) src(%dma_wait3A_61 : memref<640x128xf32, #tpu.memory_space<hbm>>) dst(%dma_wait3A_59 : memref<640x128xf32, #tpu.memory_space<vmem_shared>>)
        tpu.yield
      }) : () -> ()
      %mul3A_7 = arith.constant 80 : i32
      %mul3A_8 = arith.muli %arg1, %mul3A_7 : i32
      %add3A = arith.constant 0 : i32
      %add3A_9 = arith.addi %mul3A_8, %add3A : i32
      "tpu.region"() ({
        %run_scoped3A = tpu.sem_alloc : memref<!tpu.dma_semaphore, #tpu.memory_space<semaphore_mem>>
        %dma_start3A_55 = arith.constant 0 : i32
        %dma_start3A_56 = arith.constant 0 : i32
        %dma_start3A_57 = tpu.memref_slice %arg8[%dma_start3A_55, %dma_start3A_56] : memref<40x128xi32, #tpu.memory_space<vmem>> -> memref<40x128xi32, #tpu.memory_space<vmem>>
        %dma_start3A_58 = arith.constant 0 : i32
        %dma_start3A_59 = tpu.memref_slice %arg2[%add3A_9, %dma_start3A_58] : memref<2560x128xi32, #tpu.memory_space<hbm>> -> memref<40x128xi32, #tpu.memory_space<hbm>>
        %dma_start3A_60 = arith.constant 0 : i32
        %dma_start3A_61 = arith.constant 0 : i32
        %dma_start3A_62 = tpu.memref_slice %arg8[%dma_start3A_60, %dma_start3A_61] : memref<40x128xi32, #tpu.memory_space<vmem>> -> memref<40x128xi32, #tpu.memory_space<vmem>>
        %dma_start3A_63 = arith.constant 0 : i32
        %dma_start3A_64 = tpu.memref_slice %arg2[%add3A_9, %dma_start3A_63] : memref<2560x128xi32, #tpu.memory_space<hbm>> -> memref<40x128xi32, #tpu.memory_space<hbm>>
        tpu.enqueue_dma source(%dma_start3A_64 : memref<40x128xi32, #tpu.memory_space<hbm>>) target(%dma_start3A_62 : memref<40x128xi32, #tpu.memory_space<vmem>>) target_semaphore(%run_scoped3A : memref<!tpu.dma_semaphore, #tpu.memory_space<semaphore_mem>>)
        %dma_wait3A = arith.constant 0 : i32
        %dma_wait3A_65 = arith.constant 0 : i32
        %dma_wait3A_66 = tpu.memref_slice %arg8[%dma_wait3A, %dma_wait3A_65] : memref<40x128xi32, #tpu.memory_space<vmem>> -> memref<40x128xi32, #tpu.memory_space<vmem>>
        %dma_wait3A_67 = arith.constant 0 : i32
        %dma_wait3A_68 = tpu.memref_slice %arg2[%add3A_9, %dma_wait3A_67] : memref<2560x128xi32, #tpu.memory_space<hbm>> -> memref<40x128xi32, #tpu.memory_space<hbm>>
        %dma_wait3A_69 = arith.constant 0 : i32
        %dma_wait3A_70 = arith.constant 0 : i32
        %dma_wait3A_71 = tpu.memref_slice %arg8[%dma_wait3A_69, %dma_wait3A_70] : memref<40x128xi32, #tpu.memory_space<vmem>> -> memref<40x128xi32, #tpu.memory_space<vmem>>
        %dma_wait3A_72 = arith.constant 0 : i32
        %dma_wait3A_73 = tpu.memref_slice %arg2[%add3A_9, %dma_wait3A_72] : memref<2560x128xi32, #tpu.memory_space<hbm>> -> memref<40x128xi32, #tpu.memory_space<hbm>>
        tpu.wait_dma2 semaphore(%run_scoped3A : memref<!tpu.dma_semaphore, #tpu.memory_space<semaphore_mem>>) src(%dma_wait3A_73 : memref<40x128xi32, #tpu.memory_space<hbm>>) dst(%dma_wait3A_71 : memref<40x128xi32, #tpu.memory_space<vmem>>)
        tpu.yield
      }) : () -> ()
      %add3A_10 = arith.constant 0 : i32
      %add3A_11 = arith.addi %mul3A_8, %add3A_10 : i32
      "tpu.region"() ({
        %run_scoped3A = tpu.sem_alloc : memref<!tpu.dma_semaphore, #tpu.memory_space<semaphore_mem>>
        %dma_start3A_55 = arith.constant 0 : i32
        %dma_start3A_56 = arith.constant 0 : i32
        %dma_start3A_57 = tpu.memref_slice %arg9[%dma_start3A_55, %dma_start3A_56] : memref<40x128xi32, #tpu.memory_space<vmem>> -> memref<40x128xi32, #tpu.memory_space<vmem>>
        %dma_start3A_58 = arith.constant 0 : i32
        %dma_start3A_59 = tpu.memref_slice %arg3[%add3A_11, %dma_start3A_58] : memref<2560x128xi32, #tpu.memory_space<hbm>> -> memref<40x128xi32, #tpu.memory_space<hbm>>
        %dma_start3A_60 = arith.constant 0 : i32
        %dma_start3A_61 = arith.constant 0 : i32
        %dma_start3A_62 = tpu.memref_slice %arg9[%dma_start3A_60, %dma_start3A_61] : memref<40x128xi32, #tpu.memory_space<vmem>> -> memref<40x128xi32, #tpu.memory_space<vmem>>
        %dma_start3A_63 = arith.constant 0 : i32
        %dma_start3A_64 = tpu.memref_slice %arg3[%add3A_11, %dma_start3A_63] : memref<2560x128xi32, #tpu.memory_space<hbm>> -> memref<40x128xi32, #tpu.memory_space<hbm>>
        tpu.enqueue_dma source(%dma_start3A_64 : memref<40x128xi32, #tpu.memory_space<hbm>>) target(%dma_start3A_62 : memref<40x128xi32, #tpu.memory_space<vmem>>) target_semaphore(%run_scoped3A : memref<!tpu.dma_semaphore, #tpu.memory_space<semaphore_mem>>)
        %dma_wait3A = arith.constant 0 : i32
        %dma_wait3A_65 = arith.constant 0 : i32
        %dma_wait3A_66 = tpu.memref_slice %arg9[%dma_wait3A, %dma_wait3A_65] : memref<40x128xi32, #tpu.memory_space<vmem>> -> memref<40x128xi32, #tpu.memory_space<vmem>>
        %dma_wait3A_67 = arith.constant 0 : i32
        %dma_wait3A_68 = tpu.memref_slice %arg3[%add3A_11, %dma_wait3A_67] : memref<2560x128xi32, #tpu.memory_space<hbm>> -> memref<40x128xi32, #tpu.memory_space<hbm>>
        %dma_wait3A_69 = arith.constant 0 : i32
        %dma_wait3A_70 = arith.constant 0 : i32
        %dma_wait3A_71 = tpu.memref_slice %arg9[%dma_wait3A_69, %dma_wait3A_70] : memref<40x128xi32, #tpu.memory_space<vmem>> -> memref<40x128xi32, #tpu.memory_space<vmem>>
        %dma_wait3A_72 = arith.constant 0 : i32
        %dma_wait3A_73 = tpu.memref_slice %arg3[%add3A_11, %dma_wait3A_72] : memref<2560x128xi32, #tpu.memory_space<hbm>> -> memref<40x128xi32, #tpu.memory_space<hbm>>
        tpu.wait_dma2 semaphore(%run_scoped3A : memref<!tpu.dma_semaphore, #tpu.memory_space<semaphore_mem>>) src(%dma_wait3A_73 : memref<40x128xi32, #tpu.memory_space<hbm>>) dst(%dma_wait3A_71 : memref<40x128xi32, #tpu.memory_space<vmem>>)
        tpu.yield
      }) : () -> ()
      %barrier3A_12 = arith.constant 0 : index
      tpu.barrier barrier_id(%barrier3A_12)
      %dma_start3A = arith.constant 0 : i32
      %dma_start3A_13 = arith.constant 0 : i32
      %dma_start3A_14 = tpu.memref_slice %arg8[%dma_start3A, %dma_start3A_13] : memref<40x128xi32, #tpu.memory_space<vmem>> -> memref<1x128xi32, #tpu.memory_space<vmem>>
      %dma_start3A_15 = tpu.memref_squeeze %dma_start3A_14 : memref<1x128xi32, #tpu.memory_space<vmem>> -> memref<128xi32, #tpu.memory_space<vmem>>
      %dma_start3A_16 = arith.constant 0 : i32
      %dma_start3A_17 = arith.constant 0 : i32
      %dma_start3A_18 = tpu.memref_slice %arg4[%dma_start3A_16, %dma_start3A_17] : memref<10240x128xf32, #tpu.memory_space<hbm>> -> memref<10240x128xf32, #tpu.memory_space<hbm>>
      tpu.enqueue_indirect_dma source(%dma_start3A_18 : memref<10240x128xf32, #tpu.memory_space<hbm>>) target(%arg10 : memref<128x128xf32, #tpu.memory_space<vmem>>) offsets(%dma_start3A_15 : memref<128xi32, #tpu.memory_space<vmem>>) semaphore(%arg12 : memref<!tpu.dma_semaphore, #tpu.memory_space<semaphore_mem>>)
      %dma_start3A_19 = arith.constant 1 : i32
      %dma_start3A_20 = arith.constant 0 : i32
      %dma_start3A_21 = tpu.memref_slice %arg8[%dma_start3A_19, %dma_start3A_20] : memref<40x128xi32, #tpu.memory_space<vmem>> -> memref<1x128xi32, #tpu.memory_space<vmem>>
      %dma_start3A_22 = tpu.memref_squeeze %dma_start3A_21 : memref<1x128xi32, #tpu.memory_space<vmem>> -> memref<128xi32, #tpu.memory_space<vmem>>
      %dma_start3A_23 = arith.constant 0 : i32
      %dma_start3A_24 = arith.constant 0 : i32
      %dma_start3A_25 = tpu.memref_slice %arg4[%dma_start3A_23, %dma_start3A_24] : memref<10240x128xf32, #tpu.memory_space<hbm>> -> memref<10240x128xf32, #tpu.memory_space<hbm>>
      tpu.enqueue_indirect_dma source(%dma_start3A_25 : memref<10240x128xf32, #tpu.memory_space<hbm>>) target(%arg11 : memref<128x128xf32, #tpu.memory_space<vmem>>) offsets(%dma_start3A_22 : memref<128xi32, #tpu.memory_space<vmem>>) semaphore(%arg13 : memref<!tpu.dma_semaphore, #tpu.memory_space<semaphore_mem>>)
      %scan3A = arith.constant 0 : i32
      %scan3A_26 = arith.constant 0 : i32
      %scan3A_27 = arith.constant 20 : i32
      %scan3A_28 = arith.addi %scan3A_26, %scan3A_27 : i32
      %scan3A_29 = arith.constant 1 : i32
      scf.for %scan3A_55 = %scan3A_26 to %scan3A_28 step %scan3A_29  : i32 {
        %mul3A_56 = arith.constant 2 : i32
        %mul3A_57 = arith.muli %mul3A_56, %scan3A_55 : i32
        %dma_wait3A = arith.constant 0 : i32
        %dma_wait3A_58 = arith.constant 0 : i32
        %dma_wait3A_59 = tpu.memref_slice %arg5[%dma_wait3A, %dma_wait3A_58] : memref<10240x128xf32, #tpu.memory_space<hbm>> -> memref<128x128xf32, #tpu.memory_space<hbm>>
        %dma_wait3A_60 = arith.constant 0 : i32
        %dma_wait3A_61 = arith.constant 0 : i32
        %dma_wait3A_62 = tpu.memref_slice %arg5[%dma_wait3A_60, %dma_wait3A_61] : memref<10240x128xf32, #tpu.memory_space<hbm>> -> memref<128x128xf32, #tpu.memory_space<hbm>>
        tpu.wait_dma2 semaphore(%arg12 : memref<!tpu.dma_semaphore, #tpu.memory_space<semaphore_mem>>) src(%dma_wait3A_62 : memref<128x128xf32, #tpu.memory_space<hbm>>) dst(%arg10 : memref<128x128xf32, #tpu.memory_space<vmem>>)
        "tpu.region"() ({
          %run_scoped3A = tpu.sem_alloc : memref<!tpu.dma_semaphore, #tpu.memory_space<semaphore_mem>>
          %dma_start3A_80 = arith.constant 0 : i32
          %dma_start3A_81 = tpu.memref_slice %arg9[%mul3A_57, %dma_start3A_80] : memref<40x128xi32, #tpu.memory_space<vmem>> -> memref<1x128xi32, #tpu.memory_space<vmem>>
          %dma_start3A_82 = tpu.memref_squeeze %dma_start3A_81 : memref<1x128xi32, #tpu.memory_space<vmem>> -> memref<128xi32, #tpu.memory_space<vmem>>
          %dma_start3A_83 = arith.constant 0 : i32
          %dma_start3A_84 = arith.constant 0 : i32
          %dma_start3A_85 = tpu.memref_slice %arg7[%dma_start3A_83, %dma_start3A_84] : memref<10240x128xf32, #tpu.memory_space<vmem_shared>> -> memref<10240x128xf32, #tpu.memory_space<vmem_shared>>
          tpu.enqueue_indirect_dma source(%arg10 : memref<128x128xf32, #tpu.memory_space<vmem>>) target(%dma_start3A_85 : memref<10240x128xf32, #tpu.memory_space<vmem_shared>>) offsets(%dma_start3A_82 : memref<128xi32, #tpu.memory_space<vmem>>) semaphore(%run_scoped3A : memref<!tpu.dma_semaphore, #tpu.memory_space<semaphore_mem>>) {add = true}
          %dma_wait3A_86 = arith.constant 0 : i32
          %dma_wait3A_87 = tpu.memref_slice %arg9[%mul3A_57, %dma_wait3A_86] : memref<40x128xi32, #tpu.memory_space<vmem>> -> memref<1x128xi32, #tpu.memory_space<vmem>>
          %dma_wait3A_88 = tpu.memref_squeeze %dma_wait3A_87 : memref<1x128xi32, #tpu.memory_space<vmem>> -> memref<128xi32, #tpu.memory_space<vmem>>
          %dma_wait3A_89 = arith.constant 0 : i32
          %dma_wait3A_90 = arith.constant 0 : i32
          %dma_wait3A_91 = tpu.memref_slice %arg7[%dma_wait3A_89, %dma_wait3A_90] : memref<10240x128xf32, #tpu.memory_space<vmem_shared>> -> memref<10240x128xf32, #tpu.memory_space<vmem_shared>>
          tpu.wait_indirect_dma semaphore(%run_scoped3A : memref<!tpu.dma_semaphore, #tpu.memory_space<semaphore_mem>>) src(%arg10 : memref<128x128xf32, #tpu.memory_space<vmem>>) dst(%dma_wait3A_91 : memref<10240x128xf32, #tpu.memory_space<vmem_shared>>)
          tpu.yield
        }) : () -> ()
        %lt3A = arith.constant 19 : i32
        %lt3A_63 = arith.cmpi slt, %scan3A_55, %lt3A : i32
        %convert_element_type3A_64 = arith.extui %lt3A_63 : i1 to i32
        %cond3A_65 = arith.constant 0 : i32
        %cond3A_66 = arith.cmpi ne, %convert_element_type3A_64, %cond3A_65 : i32
        scf.if %cond3A_66 {
          %add3A_80 = arith.constant 2 : i32
          %add3A_81 = arith.addi %mul3A_57, %add3A_80 : i32
          %dma_start3A_82 = arith.constant 0 : i32
          %dma_start3A_83 = tpu.memref_slice %arg8[%add3A_81, %dma_start3A_82] : memref<40x128xi32, #tpu.memory_space<vmem>> -> memref<1x128xi32, #tpu.memory_space<vmem>>
          %dma_start3A_84 = tpu.memref_squeeze %dma_start3A_83 : memref<1x128xi32, #tpu.memory_space<vmem>> -> memref<128xi32, #tpu.memory_space<vmem>>
          %dma_start3A_85 = arith.constant 0 : i32
          %dma_start3A_86 = arith.constant 0 : i32
          %dma_start3A_87 = tpu.memref_slice %arg4[%dma_start3A_85, %dma_start3A_86] : memref<10240x128xf32, #tpu.memory_space<hbm>> -> memref<10240x128xf32, #tpu.memory_space<hbm>>
          tpu.enqueue_indirect_dma source(%dma_start3A_87 : memref<10240x128xf32, #tpu.memory_space<hbm>>) target(%arg10 : memref<128x128xf32, #tpu.memory_space<vmem>>) offsets(%dma_start3A_84 : memref<128xi32, #tpu.memory_space<vmem>>) semaphore(%arg12 : memref<!tpu.dma_semaphore, #tpu.memory_space<semaphore_mem>>)
        } else {
        }
        %dma_wait3A_67 = arith.constant 0 : i32
        %dma_wait3A_68 = arith.constant 0 : i32
        %dma_wait3A_69 = tpu.memref_slice %arg5[%dma_wait3A_67, %dma_wait3A_68] : memref<10240x128xf32, #tpu.memory_space<hbm>> -> memref<128x128xf32, #tpu.memory_space<hbm>>
        %dma_wait3A_70 = arith.constant 0 : i32
        %dma_wait3A_71 = arith.constant 0 : i32
        %dma_wait3A_72 = tpu.memref_slice %arg5[%dma_wait3A_70, %dma_wait3A_71] : memref<10240x128xf32, #tpu.memory_space<hbm>> -> memref<128x128xf32, #tpu.memory_space<hbm>>
        tpu.wait_dma2 semaphore(%arg13 : memref<!tpu.dma_semaphore, #tpu.memory_space<semaphore_mem>>) src(%dma_wait3A_72 : memref<128x128xf32, #tpu.memory_space<hbm>>) dst(%arg11 : memref<128x128xf32, #tpu.memory_space<vmem>>)
        %add3A_73 = arith.constant 1 : i32
        %add3A_74 = arith.addi %mul3A_57, %add3A_73 : i32
        "tpu.region"() ({
          %run_scoped3A = tpu.sem_alloc : memref<!tpu.dma_semaphore, #tpu.memory_space<semaphore_mem>>
          %dma_start3A_80 = arith.constant 0 : i32
          %dma_start3A_81 = tpu.memref_slice %arg9[%add3A_74, %dma_start3A_80] : memref<40x128xi32, #tpu.memory_space<vmem>> -> memref<1x128xi32, #tpu.memory_space<vmem>>
          %dma_start3A_82 = tpu.memref_squeeze %dma_start3A_81 : memref<1x128xi32, #tpu.memory_space<vmem>> -> memref<128xi32, #tpu.memory_space<vmem>>
          %dma_start3A_83 = arith.constant 0 : i32
          %dma_start3A_84 = arith.constant 0 : i32
          %dma_start3A_85 = tpu.memref_slice %arg7[%dma_start3A_83, %dma_start3A_84] : memref<10240x128xf32, #tpu.memory_space<vmem_shared>> -> memref<10240x128xf32, #tpu.memory_space<vmem_shared>>
          tpu.enqueue_indirect_dma source(%arg11 : memref<128x128xf32, #tpu.memory_space<vmem>>) target(%dma_start3A_85 : memref<10240x128xf32, #tpu.memory_space<vmem_shared>>) offsets(%dma_start3A_82 : memref<128xi32, #tpu.memory_space<vmem>>) semaphore(%run_scoped3A : memref<!tpu.dma_semaphore, #tpu.memory_space<semaphore_mem>>) {add = true}
          %dma_wait3A_86 = arith.constant 0 : i32
          %dma_wait3A_87 = tpu.memref_slice %arg9[%add3A_74, %dma_wait3A_86] : memref<40x128xi32, #tpu.memory_space<vmem>> -> memref<1x128xi32, #tpu.memory_space<vmem>>
          %dma_wait3A_88 = tpu.memref_squeeze %dma_wait3A_87 : memref<1x128xi32, #tpu.memory_space<vmem>> -> memref<128xi32, #tpu.memory_space<vmem>>
          %dma_wait3A_89 = arith.constant 0 : i32
          %dma_wait3A_90 = arith.constant 0 : i32
          %dma_wait3A_91 = tpu.memref_slice %arg7[%dma_wait3A_89, %dma_wait3A_90] : memref<10240x128xf32, #tpu.memory_space<vmem_shared>> -> memref<10240x128xf32, #tpu.memory_space<vmem_shared>>
          tpu.wait_indirect_dma semaphore(%run_scoped3A : memref<!tpu.dma_semaphore, #tpu.memory_space<semaphore_mem>>) src(%arg11 : memref<128x128xf32, #tpu.memory_space<vmem>>) dst(%dma_wait3A_91 : memref<10240x128xf32, #tpu.memory_space<vmem_shared>>)
          tpu.yield
        }) : () -> ()
        %lt3A_75 = arith.constant 19 : i32
        %lt3A_76 = arith.cmpi slt, %scan3A_55, %lt3A_75 : i32
        %convert_element_type3A_77 = arith.extui %lt3A_76 : i1 to i32
        %cond3A_78 = arith.constant 0 : i32
        %cond3A_79 = arith.cmpi ne, %convert_element_type3A_77, %cond3A_78 : i32
        scf.if %cond3A_79 {
          %add3A_80 = arith.constant 3 : i32
          %add3A_81 = arith.addi %mul3A_57, %add3A_80 : i32
          %dma_start3A_82 = arith.constant 0 : i32
          %dma_start3A_83 = tpu.memref_slice %arg8[%add3A_81, %dma_start3A_82] : memref<40x128xi32, #tpu.memory_space<vmem>> -> memref<1x128xi32, #tpu.memory_space<vmem>>
          %dma_start3A_84 = tpu.memref_squeeze %dma_start3A_83 : memref<1x128xi32, #tpu.memory_space<vmem>> -> memref<128xi32, #tpu.memory_space<vmem>>
          %dma_start3A_85 = arith.constant 0 : i32
          %dma_start3A_86 = arith.constant 0 : i32
          %dma_start3A_87 = tpu.memref_slice %arg4[%dma_start3A_85, %dma_start3A_86] : memref<10240x128xf32, #tpu.memory_space<hbm>> -> memref<10240x128xf32, #tpu.memory_space<hbm>>
          tpu.enqueue_indirect_dma source(%dma_start3A_87 : memref<10240x128xf32, #tpu.memory_space<hbm>>) target(%arg11 : memref<128x128xf32, #tpu.memory_space<vmem>>) offsets(%dma_start3A_84 : memref<128xi32, #tpu.memory_space<vmem>>) semaphore(%arg13 : memref<!tpu.dma_semaphore, #tpu.memory_space<semaphore_mem>>)
        } else {
        }
      }
      %scan3A_30 = arith.constant 20 : i32
      %add3A_31 = arith.constant 40 : i32
      %add3A_32 = arith.addi %mul3A_8, %add3A_31 : i32
      "tpu.region"() ({
        %run_scoped3A = tpu.sem_alloc : memref<!tpu.dma_semaphore, #tpu.memory_space<semaphore_mem>>
        %dma_start3A_55 = arith.constant 0 : i32
        %dma_start3A_56 = arith.constant 0 : i32
        %dma_start3A_57 = tpu.memref_slice %arg8[%dma_start3A_55, %dma_start3A_56] : memref<40x128xi32, #tpu.memory_space<vmem>> -> memref<40x128xi32, #tpu.memory_space<vmem>>
        %dma_start3A_58 = arith.constant 0 : i32
        %dma_start3A_59 = tpu.memref_slice %arg2[%add3A_32, %dma_start3A_58] : memref<2560x128xi32, #tpu.memory_space<hbm>> -> memref<40x128xi32, #tpu.memory_space<hbm>>
        %dma_start3A_60 = arith.constant 0 : i32
        %dma_start3A_61 = arith.constant 0 : i32
        %dma_start3A_62 = tpu.memref_slice %arg8[%dma_start3A_60, %dma_start3A_61] : memref<40x128xi32, #tpu.memory_space<vmem>> -> memref<40x128xi32, #tpu.memory_space<vmem>>
        %dma_start3A_63 = arith.constant 0 : i32
        %dma_start3A_64 = tpu.memref_slice %arg2[%add3A_32, %dma_start3A_63] : memref<2560x128xi32, #tpu.memory_space<hbm>> -> memref<40x128xi32, #tpu.memory_space<hbm>>
        tpu.enqueue_dma source(%dma_start3A_64 : memref<40x128xi32, #tpu.memory_space<hbm>>) target(%dma_start3A_62 : memref<40x128xi32, #tpu.memory_space<vmem>>) target_semaphore(%run_scoped3A : memref<!tpu.dma_semaphore, #tpu.memory_space<semaphore_mem>>)
        %dma_wait3A = arith.constant 0 : i32
        %dma_wait3A_65 = arith.constant 0 : i32
        %dma_wait3A_66 = tpu.memref_slice %arg8[%dma_wait3A, %dma_wait3A_65] : memref<40x128xi32, #tpu.memory_space<vmem>> -> memref<40x128xi32, #tpu.memory_space<vmem>>
        %dma_wait3A_67 = arith.constant 0 : i32
        %dma_wait3A_68 = tpu.memref_slice %arg2[%add3A_32, %dma_wait3A_67] : memref<2560x128xi32, #tpu.memory_space<hbm>> -> memref<40x128xi32, #tpu.memory_space<hbm>>
        %dma_wait3A_69 = arith.constant 0 : i32
        %dma_wait3A_70 = arith.constant 0 : i32
        %dma_wait3A_71 = tpu.memref_slice %arg8[%dma_wait3A_69, %dma_wait3A_70] : memref<40x128xi32, #tpu.memory_space<vmem>> -> memref<40x128xi32, #tpu.memory_space<vmem>>
        %dma_wait3A_72 = arith.constant 0 : i32
        %dma_wait3A_73 = tpu.memref_slice %arg2[%add3A_32, %dma_wait3A_72] : memref<2560x128xi32, #tpu.memory_space<hbm>> -> memref<40x128xi32, #tpu.memory_space<hbm>>
        tpu.wait_dma2 semaphore(%run_scoped3A : memref<!tpu.dma_semaphore, #tpu.memory_space<semaphore_mem>>) src(%dma_wait3A_73 : memref<40x128xi32, #tpu.memory_space<hbm>>) dst(%dma_wait3A_71 : memref<40x128xi32, #tpu.memory_space<vmem>>)
        tpu.yield
      }) : () -> ()
      %add3A_33 = arith.constant 40 : i32
      %add3A_34 = arith.addi %mul3A_8, %add3A_33 : i32
      "tpu.region"() ({
        %run_scoped3A = tpu.sem_alloc : memref<!tpu.dma_semaphore, #tpu.memory_space<semaphore_mem>>
        %dma_start3A_55 = arith.constant 0 : i32
        %dma_start3A_56 = arith.constant 0 : i32
        %dma_start3A_57 = tpu.memref_slice %arg9[%dma_start3A_55, %dma_start3A_56] : memref<40x128xi32, #tpu.memory_space<vmem>> -> memref<40x128xi32, #tpu.memory_space<vmem>>
        %dma_start3A_58 = arith.constant 0 : i32
        %dma_start3A_59 = tpu.memref_slice %arg3[%add3A_34, %dma_start3A_58] : memref<2560x128xi32, #tpu.memory_space<hbm>> -> memref<40x128xi32, #tpu.memory_space<hbm>>
        %dma_start3A_60 = arith.constant 0 : i32
        %dma_start3A_61 = arith.constant 0 : i32
        %dma_start3A_62 = tpu.memref_slice %arg9[%dma_start3A_60, %dma_start3A_61] : memref<40x128xi32, #tpu.memory_space<vmem>> -> memref<40x128xi32, #tpu.memory_space<vmem>>
        %dma_start3A_63 = arith.constant 0 : i32
        %dma_start3A_64 = tpu.memref_slice %arg3[%add3A_34, %dma_start3A_63] : memref<2560x128xi32, #tpu.memory_space<hbm>> -> memref<40x128xi32, #tpu.memory_space<hbm>>
        tpu.enqueue_dma source(%dma_start3A_64 : memref<40x128xi32, #tpu.memory_space<hbm>>) target(%dma_start3A_62 : memref<40x128xi32, #tpu.memory_space<vmem>>) target_semaphore(%run_scoped3A : memref<!tpu.dma_semaphore, #tpu.memory_space<semaphore_mem>>)
        %dma_wait3A = arith.constant 0 : i32
        %dma_wait3A_65 = arith.constant 0 : i32
        %dma_wait3A_66 = tpu.memref_slice %arg9[%dma_wait3A, %dma_wait3A_65] : memref<40x128xi32, #tpu.memory_space<vmem>> -> memref<40x128xi32, #tpu.memory_space<vmem>>
        %dma_wait3A_67 = arith.constant 0 : i32
        %dma_wait3A_68 = tpu.memref_slice %arg3[%add3A_34, %dma_wait3A_67] : memref<2560x128xi32, #tpu.memory_space<hbm>> -> memref<40x128xi32, #tpu.memory_space<hbm>>
        %dma_wait3A_69 = arith.constant 0 : i32
        %dma_wait3A_70 = arith.constant 0 : i32
        %dma_wait3A_71 = tpu.memref_slice %arg9[%dma_wait3A_69, %dma_wait3A_70] : memref<40x128xi32, #tpu.memory_space<vmem>> -> memref<40x128xi32, #tpu.memory_space<vmem>>
        %dma_wait3A_72 = arith.constant 0 : i32
        %dma_wait3A_73 = tpu.memref_slice %arg3[%add3A_34, %dma_wait3A_72] : memref<2560x128xi32, #tpu.memory_space<hbm>> -> memref<40x128xi32, #tpu.memory_space<hbm>>
        tpu.wait_dma2 semaphore(%run_scoped3A : memref<!tpu.dma_semaphore, #tpu.memory_space<semaphore_mem>>) src(%dma_wait3A_73 : memref<40x128xi32, #tpu.memory_space<hbm>>) dst(%dma_wait3A_71 : memref<40x128xi32, #tpu.memory_space<vmem>>)
        tpu.yield
      }) : () -> ()
      %dma_start3A_35 = arith.constant 0 : i32
      %dma_start3A_36 = arith.constant 0 : i32
      %dma_start3A_37 = tpu.memref_slice %arg8[%dma_start3A_35, %dma_start3A_36] : memref<40x128xi32, #tpu.memory_space<vmem>> -> memref<1x128xi32, #tpu.memory_space<vmem>>
      %dma_start3A_38 = tpu.memref_squeeze %dma_start3A_37 : memref<1x128xi32, #tpu.memory_space<vmem>> -> memref<128xi32, #tpu.memory_space<vmem>>
      %dma_start3A_39 = arith.constant 0 : i32
      %dma_start3A_40 = arith.constant 0 : i32
      %dma_start3A_41 = tpu.memref_slice %arg4[%dma_start3A_39, %dma_start3A_40] : memref<10240x128xf32, #tpu.memory_space<hbm>> -> memref<10240x128xf32, #tpu.memory_space<hbm>>
      tpu.enqueue_indirect_dma source(%dma_start3A_41 : memref<10240x128xf32, #tpu.memory_space<hbm>>) target(%arg10 : memref<128x128xf32, #tpu.memory_space<vmem>>) offsets(%dma_start3A_38 : memref<128xi32, #tpu.memory_space<vmem>>) semaphore(%arg12 : memref<!tpu.dma_semaphore, #tpu.memory_space<semaphore_mem>>)
      %dma_start3A_42 = arith.constant 1 : i32
      %dma_start3A_43 = arith.constant 0 : i32
      %dma_start3A_44 = tpu.memref_slice %arg8[%dma_start3A_42, %dma_start3A_43] : memref<40x128xi32, #tpu.memory_space<vmem>> -> memref<1x128xi32, #tpu.memory_space<vmem>>
      %dma_start3A_45 = tpu.memref_squeeze %dma_start3A_44 : memref<1x128xi32, #tpu.memory_space<vmem>> -> memref<128xi32, #tpu.memory_space<vmem>>
      %dma_start3A_46 = arith.constant 0 : i32
      %dma_start3A_47 = arith.constant 0 : i32
      %dma_start3A_48 = tpu.memref_slice %arg4[%dma_start3A_46, %dma_start3A_47] : memref<10240x128xf32, #tpu.memory_space<hbm>> -> memref<10240x128xf32, #tpu.memory_space<hbm>>
      tpu.enqueue_indirect_dma source(%dma_start3A_48 : memref<10240x128xf32, #tpu.memory_space<hbm>>) target(%arg11 : memref<128x128xf32, #tpu.memory_space<vmem>>) offsets(%dma_start3A_45 : memref<128xi32, #tpu.memory_space<vmem>>) semaphore(%arg13 : memref<!tpu.dma_semaphore, #tpu.memory_space<semaphore_mem>>)
      %scan3A_49 = arith.constant 0 : i32
      %scan3A_50 = arith.constant 0 : i32
      %scan3A_51 = arith.constant 20 : i32
      %scan3A_52 = arith.addi %scan3A_50, %scan3A_51 : i32
      %scan3A_53 = arith.constant 1 : i32
      scf.for %scan3A_55 = %scan3A_50 to %scan3A_52 step %scan3A_53  : i32 {
        %mul3A_56 = arith.constant 2 : i32
        %mul3A_57 = arith.muli %mul3A_56, %scan3A_55 : i32
        %dma_wait3A = arith.constant 0 : i32
        %dma_wait3A_58 = arith.constant 0 : i32
        %dma_wait3A_59 = tpu.memref_slice %arg5[%dma_wait3A, %dma_wait3A_58] : memref<10240x128xf32, #tpu.memory_space<hbm>> -> memref<128x128xf32, #tpu.memory_space<hbm>>
        %dma_wait3A_60 = arith.constant 0 : i32
        %dma_wait3A_61 = arith.constant 0 : i32
        %dma_wait3A_62 = tpu.memref_slice %arg5[%dma_wait3A_60, %dma_wait3A_61] : memref<10240x128xf32, #tpu.memory_space<hbm>> -> memref<128x128xf32, #tpu.memory_space<hbm>>
        tpu.wait_dma2 semaphore(%arg12 : memref<!tpu.dma_semaphore, #tpu.memory_space<semaphore_mem>>) src(%dma_wait3A_62 : memref<128x128xf32, #tpu.memory_space<hbm>>) dst(%arg10 : memref<128x128xf32, #tpu.memory_space<vmem>>)
        "tpu.region"() ({
          %run_scoped3A = tpu.sem_alloc : memref<!tpu.dma_semaphore, #tpu.memory_space<semaphore_mem>>
          %dma_start3A_80 = arith.constant 0 : i32
          %dma_start3A_81 = tpu.memref_slice %arg9[%mul3A_57, %dma_start3A_80] : memref<40x128xi32, #tpu.memory_space<vmem>> -> memref<1x128xi32, #tpu.memory_space<vmem>>
          %dma_start3A_82 = tpu.memref_squeeze %dma_start3A_81 : memref<1x128xi32, #tpu.memory_space<vmem>> -> memref<128xi32, #tpu.memory_space<vmem>>
          %dma_start3A_83 = arith.constant 0 : i32
          %dma_start3A_84 = arith.constant 0 : i32
          %dma_start3A_85 = tpu.memref_slice %arg7[%dma_start3A_83, %dma_start3A_84] : memref<10240x128xf32, #tpu.memory_space<vmem_shared>> -> memref<10240x128xf32, #tpu.memory_space<vmem_shared>>
          tpu.enqueue_indirect_dma source(%arg10 : memref<128x128xf32, #tpu.memory_space<vmem>>) target(%dma_start3A_85 : memref<10240x128xf32, #tpu.memory_space<vmem_shared>>) offsets(%dma_start3A_82 : memref<128xi32, #tpu.memory_space<vmem>>) semaphore(%run_scoped3A : memref<!tpu.dma_semaphore, #tpu.memory_space<semaphore_mem>>) {add = true}
          %dma_wait3A_86 = arith.constant 0 : i32
          %dma_wait3A_87 = tpu.memref_slice %arg9[%mul3A_57, %dma_wait3A_86] : memref<40x128xi32, #tpu.memory_space<vmem>> -> memref<1x128xi32, #tpu.memory_space<vmem>>
          %dma_wait3A_88 = tpu.memref_squeeze %dma_wait3A_87 : memref<1x128xi32, #tpu.memory_space<vmem>> -> memref<128xi32, #tpu.memory_space<vmem>>
          %dma_wait3A_89 = arith.constant 0 : i32
          %dma_wait3A_90 = arith.constant 0 : i32
          %dma_wait3A_91 = tpu.memref_slice %arg7[%dma_wait3A_89, %dma_wait3A_90] : memref<10240x128xf32, #tpu.memory_space<vmem_shared>> -> memref<10240x128xf32, #tpu.memory_space<vmem_shared>>
          tpu.wait_indirect_dma semaphore(%run_scoped3A : memref<!tpu.dma_semaphore, #tpu.memory_space<semaphore_mem>>) src(%arg10 : memref<128x128xf32, #tpu.memory_space<vmem>>) dst(%dma_wait3A_91 : memref<10240x128xf32, #tpu.memory_space<vmem_shared>>)
          tpu.yield
        }) : () -> ()
        %lt3A = arith.constant 19 : i32
        %lt3A_63 = arith.cmpi slt, %scan3A_55, %lt3A : i32
        %convert_element_type3A_64 = arith.extui %lt3A_63 : i1 to i32
        %cond3A_65 = arith.constant 0 : i32
        %cond3A_66 = arith.cmpi ne, %convert_element_type3A_64, %cond3A_65 : i32
        scf.if %cond3A_66 {
          %add3A_80 = arith.constant 2 : i32
          %add3A_81 = arith.addi %mul3A_57, %add3A_80 : i32
          %dma_start3A_82 = arith.constant 0 : i32
          %dma_start3A_83 = tpu.memref_slice %arg8[%add3A_81, %dma_start3A_82] : memref<40x128xi32, #tpu.memory_space<vmem>> -> memref<1x128xi32, #tpu.memory_space<vmem>>
          %dma_start3A_84 = tpu.memref_squeeze %dma_start3A_83 : memref<1x128xi32, #tpu.memory_space<vmem>> -> memref<128xi32, #tpu.memory_space<vmem>>
          %dma_start3A_85 = arith.constant 0 : i32
          %dma_start3A_86 = arith.constant 0 : i32
          %dma_start3A_87 = tpu.memref_slice %arg4[%dma_start3A_85, %dma_start3A_86] : memref<10240x128xf32, #tpu.memory_space<hbm>> -> memref<10240x128xf32, #tpu.memory_space<hbm>>
          tpu.enqueue_indirect_dma source(%dma_start3A_87 : memref<10240x128xf32, #tpu.memory_space<hbm>>) target(%arg10 : memref<128x128xf32, #tpu.memory_space<vmem>>) offsets(%dma_start3A_84 : memref<128xi32, #tpu.memory_space<vmem>>) semaphore(%arg12 : memref<!tpu.dma_semaphore, #tpu.memory_space<semaphore_mem>>)
        } else {
        }
        %dma_wait3A_67 = arith.constant 0 : i32
        %dma_wait3A_68 = arith.constant 0 : i32
        %dma_wait3A_69 = tpu.memref_slice %arg5[%dma_wait3A_67, %dma_wait3A_68] : memref<10240x128xf32, #tpu.memory_space<hbm>> -> memref<128x128xf32, #tpu.memory_space<hbm>>
        %dma_wait3A_70 = arith.constant 0 : i32
        %dma_wait3A_71 = arith.constant 0 : i32
        %dma_wait3A_72 = tpu.memref_slice %arg5[%dma_wait3A_70, %dma_wait3A_71] : memref<10240x128xf32, #tpu.memory_space<hbm>> -> memref<128x128xf32, #tpu.memory_space<hbm>>
        tpu.wait_dma2 semaphore(%arg13 : memref<!tpu.dma_semaphore, #tpu.memory_space<semaphore_mem>>) src(%dma_wait3A_72 : memref<128x128xf32, #tpu.memory_space<hbm>>) dst(%arg11 : memref<128x128xf32, #tpu.memory_space<vmem>>)
        %add3A_73 = arith.constant 1 : i32
        %add3A_74 = arith.addi %mul3A_57, %add3A_73 : i32
        "tpu.region"() ({
          %run_scoped3A = tpu.sem_alloc : memref<!tpu.dma_semaphore, #tpu.memory_space<semaphore_mem>>
          %dma_start3A_80 = arith.constant 0 : i32
          %dma_start3A_81 = tpu.memref_slice %arg9[%add3A_74, %dma_start3A_80] : memref<40x128xi32, #tpu.memory_space<vmem>> -> memref<1x128xi32, #tpu.memory_space<vmem>>
          %dma_start3A_82 = tpu.memref_squeeze %dma_start3A_81 : memref<1x128xi32, #tpu.memory_space<vmem>> -> memref<128xi32, #tpu.memory_space<vmem>>
          %dma_start3A_83 = arith.constant 0 : i32
          %dma_start3A_84 = arith.constant 0 : i32
          %dma_start3A_85 = tpu.memref_slice %arg7[%dma_start3A_83, %dma_start3A_84] : memref<10240x128xf32, #tpu.memory_space<vmem_shared>> -> memref<10240x128xf32, #tpu.memory_space<vmem_shared>>
          tpu.enqueue_indirect_dma source(%arg11 : memref<128x128xf32, #tpu.memory_space<vmem>>) target(%dma_start3A_85 : memref<10240x128xf32, #tpu.memory_space<vmem_shared>>) offsets(%dma_start3A_82 : memref<128xi32, #tpu.memory_space<vmem>>) semaphore(%run_scoped3A : memref<!tpu.dma_semaphore, #tpu.memory_space<semaphore_mem>>) {add = true}
          %dma_wait3A_86 = arith.constant 0 : i32
          %dma_wait3A_87 = tpu.memref_slice %arg9[%add3A_74, %dma_wait3A_86] : memref<40x128xi32, #tpu.memory_space<vmem>> -> memref<1x128xi32, #tpu.memory_space<vmem>>
          %dma_wait3A_88 = tpu.memref_squeeze %dma_wait3A_87 : memref<1x128xi32, #tpu.memory_space<vmem>> -> memref<128xi32, #tpu.memory_space<vmem>>
          %dma_wait3A_89 = arith.constant 0 : i32
          %dma_wait3A_90 = arith.constant 0 : i32
          %dma_wait3A_91 = tpu.memref_slice %arg7[%dma_wait3A_89, %dma_wait3A_90] : memref<10240x128xf32, #tpu.memory_space<vmem_shared>> -> memref<10240x128xf32, #tpu.memory_space<vmem_shared>>
          tpu.wait_indirect_dma semaphore(%run_scoped3A : memref<!tpu.dma_semaphore, #tpu.memory_space<semaphore_mem>>) src(%arg11 : memref<128x128xf32, #tpu.memory_space<vmem>>) dst(%dma_wait3A_91 : memref<10240x128xf32, #tpu.memory_space<vmem_shared>>)
          tpu.yield
        }) : () -> ()
        %lt3A_75 = arith.constant 19 : i32
        %lt3A_76 = arith.cmpi slt, %scan3A_55, %lt3A_75 : i32
        %convert_element_type3A_77 = arith.extui %lt3A_76 : i1 to i32
        %cond3A_78 = arith.constant 0 : i32
        %cond3A_79 = arith.cmpi ne, %convert_element_type3A_77, %cond3A_78 : i32
        scf.if %cond3A_79 {
          %add3A_80 = arith.constant 3 : i32
          %add3A_81 = arith.addi %mul3A_57, %add3A_80 : i32
          %dma_start3A_82 = arith.constant 0 : i32
          %dma_start3A_83 = tpu.memref_slice %arg8[%add3A_81, %dma_start3A_82] : memref<40x128xi32, #tpu.memory_space<vmem>> -> memref<1x128xi32, #tpu.memory_space<vmem>>
          %dma_start3A_84 = tpu.memref_squeeze %dma_start3A_83 : memref<1x128xi32, #tpu.memory_space<vmem>> -> memref<128xi32, #tpu.memory_space<vmem>>
          %dma_start3A_85 = arith.constant 0 : i32
          %dma_start3A_86 = arith.constant 0 : i32
          %dma_start3A_87 = tpu.memref_slice %arg4[%dma_start3A_85, %dma_start3A_86] : memref<10240x128xf32, #tpu.memory_space<hbm>> -> memref<10240x128xf32, #tpu.memory_space<hbm>>
          tpu.enqueue_indirect_dma source(%dma_start3A_87 : memref<10240x128xf32, #tpu.memory_space<hbm>>) target(%arg11 : memref<128x128xf32, #tpu.memory_space<vmem>>) offsets(%dma_start3A_84 : memref<128xi32, #tpu.memory_space<vmem>>) semaphore(%arg13 : memref<!tpu.dma_semaphore, #tpu.memory_space<semaphore_mem>>)
        } else {
        }
      }
      %scan3A_54 = arith.constant 20 : i32
    } else {
    }
    %ne3A = arith.constant 0 : i32
    %ne3A_3 = arith.cmpi ne, %arg0, %ne3A : i32
    %convert_element_type3A_4 = arith.extui %ne3A_3 : i1 to i32
    %cond3A_5 = arith.constant 0 : i32
    %cond3A_6 = arith.cmpi ne, %convert_element_type3A_4, %cond3A_5 : i32
    scf.if %cond3A_6 {
      "tpu.region"() ({
        %run_scoped3A = tpu.sem_alloc : memref<!tpu.dma_semaphore, #tpu.memory_space<semaphore_mem>>
        %dma_start3A_57 = arith.constant 0 : i32
        %dma_start3A_58 = tpu.memref_slice %arg7[%mul3A_0, %dma_start3A_57] : memref<10240x128xf32, #tpu.memory_space<vmem_shared>> -> memref<640x128xf32, #tpu.memory_space<vmem_shared>>
        %dma_start3A_59 = arith.constant 0 : i32
        %dma_start3A_60 = tpu.memref_slice %arg5[%mul3A_0, %dma_start3A_59] : memref<10240x128xf32, #tpu.memory_space<hbm>> -> memref<640x128xf32, #tpu.memory_space<hbm>>
        tpu.enqueue_dma source(%dma_start3A_60 : memref<640x128xf32, #tpu.memory_space<hbm>>) target(%dma_start3A_58 : memref<640x128xf32, #tpu.memory_space<vmem_shared>>) target_semaphore(%run_scoped3A : memref<!tpu.dma_semaphore, #tpu.memory_space<semaphore_mem>>)
        %dma_wait3A = arith.constant 0 : i32
        %dma_wait3A_61 = tpu.memref_slice %arg7[%mul3A_0, %dma_wait3A] : memref<10240x128xf32, #tpu.memory_space<vmem_shared>> -> memref<640x128xf32, #tpu.memory_space<vmem_shared>>
        %dma_wait3A_62 = arith.constant 0 : i32
        %dma_wait3A_63 = tpu.memref_slice %arg5[%mul3A_0, %dma_wait3A_62] : memref<10240x128xf32, #tpu.memory_space<hbm>> -> memref<640x128xf32, #tpu.memory_space<hbm>>
        tpu.wait_dma2 semaphore(%run_scoped3A : memref<!tpu.dma_semaphore, #tpu.memory_space<semaphore_mem>>) src(%dma_wait3A_63 : memref<640x128xf32, #tpu.memory_space<hbm>>) dst(%dma_wait3A_61 : memref<640x128xf32, #tpu.memory_space<vmem_shared>>)
        tpu.yield
      }) : () -> ()
      %mul3A_7 = arith.constant 80 : i32
      %mul3A_8 = arith.muli %arg1, %mul3A_7 : i32
      %add3A = arith.constant 1280 : i32
      %add3A_9 = arith.addi %add3A, %mul3A_8 : i32
      %add3A_10 = arith.constant 0 : i32
      %add3A_11 = arith.addi %add3A_9, %add3A_10 : i32
      "tpu.region"() ({
        %run_scoped3A = tpu.sem_alloc : memref<!tpu.dma_semaphore, #tpu.memory_space<semaphore_mem>>
        %dma_start3A_57 = arith.constant 0 : i32
        %dma_start3A_58 = arith.constant 0 : i32
        %dma_start3A_59 = tpu.memref_slice %arg8[%dma_start3A_57, %dma_start3A_58] : memref<40x128xi32, #tpu.memory_space<vmem>> -> memref<40x128xi32, #tpu.memory_space<vmem>>
        %dma_start3A_60 = arith.constant 0 : i32
        %dma_start3A_61 = tpu.memref_slice %arg2[%add3A_11, %dma_start3A_60] : memref<2560x128xi32, #tpu.memory_space<hbm>> -> memref<40x128xi32, #tpu.memory_space<hbm>>
        %dma_start3A_62 = arith.constant 0 : i32
        %dma_start3A_63 = arith.constant 0 : i32
        %dma_start3A_64 = tpu.memref_slice %arg8[%dma_start3A_62, %dma_start3A_63] : memref<40x128xi32, #tpu.memory_space<vmem>> -> memref<40x128xi32, #tpu.memory_space<vmem>>
        %dma_start3A_65 = arith.constant 0 : i32
        %dma_start3A_66 = tpu.memref_slice %arg2[%add3A_11, %dma_start3A_65] : memref<2560x128xi32, #tpu.memory_space<hbm>> -> memref<40x128xi32, #tpu.memory_space<hbm>>
        tpu.enqueue_dma source(%dma_start3A_66 : memref<40x128xi32, #tpu.memory_space<hbm>>) target(%dma_start3A_64 : memref<40x128xi32, #tpu.memory_space<vmem>>) target_semaphore(%run_scoped3A : memref<!tpu.dma_semaphore, #tpu.memory_space<semaphore_mem>>)
        %dma_wait3A = arith.constant 0 : i32
        %dma_wait3A_67 = arith.constant 0 : i32
        %dma_wait3A_68 = tpu.memref_slice %arg8[%dma_wait3A, %dma_wait3A_67] : memref<40x128xi32, #tpu.memory_space<vmem>> -> memref<40x128xi32, #tpu.memory_space<vmem>>
        %dma_wait3A_69 = arith.constant 0 : i32
        %dma_wait3A_70 = tpu.memref_slice %arg2[%add3A_11, %dma_wait3A_69] : memref<2560x128xi32, #tpu.memory_space<hbm>> -> memref<40x128xi32, #tpu.memory_space<hbm>>
        %dma_wait3A_71 = arith.constant 0 : i32
        %dma_wait3A_72 = arith.constant 0 : i32
        %dma_wait3A_73 = tpu.memref_slice %arg8[%dma_wait3A_71, %dma_wait3A_72] : memref<40x128xi32, #tpu.memory_space<vmem>> -> memref<40x128xi32, #tpu.memory_space<vmem>>
        %dma_wait3A_74 = arith.constant 0 : i32
        %dma_wait3A_75 = tpu.memref_slice %arg2[%add3A_11, %dma_wait3A_74] : memref<2560x128xi32, #tpu.memory_space<hbm>> -> memref<40x128xi32, #tpu.memory_space<hbm>>
        tpu.wait_dma2 semaphore(%run_scoped3A : memref<!tpu.dma_semaphore, #tpu.memory_space<semaphore_mem>>) src(%dma_wait3A_75 : memref<40x128xi32, #tpu.memory_space<hbm>>) dst(%dma_wait3A_73 : memref<40x128xi32, #tpu.memory_space<vmem>>)
        tpu.yield
      }) : () -> ()
      %add3A_12 = arith.constant 0 : i32
      %add3A_13 = arith.addi %add3A_9, %add3A_12 : i32
      "tpu.region"() ({
        %run_scoped3A = tpu.sem_alloc : memref<!tpu.dma_semaphore, #tpu.memory_space<semaphore_mem>>
        %dma_start3A_57 = arith.constant 0 : i32
        %dma_start3A_58 = arith.constant 0 : i32
        %dma_start3A_59 = tpu.memref_slice %arg9[%dma_start3A_57, %dma_start3A_58] : memref<40x128xi32, #tpu.memory_space<vmem>> -> memref<40x128xi32, #tpu.memory_space<vmem>>
        %dma_start3A_60 = arith.constant 0 : i32
        %dma_start3A_61 = tpu.memref_slice %arg3[%add3A_13, %dma_start3A_60] : memref<2560x128xi32, #tpu.memory_space<hbm>> -> memref<40x128xi32, #tpu.memory_space<hbm>>
        %dma_start3A_62 = arith.constant 0 : i32
        %dma_start3A_63 = arith.constant 0 : i32
        %dma_start3A_64 = tpu.memref_slice %arg9[%dma_start3A_62, %dma_start3A_63] : memref<40x128xi32, #tpu.memory_space<vmem>> -> memref<40x128xi32, #tpu.memory_space<vmem>>
        %dma_start3A_65 = arith.constant 0 : i32
        %dma_start3A_66 = tpu.memref_slice %arg3[%add3A_13, %dma_start3A_65] : memref<2560x128xi32, #tpu.memory_space<hbm>> -> memref<40x128xi32, #tpu.memory_space<hbm>>
        tpu.enqueue_dma source(%dma_start3A_66 : memref<40x128xi32, #tpu.memory_space<hbm>>) target(%dma_start3A_64 : memref<40x128xi32, #tpu.memory_space<vmem>>) target_semaphore(%run_scoped3A : memref<!tpu.dma_semaphore, #tpu.memory_space<semaphore_mem>>)
        %dma_wait3A = arith.constant 0 : i32
        %dma_wait3A_67 = arith.constant 0 : i32
        %dma_wait3A_68 = tpu.memref_slice %arg9[%dma_wait3A, %dma_wait3A_67] : memref<40x128xi32, #tpu.memory_space<vmem>> -> memref<40x128xi32, #tpu.memory_space<vmem>>
        %dma_wait3A_69 = arith.constant 0 : i32
        %dma_wait3A_70 = tpu.memref_slice %arg3[%add3A_13, %dma_wait3A_69] : memref<2560x128xi32, #tpu.memory_space<hbm>> -> memref<40x128xi32, #tpu.memory_space<hbm>>
        %dma_wait3A_71 = arith.constant 0 : i32
        %dma_wait3A_72 = arith.constant 0 : i32
        %dma_wait3A_73 = tpu.memref_slice %arg9[%dma_wait3A_71, %dma_wait3A_72] : memref<40x128xi32, #tpu.memory_space<vmem>> -> memref<40x128xi32, #tpu.memory_space<vmem>>
        %dma_wait3A_74 = arith.constant 0 : i32
        %dma_wait3A_75 = tpu.memref_slice %arg3[%add3A_13, %dma_wait3A_74] : memref<2560x128xi32, #tpu.memory_space<hbm>> -> memref<40x128xi32, #tpu.memory_space<hbm>>
        tpu.wait_dma2 semaphore(%run_scoped3A : memref<!tpu.dma_semaphore, #tpu.memory_space<semaphore_mem>>) src(%dma_wait3A_75 : memref<40x128xi32, #tpu.memory_space<hbm>>) dst(%dma_wait3A_73 : memref<40x128xi32, #tpu.memory_space<vmem>>)
        tpu.yield
      }) : () -> ()
      %barrier3A_14 = arith.constant 0 : index
      tpu.barrier barrier_id(%barrier3A_14)
      %dma_start3A = arith.constant 0 : i32
      %dma_start3A_15 = arith.constant 0 : i32
      %dma_start3A_16 = tpu.memref_slice %arg8[%dma_start3A, %dma_start3A_15] : memref<40x128xi32, #tpu.memory_space<vmem>> -> memref<1x128xi32, #tpu.memory_space<vmem>>
      %dma_start3A_17 = tpu.memref_squeeze %dma_start3A_16 : memref<1x128xi32, #tpu.memory_space<vmem>> -> memref<128xi32, #tpu.memory_space<vmem>>
      %dma_start3A_18 = arith.constant 0 : i32
      %dma_start3A_19 = arith.constant 0 : i32
      %dma_start3A_20 = tpu.memref_slice %arg4[%dma_start3A_18, %dma_start3A_19] : memref<10240x128xf32, #tpu.memory_space<hbm>> -> memref<10240x128xf32, #tpu.memory_space<hbm>>
      tpu.enqueue_indirect_dma source(%dma_start3A_20 : memref<10240x128xf32, #tpu.memory_space<hbm>>) target(%arg10 : memref<128x128xf32, #tpu.memory_space<vmem>>) offsets(%dma_start3A_17 : memref<128xi32, #tpu.memory_space<vmem>>) semaphore(%arg12 : memref<!tpu.dma_semaphore, #tpu.memory_space<semaphore_mem>>)
      %dma_start3A_21 = arith.constant 1 : i32
      %dma_start3A_22 = arith.constant 0 : i32
      %dma_start3A_23 = tpu.memref_slice %arg8[%dma_start3A_21, %dma_start3A_22] : memref<40x128xi32, #tpu.memory_space<vmem>> -> memref<1x128xi32, #tpu.memory_space<vmem>>
      %dma_start3A_24 = tpu.memref_squeeze %dma_start3A_23 : memref<1x128xi32, #tpu.memory_space<vmem>> -> memref<128xi32, #tpu.memory_space<vmem>>
      %dma_start3A_25 = arith.constant 0 : i32
      %dma_start3A_26 = arith.constant 0 : i32
      %dma_start3A_27 = tpu.memref_slice %arg4[%dma_start3A_25, %dma_start3A_26] : memref<10240x128xf32, #tpu.memory_space<hbm>> -> memref<10240x128xf32, #tpu.memory_space<hbm>>
      tpu.enqueue_indirect_dma source(%dma_start3A_27 : memref<10240x128xf32, #tpu.memory_space<hbm>>) target(%arg11 : memref<128x128xf32, #tpu.memory_space<vmem>>) offsets(%dma_start3A_24 : memref<128xi32, #tpu.memory_space<vmem>>) semaphore(%arg13 : memref<!tpu.dma_semaphore, #tpu.memory_space<semaphore_mem>>)
      %scan3A = arith.constant 0 : i32
      %scan3A_28 = arith.constant 0 : i32
      %scan3A_29 = arith.constant 20 : i32
      %scan3A_30 = arith.addi %scan3A_28, %scan3A_29 : i32
      %scan3A_31 = arith.constant 1 : i32
      scf.for %scan3A_57 = %scan3A_28 to %scan3A_30 step %scan3A_31  : i32 {
        %mul3A_58 = arith.constant 2 : i32
        %mul3A_59 = arith.muli %mul3A_58, %scan3A_57 : i32
        %dma_wait3A = arith.constant 0 : i32
        %dma_wait3A_60 = arith.constant 0 : i32
        %dma_wait3A_61 = tpu.memref_slice %arg5[%dma_wait3A, %dma_wait3A_60] : memref<10240x128xf32, #tpu.memory_space<hbm>> -> memref<128x128xf32, #tpu.memory_space<hbm>>
        %dma_wait3A_62 = arith.constant 0 : i32
        %dma_wait3A_63 = arith.constant 0 : i32
        %dma_wait3A_64 = tpu.memref_slice %arg5[%dma_wait3A_62, %dma_wait3A_63] : memref<10240x128xf32, #tpu.memory_space<hbm>> -> memref<128x128xf32, #tpu.memory_space<hbm>>
        tpu.wait_dma2 semaphore(%arg12 : memref<!tpu.dma_semaphore, #tpu.memory_space<semaphore_mem>>) src(%dma_wait3A_64 : memref<128x128xf32, #tpu.memory_space<hbm>>) dst(%arg10 : memref<128x128xf32, #tpu.memory_space<vmem>>)
        "tpu.region"() ({
          %run_scoped3A = tpu.sem_alloc : memref<!tpu.dma_semaphore, #tpu.memory_space<semaphore_mem>>
          %dma_start3A_82 = arith.constant 0 : i32
          %dma_start3A_83 = tpu.memref_slice %arg9[%mul3A_59, %dma_start3A_82] : memref<40x128xi32, #tpu.memory_space<vmem>> -> memref<1x128xi32, #tpu.memory_space<vmem>>
          %dma_start3A_84 = tpu.memref_squeeze %dma_start3A_83 : memref<1x128xi32, #tpu.memory_space<vmem>> -> memref<128xi32, #tpu.memory_space<vmem>>
          %dma_start3A_85 = arith.constant 0 : i32
          %dma_start3A_86 = arith.constant 0 : i32
          %dma_start3A_87 = tpu.memref_slice %arg7[%dma_start3A_85, %dma_start3A_86] : memref<10240x128xf32, #tpu.memory_space<vmem_shared>> -> memref<10240x128xf32, #tpu.memory_space<vmem_shared>>
          tpu.enqueue_indirect_dma source(%arg10 : memref<128x128xf32, #tpu.memory_space<vmem>>) target(%dma_start3A_87 : memref<10240x128xf32, #tpu.memory_space<vmem_shared>>) offsets(%dma_start3A_84 : memref<128xi32, #tpu.memory_space<vmem>>) semaphore(%run_scoped3A : memref<!tpu.dma_semaphore, #tpu.memory_space<semaphore_mem>>) {add = true}
          %dma_wait3A_88 = arith.constant 0 : i32
          %dma_wait3A_89 = tpu.memref_slice %arg9[%mul3A_59, %dma_wait3A_88] : memref<40x128xi32, #tpu.memory_space<vmem>> -> memref<1x128xi32, #tpu.memory_space<vmem>>
          %dma_wait3A_90 = tpu.memref_squeeze %dma_wait3A_89 : memref<1x128xi32, #tpu.memory_space<vmem>> -> memref<128xi32, #tpu.memory_space<vmem>>
          %dma_wait3A_91 = arith.constant 0 : i32
          %dma_wait3A_92 = arith.constant 0 : i32
          %dma_wait3A_93 = tpu.memref_slice %arg7[%dma_wait3A_91, %dma_wait3A_92] : memref<10240x128xf32, #tpu.memory_space<vmem_shared>> -> memref<10240x128xf32, #tpu.memory_space<vmem_shared>>
          tpu.wait_indirect_dma semaphore(%run_scoped3A : memref<!tpu.dma_semaphore, #tpu.memory_space<semaphore_mem>>) src(%arg10 : memref<128x128xf32, #tpu.memory_space<vmem>>) dst(%dma_wait3A_93 : memref<10240x128xf32, #tpu.memory_space<vmem_shared>>)
          tpu.yield
        }) : () -> ()
        %lt3A = arith.constant 19 : i32
        %lt3A_65 = arith.cmpi slt, %scan3A_57, %lt3A : i32
        %convert_element_type3A_66 = arith.extui %lt3A_65 : i1 to i32
        %cond3A_67 = arith.constant 0 : i32
        %cond3A_68 = arith.cmpi ne, %convert_element_type3A_66, %cond3A_67 : i32
        scf.if %cond3A_68 {
          %add3A_82 = arith.constant 2 : i32
          %add3A_83 = arith.addi %mul3A_59, %add3A_82 : i32
          %dma_start3A_84 = arith.constant 0 : i32
          %dma_start3A_85 = tpu.memref_slice %arg8[%add3A_83, %dma_start3A_84] : memref<40x128xi32, #tpu.memory_space<vmem>> -> memref<1x128xi32, #tpu.memory_space<vmem>>
          %dma_start3A_86 = tpu.memref_squeeze %dma_start3A_85 : memref<1x128xi32, #tpu.memory_space<vmem>> -> memref<128xi32, #tpu.memory_space<vmem>>
          %dma_start3A_87 = arith.constant 0 : i32
          %dma_start3A_88 = arith.constant 0 : i32
          %dma_start3A_89 = tpu.memref_slice %arg4[%dma_start3A_87, %dma_start3A_88] : memref<10240x128xf32, #tpu.memory_space<hbm>> -> memref<10240x128xf32, #tpu.memory_space<hbm>>
          tpu.enqueue_indirect_dma source(%dma_start3A_89 : memref<10240x128xf32, #tpu.memory_space<hbm>>) target(%arg10 : memref<128x128xf32, #tpu.memory_space<vmem>>) offsets(%dma_start3A_86 : memref<128xi32, #tpu.memory_space<vmem>>) semaphore(%arg12 : memref<!tpu.dma_semaphore, #tpu.memory_space<semaphore_mem>>)
        } else {
        }
        %dma_wait3A_69 = arith.constant 0 : i32
        %dma_wait3A_70 = arith.constant 0 : i32
        %dma_wait3A_71 = tpu.memref_slice %arg5[%dma_wait3A_69, %dma_wait3A_70] : memref<10240x128xf32, #tpu.memory_space<hbm>> -> memref<128x128xf32, #tpu.memory_space<hbm>>
        %dma_wait3A_72 = arith.constant 0 : i32
        %dma_wait3A_73 = arith.constant 0 : i32
        %dma_wait3A_74 = tpu.memref_slice %arg5[%dma_wait3A_72, %dma_wait3A_73] : memref<10240x128xf32, #tpu.memory_space<hbm>> -> memref<128x128xf32, #tpu.memory_space<hbm>>
        tpu.wait_dma2 semaphore(%arg13 : memref<!tpu.dma_semaphore, #tpu.memory_space<semaphore_mem>>) src(%dma_wait3A_74 : memref<128x128xf32, #tpu.memory_space<hbm>>) dst(%arg11 : memref<128x128xf32, #tpu.memory_space<vmem>>)
        %add3A_75 = arith.constant 1 : i32
        %add3A_76 = arith.addi %mul3A_59, %add3A_75 : i32
        "tpu.region"() ({
          %run_scoped3A = tpu.sem_alloc : memref<!tpu.dma_semaphore, #tpu.memory_space<semaphore_mem>>
          %dma_start3A_82 = arith.constant 0 : i32
          %dma_start3A_83 = tpu.memref_slice %arg9[%add3A_76, %dma_start3A_82] : memref<40x128xi32, #tpu.memory_space<vmem>> -> memref<1x128xi32, #tpu.memory_space<vmem>>
          %dma_start3A_84 = tpu.memref_squeeze %dma_start3A_83 : memref<1x128xi32, #tpu.memory_space<vmem>> -> memref<128xi32, #tpu.memory_space<vmem>>
          %dma_start3A_85 = arith.constant 0 : i32
          %dma_start3A_86 = arith.constant 0 : i32
          %dma_start3A_87 = tpu.memref_slice %arg7[%dma_start3A_85, %dma_start3A_86] : memref<10240x128xf32, #tpu.memory_space<vmem_shared>> -> memref<10240x128xf32, #tpu.memory_space<vmem_shared>>
          tpu.enqueue_indirect_dma source(%arg11 : memref<128x128xf32, #tpu.memory_space<vmem>>) target(%dma_start3A_87 : memref<10240x128xf32, #tpu.memory_space<vmem_shared>>) offsets(%dma_start3A_84 : memref<128xi32, #tpu.memory_space<vmem>>) semaphore(%run_scoped3A : memref<!tpu.dma_semaphore, #tpu.memory_space<semaphore_mem>>) {add = true}
          %dma_wait3A_88 = arith.constant 0 : i32
          %dma_wait3A_89 = tpu.memref_slice %arg9[%add3A_76, %dma_wait3A_88] : memref<40x128xi32, #tpu.memory_space<vmem>> -> memref<1x128xi32, #tpu.memory_space<vmem>>
          %dma_wait3A_90 = tpu.memref_squeeze %dma_wait3A_89 : memref<1x128xi32, #tpu.memory_space<vmem>> -> memref<128xi32, #tpu.memory_space<vmem>>
          %dma_wait3A_91 = arith.constant 0 : i32
          %dma_wait3A_92 = arith.constant 0 : i32
          %dma_wait3A_93 = tpu.memref_slice %arg7[%dma_wait3A_91, %dma_wait3A_92] : memref<10240x128xf32, #tpu.memory_space<vmem_shared>> -> memref<10240x128xf32, #tpu.memory_space<vmem_shared>>
          tpu.wait_indirect_dma semaphore(%run_scoped3A : memref<!tpu.dma_semaphore, #tpu.memory_space<semaphore_mem>>) src(%arg11 : memref<128x128xf32, #tpu.memory_space<vmem>>) dst(%dma_wait3A_93 : memref<10240x128xf32, #tpu.memory_space<vmem_shared>>)
          tpu.yield
        }) : () -> ()
        %lt3A_77 = arith.constant 19 : i32
        %lt3A_78 = arith.cmpi slt, %scan3A_57, %lt3A_77 : i32
        %convert_element_type3A_79 = arith.extui %lt3A_78 : i1 to i32
        %cond3A_80 = arith.constant 0 : i32
        %cond3A_81 = arith.cmpi ne, %convert_element_type3A_79, %cond3A_80 : i32
        scf.if %cond3A_81 {
          %add3A_82 = arith.constant 3 : i32
          %add3A_83 = arith.addi %mul3A_59, %add3A_82 : i32
          %dma_start3A_84 = arith.constant 0 : i32
          %dma_start3A_85 = tpu.memref_slice %arg8[%add3A_83, %dma_start3A_84] : memref<40x128xi32, #tpu.memory_space<vmem>> -> memref<1x128xi32, #tpu.memory_space<vmem>>
          %dma_start3A_86 = tpu.memref_squeeze %dma_start3A_85 : memref<1x128xi32, #tpu.memory_space<vmem>> -> memref<128xi32, #tpu.memory_space<vmem>>
          %dma_start3A_87 = arith.constant 0 : i32
          %dma_start3A_88 = arith.constant 0 : i32
          %dma_start3A_89 = tpu.memref_slice %arg4[%dma_start3A_87, %dma_start3A_88] : memref<10240x128xf32, #tpu.memory_space<hbm>> -> memref<10240x128xf32, #tpu.memory_space<hbm>>
          tpu.enqueue_indirect_dma source(%dma_start3A_89 : memref<10240x128xf32, #tpu.memory_space<hbm>>) target(%arg11 : memref<128x128xf32, #tpu.memory_space<vmem>>) offsets(%dma_start3A_86 : memref<128xi32, #tpu.memory_space<vmem>>) semaphore(%arg13 : memref<!tpu.dma_semaphore, #tpu.memory_space<semaphore_mem>>)
        } else {
        }
      }
      %scan3A_32 = arith.constant 20 : i32
      %add3A_33 = arith.constant 40 : i32
      %add3A_34 = arith.addi %add3A_9, %add3A_33 : i32
      "tpu.region"() ({
        %run_scoped3A = tpu.sem_alloc : memref<!tpu.dma_semaphore, #tpu.memory_space<semaphore_mem>>
        %dma_start3A_57 = arith.constant 0 : i32
        %dma_start3A_58 = arith.constant 0 : i32
        %dma_start3A_59 = tpu.memref_slice %arg8[%dma_start3A_57, %dma_start3A_58] : memref<40x128xi32, #tpu.memory_space<vmem>> -> memref<40x128xi32, #tpu.memory_space<vmem>>
        %dma_start3A_60 = arith.constant 0 : i32
        %dma_start3A_61 = tpu.memref_slice %arg2[%add3A_34, %dma_start3A_60] : memref<2560x128xi32, #tpu.memory_space<hbm>> -> memref<40x128xi32, #tpu.memory_space<hbm>>
        %dma_start3A_62 = arith.constant 0 : i32
        %dma_start3A_63 = arith.constant 0 : i32
        %dma_start3A_64 = tpu.memref_slice %arg8[%dma_start3A_62, %dma_start3A_63] : memref<40x128xi32, #tpu.memory_space<vmem>> -> memref<40x128xi32, #tpu.memory_space<vmem>>
        %dma_start3A_65 = arith.constant 0 : i32
        %dma_start3A_66 = tpu.memref_slice %arg2[%add3A_34, %dma_start3A_65] : memref<2560x128xi32, #tpu.memory_space<hbm>> -> memref<40x128xi32, #tpu.memory_space<hbm>>
        tpu.enqueue_dma source(%dma_start3A_66 : memref<40x128xi32, #tpu.memory_space<hbm>>) target(%dma_start3A_64 : memref<40x128xi32, #tpu.memory_space<vmem>>) target_semaphore(%run_scoped3A : memref<!tpu.dma_semaphore, #tpu.memory_space<semaphore_mem>>)
        %dma_wait3A = arith.constant 0 : i32
        %dma_wait3A_67 = arith.constant 0 : i32
        %dma_wait3A_68 = tpu.memref_slice %arg8[%dma_wait3A, %dma_wait3A_67] : memref<40x128xi32, #tpu.memory_space<vmem>> -> memref<40x128xi32, #tpu.memory_space<vmem>>
        %dma_wait3A_69 = arith.constant 0 : i32
        %dma_wait3A_70 = tpu.memref_slice %arg2[%add3A_34, %dma_wait3A_69] : memref<2560x128xi32, #tpu.memory_space<hbm>> -> memref<40x128xi32, #tpu.memory_space<hbm>>
        %dma_wait3A_71 = arith.constant 0 : i32
        %dma_wait3A_72 = arith.constant 0 : i32
        %dma_wait3A_73 = tpu.memref_slice %arg8[%dma_wait3A_71, %dma_wait3A_72] : memref<40x128xi32, #tpu.memory_space<vmem>> -> memref<40x128xi32, #tpu.memory_space<vmem>>
        %dma_wait3A_74 = arith.constant 0 : i32
        %dma_wait3A_75 = tpu.memref_slice %arg2[%add3A_34, %dma_wait3A_74] : memref<2560x128xi32, #tpu.memory_space<hbm>> -> memref<40x128xi32, #tpu.memory_space<hbm>>
        tpu.wait_dma2 semaphore(%run_scoped3A : memref<!tpu.dma_semaphore, #tpu.memory_space<semaphore_mem>>) src(%dma_wait3A_75 : memref<40x128xi32, #tpu.memory_space<hbm>>) dst(%dma_wait3A_73 : memref<40x128xi32, #tpu.memory_space<vmem>>)
        tpu.yield
      }) : () -> ()
      %add3A_35 = arith.constant 40 : i32
      %add3A_36 = arith.addi %add3A_9, %add3A_35 : i32
      "tpu.region"() ({
        %run_scoped3A = tpu.sem_alloc : memref<!tpu.dma_semaphore, #tpu.memory_space<semaphore_mem>>
        %dma_start3A_57 = arith.constant 0 : i32
        %dma_start3A_58 = arith.constant 0 : i32
        %dma_start3A_59 = tpu.memref_slice %arg9[%dma_start3A_57, %dma_start3A_58] : memref<40x128xi32, #tpu.memory_space<vmem>> -> memref<40x128xi32, #tpu.memory_space<vmem>>
        %dma_start3A_60 = arith.constant 0 : i32
        %dma_start3A_61 = tpu.memref_slice %arg3[%add3A_36, %dma_start3A_60] : memref<2560x128xi32, #tpu.memory_space<hbm>> -> memref<40x128xi32, #tpu.memory_space<hbm>>
        %dma_start3A_62 = arith.constant 0 : i32
        %dma_start3A_63 = arith.constant 0 : i32
        %dma_start3A_64 = tpu.memref_slice %arg9[%dma_start3A_62, %dma_start3A_63] : memref<40x128xi32, #tpu.memory_space<vmem>> -> memref<40x128xi32, #tpu.memory_space<vmem>>
        %dma_start3A_65 = arith.constant 0 : i32
        %dma_start3A_66 = tpu.memref_slice %arg3[%add3A_36, %dma_start3A_65] : memref<2560x128xi32, #tpu.memory_space<hbm>> -> memref<40x128xi32, #tpu.memory_space<hbm>>
        tpu.enqueue_dma source(%dma_start3A_66 : memref<40x128xi32, #tpu.memory_space<hbm>>) target(%dma_start3A_64 : memref<40x128xi32, #tpu.memory_space<vmem>>) target_semaphore(%run_scoped3A : memref<!tpu.dma_semaphore, #tpu.memory_space<semaphore_mem>>)
        %dma_wait3A = arith.constant 0 : i32
        %dma_wait3A_67 = arith.constant 0 : i32
        %dma_wait3A_68 = tpu.memref_slice %arg9[%dma_wait3A, %dma_wait3A_67] : memref<40x128xi32, #tpu.memory_space<vmem>> -> memref<40x128xi32, #tpu.memory_space<vmem>>
        %dma_wait3A_69 = arith.constant 0 : i32
        %dma_wait3A_70 = tpu.memref_slice %arg3[%add3A_36, %dma_wait3A_69] : memref<2560x128xi32, #tpu.memory_space<hbm>> -> memref<40x128xi32, #tpu.memory_space<hbm>>
        %dma_wait3A_71 = arith.constant 0 : i32
        %dma_wait3A_72 = arith.constant 0 : i32
        %dma_wait3A_73 = tpu.memref_slice %arg9[%dma_wait3A_71, %dma_wait3A_72] : memref<40x128xi32, #tpu.memory_space<vmem>> -> memref<40x128xi32, #tpu.memory_space<vmem>>
        %dma_wait3A_74 = arith.constant 0 : i32
        %dma_wait3A_75 = tpu.memref_slice %arg3[%add3A_36, %dma_wait3A_74] : memref<2560x128xi32, #tpu.memory_space<hbm>> -> memref<40x128xi32, #tpu.memory_space<hbm>>
        tpu.wait_dma2 semaphore(%run_scoped3A : memref<!tpu.dma_semaphore, #tpu.memory_space<semaphore_mem>>) src(%dma_wait3A_75 : memref<40x128xi32, #tpu.memory_space<hbm>>) dst(%dma_wait3A_73 : memref<40x128xi32, #tpu.memory_space<vmem>>)
        tpu.yield
      }) : () -> ()
      %dma_start3A_37 = arith.constant 0 : i32
      %dma_start3A_38 = arith.constant 0 : i32
      %dma_start3A_39 = tpu.memref_slice %arg8[%dma_start3A_37, %dma_start3A_38] : memref<40x128xi32, #tpu.memory_space<vmem>> -> memref<1x128xi32, #tpu.memory_space<vmem>>
      %dma_start3A_40 = tpu.memref_squeeze %dma_start3A_39 : memref<1x128xi32, #tpu.memory_space<vmem>> -> memref<128xi32, #tpu.memory_space<vmem>>
      %dma_start3A_41 = arith.constant 0 : i32
      %dma_start3A_42 = arith.constant 0 : i32
      %dma_start3A_43 = tpu.memref_slice %arg4[%dma_start3A_41, %dma_start3A_42] : memref<10240x128xf32, #tpu.memory_space<hbm>> -> memref<10240x128xf32, #tpu.memory_space<hbm>>
      tpu.enqueue_indirect_dma source(%dma_start3A_43 : memref<10240x128xf32, #tpu.memory_space<hbm>>) target(%arg10 : memref<128x128xf32, #tpu.memory_space<vmem>>) offsets(%dma_start3A_40 : memref<128xi32, #tpu.memory_space<vmem>>) semaphore(%arg12 : memref<!tpu.dma_semaphore, #tpu.memory_space<semaphore_mem>>)
      %dma_start3A_44 = arith.constant 1 : i32
      %dma_start3A_45 = arith.constant 0 : i32
      %dma_start3A_46 = tpu.memref_slice %arg8[%dma_start3A_44, %dma_start3A_45] : memref<40x128xi32, #tpu.memory_space<vmem>> -> memref<1x128xi32, #tpu.memory_space<vmem>>
      %dma_start3A_47 = tpu.memref_squeeze %dma_start3A_46 : memref<1x128xi32, #tpu.memory_space<vmem>> -> memref<128xi32, #tpu.memory_space<vmem>>
      %dma_start3A_48 = arith.constant 0 : i32
      %dma_start3A_49 = arith.constant 0 : i32
      %dma_start3A_50 = tpu.memref_slice %arg4[%dma_start3A_48, %dma_start3A_49] : memref<10240x128xf32, #tpu.memory_space<hbm>> -> memref<10240x128xf32, #tpu.memory_space<hbm>>
      tpu.enqueue_indirect_dma source(%dma_start3A_50 : memref<10240x128xf32, #tpu.memory_space<hbm>>) target(%arg11 : memref<128x128xf32, #tpu.memory_space<vmem>>) offsets(%dma_start3A_47 : memref<128xi32, #tpu.memory_space<vmem>>) semaphore(%arg13 : memref<!tpu.dma_semaphore, #tpu.memory_space<semaphore_mem>>)
      %scan3A_51 = arith.constant 0 : i32
      %scan3A_52 = arith.constant 0 : i32
      %scan3A_53 = arith.constant 20 : i32
      %scan3A_54 = arith.addi %scan3A_52, %scan3A_53 : i32
      %scan3A_55 = arith.constant 1 : i32
      scf.for %scan3A_57 = %scan3A_52 to %scan3A_54 step %scan3A_55  : i32 {
        %mul3A_58 = arith.constant 2 : i32
        %mul3A_59 = arith.muli %mul3A_58, %scan3A_57 : i32
        %dma_wait3A = arith.constant 0 : i32
        %dma_wait3A_60 = arith.constant 0 : i32
        %dma_wait3A_61 = tpu.memref_slice %arg5[%dma_wait3A, %dma_wait3A_60] : memref<10240x128xf32, #tpu.memory_space<hbm>> -> memref<128x128xf32, #tpu.memory_space<hbm>>
        %dma_wait3A_62 = arith.constant 0 : i32
        %dma_wait3A_63 = arith.constant 0 : i32
        %dma_wait3A_64 = tpu.memref_slice %arg5[%dma_wait3A_62, %dma_wait3A_63] : memref<10240x128xf32, #tpu.memory_space<hbm>> -> memref<128x128xf32, #tpu.memory_space<hbm>>
        tpu.wait_dma2 semaphore(%arg12 : memref<!tpu.dma_semaphore, #tpu.memory_space<semaphore_mem>>) src(%dma_wait3A_64 : memref<128x128xf32, #tpu.memory_space<hbm>>) dst(%arg10 : memref<128x128xf32, #tpu.memory_space<vmem>>)
        "tpu.region"() ({
          %run_scoped3A = tpu.sem_alloc : memref<!tpu.dma_semaphore, #tpu.memory_space<semaphore_mem>>
          %dma_start3A_82 = arith.constant 0 : i32
          %dma_start3A_83 = tpu.memref_slice %arg9[%mul3A_59, %dma_start3A_82] : memref<40x128xi32, #tpu.memory_space<vmem>> -> memref<1x128xi32, #tpu.memory_space<vmem>>
          %dma_start3A_84 = tpu.memref_squeeze %dma_start3A_83 : memref<1x128xi32, #tpu.memory_space<vmem>> -> memref<128xi32, #tpu.memory_space<vmem>>
          %dma_start3A_85 = arith.constant 0 : i32
          %dma_start3A_86 = arith.constant 0 : i32
          %dma_start3A_87 = tpu.memref_slice %arg7[%dma_start3A_85, %dma_start3A_86] : memref<10240x128xf32, #tpu.memory_space<vmem_shared>> -> memref<10240x128xf32, #tpu.memory_space<vmem_shared>>
          tpu.enqueue_indirect_dma source(%arg10 : memref<128x128xf32, #tpu.memory_space<vmem>>) target(%dma_start3A_87 : memref<10240x128xf32, #tpu.memory_space<vmem_shared>>) offsets(%dma_start3A_84 : memref<128xi32, #tpu.memory_space<vmem>>) semaphore(%run_scoped3A : memref<!tpu.dma_semaphore, #tpu.memory_space<semaphore_mem>>) {add = true}
          %dma_wait3A_88 = arith.constant 0 : i32
          %dma_wait3A_89 = tpu.memref_slice %arg9[%mul3A_59, %dma_wait3A_88] : memref<40x128xi32, #tpu.memory_space<vmem>> -> memref<1x128xi32, #tpu.memory_space<vmem>>
          %dma_wait3A_90 = tpu.memref_squeeze %dma_wait3A_89 : memref<1x128xi32, #tpu.memory_space<vmem>> -> memref<128xi32, #tpu.memory_space<vmem>>
          %dma_wait3A_91 = arith.constant 0 : i32
          %dma_wait3A_92 = arith.constant 0 : i32
          %dma_wait3A_93 = tpu.memref_slice %arg7[%dma_wait3A_91, %dma_wait3A_92] : memref<10240x128xf32, #tpu.memory_space<vmem_shared>> -> memref<10240x128xf32, #tpu.memory_space<vmem_shared>>
          tpu.wait_indirect_dma semaphore(%run_scoped3A : memref<!tpu.dma_semaphore, #tpu.memory_space<semaphore_mem>>) src(%arg10 : memref<128x128xf32, #tpu.memory_space<vmem>>) dst(%dma_wait3A_93 : memref<10240x128xf32, #tpu.memory_space<vmem_shared>>)
          tpu.yield
        }) : () -> ()
        %lt3A = arith.constant 19 : i32
        %lt3A_65 = arith.cmpi slt, %scan3A_57, %lt3A : i32
        %convert_element_type3A_66 = arith.extui %lt3A_65 : i1 to i32
        %cond3A_67 = arith.constant 0 : i32
        %cond3A_68 = arith.cmpi ne, %convert_element_type3A_66, %cond3A_67 : i32
        scf.if %cond3A_68 {
          %add3A_82 = arith.constant 2 : i32
          %add3A_83 = arith.addi %mul3A_59, %add3A_82 : i32
          %dma_start3A_84 = arith.constant 0 : i32
          %dma_start3A_85 = tpu.memref_slice %arg8[%add3A_83, %dma_start3A_84] : memref<40x128xi32, #tpu.memory_space<vmem>> -> memref<1x128xi32, #tpu.memory_space<vmem>>
          %dma_start3A_86 = tpu.memref_squeeze %dma_start3A_85 : memref<1x128xi32, #tpu.memory_space<vmem>> -> memref<128xi32, #tpu.memory_space<vmem>>
          %dma_start3A_87 = arith.constant 0 : i32
          %dma_start3A_88 = arith.constant 0 : i32
          %dma_start3A_89 = tpu.memref_slice %arg4[%dma_start3A_87, %dma_start3A_88] : memref<10240x128xf32, #tpu.memory_space<hbm>> -> memref<10240x128xf32, #tpu.memory_space<hbm>>
          tpu.enqueue_indirect_dma source(%dma_start3A_89 : memref<10240x128xf32, #tpu.memory_space<hbm>>) target(%arg10 : memref<128x128xf32, #tpu.memory_space<vmem>>) offsets(%dma_start3A_86 : memref<128xi32, #tpu.memory_space<vmem>>) semaphore(%arg12 : memref<!tpu.dma_semaphore, #tpu.memory_space<semaphore_mem>>)
        } else {
        }
        %dma_wait3A_69 = arith.constant 0 : i32
        %dma_wait3A_70 = arith.constant 0 : i32
        %dma_wait3A_71 = tpu.memref_slice %arg5[%dma_wait3A_69, %dma_wait3A_70] : memref<10240x128xf32, #tpu.memory_space<hbm>> -> memref<128x128xf32, #tpu.memory_space<hbm>>
        %dma_wait3A_72 = arith.constant 0 : i32
        %dma_wait3A_73 = arith.constant 0 : i32
        %dma_wait3A_74 = tpu.memref_slice %arg5[%dma_wait3A_72, %dma_wait3A_73] : memref<10240x128xf32, #tpu.memory_space<hbm>> -> memref<128x128xf32, #tpu.memory_space<hbm>>
        tpu.wait_dma2 semaphore(%arg13 : memref<!tpu.dma_semaphore, #tpu.memory_space<semaphore_mem>>) src(%dma_wait3A_74 : memref<128x128xf32, #tpu.memory_space<hbm>>) dst(%arg11 : memref<128x128xf32, #tpu.memory_space<vmem>>)
        %add3A_75 = arith.constant 1 : i32
        %add3A_76 = arith.addi %mul3A_59, %add3A_75 : i32
        "tpu.region"() ({
          %run_scoped3A = tpu.sem_alloc : memref<!tpu.dma_semaphore, #tpu.memory_space<semaphore_mem>>
          %dma_start3A_82 = arith.constant 0 : i32
          %dma_start3A_83 = tpu.memref_slice %arg9[%add3A_76, %dma_start3A_82] : memref<40x128xi32, #tpu.memory_space<vmem>> -> memref<1x128xi32, #tpu.memory_space<vmem>>
          %dma_start3A_84 = tpu.memref_squeeze %dma_start3A_83 : memref<1x128xi32, #tpu.memory_space<vmem>> -> memref<128xi32, #tpu.memory_space<vmem>>
          %dma_start3A_85 = arith.constant 0 : i32
          %dma_start3A_86 = arith.constant 0 : i32
          %dma_start3A_87 = tpu.memref_slice %arg7[%dma_start3A_85, %dma_start3A_86] : memref<10240x128xf32, #tpu.memory_space<vmem_shared>> -> memref<10240x128xf32, #tpu.memory_space<vmem_shared>>
          tpu.enqueue_indirect_dma source(%arg11 : memref<128x128xf32, #tpu.memory_space<vmem>>) target(%dma_start3A_87 : memref<10240x128xf32, #tpu.memory_space<vmem_shared>>) offsets(%dma_start3A_84 : memref<128xi32, #tpu.memory_space<vmem>>) semaphore(%run_scoped3A : memref<!tpu.dma_semaphore, #tpu.memory_space<semaphore_mem>>) {add = true}
          %dma_wait3A_88 = arith.constant 0 : i32
          %dma_wait3A_89 = tpu.memref_slice %arg9[%add3A_76, %dma_wait3A_88] : memref<40x128xi32, #tpu.memory_space<vmem>> -> memref<1x128xi32, #tpu.memory_space<vmem>>
          %dma_wait3A_90 = tpu.memref_squeeze %dma_wait3A_89 : memref<1x128xi32, #tpu.memory_space<vmem>> -> memref<128xi32, #tpu.memory_space<vmem>>
          %dma_wait3A_91 = arith.constant 0 : i32
          %dma_wait3A_92 = arith.constant 0 : i32
          %dma_wait3A_93 = tpu.memref_slice %arg7[%dma_wait3A_91, %dma_wait3A_92] : memref<10240x128xf32, #tpu.memory_space<vmem_shared>> -> memref<10240x128xf32, #tpu.memory_space<vmem_shared>>
          tpu.wait_indirect_dma semaphore(%run_scoped3A : memref<!tpu.dma_semaphore, #tpu.memory_space<semaphore_mem>>) src(%arg11 : memref<128x128xf32, #tpu.memory_space<vmem>>) dst(%dma_wait3A_93 : memref<10240x128xf32, #tpu.memory_space<vmem_shared>>)
          tpu.yield
        }) : () -> ()
        %lt3A_77 = arith.constant 19 : i32
        %lt3A_78 = arith.cmpi slt, %scan3A_57, %lt3A_77 : i32
        %convert_element_type3A_79 = arith.extui %lt3A_78 : i1 to i32
        %cond3A_80 = arith.constant 0 : i32
        %cond3A_81 = arith.cmpi ne, %convert_element_type3A_79, %cond3A_80 : i32
        scf.if %cond3A_81 {
          %add3A_82 = arith.constant 3 : i32
          %add3A_83 = arith.addi %mul3A_59, %add3A_82 : i32
          %dma_start3A_84 = arith.constant 0 : i32
          %dma_start3A_85 = tpu.memref_slice %arg8[%add3A_83, %dma_start3A_84] : memref<40x128xi32, #tpu.memory_space<vmem>> -> memref<1x128xi32, #tpu.memory_space<vmem>>
          %dma_start3A_86 = tpu.memref_squeeze %dma_start3A_85 : memref<1x128xi32, #tpu.memory_space<vmem>> -> memref<128xi32, #tpu.memory_space<vmem>>
          %dma_start3A_87 = arith.constant 0 : i32
          %dma_start3A_88 = arith.constant 0 : i32
          %dma_start3A_89 = tpu.memref_slice %arg4[%dma_start3A_87, %dma_start3A_88] : memref<10240x128xf32, #tpu.memory_space<hbm>> -> memref<10240x128xf32, #tpu.memory_space<hbm>>
          tpu.enqueue_indirect_dma source(%dma_start3A_89 : memref<10240x128xf32, #tpu.memory_space<hbm>>) target(%arg11 : memref<128x128xf32, #tpu.memory_space<vmem>>) offsets(%dma_start3A_86 : memref<128xi32, #tpu.memory_space<vmem>>) semaphore(%arg13 : memref<!tpu.dma_semaphore, #tpu.memory_space<semaphore_mem>>)
        } else {
        }
      }
      %scan3A_56 = arith.constant 20 : i32
    } else {
    }
    %barrier3A = arith.constant 0 : index
    tpu.barrier barrier_id(%barrier3A)
    "tpu.region"() ({
      %run_scoped3A = tpu.sem_alloc : memref<!tpu.dma_semaphore, #tpu.memory_space<semaphore_mem>>
      %dma_start3A = arith.constant 0 : i32
      %dma_start3A_7 = tpu.memref_slice %arg6[%arg0, %mul3A_0, %dma_start3A] : memref<2x10240x128xf32, #tpu.memory_space<hbm>> -> memref<1x640x128xf32, #tpu.memory_space<hbm>>
      %dma_start3A_8 = tpu.memref_squeeze %dma_start3A_7 : memref<1x640x128xf32, #tpu.memory_space<hbm>> -> memref<640x128xf32, #tpu.memory_space<hbm>>
      %dma_start3A_9 = arith.constant 0 : i32
      %dma_start3A_10 = tpu.memref_slice %arg7[%mul3A_0, %dma_start3A_9] : memref<10240x128xf32, #tpu.memory_space<vmem_shared>> -> memref<640x128xf32, #tpu.memory_space<vmem_shared>>
      tpu.enqueue_dma source(%dma_start3A_10 : memref<640x128xf32, #tpu.memory_space<vmem_shared>>) target(%dma_start3A_8 : memref<640x128xf32, #tpu.memory_space<hbm>>) target_semaphore(%run_scoped3A : memref<!tpu.dma_semaphore, #tpu.memory_space<semaphore_mem>>)
      %dma_wait3A = arith.constant 0 : i32
      %dma_wait3A_11 = tpu.memref_slice %arg6[%arg0, %mul3A_0, %dma_wait3A] : memref<2x10240x128xf32, #tpu.memory_space<hbm>> -> memref<1x640x128xf32, #tpu.memory_space<hbm>>
      %dma_wait3A_12 = tpu.memref_squeeze %dma_wait3A_11 : memref<1x640x128xf32, #tpu.memory_space<hbm>> -> memref<640x128xf32, #tpu.memory_space<hbm>>
      %dma_wait3A_13 = arith.constant 0 : i32
      %dma_wait3A_14 = tpu.memref_slice %arg7[%mul3A_0, %dma_wait3A_13] : memref<10240x128xf32, #tpu.memory_space<vmem_shared>> -> memref<640x128xf32, #tpu.memory_space<vmem_shared>>
      tpu.wait_dma2 semaphore(%run_scoped3A : memref<!tpu.dma_semaphore, #tpu.memory_space<semaphore_mem>>) src(%dma_wait3A_14 : memref<640x128xf32, #tpu.memory_space<vmem_shared>>) dst(%dma_wait3A_12 : memref<640x128xf32, #tpu.memory_space<hbm>>)
      tpu.yield
    }) : () -> ()
    return
  }
}

#map = affine_map<(d0, d1) -> (0, 0)>
#map1 = affine_map<(d0, d1) -> (0, 0, 0)>
module attributes {stable_mosaic.version = 14 : i64} {
  func.func @sc_mp(%arg0: i32, %arg1: i32, %arg2: memref<2560x128xi32, #tpu.memory_space<hbm>>, %arg3: memref<2560x128xi32, #tpu.memory_space<hbm>>, %arg4: memref<10240x128xf32, #tpu.memory_space<hbm>>, %arg5: memref<10240x128xf32, #tpu.memory_space<hbm>>, %arg6: memref<2x10240x128xf32, #tpu.memory_space<hbm>>, %arg7: memref<10240x128xf32, #tpu.memory_space<vmem_shared>>, %arg8: memref<40x128xi32, #tpu.memory_space<vmem>>, %arg9: memref<40x128xi32, #tpu.memory_space<vmem>>, %arg10: memref<128x128xf32, #tpu.memory_space<vmem>>, %arg11: memref<128x128xf32, #tpu.memory_space<vmem>>, %arg12: memref<!tpu.dma_semaphore, #tpu.memory_space<semaphore_mem>>, %arg13: memref<!tpu.dma_semaphore, #tpu.memory_space<semaphore_mem>>) attributes {dimension_semantics = [#tpu.dimension_semantics<core_parallel>, #tpu.dimension_semantics<subcore_parallel>], iteration_bounds = array<i64: 2, 16>, scalar_prefetch = 0 : i64, scratch_operands = 7 : i64, tpu.core_type = #tpu.core_type<sc_vector_subcore>, window_params = [{transform_indices = #map}, {transform_indices = #map}, {transform_indices = #map}, {transform_indices = #map}, {transform_indices = #map1}]} {
    %mul3A = arith.constant 640 : i32
    %mul3A_0 = arith.muli %arg1, %mul3A : i32
    %eq3A = arith.constant 0 : i32
    %eq3A_1 = arith.cmpi eq, %arg0, %eq3A : i32
    %convert_element_type3A = arith.extui %eq3A_1 : i1 to i32
    %cond3A = arith.constant 0 : i32
    %cond3A_2 = arith.cmpi ne, %convert_element_type3A, %cond3A : i32
    scf.if %cond3A_2 {
      "tpu.region"() ({
        %run_scoped3A = tpu.sem_alloc : memref<!tpu.dma_semaphore, #tpu.memory_space<semaphore_mem>>
        %dma_start3A_55 = arith.constant 0 : i32
        %dma_start3A_56 = tpu.memref_slice %arg7[%mul3A_0, %dma_start3A_55] : memref<10240x128xf32, #tpu.memory_space<vmem_shared>> -> memref<640x128xf32, #tpu.memory_space<vmem_shared>>
        %dma_start3A_57 = arith.constant 0 : i32
        %dma_start3A_58 = tpu.memref_slice %arg4[%mul3A_0, %dma_start3A_57] : memref<10240x128xf32, #tpu.memory_space<hbm>> -> memref<640x128xf32, #tpu.memory_space<hbm>>
        tpu.enqueue_dma source(%dma_start3A_58 : memref<640x128xf32, #tpu.memory_space<hbm>>) target(%dma_start3A_56 : memref<640x128xf32, #tpu.memory_space<vmem_shared>>) target_semaphore(%run_scoped3A : memref<!tpu.dma_semaphore, #tpu.memory_space<semaphore_mem>>)
        %dma_wait3A = arith.constant 0 : i32
        %dma_wait3A_59 = tpu.memref_slice %arg7[%mul3A_0, %dma_wait3A] : memref<10240x128xf32, #tpu.memory_space<vmem_shared>> -> memref<640x128xf32, #tpu.memory_space<vmem_shared>>
        %dma_wait3A_60 = arith.constant 0 : i32
        %dma_wait3A_61 = tpu.memref_slice %arg4[%mul3A_0, %dma_wait3A_60] : memref<10240x128xf32, #tpu.memory_space<hbm>> -> memref<640x128xf32, #tpu.memory_space<hbm>>
        tpu.wait_dma2 semaphore(%run_scoped3A : memref<!tpu.dma_semaphore, #tpu.memory_space<semaphore_mem>>) src(%dma_wait3A_61 : memref<640x128xf32, #tpu.memory_space<hbm>>) dst(%dma_wait3A_59 : memref<640x128xf32, #tpu.memory_space<vmem_shared>>)
        tpu.yield
      }) : () -> ()
      %mul3A_7 = arith.constant 80 : i32
      %mul3A_8 = arith.muli %arg1, %mul3A_7 : i32
      %add3A = arith.constant 0 : i32
      %add3A_9 = arith.addi %mul3A_8, %add3A : i32
      "tpu.region"() ({
        %run_scoped3A = tpu.sem_alloc : memref<!tpu.dma_semaphore, #tpu.memory_space<semaphore_mem>>
        %dma_start3A_55 = arith.constant 0 : i32
        %dma_start3A_56 = arith.constant 0 : i32
        %dma_start3A_57 = tpu.memref_slice %arg8[%dma_start3A_55, %dma_start3A_56] : memref<40x128xi32, #tpu.memory_space<vmem>> -> memref<40x128xi32, #tpu.memory_space<vmem>>
        %dma_start3A_58 = arith.constant 0 : i32
        %dma_start3A_59 = tpu.memref_slice %arg2[%add3A_9, %dma_start3A_58] : memref<2560x128xi32, #tpu.memory_space<hbm>> -> memref<40x128xi32, #tpu.memory_space<hbm>>
        %dma_start3A_60 = arith.constant 0 : i32
        %dma_start3A_61 = arith.constant 0 : i32
        %dma_start3A_62 = tpu.memref_slice %arg8[%dma_start3A_60, %dma_start3A_61] : memref<40x128xi32, #tpu.memory_space<vmem>> -> memref<40x128xi32, #tpu.memory_space<vmem>>
        %dma_start3A_63 = arith.constant 0 : i32
        %dma_start3A_64 = tpu.memref_slice %arg2[%add3A_9, %dma_start3A_63] : memref<2560x128xi32, #tpu.memory_space<hbm>> -> memref<40x128xi32, #tpu.memory_space<hbm>>
        tpu.enqueue_dma source(%dma_start3A_64 : memref<40x128xi32, #tpu.memory_space<hbm>>) target(%dma_start3A_62 : memref<40x128xi32, #tpu.memory_space<vmem>>) target_semaphore(%run_scoped3A : memref<!tpu.dma_semaphore, #tpu.memory_space<semaphore_mem>>)
        %dma_wait3A = arith.constant 0 : i32
        %dma_wait3A_65 = arith.constant 0 : i32
        %dma_wait3A_66 = tpu.memref_slice %arg8[%dma_wait3A, %dma_wait3A_65] : memref<40x128xi32, #tpu.memory_space<vmem>> -> memref<40x128xi32, #tpu.memory_space<vmem>>
        %dma_wait3A_67 = arith.constant 0 : i32
        %dma_wait3A_68 = tpu.memref_slice %arg2[%add3A_9, %dma_wait3A_67] : memref<2560x128xi32, #tpu.memory_space<hbm>> -> memref<40x128xi32, #tpu.memory_space<hbm>>
        %dma_wait3A_69 = arith.constant 0 : i32
        %dma_wait3A_70 = arith.constant 0 : i32
        %dma_wait3A_71 = tpu.memref_slice %arg8[%dma_wait3A_69, %dma_wait3A_70] : memref<40x128xi32, #tpu.memory_space<vmem>> -> memref<40x128xi32, #tpu.memory_space<vmem>>
        %dma_wait3A_72 = arith.constant 0 : i32
        %dma_wait3A_73 = tpu.memref_slice %arg2[%add3A_9, %dma_wait3A_72] : memref<2560x128xi32, #tpu.memory_space<hbm>> -> memref<40x128xi32, #tpu.memory_space<hbm>>
        tpu.wait_dma2 semaphore(%run_scoped3A : memref<!tpu.dma_semaphore, #tpu.memory_space<semaphore_mem>>) src(%dma_wait3A_73 : memref<40x128xi32, #tpu.memory_space<hbm>>) dst(%dma_wait3A_71 : memref<40x128xi32, #tpu.memory_space<vmem>>)
        tpu.yield
      }) : () -> ()
      %add3A_10 = arith.constant 0 : i32
      %add3A_11 = arith.addi %mul3A_8, %add3A_10 : i32
      "tpu.region"() ({
        %run_scoped3A = tpu.sem_alloc : memref<!tpu.dma_semaphore, #tpu.memory_space<semaphore_mem>>
        %dma_start3A_55 = arith.constant 0 : i32
        %dma_start3A_56 = arith.constant 0 : i32
        %dma_start3A_57 = tpu.memref_slice %arg9[%dma_start3A_55, %dma_start3A_56] : memref<40x128xi32, #tpu.memory_space<vmem>> -> memref<40x128xi32, #tpu.memory_space<vmem>>
        %dma_start3A_58 = arith.constant 0 : i32
        %dma_start3A_59 = tpu.memref_slice %arg3[%add3A_11, %dma_start3A_58] : memref<2560x128xi32, #tpu.memory_space<hbm>> -> memref<40x128xi32, #tpu.memory_space<hbm>>
        %dma_start3A_60 = arith.constant 0 : i32
        %dma_start3A_61 = arith.constant 0 : i32
        %dma_start3A_62 = tpu.memref_slice %arg9[%dma_start3A_60, %dma_start3A_61] : memref<40x128xi32, #tpu.memory_space<vmem>> -> memref<40x128xi32, #tpu.memory_space<vmem>>
        %dma_start3A_63 = arith.constant 0 : i32
        %dma_start3A_64 = tpu.memref_slice %arg3[%add3A_11, %dma_start3A_63] : memref<2560x128xi32, #tpu.memory_space<hbm>> -> memref<40x128xi32, #tpu.memory_space<hbm>>
        tpu.enqueue_dma source(%dma_start3A_64 : memref<40x128xi32, #tpu.memory_space<hbm>>) target(%dma_start3A_62 : memref<40x128xi32, #tpu.memory_space<vmem>>) target_semaphore(%run_scoped3A : memref<!tpu.dma_semaphore, #tpu.memory_space<semaphore_mem>>)
        %dma_wait3A = arith.constant 0 : i32
        %dma_wait3A_65 = arith.constant 0 : i32
        %dma_wait3A_66 = tpu.memref_slice %arg9[%dma_wait3A, %dma_wait3A_65] : memref<40x128xi32, #tpu.memory_space<vmem>> -> memref<40x128xi32, #tpu.memory_space<vmem>>
        %dma_wait3A_67 = arith.constant 0 : i32
        %dma_wait3A_68 = tpu.memref_slice %arg3[%add3A_11, %dma_wait3A_67] : memref<2560x128xi32, #tpu.memory_space<hbm>> -> memref<40x128xi32, #tpu.memory_space<hbm>>
        %dma_wait3A_69 = arith.constant 0 : i32
        %dma_wait3A_70 = arith.constant 0 : i32
        %dma_wait3A_71 = tpu.memref_slice %arg9[%dma_wait3A_69, %dma_wait3A_70] : memref<40x128xi32, #tpu.memory_space<vmem>> -> memref<40x128xi32, #tpu.memory_space<vmem>>
        %dma_wait3A_72 = arith.constant 0 : i32
        %dma_wait3A_73 = tpu.memref_slice %arg3[%add3A_11, %dma_wait3A_72] : memref<2560x128xi32, #tpu.memory_space<hbm>> -> memref<40x128xi32, #tpu.memory_space<hbm>>
        tpu.wait_dma2 semaphore(%run_scoped3A : memref<!tpu.dma_semaphore, #tpu.memory_space<semaphore_mem>>) src(%dma_wait3A_73 : memref<40x128xi32, #tpu.memory_space<hbm>>) dst(%dma_wait3A_71 : memref<40x128xi32, #tpu.memory_space<vmem>>)
        tpu.yield
      }) : () -> ()
      %barrier3A_12 = arith.constant 0 : index
      tpu.barrier barrier_id(%barrier3A_12)
      %dma_start3A = arith.constant 0 : i32
      %dma_start3A_13 = arith.constant 0 : i32
      %dma_start3A_14 = tpu.memref_slice %arg8[%dma_start3A, %dma_start3A_13] : memref<40x128xi32, #tpu.memory_space<vmem>> -> memref<1x128xi32, #tpu.memory_space<vmem>>
      %dma_start3A_15 = tpu.memref_squeeze %dma_start3A_14 : memref<1x128xi32, #tpu.memory_space<vmem>> -> memref<128xi32, #tpu.memory_space<vmem>>
      %dma_start3A_16 = arith.constant 0 : i32
      %dma_start3A_17 = arith.constant 0 : i32
      %dma_start3A_18 = tpu.memref_slice %arg4[%dma_start3A_16, %dma_start3A_17] : memref<10240x128xf32, #tpu.memory_space<hbm>> -> memref<10240x128xf32, #tpu.memory_space<hbm>>
      tpu.enqueue_indirect_dma source(%dma_start3A_18 : memref<10240x128xf32, #tpu.memory_space<hbm>>) target(%arg10 : memref<128x128xf32, #tpu.memory_space<vmem>>) offsets(%dma_start3A_15 : memref<128xi32, #tpu.memory_space<vmem>>) semaphore(%arg12 : memref<!tpu.dma_semaphore, #tpu.memory_space<semaphore_mem>>)
      %dma_start3A_19 = arith.constant 1 : i32
      %dma_start3A_20 = arith.constant 0 : i32
      %dma_start3A_21 = tpu.memref_slice %arg8[%dma_start3A_19, %dma_start3A_20] : memref<40x128xi32, #tpu.memory_space<vmem>> -> memref<1x128xi32, #tpu.memory_space<vmem>>
      %dma_start3A_22 = tpu.memref_squeeze %dma_start3A_21 : memref<1x128xi32, #tpu.memory_space<vmem>> -> memref<128xi32, #tpu.memory_space<vmem>>
      %dma_start3A_23 = arith.constant 0 : i32
      %dma_start3A_24 = arith.constant 0 : i32
      %dma_start3A_25 = tpu.memref_slice %arg4[%dma_start3A_23, %dma_start3A_24] : memref<10240x128xf32, #tpu.memory_space<hbm>> -> memref<10240x128xf32, #tpu.memory_space<hbm>>
      tpu.enqueue_indirect_dma source(%dma_start3A_25 : memref<10240x128xf32, #tpu.memory_space<hbm>>) target(%arg11 : memref<128x128xf32, #tpu.memory_space<vmem>>) offsets(%dma_start3A_22 : memref<128xi32, #tpu.memory_space<vmem>>) semaphore(%arg13 : memref<!tpu.dma_semaphore, #tpu.memory_space<semaphore_mem>>)
      %scan3A = arith.constant 0 : i32
      %scan3A_26 = arith.constant 0 : i32
      %scan3A_27 = arith.constant 20 : i32
      %scan3A_28 = arith.addi %scan3A_26, %scan3A_27 : i32
      %scan3A_29 = arith.constant 1 : i32
      scf.for %scan3A_55 = %scan3A_26 to %scan3A_28 step %scan3A_29  : i32 {
        %mul3A_56 = arith.constant 2 : i32
        %mul3A_57 = arith.muli %mul3A_56, %scan3A_55 : i32
        %dma_wait3A = arith.constant 0 : i32
        %dma_wait3A_58 = arith.constant 0 : i32
        %dma_wait3A_59 = tpu.memref_slice %arg5[%dma_wait3A, %dma_wait3A_58] : memref<10240x128xf32, #tpu.memory_space<hbm>> -> memref<128x128xf32, #tpu.memory_space<hbm>>
        %dma_wait3A_60 = arith.constant 0 : i32
        %dma_wait3A_61 = arith.constant 0 : i32
        %dma_wait3A_62 = tpu.memref_slice %arg5[%dma_wait3A_60, %dma_wait3A_61] : memref<10240x128xf32, #tpu.memory_space<hbm>> -> memref<128x128xf32, #tpu.memory_space<hbm>>
        tpu.wait_dma2 semaphore(%arg12 : memref<!tpu.dma_semaphore, #tpu.memory_space<semaphore_mem>>) src(%dma_wait3A_62 : memref<128x128xf32, #tpu.memory_space<hbm>>) dst(%arg10 : memref<128x128xf32, #tpu.memory_space<vmem>>)
        "tpu.region"() ({
          %run_scoped3A = tpu.sem_alloc : memref<!tpu.dma_semaphore, #tpu.memory_space<semaphore_mem>>
          %dma_start3A_80 = arith.constant 0 : i32
          %dma_start3A_81 = tpu.memref_slice %arg9[%mul3A_57, %dma_start3A_80] : memref<40x128xi32, #tpu.memory_space<vmem>> -> memref<1x128xi32, #tpu.memory_space<vmem>>
          %dma_start3A_82 = tpu.memref_squeeze %dma_start3A_81 : memref<1x128xi32, #tpu.memory_space<vmem>> -> memref<128xi32, #tpu.memory_space<vmem>>
          %dma_start3A_83 = arith.constant 0 : i32
          %dma_start3A_84 = arith.constant 0 : i32
          %dma_start3A_85 = tpu.memref_slice %arg7[%dma_start3A_83, %dma_start3A_84] : memref<10240x128xf32, #tpu.memory_space<vmem_shared>> -> memref<10240x128xf32, #tpu.memory_space<vmem_shared>>
          tpu.enqueue_indirect_dma source(%arg10 : memref<128x128xf32, #tpu.memory_space<vmem>>) target(%dma_start3A_85 : memref<10240x128xf32, #tpu.memory_space<vmem_shared>>) offsets(%dma_start3A_82 : memref<128xi32, #tpu.memory_space<vmem>>) semaphore(%run_scoped3A : memref<!tpu.dma_semaphore, #tpu.memory_space<semaphore_mem>>) {add = true}
          %dma_wait3A_86 = arith.constant 0 : i32
          %dma_wait3A_87 = tpu.memref_slice %arg9[%mul3A_57, %dma_wait3A_86] : memref<40x128xi32, #tpu.memory_space<vmem>> -> memref<1x128xi32, #tpu.memory_space<vmem>>
          %dma_wait3A_88 = tpu.memref_squeeze %dma_wait3A_87 : memref<1x128xi32, #tpu.memory_space<vmem>> -> memref<128xi32, #tpu.memory_space<vmem>>
          %dma_wait3A_89 = arith.constant 0 : i32
          %dma_wait3A_90 = arith.constant 0 : i32
          %dma_wait3A_91 = tpu.memref_slice %arg7[%dma_wait3A_89, %dma_wait3A_90] : memref<10240x128xf32, #tpu.memory_space<vmem_shared>> -> memref<10240x128xf32, #tpu.memory_space<vmem_shared>>
          tpu.wait_indirect_dma semaphore(%run_scoped3A : memref<!tpu.dma_semaphore, #tpu.memory_space<semaphore_mem>>) src(%arg10 : memref<128x128xf32, #tpu.memory_space<vmem>>) dst(%dma_wait3A_91 : memref<10240x128xf32, #tpu.memory_space<vmem_shared>>)
          tpu.yield
        }) : () -> ()
        %lt3A = arith.constant 19 : i32
        %lt3A_63 = arith.cmpi slt, %scan3A_55, %lt3A : i32
        %convert_element_type3A_64 = arith.extui %lt3A_63 : i1 to i32
        %cond3A_65 = arith.constant 0 : i32
        %cond3A_66 = arith.cmpi ne, %convert_element_type3A_64, %cond3A_65 : i32
        scf.if %cond3A_66 {
          %add3A_80 = arith.constant 2 : i32
          %add3A_81 = arith.addi %mul3A_57, %add3A_80 : i32
          %dma_start3A_82 = arith.constant 0 : i32
          %dma_start3A_83 = tpu.memref_slice %arg8[%add3A_81, %dma_start3A_82] : memref<40x128xi32, #tpu.memory_space<vmem>> -> memref<1x128xi32, #tpu.memory_space<vmem>>
          %dma_start3A_84 = tpu.memref_squeeze %dma_start3A_83 : memref<1x128xi32, #tpu.memory_space<vmem>> -> memref<128xi32, #tpu.memory_space<vmem>>
          %dma_start3A_85 = arith.constant 0 : i32
          %dma_start3A_86 = arith.constant 0 : i32
          %dma_start3A_87 = tpu.memref_slice %arg4[%dma_start3A_85, %dma_start3A_86] : memref<10240x128xf32, #tpu.memory_space<hbm>> -> memref<10240x128xf32, #tpu.memory_space<hbm>>
          tpu.enqueue_indirect_dma source(%dma_start3A_87 : memref<10240x128xf32, #tpu.memory_space<hbm>>) target(%arg10 : memref<128x128xf32, #tpu.memory_space<vmem>>) offsets(%dma_start3A_84 : memref<128xi32, #tpu.memory_space<vmem>>) semaphore(%arg12 : memref<!tpu.dma_semaphore, #tpu.memory_space<semaphore_mem>>)
        } else {
        }
        %dma_wait3A_67 = arith.constant 0 : i32
        %dma_wait3A_68 = arith.constant 0 : i32
        %dma_wait3A_69 = tpu.memref_slice %arg5[%dma_wait3A_67, %dma_wait3A_68] : memref<10240x128xf32, #tpu.memory_space<hbm>> -> memref<128x128xf32, #tpu.memory_space<hbm>>
        %dma_wait3A_70 = arith.constant 0 : i32
        %dma_wait3A_71 = arith.constant 0 : i32
        %dma_wait3A_72 = tpu.memref_slice %arg5[%dma_wait3A_70, %dma_wait3A_71] : memref<10240x128xf32, #tpu.memory_space<hbm>> -> memref<128x128xf32, #tpu.memory_space<hbm>>
        tpu.wait_dma2 semaphore(%arg13 : memref<!tpu.dma_semaphore, #tpu.memory_space<semaphore_mem>>) src(%dma_wait3A_72 : memref<128x128xf32, #tpu.memory_space<hbm>>) dst(%arg11 : memref<128x128xf32, #tpu.memory_space<vmem>>)
        %add3A_73 = arith.constant 1 : i32
        %add3A_74 = arith.addi %mul3A_57, %add3A_73 : i32
        "tpu.region"() ({
          %run_scoped3A = tpu.sem_alloc : memref<!tpu.dma_semaphore, #tpu.memory_space<semaphore_mem>>
          %dma_start3A_80 = arith.constant 0 : i32
          %dma_start3A_81 = tpu.memref_slice %arg9[%add3A_74, %dma_start3A_80] : memref<40x128xi32, #tpu.memory_space<vmem>> -> memref<1x128xi32, #tpu.memory_space<vmem>>
          %dma_start3A_82 = tpu.memref_squeeze %dma_start3A_81 : memref<1x128xi32, #tpu.memory_space<vmem>> -> memref<128xi32, #tpu.memory_space<vmem>>
          %dma_start3A_83 = arith.constant 0 : i32
          %dma_start3A_84 = arith.constant 0 : i32
          %dma_start3A_85 = tpu.memref_slice %arg7[%dma_start3A_83, %dma_start3A_84] : memref<10240x128xf32, #tpu.memory_space<vmem_shared>> -> memref<10240x128xf32, #tpu.memory_space<vmem_shared>>
          tpu.enqueue_indirect_dma source(%arg11 : memref<128x128xf32, #tpu.memory_space<vmem>>) target(%dma_start3A_85 : memref<10240x128xf32, #tpu.memory_space<vmem_shared>>) offsets(%dma_start3A_82 : memref<128xi32, #tpu.memory_space<vmem>>) semaphore(%run_scoped3A : memref<!tpu.dma_semaphore, #tpu.memory_space<semaphore_mem>>) {add = true}
          %dma_wait3A_86 = arith.constant 0 : i32
          %dma_wait3A_87 = tpu.memref_slice %arg9[%add3A_74, %dma_wait3A_86] : memref<40x128xi32, #tpu.memory_space<vmem>> -> memref<1x128xi32, #tpu.memory_space<vmem>>
          %dma_wait3A_88 = tpu.memref_squeeze %dma_wait3A_87 : memref<1x128xi32, #tpu.memory_space<vmem>> -> memref<128xi32, #tpu.memory_space<vmem>>
          %dma_wait3A_89 = arith.constant 0 : i32
          %dma_wait3A_90 = arith.constant 0 : i32
          %dma_wait3A_91 = tpu.memref_slice %arg7[%dma_wait3A_89, %dma_wait3A_90] : memref<10240x128xf32, #tpu.memory_space<vmem_shared>> -> memref<10240x128xf32, #tpu.memory_space<vmem_shared>>
          tpu.wait_indirect_dma semaphore(%run_scoped3A : memref<!tpu.dma_semaphore, #tpu.memory_space<semaphore_mem>>) src(%arg11 : memref<128x128xf32, #tpu.memory_space<vmem>>) dst(%dma_wait3A_91 : memref<10240x128xf32, #tpu.memory_space<vmem_shared>>)
          tpu.yield
        }) : () -> ()
        %lt3A_75 = arith.constant 19 : i32
        %lt3A_76 = arith.cmpi slt, %scan3A_55, %lt3A_75 : i32
        %convert_element_type3A_77 = arith.extui %lt3A_76 : i1 to i32
        %cond3A_78 = arith.constant 0 : i32
        %cond3A_79 = arith.cmpi ne, %convert_element_type3A_77, %cond3A_78 : i32
        scf.if %cond3A_79 {
          %add3A_80 = arith.constant 3 : i32
          %add3A_81 = arith.addi %mul3A_57, %add3A_80 : i32
          %dma_start3A_82 = arith.constant 0 : i32
          %dma_start3A_83 = tpu.memref_slice %arg8[%add3A_81, %dma_start3A_82] : memref<40x128xi32, #tpu.memory_space<vmem>> -> memref<1x128xi32, #tpu.memory_space<vmem>>
          %dma_start3A_84 = tpu.memref_squeeze %dma_start3A_83 : memref<1x128xi32, #tpu.memory_space<vmem>> -> memref<128xi32, #tpu.memory_space<vmem>>
          %dma_start3A_85 = arith.constant 0 : i32
          %dma_start3A_86 = arith.constant 0 : i32
          %dma_start3A_87 = tpu.memref_slice %arg4[%dma_start3A_85, %dma_start3A_86] : memref<10240x128xf32, #tpu.memory_space<hbm>> -> memref<10240x128xf32, #tpu.memory_space<hbm>>
          tpu.enqueue_indirect_dma source(%dma_start3A_87 : memref<10240x128xf32, #tpu.memory_space<hbm>>) target(%arg11 : memref<128x128xf32, #tpu.memory_space<vmem>>) offsets(%dma_start3A_84 : memref<128xi32, #tpu.memory_space<vmem>>) semaphore(%arg13 : memref<!tpu.dma_semaphore, #tpu.memory_space<semaphore_mem>>)
        } else {
        }
      }
      %scan3A_30 = arith.constant 20 : i32
      %add3A_31 = arith.constant 40 : i32
      %add3A_32 = arith.addi %mul3A_8, %add3A_31 : i32
      "tpu.region"() ({
        %run_scoped3A = tpu.sem_alloc : memref<!tpu.dma_semaphore, #tpu.memory_space<semaphore_mem>>
        %dma_start3A_55 = arith.constant 0 : i32
        %dma_start3A_56 = arith.constant 0 : i32
        %dma_start3A_57 = tpu.memref_slice %arg8[%dma_start3A_55, %dma_start3A_56] : memref<40x128xi32, #tpu.memory_space<vmem>> -> memref<40x128xi32, #tpu.memory_space<vmem>>
        %dma_start3A_58 = arith.constant 0 : i32
        %dma_start3A_59 = tpu.memref_slice %arg2[%add3A_32, %dma_start3A_58] : memref<2560x128xi32, #tpu.memory_space<hbm>> -> memref<40x128xi32, #tpu.memory_space<hbm>>
        %dma_start3A_60 = arith.constant 0 : i32
        %dma_start3A_61 = arith.constant 0 : i32
        %dma_start3A_62 = tpu.memref_slice %arg8[%dma_start3A_60, %dma_start3A_61] : memref<40x128xi32, #tpu.memory_space<vmem>> -> memref<40x128xi32, #tpu.memory_space<vmem>>
        %dma_start3A_63 = arith.constant 0 : i32
        %dma_start3A_64 = tpu.memref_slice %arg2[%add3A_32, %dma_start3A_63] : memref<2560x128xi32, #tpu.memory_space<hbm>> -> memref<40x128xi32, #tpu.memory_space<hbm>>
        tpu.enqueue_dma source(%dma_start3A_64 : memref<40x128xi32, #tpu.memory_space<hbm>>) target(%dma_start3A_62 : memref<40x128xi32, #tpu.memory_space<vmem>>) target_semaphore(%run_scoped3A : memref<!tpu.dma_semaphore, #tpu.memory_space<semaphore_mem>>)
        %dma_wait3A = arith.constant 0 : i32
        %dma_wait3A_65 = arith.constant 0 : i32
        %dma_wait3A_66 = tpu.memref_slice %arg8[%dma_wait3A, %dma_wait3A_65] : memref<40x128xi32, #tpu.memory_space<vmem>> -> memref<40x128xi32, #tpu.memory_space<vmem>>
        %dma_wait3A_67 = arith.constant 0 : i32
        %dma_wait3A_68 = tpu.memref_slice %arg2[%add3A_32, %dma_wait3A_67] : memref<2560x128xi32, #tpu.memory_space<hbm>> -> memref<40x128xi32, #tpu.memory_space<hbm>>
        %dma_wait3A_69 = arith.constant 0 : i32
        %dma_wait3A_70 = arith.constant 0 : i32
        %dma_wait3A_71 = tpu.memref_slice %arg8[%dma_wait3A_69, %dma_wait3A_70] : memref<40x128xi32, #tpu.memory_space<vmem>> -> memref<40x128xi32, #tpu.memory_space<vmem>>
        %dma_wait3A_72 = arith.constant 0 : i32
        %dma_wait3A_73 = tpu.memref_slice %arg2[%add3A_32, %dma_wait3A_72] : memref<2560x128xi32, #tpu.memory_space<hbm>> -> memref<40x128xi32, #tpu.memory_space<hbm>>
        tpu.wait_dma2 semaphore(%run_scoped3A : memref<!tpu.dma_semaphore, #tpu.memory_space<semaphore_mem>>) src(%dma_wait3A_73 : memref<40x128xi32, #tpu.memory_space<hbm>>) dst(%dma_wait3A_71 : memref<40x128xi32, #tpu.memory_space<vmem>>)
        tpu.yield
      }) : () -> ()
      %add3A_33 = arith.constant 40 : i32
      %add3A_34 = arith.addi %mul3A_8, %add3A_33 : i32
      "tpu.region"() ({
        %run_scoped3A = tpu.sem_alloc : memref<!tpu.dma_semaphore, #tpu.memory_space<semaphore_mem>>
        %dma_start3A_55 = arith.constant 0 : i32
        %dma_start3A_56 = arith.constant 0 : i32
        %dma_start3A_57 = tpu.memref_slice %arg9[%dma_start3A_55, %dma_start3A_56] : memref<40x128xi32, #tpu.memory_space<vmem>> -> memref<40x128xi32, #tpu.memory_space<vmem>>
        %dma_start3A_58 = arith.constant 0 : i32
        %dma_start3A_59 = tpu.memref_slice %arg3[%add3A_34, %dma_start3A_58] : memref<2560x128xi32, #tpu.memory_space<hbm>> -> memref<40x128xi32, #tpu.memory_space<hbm>>
        %dma_start3A_60 = arith.constant 0 : i32
        %dma_start3A_61 = arith.constant 0 : i32
        %dma_start3A_62 = tpu.memref_slice %arg9[%dma_start3A_60, %dma_start3A_61] : memref<40x128xi32, #tpu.memory_space<vmem>> -> memref<40x128xi32, #tpu.memory_space<vmem>>
        %dma_start3A_63 = arith.constant 0 : i32
        %dma_start3A_64 = tpu.memref_slice %arg3[%add3A_34, %dma_start3A_63] : memref<2560x128xi32, #tpu.memory_space<hbm>> -> memref<40x128xi32, #tpu.memory_space<hbm>>
        tpu.enqueue_dma source(%dma_start3A_64 : memref<40x128xi32, #tpu.memory_space<hbm>>) target(%dma_start3A_62 : memref<40x128xi32, #tpu.memory_space<vmem>>) target_semaphore(%run_scoped3A : memref<!tpu.dma_semaphore, #tpu.memory_space<semaphore_mem>>)
        %dma_wait3A = arith.constant 0 : i32
        %dma_wait3A_65 = arith.constant 0 : i32
        %dma_wait3A_66 = tpu.memref_slice %arg9[%dma_wait3A, %dma_wait3A_65] : memref<40x128xi32, #tpu.memory_space<vmem>> -> memref<40x128xi32, #tpu.memory_space<vmem>>
        %dma_wait3A_67 = arith.constant 0 : i32
        %dma_wait3A_68 = tpu.memref_slice %arg3[%add3A_34, %dma_wait3A_67] : memref<2560x128xi32, #tpu.memory_space<hbm>> -> memref<40x128xi32, #tpu.memory_space<hbm>>
        %dma_wait3A_69 = arith.constant 0 : i32
        %dma_wait3A_70 = arith.constant 0 : i32
        %dma_wait3A_71 = tpu.memref_slice %arg9[%dma_wait3A_69, %dma_wait3A_70] : memref<40x128xi32, #tpu.memory_space<vmem>> -> memref<40x128xi32, #tpu.memory_space<vmem>>
        %dma_wait3A_72 = arith.constant 0 : i32
        %dma_wait3A_73 = tpu.memref_slice %arg3[%add3A_34, %dma_wait3A_72] : memref<2560x128xi32, #tpu.memory_space<hbm>> -> memref<40x128xi32, #tpu.memory_space<hbm>>
        tpu.wait_dma2 semaphore(%run_scoped3A : memref<!tpu.dma_semaphore, #tpu.memory_space<semaphore_mem>>) src(%dma_wait3A_73 : memref<40x128xi32, #tpu.memory_space<hbm>>) dst(%dma_wait3A_71 : memref<40x128xi32, #tpu.memory_space<vmem>>)
        tpu.yield
      }) : () -> ()
      %dma_start3A_35 = arith.constant 0 : i32
      %dma_start3A_36 = arith.constant 0 : i32
      %dma_start3A_37 = tpu.memref_slice %arg8[%dma_start3A_35, %dma_start3A_36] : memref<40x128xi32, #tpu.memory_space<vmem>> -> memref<1x128xi32, #tpu.memory_space<vmem>>
      %dma_start3A_38 = tpu.memref_squeeze %dma_start3A_37 : memref<1x128xi32, #tpu.memory_space<vmem>> -> memref<128xi32, #tpu.memory_space<vmem>>
      %dma_start3A_39 = arith.constant 0 : i32
      %dma_start3A_40 = arith.constant 0 : i32
      %dma_start3A_41 = tpu.memref_slice %arg4[%dma_start3A_39, %dma_start3A_40] : memref<10240x128xf32, #tpu.memory_space<hbm>> -> memref<10240x128xf32, #tpu.memory_space<hbm>>
      tpu.enqueue_indirect_dma source(%dma_start3A_41 : memref<10240x128xf32, #tpu.memory_space<hbm>>) target(%arg10 : memref<128x128xf32, #tpu.memory_space<vmem>>) offsets(%dma_start3A_38 : memref<128xi32, #tpu.memory_space<vmem>>) semaphore(%arg12 : memref<!tpu.dma_semaphore, #tpu.memory_space<semaphore_mem>>)
      %dma_start3A_42 = arith.constant 1 : i32
      %dma_start3A_43 = arith.constant 0 : i32
      %dma_start3A_44 = tpu.memref_slice %arg8[%dma_start3A_42, %dma_start3A_43] : memref<40x128xi32, #tpu.memory_space<vmem>> -> memref<1x128xi32, #tpu.memory_space<vmem>>
      %dma_start3A_45 = tpu.memref_squeeze %dma_start3A_44 : memref<1x128xi32, #tpu.memory_space<vmem>> -> memref<128xi32, #tpu.memory_space<vmem>>
      %dma_start3A_46 = arith.constant 0 : i32
      %dma_start3A_47 = arith.constant 0 : i32
      %dma_start3A_48 = tpu.memref_slice %arg4[%dma_start3A_46, %dma_start3A_47] : memref<10240x128xf32, #tpu.memory_space<hbm>> -> memref<10240x128xf32, #tpu.memory_space<hbm>>
      tpu.enqueue_indirect_dma source(%dma_start3A_48 : memref<10240x128xf32, #tpu.memory_space<hbm>>) target(%arg11 : memref<128x128xf32, #tpu.memory_space<vmem>>) offsets(%dma_start3A_45 : memref<128xi32, #tpu.memory_space<vmem>>) semaphore(%arg13 : memref<!tpu.dma_semaphore, #tpu.memory_space<semaphore_mem>>)
      %scan3A_49 = arith.constant 0 : i32
      %scan3A_50 = arith.constant 0 : i32
      %scan3A_51 = arith.constant 20 : i32
      %scan3A_52 = arith.addi %scan3A_50, %scan3A_51 : i32
      %scan3A_53 = arith.constant 1 : i32
      scf.for %scan3A_55 = %scan3A_50 to %scan3A_52 step %scan3A_53  : i32 {
        %mul3A_56 = arith.constant 2 : i32
        %mul3A_57 = arith.muli %mul3A_56, %scan3A_55 : i32
        %dma_wait3A = arith.constant 0 : i32
        %dma_wait3A_58 = arith.constant 0 : i32
        %dma_wait3A_59 = tpu.memref_slice %arg5[%dma_wait3A, %dma_wait3A_58] : memref<10240x128xf32, #tpu.memory_space<hbm>> -> memref<128x128xf32, #tpu.memory_space<hbm>>
        %dma_wait3A_60 = arith.constant 0 : i32
        %dma_wait3A_61 = arith.constant 0 : i32
        %dma_wait3A_62 = tpu.memref_slice %arg5[%dma_wait3A_60, %dma_wait3A_61] : memref<10240x128xf32, #tpu.memory_space<hbm>> -> memref<128x128xf32, #tpu.memory_space<hbm>>
        tpu.wait_dma2 semaphore(%arg12 : memref<!tpu.dma_semaphore, #tpu.memory_space<semaphore_mem>>) src(%dma_wait3A_62 : memref<128x128xf32, #tpu.memory_space<hbm>>) dst(%arg10 : memref<128x128xf32, #tpu.memory_space<vmem>>)
        "tpu.region"() ({
          %run_scoped3A = tpu.sem_alloc : memref<!tpu.dma_semaphore, #tpu.memory_space<semaphore_mem>>
          %dma_start3A_80 = arith.constant 0 : i32
          %dma_start3A_81 = tpu.memref_slice %arg9[%mul3A_57, %dma_start3A_80] : memref<40x128xi32, #tpu.memory_space<vmem>> -> memref<1x128xi32, #tpu.memory_space<vmem>>
          %dma_start3A_82 = tpu.memref_squeeze %dma_start3A_81 : memref<1x128xi32, #tpu.memory_space<vmem>> -> memref<128xi32, #tpu.memory_space<vmem>>
          %dma_start3A_83 = arith.constant 0 : i32
          %dma_start3A_84 = arith.constant 0 : i32
          %dma_start3A_85 = tpu.memref_slice %arg7[%dma_start3A_83, %dma_start3A_84] : memref<10240x128xf32, #tpu.memory_space<vmem_shared>> -> memref<10240x128xf32, #tpu.memory_space<vmem_shared>>
          tpu.enqueue_indirect_dma source(%arg10 : memref<128x128xf32, #tpu.memory_space<vmem>>) target(%dma_start3A_85 : memref<10240x128xf32, #tpu.memory_space<vmem_shared>>) offsets(%dma_start3A_82 : memref<128xi32, #tpu.memory_space<vmem>>) semaphore(%run_scoped3A : memref<!tpu.dma_semaphore, #tpu.memory_space<semaphore_mem>>) {add = true}
          %dma_wait3A_86 = arith.constant 0 : i32
          %dma_wait3A_87 = tpu.memref_slice %arg9[%mul3A_57, %dma_wait3A_86] : memref<40x128xi32, #tpu.memory_space<vmem>> -> memref<1x128xi32, #tpu.memory_space<vmem>>
          %dma_wait3A_88 = tpu.memref_squeeze %dma_wait3A_87 : memref<1x128xi32, #tpu.memory_space<vmem>> -> memref<128xi32, #tpu.memory_space<vmem>>
          %dma_wait3A_89 = arith.constant 0 : i32
          %dma_wait3A_90 = arith.constant 0 : i32
          %dma_wait3A_91 = tpu.memref_slice %arg7[%dma_wait3A_89, %dma_wait3A_90] : memref<10240x128xf32, #tpu.memory_space<vmem_shared>> -> memref<10240x128xf32, #tpu.memory_space<vmem_shared>>
          tpu.wait_indirect_dma semaphore(%run_scoped3A : memref<!tpu.dma_semaphore, #tpu.memory_space<semaphore_mem>>) src(%arg10 : memref<128x128xf32, #tpu.memory_space<vmem>>) dst(%dma_wait3A_91 : memref<10240x128xf32, #tpu.memory_space<vmem_shared>>)
          tpu.yield
        }) : () -> ()
        %lt3A = arith.constant 19 : i32
        %lt3A_63 = arith.cmpi slt, %scan3A_55, %lt3A : i32
        %convert_element_type3A_64 = arith.extui %lt3A_63 : i1 to i32
        %cond3A_65 = arith.constant 0 : i32
        %cond3A_66 = arith.cmpi ne, %convert_element_type3A_64, %cond3A_65 : i32
        scf.if %cond3A_66 {
          %add3A_80 = arith.constant 2 : i32
          %add3A_81 = arith.addi %mul3A_57, %add3A_80 : i32
          %dma_start3A_82 = arith.constant 0 : i32
          %dma_start3A_83 = tpu.memref_slice %arg8[%add3A_81, %dma_start3A_82] : memref<40x128xi32, #tpu.memory_space<vmem>> -> memref<1x128xi32, #tpu.memory_space<vmem>>
          %dma_start3A_84 = tpu.memref_squeeze %dma_start3A_83 : memref<1x128xi32, #tpu.memory_space<vmem>> -> memref<128xi32, #tpu.memory_space<vmem>>
          %dma_start3A_85 = arith.constant 0 : i32
          %dma_start3A_86 = arith.constant 0 : i32
          %dma_start3A_87 = tpu.memref_slice %arg4[%dma_start3A_85, %dma_start3A_86] : memref<10240x128xf32, #tpu.memory_space<hbm>> -> memref<10240x128xf32, #tpu.memory_space<hbm>>
          tpu.enqueue_indirect_dma source(%dma_start3A_87 : memref<10240x128xf32, #tpu.memory_space<hbm>>) target(%arg10 : memref<128x128xf32, #tpu.memory_space<vmem>>) offsets(%dma_start3A_84 : memref<128xi32, #tpu.memory_space<vmem>>) semaphore(%arg12 : memref<!tpu.dma_semaphore, #tpu.memory_space<semaphore_mem>>)
        } else {
        }
        %dma_wait3A_67 = arith.constant 0 : i32
        %dma_wait3A_68 = arith.constant 0 : i32
        %dma_wait3A_69 = tpu.memref_slice %arg5[%dma_wait3A_67, %dma_wait3A_68] : memref<10240x128xf32, #tpu.memory_space<hbm>> -> memref<128x128xf32, #tpu.memory_space<hbm>>
        %dma_wait3A_70 = arith.constant 0 : i32
        %dma_wait3A_71 = arith.constant 0 : i32
        %dma_wait3A_72 = tpu.memref_slice %arg5[%dma_wait3A_70, %dma_wait3A_71] : memref<10240x128xf32, #tpu.memory_space<hbm>> -> memref<128x128xf32, #tpu.memory_space<hbm>>
        tpu.wait_dma2 semaphore(%arg13 : memref<!tpu.dma_semaphore, #tpu.memory_space<semaphore_mem>>) src(%dma_wait3A_72 : memref<128x128xf32, #tpu.memory_space<hbm>>) dst(%arg11 : memref<128x128xf32, #tpu.memory_space<vmem>>)
        %add3A_73 = arith.constant 1 : i32
        %add3A_74 = arith.addi %mul3A_57, %add3A_73 : i32
        "tpu.region"() ({
          %run_scoped3A = tpu.sem_alloc : memref<!tpu.dma_semaphore, #tpu.memory_space<semaphore_mem>>
          %dma_start3A_80 = arith.constant 0 : i32
          %dma_start3A_81 = tpu.memref_slice %arg9[%add3A_74, %dma_start3A_80] : memref<40x128xi32, #tpu.memory_space<vmem>> -> memref<1x128xi32, #tpu.memory_space<vmem>>
          %dma_start3A_82 = tpu.memref_squeeze %dma_start3A_81 : memref<1x128xi32, #tpu.memory_space<vmem>> -> memref<128xi32, #tpu.memory_space<vmem>>
          %dma_start3A_83 = arith.constant 0 : i32
          %dma_start3A_84 = arith.constant 0 : i32
          %dma_start3A_85 = tpu.memref_slice %arg7[%dma_start3A_83, %dma_start3A_84] : memref<10240x128xf32, #tpu.memory_space<vmem_shared>> -> memref<10240x128xf32, #tpu.memory_space<vmem_shared>>
          tpu.enqueue_indirect_dma source(%arg11 : memref<128x128xf32, #tpu.memory_space<vmem>>) target(%dma_start3A_85 : memref<10240x128xf32, #tpu.memory_space<vmem_shared>>) offsets(%dma_start3A_82 : memref<128xi32, #tpu.memory_space<vmem>>) semaphore(%run_scoped3A : memref<!tpu.dma_semaphore, #tpu.memory_space<semaphore_mem>>) {add = true}
          %dma_wait3A_86 = arith.constant 0 : i32
          %dma_wait3A_87 = tpu.memref_slice %arg9[%add3A_74, %dma_wait3A_86] : memref<40x128xi32, #tpu.memory_space<vmem>> -> memref<1x128xi32, #tpu.memory_space<vmem>>
          %dma_wait3A_88 = tpu.memref_squeeze %dma_wait3A_87 : memref<1x128xi32, #tpu.memory_space<vmem>> -> memref<128xi32, #tpu.memory_space<vmem>>
          %dma_wait3A_89 = arith.constant 0 : i32
          %dma_wait3A_90 = arith.constant 0 : i32
          %dma_wait3A_91 = tpu.memref_slice %arg7[%dma_wait3A_89, %dma_wait3A_90] : memref<10240x128xf32, #tpu.memory_space<vmem_shared>> -> memref<10240x128xf32, #tpu.memory_space<vmem_shared>>
          tpu.wait_indirect_dma semaphore(%run_scoped3A : memref<!tpu.dma_semaphore, #tpu.memory_space<semaphore_mem>>) src(%arg11 : memref<128x128xf32, #tpu.memory_space<vmem>>) dst(%dma_wait3A_91 : memref<10240x128xf32, #tpu.memory_space<vmem_shared>>)
          tpu.yield
        }) : () -> ()
        %lt3A_75 = arith.constant 19 : i32
        %lt3A_76 = arith.cmpi slt, %scan3A_55, %lt3A_75 : i32
        %convert_element_type3A_77 = arith.extui %lt3A_76 : i1 to i32
        %cond3A_78 = arith.constant 0 : i32
        %cond3A_79 = arith.cmpi ne, %convert_element_type3A_77, %cond3A_78 : i32
        scf.if %cond3A_79 {
          %add3A_80 = arith.constant 3 : i32
          %add3A_81 = arith.addi %mul3A_57, %add3A_80 : i32
          %dma_start3A_82 = arith.constant 0 : i32
          %dma_start3A_83 = tpu.memref_slice %arg8[%add3A_81, %dma_start3A_82] : memref<40x128xi32, #tpu.memory_space<vmem>> -> memref<1x128xi32, #tpu.memory_space<vmem>>
          %dma_start3A_84 = tpu.memref_squeeze %dma_start3A_83 : memref<1x128xi32, #tpu.memory_space<vmem>> -> memref<128xi32, #tpu.memory_space<vmem>>
          %dma_start3A_85 = arith.constant 0 : i32
          %dma_start3A_86 = arith.constant 0 : i32
          %dma_start3A_87 = tpu.memref_slice %arg4[%dma_start3A_85, %dma_start3A_86] : memref<10240x128xf32, #tpu.memory_space<hbm>> -> memref<10240x128xf32, #tpu.memory_space<hbm>>
          tpu.enqueue_indirect_dma source(%dma_start3A_87 : memref<10240x128xf32, #tpu.memory_space<hbm>>) target(%arg11 : memref<128x128xf32, #tpu.memory_space<vmem>>) offsets(%dma_start3A_84 : memref<128xi32, #tpu.memory_space<vmem>>) semaphore(%arg13 : memref<!tpu.dma_semaphore, #tpu.memory_space<semaphore_mem>>)
        } else {
        }
      }
      %scan3A_54 = arith.constant 20 : i32
    } else {
    }
    %ne3A = arith.constant 0 : i32
    %ne3A_3 = arith.cmpi ne, %arg0, %ne3A : i32
    %convert_element_type3A_4 = arith.extui %ne3A_3 : i1 to i32
    %cond3A_5 = arith.constant 0 : i32
    %cond3A_6 = arith.cmpi ne, %convert_element_type3A_4, %cond3A_5 : i32
    scf.if %cond3A_6 {
      "tpu.region"() ({
        %run_scoped3A = tpu.sem_alloc : memref<!tpu.dma_semaphore, #tpu.memory_space<semaphore_mem>>
        %dma_start3A_57 = arith.constant 0 : i32
        %dma_start3A_58 = tpu.memref_slice %arg7[%mul3A_0, %dma_start3A_57] : memref<10240x128xf32, #tpu.memory_space<vmem_shared>> -> memref<640x128xf32, #tpu.memory_space<vmem_shared>>
        %dma_start3A_59 = arith.constant 0 : i32
        %dma_start3A_60 = tpu.memref_slice %arg5[%mul3A_0, %dma_start3A_59] : memref<10240x128xf32, #tpu.memory_space<hbm>> -> memref<640x128xf32, #tpu.memory_space<hbm>>
        tpu.enqueue_dma source(%dma_start3A_60 : memref<640x128xf32, #tpu.memory_space<hbm>>) target(%dma_start3A_58 : memref<640x128xf32, #tpu.memory_space<vmem_shared>>) target_semaphore(%run_scoped3A : memref<!tpu.dma_semaphore, #tpu.memory_space<semaphore_mem>>)
        %dma_wait3A = arith.constant 0 : i32
        %dma_wait3A_61 = tpu.memref_slice %arg7[%mul3A_0, %dma_wait3A] : memref<10240x128xf32, #tpu.memory_space<vmem_shared>> -> memref<640x128xf32, #tpu.memory_space<vmem_shared>>
        %dma_wait3A_62 = arith.constant 0 : i32
        %dma_wait3A_63 = tpu.memref_slice %arg5[%mul3A_0, %dma_wait3A_62] : memref<10240x128xf32, #tpu.memory_space<hbm>> -> memref<640x128xf32, #tpu.memory_space<hbm>>
        tpu.wait_dma2 semaphore(%run_scoped3A : memref<!tpu.dma_semaphore, #tpu.memory_space<semaphore_mem>>) src(%dma_wait3A_63 : memref<640x128xf32, #tpu.memory_space<hbm>>) dst(%dma_wait3A_61 : memref<640x128xf32, #tpu.memory_space<vmem_shared>>)
        tpu.yield
      }) : () -> ()
      %mul3A_7 = arith.constant 80 : i32
      %mul3A_8 = arith.muli %arg1, %mul3A_7 : i32
      %add3A = arith.constant 1280 : i32
      %add3A_9 = arith.addi %add3A, %mul3A_8 : i32
      %add3A_10 = arith.constant 0 : i32
      %add3A_11 = arith.addi %add3A_9, %add3A_10 : i32
      "tpu.region"() ({
        %run_scoped3A = tpu.sem_alloc : memref<!tpu.dma_semaphore, #tpu.memory_space<semaphore_mem>>
        %dma_start3A_57 = arith.constant 0 : i32
        %dma_start3A_58 = arith.constant 0 : i32
        %dma_start3A_59 = tpu.memref_slice %arg8[%dma_start3A_57, %dma_start3A_58] : memref<40x128xi32, #tpu.memory_space<vmem>> -> memref<40x128xi32, #tpu.memory_space<vmem>>
        %dma_start3A_60 = arith.constant 0 : i32
        %dma_start3A_61 = tpu.memref_slice %arg2[%add3A_11, %dma_start3A_60] : memref<2560x128xi32, #tpu.memory_space<hbm>> -> memref<40x128xi32, #tpu.memory_space<hbm>>
        %dma_start3A_62 = arith.constant 0 : i32
        %dma_start3A_63 = arith.constant 0 : i32
        %dma_start3A_64 = tpu.memref_slice %arg8[%dma_start3A_62, %dma_start3A_63] : memref<40x128xi32, #tpu.memory_space<vmem>> -> memref<40x128xi32, #tpu.memory_space<vmem>>
        %dma_start3A_65 = arith.constant 0 : i32
        %dma_start3A_66 = tpu.memref_slice %arg2[%add3A_11, %dma_start3A_65] : memref<2560x128xi32, #tpu.memory_space<hbm>> -> memref<40x128xi32, #tpu.memory_space<hbm>>
        tpu.enqueue_dma source(%dma_start3A_66 : memref<40x128xi32, #tpu.memory_space<hbm>>) target(%dma_start3A_64 : memref<40x128xi32, #tpu.memory_space<vmem>>) target_semaphore(%run_scoped3A : memref<!tpu.dma_semaphore, #tpu.memory_space<semaphore_mem>>)
        %dma_wait3A = arith.constant 0 : i32
        %dma_wait3A_67 = arith.constant 0 : i32
        %dma_wait3A_68 = tpu.memref_slice %arg8[%dma_wait3A, %dma_wait3A_67] : memref<40x128xi32, #tpu.memory_space<vmem>> -> memref<40x128xi32, #tpu.memory_space<vmem>>
        %dma_wait3A_69 = arith.constant 0 : i32
        %dma_wait3A_70 = tpu.memref_slice %arg2[%add3A_11, %dma_wait3A_69] : memref<2560x128xi32, #tpu.memory_space<hbm>> -> memref<40x128xi32, #tpu.memory_space<hbm>>
        %dma_wait3A_71 = arith.constant 0 : i32
        %dma_wait3A_72 = arith.constant 0 : i32
        %dma_wait3A_73 = tpu.memref_slice %arg8[%dma_wait3A_71, %dma_wait3A_72] : memref<40x128xi32, #tpu.memory_space<vmem>> -> memref<40x128xi32, #tpu.memory_space<vmem>>
        %dma_wait3A_74 = arith.constant 0 : i32
        %dma_wait3A_75 = tpu.memref_slice %arg2[%add3A_11, %dma_wait3A_74] : memref<2560x128xi32, #tpu.memory_space<hbm>> -> memref<40x128xi32, #tpu.memory_space<hbm>>
        tpu.wait_dma2 semaphore(%run_scoped3A : memref<!tpu.dma_semaphore, #tpu.memory_space<semaphore_mem>>) src(%dma_wait3A_75 : memref<40x128xi32, #tpu.memory_space<hbm>>) dst(%dma_wait3A_73 : memref<40x128xi32, #tpu.memory_space<vmem>>)
        tpu.yield
      }) : () -> ()
      %add3A_12 = arith.constant 0 : i32
      %add3A_13 = arith.addi %add3A_9, %add3A_12 : i32
      "tpu.region"() ({
        %run_scoped3A = tpu.sem_alloc : memref<!tpu.dma_semaphore, #tpu.memory_space<semaphore_mem>>
        %dma_start3A_57 = arith.constant 0 : i32
        %dma_start3A_58 = arith.constant 0 : i32
        %dma_start3A_59 = tpu.memref_slice %arg9[%dma_start3A_57, %dma_start3A_58] : memref<40x128xi32, #tpu.memory_space<vmem>> -> memref<40x128xi32, #tpu.memory_space<vmem>>
        %dma_start3A_60 = arith.constant 0 : i32
        %dma_start3A_61 = tpu.memref_slice %arg3[%add3A_13, %dma_start3A_60] : memref<2560x128xi32, #tpu.memory_space<hbm>> -> memref<40x128xi32, #tpu.memory_space<hbm>>
        %dma_start3A_62 = arith.constant 0 : i32
        %dma_start3A_63 = arith.constant 0 : i32
        %dma_start3A_64 = tpu.memref_slice %arg9[%dma_start3A_62, %dma_start3A_63] : memref<40x128xi32, #tpu.memory_space<vmem>> -> memref<40x128xi32, #tpu.memory_space<vmem>>
        %dma_start3A_65 = arith.constant 0 : i32
        %dma_start3A_66 = tpu.memref_slice %arg3[%add3A_13, %dma_start3A_65] : memref<2560x128xi32, #tpu.memory_space<hbm>> -> memref<40x128xi32, #tpu.memory_space<hbm>>
        tpu.enqueue_dma source(%dma_start3A_66 : memref<40x128xi32, #tpu.memory_space<hbm>>) target(%dma_start3A_64 : memref<40x128xi32, #tpu.memory_space<vmem>>) target_semaphore(%run_scoped3A : memref<!tpu.dma_semaphore, #tpu.memory_space<semaphore_mem>>)
        %dma_wait3A = arith.constant 0 : i32
        %dma_wait3A_67 = arith.constant 0 : i32
        %dma_wait3A_68 = tpu.memref_slice %arg9[%dma_wait3A, %dma_wait3A_67] : memref<40x128xi32, #tpu.memory_space<vmem>> -> memref<40x128xi32, #tpu.memory_space<vmem>>
        %dma_wait3A_69 = arith.constant 0 : i32
        %dma_wait3A_70 = tpu.memref_slice %arg3[%add3A_13, %dma_wait3A_69] : memref<2560x128xi32, #tpu.memory_space<hbm>> -> memref<40x128xi32, #tpu.memory_space<hbm>>
        %dma_wait3A_71 = arith.constant 0 : i32
        %dma_wait3A_72 = arith.constant 0 : i32
        %dma_wait3A_73 = tpu.memref_slice %arg9[%dma_wait3A_71, %dma_wait3A_72] : memref<40x128xi32, #tpu.memory_space<vmem>> -> memref<40x128xi32, #tpu.memory_space<vmem>>
        %dma_wait3A_74 = arith.constant 0 : i32
        %dma_wait3A_75 = tpu.memref_slice %arg3[%add3A_13, %dma_wait3A_74] : memref<2560x128xi32, #tpu.memory_space<hbm>> -> memref<40x128xi32, #tpu.memory_space<hbm>>
        tpu.wait_dma2 semaphore(%run_scoped3A : memref<!tpu.dma_semaphore, #tpu.memory_space<semaphore_mem>>) src(%dma_wait3A_75 : memref<40x128xi32, #tpu.memory_space<hbm>>) dst(%dma_wait3A_73 : memref<40x128xi32, #tpu.memory_space<vmem>>)
        tpu.yield
      }) : () -> ()
      %barrier3A_14 = arith.constant 0 : index
      tpu.barrier barrier_id(%barrier3A_14)
      %dma_start3A = arith.constant 0 : i32
      %dma_start3A_15 = arith.constant 0 : i32
      %dma_start3A_16 = tpu.memref_slice %arg8[%dma_start3A, %dma_start3A_15] : memref<40x128xi32, #tpu.memory_space<vmem>> -> memref<1x128xi32, #tpu.memory_space<vmem>>
      %dma_start3A_17 = tpu.memref_squeeze %dma_start3A_16 : memref<1x128xi32, #tpu.memory_space<vmem>> -> memref<128xi32, #tpu.memory_space<vmem>>
      %dma_start3A_18 = arith.constant 0 : i32
      %dma_start3A_19 = arith.constant 0 : i32
      %dma_start3A_20 = tpu.memref_slice %arg4[%dma_start3A_18, %dma_start3A_19] : memref<10240x128xf32, #tpu.memory_space<hbm>> -> memref<10240x128xf32, #tpu.memory_space<hbm>>
      tpu.enqueue_indirect_dma source(%dma_start3A_20 : memref<10240x128xf32, #tpu.memory_space<hbm>>) target(%arg10 : memref<128x128xf32, #tpu.memory_space<vmem>>) offsets(%dma_start3A_17 : memref<128xi32, #tpu.memory_space<vmem>>) semaphore(%arg12 : memref<!tpu.dma_semaphore, #tpu.memory_space<semaphore_mem>>)
      %dma_start3A_21 = arith.constant 1 : i32
      %dma_start3A_22 = arith.constant 0 : i32
      %dma_start3A_23 = tpu.memref_slice %arg8[%dma_start3A_21, %dma_start3A_22] : memref<40x128xi32, #tpu.memory_space<vmem>> -> memref<1x128xi32, #tpu.memory_space<vmem>>
      %dma_start3A_24 = tpu.memref_squeeze %dma_start3A_23 : memref<1x128xi32, #tpu.memory_space<vmem>> -> memref<128xi32, #tpu.memory_space<vmem>>
      %dma_start3A_25 = arith.constant 0 : i32
      %dma_start3A_26 = arith.constant 0 : i32
      %dma_start3A_27 = tpu.memref_slice %arg4[%dma_start3A_25, %dma_start3A_26] : memref<10240x128xf32, #tpu.memory_space<hbm>> -> memref<10240x128xf32, #tpu.memory_space<hbm>>
      tpu.enqueue_indirect_dma source(%dma_start3A_27 : memref<10240x128xf32, #tpu.memory_space<hbm>>) target(%arg11 : memref<128x128xf32, #tpu.memory_space<vmem>>) offsets(%dma_start3A_24 : memref<128xi32, #tpu.memory_space<vmem>>) semaphore(%arg13 : memref<!tpu.dma_semaphore, #tpu.memory_space<semaphore_mem>>)
      %scan3A = arith.constant 0 : i32
      %scan3A_28 = arith.constant 0 : i32
      %scan3A_29 = arith.constant 20 : i32
      %scan3A_30 = arith.addi %scan3A_28, %scan3A_29 : i32
      %scan3A_31 = arith.constant 1 : i32
      scf.for %scan3A_57 = %scan3A_28 to %scan3A_30 step %scan3A_31  : i32 {
        %mul3A_58 = arith.constant 2 : i32
        %mul3A_59 = arith.muli %mul3A_58, %scan3A_57 : i32
        %dma_wait3A = arith.constant 0 : i32
        %dma_wait3A_60 = arith.constant 0 : i32
        %dma_wait3A_61 = tpu.memref_slice %arg5[%dma_wait3A, %dma_wait3A_60] : memref<10240x128xf32, #tpu.memory_space<hbm>> -> memref<128x128xf32, #tpu.memory_space<hbm>>
        %dma_wait3A_62 = arith.constant 0 : i32
        %dma_wait3A_63 = arith.constant 0 : i32
        %dma_wait3A_64 = tpu.memref_slice %arg5[%dma_wait3A_62, %dma_wait3A_63] : memref<10240x128xf32, #tpu.memory_space<hbm>> -> memref<128x128xf32, #tpu.memory_space<hbm>>
        tpu.wait_dma2 semaphore(%arg12 : memref<!tpu.dma_semaphore, #tpu.memory_space<semaphore_mem>>) src(%dma_wait3A_64 : memref<128x128xf32, #tpu.memory_space<hbm>>) dst(%arg10 : memref<128x128xf32, #tpu.memory_space<vmem>>)
        "tpu.region"() ({
          %run_scoped3A = tpu.sem_alloc : memref<!tpu.dma_semaphore, #tpu.memory_space<semaphore_mem>>
          %dma_start3A_82 = arith.constant 0 : i32
          %dma_start3A_83 = tpu.memref_slice %arg9[%mul3A_59, %dma_start3A_82] : memref<40x128xi32, #tpu.memory_space<vmem>> -> memref<1x128xi32, #tpu.memory_space<vmem>>
          %dma_start3A_84 = tpu.memref_squeeze %dma_start3A_83 : memref<1x128xi32, #tpu.memory_space<vmem>> -> memref<128xi32, #tpu.memory_space<vmem>>
          %dma_start3A_85 = arith.constant 0 : i32
          %dma_start3A_86 = arith.constant 0 : i32
          %dma_start3A_87 = tpu.memref_slice %arg7[%dma_start3A_85, %dma_start3A_86] : memref<10240x128xf32, #tpu.memory_space<vmem_shared>> -> memref<10240x128xf32, #tpu.memory_space<vmem_shared>>
          tpu.enqueue_indirect_dma source(%arg10 : memref<128x128xf32, #tpu.memory_space<vmem>>) target(%dma_start3A_87 : memref<10240x128xf32, #tpu.memory_space<vmem_shared>>) offsets(%dma_start3A_84 : memref<128xi32, #tpu.memory_space<vmem>>) semaphore(%run_scoped3A : memref<!tpu.dma_semaphore, #tpu.memory_space<semaphore_mem>>) {add = true}
          %dma_wait3A_88 = arith.constant 0 : i32
          %dma_wait3A_89 = tpu.memref_slice %arg9[%mul3A_59, %dma_wait3A_88] : memref<40x128xi32, #tpu.memory_space<vmem>> -> memref<1x128xi32, #tpu.memory_space<vmem>>
          %dma_wait3A_90 = tpu.memref_squeeze %dma_wait3A_89 : memref<1x128xi32, #tpu.memory_space<vmem>> -> memref<128xi32, #tpu.memory_space<vmem>>
          %dma_wait3A_91 = arith.constant 0 : i32
          %dma_wait3A_92 = arith.constant 0 : i32
          %dma_wait3A_93 = tpu.memref_slice %arg7[%dma_wait3A_91, %dma_wait3A_92] : memref<10240x128xf32, #tpu.memory_space<vmem_shared>> -> memref<10240x128xf32, #tpu.memory_space<vmem_shared>>
          tpu.wait_indirect_dma semaphore(%run_scoped3A : memref<!tpu.dma_semaphore, #tpu.memory_space<semaphore_mem>>) src(%arg10 : memref<128x128xf32, #tpu.memory_space<vmem>>) dst(%dma_wait3A_93 : memref<10240x128xf32, #tpu.memory_space<vmem_shared>>)
          tpu.yield
        }) : () -> ()
        %lt3A = arith.constant 19 : i32
        %lt3A_65 = arith.cmpi slt, %scan3A_57, %lt3A : i32
        %convert_element_type3A_66 = arith.extui %lt3A_65 : i1 to i32
        %cond3A_67 = arith.constant 0 : i32
        %cond3A_68 = arith.cmpi ne, %convert_element_type3A_66, %cond3A_67 : i32
        scf.if %cond3A_68 {
          %add3A_82 = arith.constant 2 : i32
          %add3A_83 = arith.addi %mul3A_59, %add3A_82 : i32
          %dma_start3A_84 = arith.constant 0 : i32
          %dma_start3A_85 = tpu.memref_slice %arg8[%add3A_83, %dma_start3A_84] : memref<40x128xi32, #tpu.memory_space<vmem>> -> memref<1x128xi32, #tpu.memory_space<vmem>>
          %dma_start3A_86 = tpu.memref_squeeze %dma_start3A_85 : memref<1x128xi32, #tpu.memory_space<vmem>> -> memref<128xi32, #tpu.memory_space<vmem>>
          %dma_start3A_87 = arith.constant 0 : i32
          %dma_start3A_88 = arith.constant 0 : i32
          %dma_start3A_89 = tpu.memref_slice %arg4[%dma_start3A_87, %dma_start3A_88] : memref<10240x128xf32, #tpu.memory_space<hbm>> -> memref<10240x128xf32, #tpu.memory_space<hbm>>
          tpu.enqueue_indirect_dma source(%dma_start3A_89 : memref<10240x128xf32, #tpu.memory_space<hbm>>) target(%arg10 : memref<128x128xf32, #tpu.memory_space<vmem>>) offsets(%dma_start3A_86 : memref<128xi32, #tpu.memory_space<vmem>>) semaphore(%arg12 : memref<!tpu.dma_semaphore, #tpu.memory_space<semaphore_mem>>)
        } else {
        }
        %dma_wait3A_69 = arith.constant 0 : i32
        %dma_wait3A_70 = arith.constant 0 : i32
        %dma_wait3A_71 = tpu.memref_slice %arg5[%dma_wait3A_69, %dma_wait3A_70] : memref<10240x128xf32, #tpu.memory_space<hbm>> -> memref<128x128xf32, #tpu.memory_space<hbm>>
        %dma_wait3A_72 = arith.constant 0 : i32
        %dma_wait3A_73 = arith.constant 0 : i32
        %dma_wait3A_74 = tpu.memref_slice %arg5[%dma_wait3A_72, %dma_wait3A_73] : memref<10240x128xf32, #tpu.memory_space<hbm>> -> memref<128x128xf32, #tpu.memory_space<hbm>>
        tpu.wait_dma2 semaphore(%arg13 : memref<!tpu.dma_semaphore, #tpu.memory_space<semaphore_mem>>) src(%dma_wait3A_74 : memref<128x128xf32, #tpu.memory_space<hbm>>) dst(%arg11 : memref<128x128xf32, #tpu.memory_space<vmem>>)
        %add3A_75 = arith.constant 1 : i32
        %add3A_76 = arith.addi %mul3A_59, %add3A_75 : i32
        "tpu.region"() ({
          %run_scoped3A = tpu.sem_alloc : memref<!tpu.dma_semaphore, #tpu.memory_space<semaphore_mem>>
          %dma_start3A_82 = arith.constant 0 : i32
          %dma_start3A_83 = tpu.memref_slice %arg9[%add3A_76, %dma_start3A_82] : memref<40x128xi32, #tpu.memory_space<vmem>> -> memref<1x128xi32, #tpu.memory_space<vmem>>
          %dma_start3A_84 = tpu.memref_squeeze %dma_start3A_83 : memref<1x128xi32, #tpu.memory_space<vmem>> -> memref<128xi32, #tpu.memory_space<vmem>>
          %dma_start3A_85 = arith.constant 0 : i32
          %dma_start3A_86 = arith.constant 0 : i32
          %dma_start3A_87 = tpu.memref_slice %arg7[%dma_start3A_85, %dma_start3A_86] : memref<10240x128xf32, #tpu.memory_space<vmem_shared>> -> memref<10240x128xf32, #tpu.memory_space<vmem_shared>>
          tpu.enqueue_indirect_dma source(%arg11 : memref<128x128xf32, #tpu.memory_space<vmem>>) target(%dma_start3A_87 : memref<10240x128xf32, #tpu.memory_space<vmem_shared>>) offsets(%dma_start3A_84 : memref<128xi32, #tpu.memory_space<vmem>>) semaphore(%run_scoped3A : memref<!tpu.dma_semaphore, #tpu.memory_space<semaphore_mem>>) {add = true}
          %dma_wait3A_88 = arith.constant 0 : i32
          %dma_wait3A_89 = tpu.memref_slice %arg9[%add3A_76, %dma_wait3A_88] : memref<40x128xi32, #tpu.memory_space<vmem>> -> memref<1x128xi32, #tpu.memory_space<vmem>>
          %dma_wait3A_90 = tpu.memref_squeeze %dma_wait3A_89 : memref<1x128xi32, #tpu.memory_space<vmem>> -> memref<128xi32, #tpu.memory_space<vmem>>
          %dma_wait3A_91 = arith.constant 0 : i32
          %dma_wait3A_92 = arith.constant 0 : i32
          %dma_wait3A_93 = tpu.memref_slice %arg7[%dma_wait3A_91, %dma_wait3A_92] : memref<10240x128xf32, #tpu.memory_space<vmem_shared>> -> memref<10240x128xf32, #tpu.memory_space<vmem_shared>>
          tpu.wait_indirect_dma semaphore(%run_scoped3A : memref<!tpu.dma_semaphore, #tpu.memory_space<semaphore_mem>>) src(%arg11 : memref<128x128xf32, #tpu.memory_space<vmem>>) dst(%dma_wait3A_93 : memref<10240x128xf32, #tpu.memory_space<vmem_shared>>)
          tpu.yield
        }) : () -> ()
        %lt3A_77 = arith.constant 19 : i32
        %lt3A_78 = arith.cmpi slt, %scan3A_57, %lt3A_77 : i32
        %convert_element_type3A_79 = arith.extui %lt3A_78 : i1 to i32
        %cond3A_80 = arith.constant 0 : i32
        %cond3A_81 = arith.cmpi ne, %convert_element_type3A_79, %cond3A_80 : i32
        scf.if %cond3A_81 {
          %add3A_82 = arith.constant 3 : i32
          %add3A_83 = arith.addi %mul3A_59, %add3A_82 : i32
          %dma_start3A_84 = arith.constant 0 : i32
          %dma_start3A_85 = tpu.memref_slice %arg8[%add3A_83, %dma_start3A_84] : memref<40x128xi32, #tpu.memory_space<vmem>> -> memref<1x128xi32, #tpu.memory_space<vmem>>
          %dma_start3A_86 = tpu.memref_squeeze %dma_start3A_85 : memref<1x128xi32, #tpu.memory_space<vmem>> -> memref<128xi32, #tpu.memory_space<vmem>>
          %dma_start3A_87 = arith.constant 0 : i32
          %dma_start3A_88 = arith.constant 0 : i32
          %dma_start3A_89 = tpu.memref_slice %arg4[%dma_start3A_87, %dma_start3A_88] : memref<10240x128xf32, #tpu.memory_space<hbm>> -> memref<10240x128xf32, #tpu.memory_space<hbm>>
          tpu.enqueue_indirect_dma source(%dma_start3A_89 : memref<10240x128xf32, #tpu.memory_space<hbm>>) target(%arg11 : memref<128x128xf32, #tpu.memory_space<vmem>>) offsets(%dma_start3A_86 : memref<128xi32, #tpu.memory_space<vmem>>) semaphore(%arg13 : memref<!tpu.dma_semaphore, #tpu.memory_space<semaphore_mem>>)
        } else {
        }
      }
      %scan3A_32 = arith.constant 20 : i32
      %add3A_33 = arith.constant 40 : i32
      %add3A_34 = arith.addi %add3A_9, %add3A_33 : i32
      "tpu.region"() ({
        %run_scoped3A = tpu.sem_alloc : memref<!tpu.dma_semaphore, #tpu.memory_space<semaphore_mem>>
        %dma_start3A_57 = arith.constant 0 : i32
        %dma_start3A_58 = arith.constant 0 : i32
        %dma_start3A_59 = tpu.memref_slice %arg8[%dma_start3A_57, %dma_start3A_58] : memref<40x128xi32, #tpu.memory_space<vmem>> -> memref<40x128xi32, #tpu.memory_space<vmem>>
        %dma_start3A_60 = arith.constant 0 : i32
        %dma_start3A_61 = tpu.memref_slice %arg2[%add3A_34, %dma_start3A_60] : memref<2560x128xi32, #tpu.memory_space<hbm>> -> memref<40x128xi32, #tpu.memory_space<hbm>>
        %dma_start3A_62 = arith.constant 0 : i32
        %dma_start3A_63 = arith.constant 0 : i32
        %dma_start3A_64 = tpu.memref_slice %arg8[%dma_start3A_62, %dma_start3A_63] : memref<40x128xi32, #tpu.memory_space<vmem>> -> memref<40x128xi32, #tpu.memory_space<vmem>>
        %dma_start3A_65 = arith.constant 0 : i32
        %dma_start3A_66 = tpu.memref_slice %arg2[%add3A_34, %dma_start3A_65] : memref<2560x128xi32, #tpu.memory_space<hbm>> -> memref<40x128xi32, #tpu.memory_space<hbm>>
        tpu.enqueue_dma source(%dma_start3A_66 : memref<40x128xi32, #tpu.memory_space<hbm>>) target(%dma_start3A_64 : memref<40x128xi32, #tpu.memory_space<vmem>>) target_semaphore(%run_scoped3A : memref<!tpu.dma_semaphore, #tpu.memory_space<semaphore_mem>>)
        %dma_wait3A = arith.constant 0 : i32
        %dma_wait3A_67 = arith.constant 0 : i32
        %dma_wait3A_68 = tpu.memref_slice %arg8[%dma_wait3A, %dma_wait3A_67] : memref<40x128xi32, #tpu.memory_space<vmem>> -> memref<40x128xi32, #tpu.memory_space<vmem>>
        %dma_wait3A_69 = arith.constant 0 : i32
        %dma_wait3A_70 = tpu.memref_slice %arg2[%add3A_34, %dma_wait3A_69] : memref<2560x128xi32, #tpu.memory_space<hbm>> -> memref<40x128xi32, #tpu.memory_space<hbm>>
        %dma_wait3A_71 = arith.constant 0 : i32
        %dma_wait3A_72 = arith.constant 0 : i32
        %dma_wait3A_73 = tpu.memref_slice %arg8[%dma_wait3A_71, %dma_wait3A_72] : memref<40x128xi32, #tpu.memory_space<vmem>> -> memref<40x128xi32, #tpu.memory_space<vmem>>
        %dma_wait3A_74 = arith.constant 0 : i32
        %dma_wait3A_75 = tpu.memref_slice %arg2[%add3A_34, %dma_wait3A_74] : memref<2560x128xi32, #tpu.memory_space<hbm>> -> memref<40x128xi32, #tpu.memory_space<hbm>>
        tpu.wait_dma2 semaphore(%run_scoped3A : memref<!tpu.dma_semaphore, #tpu.memory_space<semaphore_mem>>) src(%dma_wait3A_75 : memref<40x128xi32, #tpu.memory_space<hbm>>) dst(%dma_wait3A_73 : memref<40x128xi32, #tpu.memory_space<vmem>>)
        tpu.yield
      }) : () -> ()
      %add3A_35 = arith.constant 40 : i32
      %add3A_36 = arith.addi %add3A_9, %add3A_35 : i32
      "tpu.region"() ({
        %run_scoped3A = tpu.sem_alloc : memref<!tpu.dma_semaphore, #tpu.memory_space<semaphore_mem>>
        %dma_start3A_57 = arith.constant 0 : i32
        %dma_start3A_58 = arith.constant 0 : i32
        %dma_start3A_59 = tpu.memref_slice %arg9[%dma_start3A_57, %dma_start3A_58] : memref<40x128xi32, #tpu.memory_space<vmem>> -> memref<40x128xi32, #tpu.memory_space<vmem>>
        %dma_start3A_60 = arith.constant 0 : i32
        %dma_start3A_61 = tpu.memref_slice %arg3[%add3A_36, %dma_start3A_60] : memref<2560x128xi32, #tpu.memory_space<hbm>> -> memref<40x128xi32, #tpu.memory_space<hbm>>
        %dma_start3A_62 = arith.constant 0 : i32
        %dma_start3A_63 = arith.constant 0 : i32
        %dma_start3A_64 = tpu.memref_slice %arg9[%dma_start3A_62, %dma_start3A_63] : memref<40x128xi32, #tpu.memory_space<vmem>> -> memref<40x128xi32, #tpu.memory_space<vmem>>
        %dma_start3A_65 = arith.constant 0 : i32
        %dma_start3A_66 = tpu.memref_slice %arg3[%add3A_36, %dma_start3A_65] : memref<2560x128xi32, #tpu.memory_space<hbm>> -> memref<40x128xi32, #tpu.memory_space<hbm>>
        tpu.enqueue_dma source(%dma_start3A_66 : memref<40x128xi32, #tpu.memory_space<hbm>>) target(%dma_start3A_64 : memref<40x128xi32, #tpu.memory_space<vmem>>) target_semaphore(%run_scoped3A : memref<!tpu.dma_semaphore, #tpu.memory_space<semaphore_mem>>)
        %dma_wait3A = arith.constant 0 : i32
        %dma_wait3A_67 = arith.constant 0 : i32
        %dma_wait3A_68 = tpu.memref_slice %arg9[%dma_wait3A, %dma_wait3A_67] : memref<40x128xi32, #tpu.memory_space<vmem>> -> memref<40x128xi32, #tpu.memory_space<vmem>>
        %dma_wait3A_69 = arith.constant 0 : i32
        %dma_wait3A_70 = tpu.memref_slice %arg3[%add3A_36, %dma_wait3A_69] : memref<2560x128xi32, #tpu.memory_space<hbm>> -> memref<40x128xi32, #tpu.memory_space<hbm>>
        %dma_wait3A_71 = arith.constant 0 : i32
        %dma_wait3A_72 = arith.constant 0 : i32
        %dma_wait3A_73 = tpu.memref_slice %arg9[%dma_wait3A_71, %dma_wait3A_72] : memref<40x128xi32, #tpu.memory_space<vmem>> -> memref<40x128xi32, #tpu.memory_space<vmem>>
        %dma_wait3A_74 = arith.constant 0 : i32
        %dma_wait3A_75 = tpu.memref_slice %arg3[%add3A_36, %dma_wait3A_74] : memref<2560x128xi32, #tpu.memory_space<hbm>> -> memref<40x128xi32, #tpu.memory_space<hbm>>
        tpu.wait_dma2 semaphore(%run_scoped3A : memref<!tpu.dma_semaphore, #tpu.memory_space<semaphore_mem>>) src(%dma_wait3A_75 : memref<40x128xi32, #tpu.memory_space<hbm>>) dst(%dma_wait3A_73 : memref<40x128xi32, #tpu.memory_space<vmem>>)
        tpu.yield
      }) : () -> ()
      %dma_start3A_37 = arith.constant 0 : i32
      %dma_start3A_38 = arith.constant 0 : i32
      %dma_start3A_39 = tpu.memref_slice %arg8[%dma_start3A_37, %dma_start3A_38] : memref<40x128xi32, #tpu.memory_space<vmem>> -> memref<1x128xi32, #tpu.memory_space<vmem>>
      %dma_start3A_40 = tpu.memref_squeeze %dma_start3A_39 : memref<1x128xi32, #tpu.memory_space<vmem>> -> memref<128xi32, #tpu.memory_space<vmem>>
      %dma_start3A_41 = arith.constant 0 : i32
      %dma_start3A_42 = arith.constant 0 : i32
      %dma_start3A_43 = tpu.memref_slice %arg4[%dma_start3A_41, %dma_start3A_42] : memref<10240x128xf32, #tpu.memory_space<hbm>> -> memref<10240x128xf32, #tpu.memory_space<hbm>>
      tpu.enqueue_indirect_dma source(%dma_start3A_43 : memref<10240x128xf32, #tpu.memory_space<hbm>>) target(%arg10 : memref<128x128xf32, #tpu.memory_space<vmem>>) offsets(%dma_start3A_40 : memref<128xi32, #tpu.memory_space<vmem>>) semaphore(%arg12 : memref<!tpu.dma_semaphore, #tpu.memory_space<semaphore_mem>>)
      %dma_start3A_44 = arith.constant 1 : i32
      %dma_start3A_45 = arith.constant 0 : i32
      %dma_start3A_46 = tpu.memref_slice %arg8[%dma_start3A_44, %dma_start3A_45] : memref<40x128xi32, #tpu.memory_space<vmem>> -> memref<1x128xi32, #tpu.memory_space<vmem>>
      %dma_start3A_47 = tpu.memref_squeeze %dma_start3A_46 : memref<1x128xi32, #tpu.memory_space<vmem>> -> memref<128xi32, #tpu.memory_space<vmem>>
      %dma_start3A_48 = arith.constant 0 : i32
      %dma_start3A_49 = arith.constant 0 : i32
      %dma_start3A_50 = tpu.memref_slice %arg4[%dma_start3A_48, %dma_start3A_49] : memref<10240x128xf32, #tpu.memory_space<hbm>> -> memref<10240x128xf32, #tpu.memory_space<hbm>>
      tpu.enqueue_indirect_dma source(%dma_start3A_50 : memref<10240x128xf32, #tpu.memory_space<hbm>>) target(%arg11 : memref<128x128xf32, #tpu.memory_space<vmem>>) offsets(%dma_start3A_47 : memref<128xi32, #tpu.memory_space<vmem>>) semaphore(%arg13 : memref<!tpu.dma_semaphore, #tpu.memory_space<semaphore_mem>>)
      %scan3A_51 = arith.constant 0 : i32
      %scan3A_52 = arith.constant 0 : i32
      %scan3A_53 = arith.constant 20 : i32
      %scan3A_54 = arith.addi %scan3A_52, %scan3A_53 : i32
      %scan3A_55 = arith.constant 1 : i32
      scf.for %scan3A_57 = %scan3A_52 to %scan3A_54 step %scan3A_55  : i32 {
        %mul3A_58 = arith.constant 2 : i32
        %mul3A_59 = arith.muli %mul3A_58, %scan3A_57 : i32
        %dma_wait3A = arith.constant 0 : i32
        %dma_wait3A_60 = arith.constant 0 : i32
        %dma_wait3A_61 = tpu.memref_slice %arg5[%dma_wait3A, %dma_wait3A_60] : memref<10240x128xf32, #tpu.memory_space<hbm>> -> memref<128x128xf32, #tpu.memory_space<hbm>>
        %dma_wait3A_62 = arith.constant 0 : i32
        %dma_wait3A_63 = arith.constant 0 : i32
        %dma_wait3A_64 = tpu.memref_slice %arg5[%dma_wait3A_62, %dma_wait3A_63] : memref<10240x128xf32, #tpu.memory_space<hbm>> -> memref<128x128xf32, #tpu.memory_space<hbm>>
        tpu.wait_dma2 semaphore(%arg12 : memref<!tpu.dma_semaphore, #tpu.memory_space<semaphore_mem>>) src(%dma_wait3A_64 : memref<128x128xf32, #tpu.memory_space<hbm>>) dst(%arg10 : memref<128x128xf32, #tpu.memory_space<vmem>>)
        "tpu.region"() ({
          %run_scoped3A = tpu.sem_alloc : memref<!tpu.dma_semaphore, #tpu.memory_space<semaphore_mem>>
          %dma_start3A_82 = arith.constant 0 : i32
          %dma_start3A_83 = tpu.memref_slice %arg9[%mul3A_59, %dma_start3A_82] : memref<40x128xi32, #tpu.memory_space<vmem>> -> memref<1x128xi32, #tpu.memory_space<vmem>>
          %dma_start3A_84 = tpu.memref_squeeze %dma_start3A_83 : memref<1x128xi32, #tpu.memory_space<vmem>> -> memref<128xi32, #tpu.memory_space<vmem>>
          %dma_start3A_85 = arith.constant 0 : i32
          %dma_start3A_86 = arith.constant 0 : i32
          %dma_start3A_87 = tpu.memref_slice %arg7[%dma_start3A_85, %dma_start3A_86] : memref<10240x128xf32, #tpu.memory_space<vmem_shared>> -> memref<10240x128xf32, #tpu.memory_space<vmem_shared>>
          tpu.enqueue_indirect_dma source(%arg10 : memref<128x128xf32, #tpu.memory_space<vmem>>) target(%dma_start3A_87 : memref<10240x128xf32, #tpu.memory_space<vmem_shared>>) offsets(%dma_start3A_84 : memref<128xi32, #tpu.memory_space<vmem>>) semaphore(%run_scoped3A : memref<!tpu.dma_semaphore, #tpu.memory_space<semaphore_mem>>) {add = true}
          %dma_wait3A_88 = arith.constant 0 : i32
          %dma_wait3A_89 = tpu.memref_slice %arg9[%mul3A_59, %dma_wait3A_88] : memref<40x128xi32, #tpu.memory_space<vmem>> -> memref<1x128xi32, #tpu.memory_space<vmem>>
          %dma_wait3A_90 = tpu.memref_squeeze %dma_wait3A_89 : memref<1x128xi32, #tpu.memory_space<vmem>> -> memref<128xi32, #tpu.memory_space<vmem>>
          %dma_wait3A_91 = arith.constant 0 : i32
          %dma_wait3A_92 = arith.constant 0 : i32
          %dma_wait3A_93 = tpu.memref_slice %arg7[%dma_wait3A_91, %dma_wait3A_92] : memref<10240x128xf32, #tpu.memory_space<vmem_shared>> -> memref<10240x128xf32, #tpu.memory_space<vmem_shared>>
          tpu.wait_indirect_dma semaphore(%run_scoped3A : memref<!tpu.dma_semaphore, #tpu.memory_space<semaphore_mem>>) src(%arg10 : memref<128x128xf32, #tpu.memory_space<vmem>>) dst(%dma_wait3A_93 : memref<10240x128xf32, #tpu.memory_space<vmem_shared>>)
          tpu.yield
        }) : () -> ()
        %lt3A = arith.constant 19 : i32
        %lt3A_65 = arith.cmpi slt, %scan3A_57, %lt3A : i32
        %convert_element_type3A_66 = arith.extui %lt3A_65 : i1 to i32
        %cond3A_67 = arith.constant 0 : i32
        %cond3A_68 = arith.cmpi ne, %convert_element_type3A_66, %cond3A_67 : i32
        scf.if %cond3A_68 {
          %add3A_82 = arith.constant 2 : i32
          %add3A_83 = arith.addi %mul3A_59, %add3A_82 : i32
          %dma_start3A_84 = arith.constant 0 : i32
          %dma_start3A_85 = tpu.memref_slice %arg8[%add3A_83, %dma_start3A_84] : memref<40x128xi32, #tpu.memory_space<vmem>> -> memref<1x128xi32, #tpu.memory_space<vmem>>
          %dma_start3A_86 = tpu.memref_squeeze %dma_start3A_85 : memref<1x128xi32, #tpu.memory_space<vmem>> -> memref<128xi32, #tpu.memory_space<vmem>>
          %dma_start3A_87 = arith.constant 0 : i32
          %dma_start3A_88 = arith.constant 0 : i32
          %dma_start3A_89 = tpu.memref_slice %arg4[%dma_start3A_87, %dma_start3A_88] : memref<10240x128xf32, #tpu.memory_space<hbm>> -> memref<10240x128xf32, #tpu.memory_space<hbm>>
          tpu.enqueue_indirect_dma source(%dma_start3A_89 : memref<10240x128xf32, #tpu.memory_space<hbm>>) target(%arg10 : memref<128x128xf32, #tpu.memory_space<vmem>>) offsets(%dma_start3A_86 : memref<128xi32, #tpu.memory_space<vmem>>) semaphore(%arg12 : memref<!tpu.dma_semaphore, #tpu.memory_space<semaphore_mem>>)
        } else {
        }
        %dma_wait3A_69 = arith.constant 0 : i32
        %dma_wait3A_70 = arith.constant 0 : i32
        %dma_wait3A_71 = tpu.memref_slice %arg5[%dma_wait3A_69, %dma_wait3A_70] : memref<10240x128xf32, #tpu.memory_space<hbm>> -> memref<128x128xf32, #tpu.memory_space<hbm>>
        %dma_wait3A_72 = arith.constant 0 : i32
        %dma_wait3A_73 = arith.constant 0 : i32
        %dma_wait3A_74 = tpu.memref_slice %arg5[%dma_wait3A_72, %dma_wait3A_73] : memref<10240x128xf32, #tpu.memory_space<hbm>> -> memref<128x128xf32, #tpu.memory_space<hbm>>
        tpu.wait_dma2 semaphore(%arg13 : memref<!tpu.dma_semaphore, #tpu.memory_space<semaphore_mem>>) src(%dma_wait3A_74 : memref<128x128xf32, #tpu.memory_space<hbm>>) dst(%arg11 : memref<128x128xf32, #tpu.memory_space<vmem>>)
        %add3A_75 = arith.constant 1 : i32
        %add3A_76 = arith.addi %mul3A_59, %add3A_75 : i32
        "tpu.region"() ({
          %run_scoped3A = tpu.sem_alloc : memref<!tpu.dma_semaphore, #tpu.memory_space<semaphore_mem>>
          %dma_start3A_82 = arith.constant 0 : i32
          %dma_start3A_83 = tpu.memref_slice %arg9[%add3A_76, %dma_start3A_82] : memref<40x128xi32, #tpu.memory_space<vmem>> -> memref<1x128xi32, #tpu.memory_space<vmem>>
          %dma_start3A_84 = tpu.memref_squeeze %dma_start3A_83 : memref<1x128xi32, #tpu.memory_space<vmem>> -> memref<128xi32, #tpu.memory_space<vmem>>
          %dma_start3A_85 = arith.constant 0 : i32
          %dma_start3A_86 = arith.constant 0 : i32
          %dma_start3A_87 = tpu.memref_slice %arg7[%dma_start3A_85, %dma_start3A_86] : memref<10240x128xf32, #tpu.memory_space<vmem_shared>> -> memref<10240x128xf32, #tpu.memory_space<vmem_shared>>
          tpu.enqueue_indirect_dma source(%arg11 : memref<128x128xf32, #tpu.memory_space<vmem>>) target(%dma_start3A_87 : memref<10240x128xf32, #tpu.memory_space<vmem_shared>>) offsets(%dma_start3A_84 : memref<128xi32, #tpu.memory_space<vmem>>) semaphore(%run_scoped3A : memref<!tpu.dma_semaphore, #tpu.memory_space<semaphore_mem>>) {add = true}
          %dma_wait3A_88 = arith.constant 0 : i32
          %dma_wait3A_89 = tpu.memref_slice %arg9[%add3A_76, %dma_wait3A_88] : memref<40x128xi32, #tpu.memory_space<vmem>> -> memref<1x128xi32, #tpu.memory_space<vmem>>
          %dma_wait3A_90 = tpu.memref_squeeze %dma_wait3A_89 : memref<1x128xi32, #tpu.memory_space<vmem>> -> memref<128xi32, #tpu.memory_space<vmem>>
          %dma_wait3A_91 = arith.constant 0 : i32
          %dma_wait3A_92 = arith.constant 0 : i32
          %dma_wait3A_93 = tpu.memref_slice %arg7[%dma_wait3A_91, %dma_wait3A_92] : memref<10240x128xf32, #tpu.memory_space<vmem_shared>> -> memref<10240x128xf32, #tpu.memory_space<vmem_shared>>
          tpu.wait_indirect_dma semaphore(%run_scoped3A : memref<!tpu.dma_semaphore, #tpu.memory_space<semaphore_mem>>) src(%arg11 : memref<128x128xf32, #tpu.memory_space<vmem>>) dst(%dma_wait3A_93 : memref<10240x128xf32, #tpu.memory_space<vmem_shared>>)
          tpu.yield
        }) : () -> ()
        %lt3A_77 = arith.constant 19 : i32
        %lt3A_78 = arith.cmpi slt, %scan3A_57, %lt3A_77 : i32
        %convert_element_type3A_79 = arith.extui %lt3A_78 : i1 to i32
        %cond3A_80 = arith.constant 0 : i32
        %cond3A_81 = arith.cmpi ne, %convert_element_type3A_79, %cond3A_80 : i32
        scf.if %cond3A_81 {
          %add3A_82 = arith.constant 3 : i32
          %add3A_83 = arith.addi %mul3A_59, %add3A_82 : i32
          %dma_start3A_84 = arith.constant 0 : i32
          %dma_start3A_85 = tpu.memref_slice %arg8[%add3A_83, %dma_start3A_84] : memref<40x128xi32, #tpu.memory_space<vmem>> -> memref<1x128xi32, #tpu.memory_space<vmem>>
          %dma_start3A_86 = tpu.memref_squeeze %dma_start3A_85 : memref<1x128xi32, #tpu.memory_space<vmem>> -> memref<128xi32, #tpu.memory_space<vmem>>
          %dma_start3A_87 = arith.constant 0 : i32
          %dma_start3A_88 = arith.constant 0 : i32
          %dma_start3A_89 = tpu.memref_slice %arg4[%dma_start3A_87, %dma_start3A_88] : memref<10240x128xf32, #tpu.memory_space<hbm>> -> memref<10240x128xf32, #tpu.memory_space<hbm>>
          tpu.enqueue_indirect_dma source(%dma_start3A_89 : memref<10240x128xf32, #tpu.memory_space<hbm>>) target(%arg11 : memref<128x128xf32, #tpu.memory_space<vmem>>) offsets(%dma_start3A_86 : memref<128xi32, #tpu.memory_space<vmem>>) semaphore(%arg13 : memref<!tpu.dma_semaphore, #tpu.memory_space<semaphore_mem>>)
        } else {
        }
      }
      %scan3A_56 = arith.constant 20 : i32
    } else {
    }
    %barrier3A = arith.constant 0 : index
    tpu.barrier barrier_id(%barrier3A)
    "tpu.region"() ({
      %run_scoped3A = tpu.sem_alloc : memref<!tpu.dma_semaphore, #tpu.memory_space<semaphore_mem>>
      %dma_start3A = arith.constant 0 : i32
      %dma_start3A_7 = tpu.memref_slice %arg6[%arg0, %mul3A_0, %dma_start3A] : memref<2x10240x128xf32, #tpu.memory_space<hbm>> -> memref<1x640x128xf32, #tpu.memory_space<hbm>>
      %dma_start3A_8 = tpu.memref_squeeze %dma_start3A_7 : memref<1x640x128xf32, #tpu.memory_space<hbm>> -> memref<640x128xf32, #tpu.memory_space<hbm>>
      %dma_start3A_9 = arith.constant 0 : i32
      %dma_start3A_10 = tpu.memref_slice %arg7[%mul3A_0, %dma_start3A_9] : memref<10240x128xf32, #tpu.memory_space<vmem_shared>> -> memref<640x128xf32, #tpu.memory_space<vmem_shared>>
      tpu.enqueue_dma source(%dma_start3A_10 : memref<640x128xf32, #tpu.memory_space<vmem_shared>>) target(%dma_start3A_8 : memref<640x128xf32, #tpu.memory_space<hbm>>) target_semaphore(%run_scoped3A : memref<!tpu.dma_semaphore, #tpu.memory_space<semaphore_mem>>)
      %dma_wait3A = arith.constant 0 : i32
      %dma_wait3A_11 = tpu.memref_slice %arg6[%arg0, %mul3A_0, %dma_wait3A] : memref<2x10240x128xf32, #tpu.memory_space<hbm>> -> memref<1x640x128xf32, #tpu.memory_space<hbm>>
      %dma_wait3A_12 = tpu.memref_squeeze %dma_wait3A_11 : memref<1x640x128xf32, #tpu.memory_space<hbm>> -> memref<640x128xf32, #tpu.memory_space<hbm>>
      %dma_wait3A_13 = arith.constant 0 : i32
      %dma_wait3A_14 = tpu.memref_slice %arg7[%mul3A_0, %dma_wait3A_13] : memref<10240x128xf32, #tpu.memory_space<vmem_shared>> -> memref<640x128xf32, #tpu.memory_space<vmem_shared>>
      tpu.wait_dma2 semaphore(%run_scoped3A : memref<!tpu.dma_semaphore, #tpu.memory_space<semaphore_mem>>) src(%dma_wait3A_14 : memref<640x128xf32, #tpu.memory_space<vmem_shared>>) dst(%dma_wait3A_12 : memref<640x128xf32, #tpu.memory_space<hbm>>)
      tpu.yield
    }) : () -> ()
    return
  }
}

module attributes {stable_mosaic.version = 14 : i64} {
  func.func @body(%arg0: i32, %arg1: memref<1024x128xf32, #tpu.memory_space<vmem>>, %arg2: memref<2x1x1x1024xf32, #tpu.memory_space<vmem>>, %arg3: memref<128x128xf32, #tpu.memory_space<vmem>>, %arg4: memref<1024x128xf32, #tpu.memory_space<vmem>>) attributes {dimension_semantics = [#tpu.dimension_semantics<arbitrary>], iteration_bounds = array<i64: 10>, scalar_prefetch = 0 : i64, scratch_operands = 0 : i64, tpu.core_type = #tpu.core_type<tc>, window_params = [{transform_indices = @transform_0, window_bounds = array<i64: 1024, 128>}, {transform_indices = @transform_1, window_bounds = array<i64: 2, 1, 1, 1024>}, {pipeline_mode = #tpu.pipeline_mode<synchronous>, transform_indices = @transform_2, window_bounds = array<i64: 128, 128>}, {transform_indices = @transform_3, window_bounds = array<i64: 1024, 128>}]} {
    %get3A = arith.constant 0 : index
    %get3A_0 = arith.constant 0 : index
    %get3A_1 = arith.constant 0 : index
    %get3A_2 = arith.constant 0 : index
    %get3A_3 = vector.load %arg2[%get3A, %get3A_0, %get3A_1, %get3A_2] : memref<2x1x1x1024xf32, #tpu.memory_space<vmem>>, vector<1x1x1x1024xf32>
    %get3A_4 = vector.shape_cast %get3A_3 : vector<1x1x1x1024xf32> to vector<1024xf32>
    %get3A_5 = arith.constant 1 : index
    %get3A_6 = arith.constant 0 : index
    %get3A_7 = arith.constant 0 : index
    %get3A_8 = arith.constant 0 : index
    %get3A_9 = vector.load %arg2[%get3A_5, %get3A_6, %get3A_7, %get3A_8] : memref<2x1x1x1024xf32, #tpu.memory_space<vmem>>, vector<1x1x1x1024xf32>
    %get3A_10 = vector.shape_cast %get3A_9 : vector<1x1x1x1024xf32> to vector<1024xf32>
    %add3A = arith.addf %get3A_4, %get3A_10 : vector<1024xf32>
    %add3A_11 = arith.constant 1.000000e+00 : f32
    %add3A_12 = vector.broadcast %add3A_11 : f32 to vector<1024xf32>
    %add3A_13 = arith.addf %add3A, %add3A_12 : vector<1024xf32>
    %rsqrt3A = math.rsqrt %add3A_13 : vector<1024xf32>
    %get3A_14 = arith.constant 0 : index
    %get3A_15 = arith.constant 0 : index
    %get3A_16 = vector.load %arg1[%get3A_14, %get3A_15] : memref<1024x128xf32, #tpu.memory_space<vmem>>, vector<1024x128xf32>
    %get3A_17 = arith.constant 0 : index
    %get3A_18 = arith.constant 0 : index
    %get3A_19 = vector.load %arg3[%get3A_17, %get3A_18] : memref<128x128xf32, #tpu.memory_space<vmem>>, vector<128x128xf32>
    %dot_general3A = arith.constant dense<0.000000e+00> : vector<1024x128xf32>
    %dot_general3A_20 = tpu.matmul %get3A_16, %get3A_19, %dot_general3A {dimension_numbers = #tpu.dot_dimension_numbers<[1], [0], [0], [1], [0, 0, 1, 1], [], []>, transpose_lhs_hint = false} : vector<1024x128xf32>, vector<128x128xf32>, vector<1024x128xf32> -> vector<1024x128xf32>
    %broadcast_in_dim3A = vector.shape_cast %rsqrt3A : vector<1024xf32> to vector<1024x1xf32>
    %mul3A = vector.broadcast %broadcast_in_dim3A : vector<1024x1xf32> to vector<1024x128xf32>
    %mul3A_21 = arith.mulf %mul3A, %dot_general3A_20 : vector<1024x128xf32>
    %swap3A = arith.constant 0 : index
    %swap3A_22 = arith.constant 0 : index
    %swap3A_23 = vector.load %arg4[%swap3A, %swap3A_22] : memref<1024x128xf32, #tpu.memory_space<vmem>>, vector<1024x128xf32>
    tpu.vector_store %arg4[%swap3A, %swap3A_22], %mul3A_21 {strides = array<i32>} : memref<1024x128xf32, #tpu.memory_space<vmem>>, vector<1024x128xf32>,
    return
  }
  func.func @transform_0(%arg0: i32) -> (i32, i32) {
    %c0_i32 = arith.constant 0 : i32
    %c0_i32_0 = arith.constant 0 : i32
    return %arg0, %c0_i32 : i32, i32
  }
  func.func @transform_1(%arg0: i32) -> (i32, i32, i32, i32) {
    %c0_i32 = arith.constant 0 : i32
    %c0_i32_0 = arith.constant 0 : i32
    %c0_i32_1 = arith.constant 0 : i32
    %c0_i32_2 = arith.constant 0 : i32
    return %c0_i32, %arg0, %c0_i32_0, %c0_i32_1 : i32, i32, i32, i32
  }
  func.func @transform_2(%arg0: i32) -> (i32, i32) {
    %c0_i32 = arith.constant 0 : i32
    %c0_i32_0 = arith.constant 0 : i32
    %c0_i32_1 = arith.constant 0 : i32
    return %c0_i32, %c0_i32_0 : i32, i32
  }
  func.func @transform_3(%arg0: i32) -> (i32, i32) {
    %c0_i32 = arith.constant 0 : i32
    %c0_i32_0 = arith.constant 0 : i32
    return %arg0, %c0_i32 : i32, i32
  }
}

module attributes {stable_mosaic.version = 14 : i64} {
  func.func @body(%arg0: i32, %arg1: memref<2x1024x128xf32, #tpu.memory_space<vmem>>, %arg2: memref<2x1x1x1024xf32, #tpu.memory_space<vmem>>, %arg3: memref<128x128xf32, #tpu.memory_space<vmem>>, %arg4: memref<1x128xf32, #tpu.memory_space<vmem>>, %arg5: memref<1024x128xf32, #tpu.memory_space<vmem>>) attributes {dimension_semantics = [#tpu.dimension_semantics<arbitrary>], iteration_bounds = array<i64: 10>, scalar_prefetch = 0 : i64, scratch_operands = 0 : i64, tpu.core_type = #tpu.core_type<tc>, window_params = [{transform_indices = @transform_0, window_bounds = array<i64: 2, 1024, 128>}, {transform_indices = @transform_1, window_bounds = array<i64: 2, 1, 1, 1024>}, {pipeline_mode = #tpu.pipeline_mode<synchronous>, transform_indices = @transform_2, window_bounds = array<i64: 128, 128>}, {pipeline_mode = #tpu.pipeline_mode<synchronous>, transform_indices = @transform_3, window_bounds = array<i64: 1, 128>}, {transform_indices = @transform_4, window_bounds = array<i64: 1024, 128>}]} {
    %get3A = arith.constant 0 : index
    %get3A_0 = arith.constant 0 : index
    %get3A_1 = arith.constant 0 : index
    %get3A_2 = arith.constant 0 : index
    %get3A_3 = vector.load %arg2[%get3A, %get3A_0, %get3A_1, %get3A_2] : memref<2x1x1x1024xf32, #tpu.memory_space<vmem>>, vector<1x1x1x1024xf32>
    %get3A_4 = vector.shape_cast %get3A_3 : vector<1x1x1x1024xf32> to vector<1024xf32>
    %get3A_5 = arith.constant 1 : index
    %get3A_6 = arith.constant 0 : index
    %get3A_7 = arith.constant 0 : index
    %get3A_8 = arith.constant 0 : index
    %get3A_9 = vector.load %arg2[%get3A_5, %get3A_6, %get3A_7, %get3A_8] : memref<2x1x1x1024xf32, #tpu.memory_space<vmem>>, vector<1x1x1x1024xf32>
    %get3A_10 = vector.shape_cast %get3A_9 : vector<1x1x1x1024xf32> to vector<1024xf32>
    %add3A = arith.addf %get3A_4, %get3A_10 : vector<1024xf32>
    %add3A_11 = arith.constant 1.000000e+00 : f32
    %add3A_12 = vector.broadcast %add3A_11 : f32 to vector<1024xf32>
    %add3A_13 = arith.addf %add3A, %add3A_12 : vector<1024xf32>
    %rsqrt3A = math.rsqrt %add3A_13 : vector<1024xf32>
    %get3A_14 = arith.constant 0 : index
    %get3A_15 = arith.constant 0 : index
    %get3A_16 = arith.constant 0 : index
    %get3A_17 = vector.load %arg1[%get3A_14, %get3A_15, %get3A_16] : memref<2x1024x128xf32, #tpu.memory_space<vmem>>, vector<1x1024x128xf32>
    %get3A_18 = vector.shape_cast %get3A_17 : vector<1x1024x128xf32> to vector<1024x128xf32>
    %get3A_19 = arith.constant 1 : index
    %get3A_20 = arith.constant 0 : index
    %get3A_21 = arith.constant 0 : index
    %get3A_22 = vector.load %arg1[%get3A_19, %get3A_20, %get3A_21] : memref<2x1024x128xf32, #tpu.memory_space<vmem>>, vector<1x1024x128xf32>
    %get3A_23 = vector.shape_cast %get3A_22 : vector<1x1024x128xf32> to vector<1024x128xf32>
    %add3A_24 = arith.addf %get3A_18, %get3A_23 : vector<1024x128xf32>
    %broadcast_in_dim3A = vector.shape_cast %rsqrt3A : vector<1024xf32> to vector<1024x1xf32>
    %mul3A = vector.broadcast %broadcast_in_dim3A : vector<1024x1xf32> to vector<1024x128xf32>
    %mul3A_25 = arith.mulf %mul3A, %add3A_24 : vector<1024x128xf32>
    %get3A_26 = arith.constant 0 : index
    %get3A_27 = arith.constant 0 : index
    %get3A_28 = vector.load %arg4[%get3A_26, %get3A_27] : memref<1x128xf32, #tpu.memory_space<vmem>>, vector<1x128xf32>
    %add3A_29 = vector.broadcast %get3A_28 : vector<1x128xf32> to vector<1024x128xf32>
    %add3A_30 = arith.addf %mul3A_25, %add3A_29 : vector<1024x128xf32>
    %max3A = arith.constant 0.000000e+00 : f32
    %max3A_31 = vector.broadcast %max3A : f32 to vector<1024x128xf32>
    %max3A_32 = arith.maximumf %add3A_30, %max3A_31 : vector<1024x128xf32>
    %get3A_33 = arith.constant 0 : index
    %get3A_34 = arith.constant 0 : index
    %get3A_35 = vector.load %arg3[%get3A_33, %get3A_34] : memref<128x128xf32, #tpu.memory_space<vmem>>, vector<128x128xf32>
    %dot_general3A = arith.constant dense<0.000000e+00> : vector<1024x128xf32>
    %dot_general3A_36 = tpu.matmul %max3A_32, %get3A_35, %dot_general3A {dimension_numbers = #tpu.dot_dimension_numbers<[1], [0], [0], [1], [0, 0, 1, 1], [], []>, transpose_lhs_hint = false} : vector<1024x128xf32>, vector<128x128xf32>, vector<1024x128xf32> -> vector<1024x128xf32>
    %broadcast_in_dim3A_37 = vector.shape_cast %rsqrt3A : vector<1024xf32> to vector<1024x1xf32>
    %mul3A_38 = vector.broadcast %broadcast_in_dim3A_37 : vector<1024x1xf32> to vector<1024x128xf32>
    %mul3A_39 = arith.mulf %mul3A_38, %dot_general3A_36 : vector<1024x128xf32>
    %swap3A = arith.constant 0 : index
    %swap3A_40 = arith.constant 0 : index
    %swap3A_41 = vector.load %arg5[%swap3A, %swap3A_40] : memref<1024x128xf32, #tpu.memory_space<vmem>>, vector<1024x128xf32>
    tpu.vector_store %arg5[%swap3A, %swap3A_40], %mul3A_39 {strides = array<i32>} : memref<1024x128xf32, #tpu.memory_space<vmem>>, vector<1024x128xf32>,
    return
  }
  func.func @transform_0(%arg0: i32) -> (i32, i32, i32) {
    %c0_i32 = arith.constant 0 : i32
    %c0_i32_0 = arith.constant 0 : i32
    %c0_i32_1 = arith.constant 0 : i32
    return %c0_i32, %arg0, %c0_i32_0 : i32, i32, i32
  }
  func.func @transform_1(%arg0: i32) -> (i32, i32, i32, i32) {
    %c0_i32 = arith.constant 0 : i32
    %c0_i32_0 = arith.constant 0 : i32
    %c0_i32_1 = arith.constant 0 : i32
    %c0_i32_2 = arith.constant 0 : i32
    return %c0_i32, %arg0, %c0_i32_0, %c0_i32_1 : i32, i32, i32, i32
  }
  func.func @transform_2(%arg0: i32) -> (i32, i32) {
    %c0_i32 = arith.constant 0 : i32
    %c0_i32_0 = arith.constant 0 : i32
    %c0_i32_1 = arith.constant 0 : i32
    return %c0_i32, %c0_i32_0 : i32, i32
  }
  func.func @transform_3(%arg0: i32) -> (i32, i32) {
    %c0_i32 = arith.constant 0 : i32
    %c0_i32_0 = arith.constant 0 : i32
    %c0_i32_1 = arith.constant 0 : i32
    return %c0_i32, %c0_i32_0 : i32, i32
  }
  func.func @transform_4(%arg0: i32) -> (i32, i32) {
    %c0_i32 = arith.constant 0 : i32
    %c0_i32_0 = arith.constant 0 : i32
    return %arg0, %c0_i32 : i32, i32
  }
}

module attributes {stable_mosaic.version = 14 : i64} {
  func.func @body(%arg0: i32, %arg1: memref<2x1024x128xf32, #tpu.memory_space<vmem>>, %arg2: memref<2x1x1x1024xf32, #tpu.memory_space<vmem>>, %arg3: memref<1x128xf32, #tpu.memory_space<vmem>>, %arg4: memref<1024x128xf32, #tpu.memory_space<vmem>>) attributes {dimension_semantics = [#tpu.dimension_semantics<arbitrary>], iteration_bounds = array<i64: 10>, scalar_prefetch = 0 : i64, scratch_operands = 0 : i64, tpu.core_type = #tpu.core_type<tc>, window_params = [{transform_indices = @transform_0, window_bounds = array<i64: 2, 1024, 128>}, {transform_indices = @transform_1, window_bounds = array<i64: 2, 1, 1, 1024>}, {pipeline_mode = #tpu.pipeline_mode<synchronous>, transform_indices = @transform_2, window_bounds = array<i64: 1, 128>}, {transform_indices = @transform_3, window_bounds = array<i64: 1024, 128>}]} {
    %get3A = arith.constant 0 : index
    %get3A_0 = arith.constant 0 : index
    %get3A_1 = arith.constant 0 : index
    %get3A_2 = arith.constant 0 : index
    %get3A_3 = vector.load %arg2[%get3A, %get3A_0, %get3A_1, %get3A_2] : memref<2x1x1x1024xf32, #tpu.memory_space<vmem>>, vector<1x1x1x1024xf32>
    %get3A_4 = vector.shape_cast %get3A_3 : vector<1x1x1x1024xf32> to vector<1024xf32>
    %get3A_5 = arith.constant 1 : index
    %get3A_6 = arith.constant 0 : index
    %get3A_7 = arith.constant 0 : index
    %get3A_8 = arith.constant 0 : index
    %get3A_9 = vector.load %arg2[%get3A_5, %get3A_6, %get3A_7, %get3A_8] : memref<2x1x1x1024xf32, #tpu.memory_space<vmem>>, vector<1x1x1x1024xf32>
    %get3A_10 = vector.shape_cast %get3A_9 : vector<1x1x1x1024xf32> to vector<1024xf32>
    %add3A = arith.addf %get3A_4, %get3A_10 : vector<1024xf32>
    %add3A_11 = arith.constant 1.000000e+00 : f32
    %add3A_12 = vector.broadcast %add3A_11 : f32 to vector<1024xf32>
    %add3A_13 = arith.addf %add3A, %add3A_12 : vector<1024xf32>
    %rsqrt3A = math.rsqrt %add3A_13 : vector<1024xf32>
    %get3A_14 = arith.constant 0 : index
    %get3A_15 = arith.constant 0 : index
    %get3A_16 = arith.constant 0 : index
    %get3A_17 = vector.load %arg1[%get3A_14, %get3A_15, %get3A_16] : memref<2x1024x128xf32, #tpu.memory_space<vmem>>, vector<1x1024x128xf32>
    %get3A_18 = vector.shape_cast %get3A_17 : vector<1x1024x128xf32> to vector<1024x128xf32>
    %get3A_19 = arith.constant 1 : index
    %get3A_20 = arith.constant 0 : index
    %get3A_21 = arith.constant 0 : index
    %get3A_22 = vector.load %arg1[%get3A_19, %get3A_20, %get3A_21] : memref<2x1024x128xf32, #tpu.memory_space<vmem>>, vector<1x1024x128xf32>
    %get3A_23 = vector.shape_cast %get3A_22 : vector<1x1024x128xf32> to vector<1024x128xf32>
    %add3A_24 = arith.addf %get3A_18, %get3A_23 : vector<1024x128xf32>
    %broadcast_in_dim3A = vector.shape_cast %rsqrt3A : vector<1024xf32> to vector<1024x1xf32>
    %mul3A = vector.broadcast %broadcast_in_dim3A : vector<1024x1xf32> to vector<1024x128xf32>
    %mul3A_25 = arith.mulf %mul3A, %add3A_24 : vector<1024x128xf32>
    %get3A_26 = arith.constant 0 : index
    %get3A_27 = arith.constant 0 : index
    %get3A_28 = vector.load %arg3[%get3A_26, %get3A_27] : memref<1x128xf32, #tpu.memory_space<vmem>>, vector<1x128xf32>
    %add3A_29 = vector.broadcast %get3A_28 : vector<1x128xf32> to vector<1024x128xf32>
    %add3A_30 = arith.addf %mul3A_25, %add3A_29 : vector<1024x128xf32>
    %max3A = arith.constant 0.000000e+00 : f32
    %max3A_31 = vector.broadcast %max3A : f32 to vector<1024x128xf32>
    %max3A_32 = arith.maximumf %add3A_30, %max3A_31 : vector<1024x128xf32>
    %swap3A = arith.constant 0 : index
    %swap3A_33 = arith.constant 0 : index
    %swap3A_34 = vector.load %arg4[%swap3A, %swap3A_33] : memref<1024x128xf32, #tpu.memory_space<vmem>>, vector<1024x128xf32>
    tpu.vector_store %arg4[%swap3A, %swap3A_33], %max3A_32 {strides = array<i32>} : memref<1024x128xf32, #tpu.memory_space<vmem>>, vector<1024x128xf32>,
    return
  }
  func.func @transform_0(%arg0: i32) -> (i32, i32, i32) {
    %c0_i32 = arith.constant 0 : i32
    %c0_i32_0 = arith.constant 0 : i32
    %c0_i32_1 = arith.constant 0 : i32
    return %c0_i32, %arg0, %c0_i32_0 : i32, i32, i32
  }
  func.func @transform_1(%arg0: i32) -> (i32, i32, i32, i32) {
    %c0_i32 = arith.constant 0 : i32
    %c0_i32_0 = arith.constant 0 : i32
    %c0_i32_1 = arith.constant 0 : i32
    %c0_i32_2 = arith.constant 0 : i32
    return %c0_i32, %arg0, %c0_i32_0, %c0_i32_1 : i32, i32, i32, i32
  }
  func.func @transform_2(%arg0: i32) -> (i32, i32) {
    %c0_i32 = arith.constant 0 : i32
    %c0_i32_0 = arith.constant 0 : i32
    %c0_i32_1 = arith.constant 0 : i32
    return %c0_i32, %c0_i32_0 : i32, i32
  }
  func.func @transform_3(%arg0: i32) -> (i32, i32) {
    %c0_i32 = arith.constant 0 : i32
    %c0_i32_0 = arith.constant 0 : i32
    return %arg0, %c0_i32 : i32, i32
  }
}

</mosaic_0001>

<sc_bundles>
// kernel: kernel.10.cloned.1.call-start
scs
__scs_entry_jumppad:
0x0: {  	(pc) =	sbr.rel $0x88, $3  }
0x1: {  	(tag) =	ssettag $0x0;
	lr =	simm.s32 $0x1  }
0x2: {  	[smem:$0x3F99] =	sst lr;
	_ =	strace $0xD0000000  }
0x3: {  	_ = 	snop  }
0x4: {  	_ = 	snop  }
0x5: {  	_ = 	snop  }
0x6: {  	_ = 	snop  }
0x7: {  	_ = 	snop  }
__scs_overlays_trampoline_lowered:
0x8: {  	[smem:$0x3FA8] =	sst s0  }
0x9: {  	[smem:$0x3FA9] =	sst s1  }
0xa: {  	[smem:$0x3FAA] =	sst s2  }
0xb: {  	[smem:$0x3FAB] =	sst s3  }
0xc: {  	[smem:$0x3FAC] =	sst s4  }
0xd: {  	[smem:$0x3FAD] =	sst s5  }
0xe: {  	[smem:$0x3FAE] =	sst s6  }
0xf: {  	[smem:$0x3FAF] =	sst s7  }
0x10: {  	[smem:$0x3FB0] =	sst s8  }
0x11: {  	[smem:$0x3FB1] =	sst s9;
	s0 =	simm.s32 @!p0 $0x0  }
0x12: {  	s1 =	sld [smem:$0x3F97];
	s0 =	simm.s32 @p0 $0x1  }
0x13: {  	[smem:$0x3FB2] =	sst s0;
	s0 =	simm.s32 @!p1 $0x0  }
0x14: {  	s2 =	sld [smem:$0x3F96];
	s0 =	simm.s32 @p1 $0x1  }
0x15: {  	[smem:$0x3FB3] =	sst s0;
	s0 =	simm.s32 @!p2 $0x0  }
0x16: {  	s3 =	sld [smem:$0x3FDB];
	s0 =	simm.s32 @p2 $0x1  }
0x17: {  	s4 =	simm.s32 $0x1BF5;
	[smem:$0x3FB5] =	sst s0  }
0x18: {  	s0 =	sld [smem:$0x3F98];
	_ =	swait.ge [sflag:s4], $0x0  }
0x19: {  	s7 =	sld [smem:$0x3F99]  }
0x1a: {  	s8 =	sadd.s32 $0xFFFFE003, lr  }
0x1b: {  	s9 =	sadd.s32 $0xFFFFFEF7, lr;
	s5 =	simm.s32 $0xFFFFFFFF;
	p2 =	slt.u32 s8, $0xFFFFF086  }
0x1c: {  	p1 =	slt.u32 s9, $0xF7A;
	s5 =	simm.s32 @!p2 $0x0  }
0x1d: {  	s5 =	simm.s32 @p1 $0x1;
	p0 =	seq.s32 s7, s2  }
0x1e: {  	s7 =	smul.u32 @!p0 $0xF7A, s2;
	p2 =	seq.s32 @!p0 s5, $0x0  }
0x1f: {  	s9 =	smul.u32 $0xF7A, s1;
	s8 =	simm.s32 @!p0 $0x1BF5;
	p2 =	por !p2, p0  }
0x20: {  	[sflag:s8] =	ssyncset.s32 @!p0 $0xFFFFF086;
	s6 =	sadd.s32 @!p0 s3, s7;
	s7 =	simm.s32 @!p0 $0x108  }
0x21: {  	s3 =	sadd.s32 s3, s9;
	s6 =	sadd.s32 @!p0 $0x88, s6;
	s7 =	simm.s32 @p2 $0x1082  }
0x22: {  	[simem:s7], [sflag:s8] =	dma.local @!p0 [hbm:s6], $0xF7A  }
0x23: {  	s9 =	sor.u32 $0xD0000000, s2;
	s6 =	simm.s32 $0x108;
	_ =	swait.ge @!p0 [sflag:s8], $0x0  }
0x24: {  	s3 =	sadd.s32 $0x88, s3;
	s6 =	simm.s32 @!p1 $0x1082;
	[sflag:s4] =	ssyncset.s32 $0xFFFFF086  }
0x25: {  	[simem:s6], [sflag:s4] =	dma.local [hbm:s3], $0xF7A  }
0x26: {  	[smem:$0x3F99] =	sst s1;
	(tag) =	ssettag s2;
	_ =	strace s9  }
0x27: {  	s1 =	sld [smem:$0x3FA9]  }
0x28: {  	s2 =	sld [smem:$0x3FAA]  }
0x29: {  	s4 =	sld [smem:$0x3FAC]  }
0x2a: {  	p0 =	seq.s32 s5, $0x0;
	s5 =	sld [smem:$0x3FAD]  }
0x2b: {  	s6 =	sld [smem:$0x3FAE]  }
0x2c: {  	s7 =	sld [smem:$0x3FAF]  }
0x2d: {  	s3 =	simm.s32 $0x108;
	s8 =	sld [smem:$0x3FB0]  }
0x2e: {  	s3 =	simm.s32 @!p0 $0x1082;
	s9 =	sld [smem:$0x3FB1]  }
0x2f: {  	lr =	sadd.s32 s0, s3;
	s0 =	sld [smem:$0x3FA8]  }
0x30: {  	s3 =	sld [smem:$0x3FAB]  }
0x31: {  	[smem:$0x3FB4] =	sst s10  }
0x32: {  	s10 =	sld [smem:$0x3FB2];
	_ =	sdelay $0x3  }
0x33: {  	p0 =	seq.s32 s10, $0x1;
	s10 =	sld [smem:$0x3FB4];
	_ =	sdelay $0x3  }
0x34: {  	[smem:$0x3FB4] =	sst s10  }
0x35: {  	s10 =	sld [smem:$0x3FB3];
	_ =	sdelay $0x3  }
0x36: {  	p1 =	seq.s32 s10, $0x1;
	s10 =	sld [smem:$0x3FB4];
	_ =	sdelay $0x3  }
0x37: {  	[smem:$0x3FB4] =	sst s10  }
0x38: {  	s10 =	sld [smem:$0x3FB5]  }
0x39: {  	_ = 	snop;
	(pc) =	sbr.ind lr, $3  }
0x3a: {  	_ = 	snop  }
0x3b: {  	_ = 	snop  }
0x3c: {  	p2 =	seq.s32 s10, $0x1;
	s10 =	sld [smem:$0x3FB4]  }
0x3d: {  	_ =	shalt  }
0x3e: {  	_ =	shalt  }
0x3f: {  	_ =	shalt  }
0x40: {  	_ =	shalt  }
0x41: {  	_ =	shalt  }
0x42: {  	_ =	shalt  }
0x43: {  	_ =	shalt  }
0x44: {  	_ =	shalt  }
0x45: {  	_ =	shalt  }
0x46: {  	_ =	shalt  }
0x47: {  	_ =	shalt  }
0x48: {  	_ =	shalt  }
0x49: {  	_ =	shalt  }
0x4a: {  	_ =	shalt  }
0x4b: {  	_ =	shalt  }
0x4c: {  	_ =	shalt  }
0x4d: {  	_ =	shalt  }
0x4e: {  	_ =	shalt  }
0x4f: {  	_ =	shalt  }
0x50: {  	_ =	shalt  }
0x51: {  	_ =	shalt  }
0x52: {  	_ =	shalt  }
0x53: {  	_ =	shalt  }
0x54: {  	_ =	shalt  }
0x55: {  	_ =	shalt  }
0x56: {  	_ =	shalt  }
0x57: {  	_ =	shalt  }
0x58: {  	_ =	shalt  }
0x59: {  	_ =	shalt  }
0x5a: {  	_ =	shalt  }
0x5b: {  	_ =	shalt  }
0x5c: {  	_ =	shalt  }
0x5d: {  	_ =	shalt  }
0x5e: {  	_ =	shalt  }
0x5f: {  	_ =	shalt  }
0x60: {  	_ =	shalt  }
0x61: {  	_ =	shalt  }
0x62: {  	_ =	shalt  }
0x63: {  	_ =	shalt  }
0x64: {  	_ =	shalt  }
0x65: {  	_ =	shalt  }
0x66: {  	_ =	shalt  }
0x67: {  	_ =	shalt  }
0x68: {  	_ =	shalt  }
0x69: {  	_ =	shalt  }
0x6a: {  	_ =	shalt  }
0x6b: {  	_ =	shalt  }
0x6c: {  	_ =	shalt  }
0x6d: {  	_ =	shalt  }
0x6e: {  	_ =	shalt  }
0x6f: {  	_ =	shalt  }
0x70: {  	_ =	shalt  }
0x71: {  	_ =	shalt  }
0x72: {  	_ =	shalt  }
0x73: {  	_ =	shalt  }
0x74: {  	_ =	shalt  }
0x75: {  	_ =	shalt  }
0x76: {  	_ =	shalt  }
0x77: {  	_ =	shalt  }
0x78: {  	_ =	shalt  }
0x79: {  	_ =	shalt  }
0x7a: {  	_ =	shalt  }
0x7b: {  	_ =	shalt  }
0x7c: {  	_ =	shalt  }
0x7d: {  	_ =	shalt  }
0x7e: {  	_ =	shalt  }
0x7f: {  	_ =	shalt  }
0x80: {  	_ =	shalt  }
0x81: {  	_ =	shalt  }
0x82: {  	_ =	shalt  }
0x83: {  	_ =	shalt  }
0x84: {  	_ =	shalt  }
0x85: {  	_ =	shalt  }
0x86: {  	_ =	shalt  }
0x87: {  	_ =	shalt  }
.Lfunc_end0:
.L_simem_size_0:
called_computation_lowered:
.L_overlay_start_0:
0x88: {  	s2 =	sld [smem:$0x3FD9]  }
0x89: {  	s3 =	sld [smem:$0x3FFE];
	_ =	sdelay $0x1  }
0x8a: {  	s1 =	srdreg.scid  }
0x8b: {  	s0 =	sand.u32 $0x1, s1  }
0x8c: {  	s17 =	sshll.u32 s0, $0xA;
	s2 =	sadd.s32 s3, s2  }
0x8d: {  	s2 =	sadd.s32 s2, s17  }
0x8e: {  	[smem:$0x3FC0] =	sst s2  }
0x8f: {  	_ = 	snop  }
0x90: {  	s2 =	sld [smem:$0x3FD0];
	(tm) =	ssettm $0x1  }
0x91: {  	s18 =	sld [smem:$0x3FFB];
	_ =	sdelay $0x3  }
0x92: {  	_ =	strace s18  }
0x93: {  	s3 =	sld [smem:$0x3FFC];
	_ =	sdelay $0x3  }
0x94: {  	_ =	strace s3  }
0x95: {  	s3 =	sld [smem:$0x3FFD];
	_ =	sdelay $0x3  }
0x96: {  	_ =	strace s3  }
0x97: {  	_ =	strace $0x8FFFFFFF  }
0x98: {  	s19 =	sld [smem:$0x3FDB];
	_ =	sdelay $0x1  }
0x99: {  	s4 =	simm.s32 $_scs_section_size  }
0x9a: {  	s5 =	simm.s32 $_size__tile_overlayer_lowered;
	s6 =	simm.s32 $_tile_overlayer_lowered  }
0x9b: {  	s22 =	simm.s32 $0x1BFF;
	s21 =	sshll.u32 s6, $0x1;
	s3 =	sadd.s32 s4, s19  }
0x9c: {  	s7 =	simm.s32 $0x0;
	s20 =	sshll.u32 s5, $0x1;
	s5 =	sadd.s32 s21, s3  }
0x9d: {  	[timem:s7], [sflag:s22] =	dma.local [hbm:s5], s20  }
0x9e: {  	_ =	swait.ge [sflag:s22], s20  }
0x9f: {  	s4 =	ssub.s32 $0x0, s20;
	[sflag:s22] =	ssyncset.done $0x0  }
0xa0: {  	[sflag:s22] =	ssyncadd.s32 s4;
	_ =	sdelay $0x1  }
0xa1: {  	s23 =	simm.s32 $0x1B8B  }
0xa2: {  	_ =	swait.ge [sflag:s23], $0x1  }
0xa3: {  	[sflag:s23] =	ssyncset.done $0x0  }
0xa4: {  	s25 =	simm.s32 $0x1B8E;
	s24 =	sld [smem:$0x3FFE];
	[sflag:s23] =	ssyncadd.s32 $0xFFFFFFFF  }
0xa5: {  	s26 =	simm.s32 $execute0_lowered;
	[smem:$0x3FD2] =	sst s25  }
0xa6: {  	s5 =	sshll.u32 s26, $0x1;
	_ =	strace $0x80000046;
	[dreg:$0x1] =	wrdreg $0xFFFFFFFF  }
0xa7: {  	s28 =	simm.s32 $_size_execute0_lowered;
	s3 =	sadd.s32 s3, s5;
	[dreg:$0x0] =	wrdreg $0x0  }
0xa8: {  	s5 =	sshll.u32 s28, $0x1;
	[dreg:$0x2] =	wrdreg s3  }
0xa9: {  	[dreg:$0x3] =	wrdreg s5  }
0xaa: {  	[dreg:$0x4] =	wrdreg $0xC0  }
0xab: {  	_ =	task [dreg:s7], $0x5FFFF  }
0xac: {  	[dreg:$0x1] =	wrdreg $0xFFFFFFFF  }
0xad: {  	[dreg:$0x0] =	wrdreg $0x60  }
0xae: {  	[dreg:$0x2] =	wrdreg s2  }
0xaf: {  	[dreg:$0x3] =	wrdreg s24  }
0xb0: {  	[dreg:$0x4] =	wrdreg $0x0  }
0xb1: {  	[dreg:$0x5] =	wrdreg $0x9  }
0xb2: {  	_ =	task.clear_ibuf [dreg:s7], $0x6FFFF;
	_ =	strace $0x90000046  }
0xb3: {  	s29 =	simm.s32 $0x9;
	_ =	strace $0x80000048  }
0xb4: {  	_ =	swait.ge [sflag:s29], $0x1  }
0xb5: {  	[sflag:s29] =	ssyncadd.s32 $0xFFFFFFFF  }
0xb6: {  	_ =	strace $0x90000048  }
0xb7: {  	_ =	sfence  }
0xb8: {  	s30 =	sld [smem:$0x0];
	_ =	sdelay $0x2  }
0xb9: {  	s31 =	sshll.u32 s1, $0xD;
	s1 =	sshrl.u32 s1, $0x2  }
0xba: {  	s3 =	sand.u32 $0x4000, s31;
	s1 =	sadd.s32 s1, s30  }
0xbb: {  	s0 =	sor.u32 s3, s0;
	s1 =	sshll.u32 s1, $0x11  }
0xbc: {  	s0 =	sor.u32 s1, s0  }
0xbd: {  	s0 =	sadd.s32 $0x8F2B, s0  }
0xbe: {  	[sflag:s0] =	ssyncadd.remote.s32 $0x1  }
0xbf: {  	_ =	sfence.sel $0xFFFF  }
0xc0: {  	[dreg:$0x0] =	wrdreg $0xFFFFFFFF;
	(pc) =	sbr.abs _section_cstart, $3  }
0xc1: {  	[dreg:$0x1] =	wrdreg $0xFFFFFFFF  }
0xc2: {  	_ =	task.clear_ibuf [dreg:s7], $0x2FFFF;
	_ =	strace $0x9FFFFFFF  }
0xc3: {  	(tm) =	ssettm $0x7FFFFFFF  }
tec
execute0_lowered:
.L_overlay_start_1:
0x0: {  	(tag) =	ssettag $0x1  }
0x1: {  	s6 =	rddreg [dreg:$0x0]  }
0x2: {  	s4 =	rddreg [dreg:$0x1]  }
0x3: {  	s2 =	rddreg [dreg:$0x2]  }
0x4: {  	s0 =	rddreg [dreg:$0x3]  }
0x5: {  	s1 =	stileid.u32;
	s7 =	srdreg.scid;
	s3 =	simm.s32 $0x0  }
0x6: {  	s13 =	simm.s32 $0x2A80;
	s14 =	simm.s32 $0x1;
	s15 =	simm.s32 $0x20  }
0x7: {  	s16 =	simm.s32 $0x10;
	s17 =	simm.s32 $0x0;
	s5 =	smul.u32 $0x280, s1  }
0x8: {  	s7 =	sand.u32 $0x1, s7;
	s8 =	smul.u32 $0x500, s1;
	[smem:$0x7FF] =	sst s3  }
0x9: {  	s11 =	sshll.u32 s1, $0x6;
	s10 =	sshll.u32 s7, $0x7;
	_ =	strace $0x80000047  }
0xa: {  	s30 =	ssub.s32 $0x2, s7;
	s7 =	sshll.u32 s7, $0x4;
	s9 =	sshrl.u32 s5, $0x3  }
0xb: {  	s8 =	sor.u32 s10, s8;
	s31 =	sshrl.u32 s30, $0x1;
	s7 =	sor.u32 s1, s7  }
0xc: {  	s12 =	sadd.s32 s5, s2;
	s5 =	sor.u32 $0x1C02, s11;
	s11 =	simm.s32 $0x280  }
0xd: {  	s9 =	sadd.s32 s9, s4;
	s8 =	sshrl.u32 s8, $0x3;
	s7 =	smul.u32 $0x500, s7  }
0xe: {  	s10 =	ssub.s32 s30, s31;
	s8 =	sadd.s32 s8, s4;
	s4 =	sadd.s32 $0xCA00, s9  }
0xf: {  	s9 =	sshrl.u32 s12, $0x3;
	s12 =	simm.s32 $0x80;
	s6 =	sadd.s32 s6, s7  }
0x10: {  	v0 =	vimm.f32 $1.000000000e+00;
	s7 =	sadd.s32 $0xD000, s8;
	s8 =	smax.u32 s10, $0x1;
	s10 =	simm.s32 $0x2  }
.LBB2_1:
0x11: {  	[spmem:s9], [sflag:s5] =	dma.local [hbm:s4], $0x50  }
0x12: {  	_ =	swait.ge [sflag:s10], $0x50  }
0x13: {  	[sflag:s10] =	ssyncset.done $0x0  }
0x14: {  	[sflag:s10] =	ssyncadd.s32 $0xFFFFFFB0  }
0x15: {  	[tilespmem:s11], [sflag:$0x2] =	stream.linear.gather [hbm4b:s6+s3], $0x2800, $0x38;
	[tilespmem:$0x2B00] =	vst v63  }
0x16: {  	_ =	swait.ge [sflag:s10], $0x2800  }
0x17: {  	[sflag:s10] =	ssyncset.done $0x0  }
0x18: {  	[sflag:s10] =	ssyncadd.s32 $0xFFFFD800  }
0x19: {  	[tilespmem:$0x2A80] =	vst v0  }
0x1a: {  	[tilespmem:$0x2A90] =	vst v0  }
0x1b: {  	[tilespmem:$0x2AA0] =	vst v0  }
0x1c: {  	[tilespmem:$0x2AB0] =	vst v0  }
0x1d: {  	[tilespmem:$0x2AC0] =	vst v0  }
0x1e: {  	[tilespmem:$0x2AD0] =	vst v0  }
0x1f: {  	[tilespmem:$0x2AE0] =	vst v0  }
0x20: {  	[tilespmem:$0x2AF0] =	vst v0  }
0x21: {  	s18 =	simm.s32 $0x280;
	[bflag:$0x0] =	sbarrier.arrive $0xFFFF  }
0x22: {  	[spmem:s2] =	stream.indirect.scatter.add.f32 [tilespmem:s13], [sflag:$0x1], $0x1, s18, s12, $0xb8;
	[tilespmem:$0x2B00] =	vst v63  }
0x23: {  	s24 =	simm.s32 $0x300  }
0x24: {  	[spmem:s2] =	stream.indirect.scatter.add.f32 [tilespmem:s13], [sflag:$0x1], $0x1, s24, s12, $0xb8;
	[tilespmem:$0x2B00] =	vst v63  }
0x25: {  	s25 =	simm.s32 $0x380  }
0x26: {  	[spmem:s2] =	stream.indirect.scatter.add.f32 [tilespmem:s13], [sflag:$0x1], $0x1, s25, s12, $0xb8;
	[tilespmem:$0x2B00] =	vst v63  }
0x27: {  	s26 =	simm.s32 $0x400  }
0x28: {  	[spmem:s2] =	stream.indirect.scatter.add.f32 [tilespmem:s13], [sflag:$0x1], $0x1, s26, s12, $0xb8;
	[tilespmem:$0x2B00] =	vst v63  }
0x29: {  	s28 =	simm.s32 $0x480  }
0x2a: {  	[spmem:s2] =	stream.indirect.scatter.add.f32 [tilespmem:s13], [sflag:$0x1], $0x1, s28, s12, $0xb8;
	[tilespmem:$0x2B00] =	vst v63  }
0x2b: {  	s29 =	simm.s32 $0x500  }
0x2c: {  	[spmem:s2] =	stream.indirect.scatter.add.f32 [tilespmem:s13], [sflag:$0x1], $0x1, s29, s12, $0xb8;
	[tilespmem:$0x2B00] =	vst v63  }
0x2d: {  	s30 =	simm.s32 $0x580  }
0x2e: {  	[spmem:s2] =	stream.indirect.scatter.add.f32 [tilespmem:s13], [sflag:$0x1], $0x1, s30, s12, $0xb8;
	[tilespmem:$0x2B00] =	vst v63  }
0x2f: {  	s31 =	simm.s32 $0x600  }
0x30: {  	[spmem:s2] =	stream.indirect.scatter.add.f32 [tilespmem:s13], [sflag:$0x1], $0x1, s31, s12, $0xb8;
	[tilespmem:$0x2B00] =	vst v63  }
0x31: {  	_ =	swait.ge [sflag:s14], $0x80  }
0x32: {  	[sflag:s14] =	ssyncset.done $0x0  }
0x33: {  	[sflag:s14] =	ssyncadd.s32 $0xFFFFFF80  }
0x34: {  	_ =	swait.ge [sflag:s14], $0x80  }
0x35: {  	[sflag:s14] =	ssyncset.done $0x0  }
0x36: {  	[sflag:s14] =	ssyncadd.s32 $0xFFFFFF80  }
0x37: {  	_ =	swait.ge [sflag:s14], $0x80  }
0x38: {  	[sflag:s14] =	ssyncset.done $0x0  }
0x39: {  	[sflag:s14] =	ssyncadd.s32 $0xFFFFFF80  }
0x3a: {  	_ =	swait.ge [sflag:s14], $0x80  }
0x3b: {  	[sflag:s14] =	ssyncset.done $0x0  }
0x3c: {  	[sflag:s14] =	ssyncadd.s32 $0xFFFFFF80  }
0x3d: {  	_ =	swait.ge [sflag:s14], $0x80  }
0x3e: {  	[sflag:s14] =	ssyncset.done $0x0  }
0x3f: {  	[sflag:s14] =	ssyncadd.s32 $0xFFFFFF80  }
0x40: {  	_ =	swait.ge [sflag:s14], $0x80  }
0x41: {  	[sflag:s14] =	ssyncset.done $0x0  }
0x42: {  	[sflag:s14] =	ssyncadd.s32 $0xFFFFFF80  }
0x43: {  	_ =	swait.ge [sflag:s14], $0x80  }
0x44: {  	[sflag:s14] =	ssyncset.done $0x0  }
0x45: {  	[sflag:s14] =	ssyncadd.s32 $0xFFFFFF80  }
0x46: {  	_ =	swait.ge [sflag:s14], $0x80  }
0x47: {  	s21 =	simm.s32 $0x2000;
	s20 =	simm.s32 $0x400;
	[sflag:s14] =	ssyncset.done $0x0  }
.LBB2_2:
0x48: {  	s22 =	sadd.s32 $0x280, s20  }
0x49: {  	[sflag:s14] =	ssyncadd.s32 $0xFFFFFF80;
	s19 =	smov.u32 s21;
	s18 =	sadd.s32 $0x1000, s21  }
0x4a: {  	[spmem:s2] =	stream.indirect.scatter.add.f32 [tilespmem:s13], [sflag:$0x1], $0x1, s22, s12, $0xb8;
	[tilespmem:$0x2B00] =	vst v63  }
0x4b: {  	p0 =	sne.s32 s21, $0x9000;
	s21 =	sadd.s32 $0x300, s20  }
0x4c: {  	[spmem:s2] =	stream.indirect.scatter.add.f32 [tilespmem:s13], [sflag:$0x1], $0x1, s21, s12, $0xb8;
	[tilespmem:$0x2B00] =	vst v63  }
0x4d: {  	s21 =	sadd.s32 $0x380, s20  }
0x4e: {  	[spmem:s2] =	stream.indirect.scatter.add.f32 [tilespmem:s13], [sflag:$0x1], $0x1, s21, s12, $0xb8;
	[tilespmem:$0x2B00] =	vst v63  }
0x4f: {  	s21 =	sadd.s32 $0x400, s20  }
0x50: {  	[spmem:s2] =	stream.indirect.scatter.add.f32 [tilespmem:s13], [sflag:$0x1], $0x1, s21, s12, $0xb8;
	[tilespmem:$0x2B00] =	vst v63  }
0x51: {  	s21 =	sadd.s32 $0x480, s20  }
0x52: {  	[spmem:s2] =	stream.indirect.scatter.add.f32 [tilespmem:s13], [sflag:$0x1], $0x1, s21, s12, $0xb8;
	[tilespmem:$0x2B00] =	vst v63  }
0x53: {  	s21 =	sadd.s32 $0x500, s20  }
0x54: {  	[spmem:s2] =	stream.indirect.scatter.add.f32 [tilespmem:s13], [sflag:$0x1], $0x1, s21, s12, $0xb8;
	[tilespmem:$0x2B00] =	vst v63  }
0x55: {  	s21 =	sadd.s32 $0x580, s20  }
0x56: {  	[spmem:s2] =	stream.indirect.scatter.add.f32 [tilespmem:s13], [sflag:$0x1], $0x1, s21, s12, $0xb8;
	[tilespmem:$0x2B00] =	vst v63  }
0x57: {  	s20 =	sadd.s32 $0x600, s20  }
0x58: {  	[spmem:s2] =	stream.indirect.scatter.add.f32 [tilespmem:s13], [sflag:$0x1], $0x1, s20, s12, $0xb8;
	[tilespmem:$0x2B00] =	vst v63  }
0x59: {  	_ =	swait.ge [sflag:s14], $0x80  }
0x5a: {  	[sflag:s14] =	ssyncset.done $0x0  }
0x5b: {  	[sflag:s14] =	ssyncadd.s32 $0xFFFFFF80  }
0x5c: {  	_ =	swait.ge [sflag:s14], $0x80  }
0x5d: {  	[sflag:s14] =	ssyncset.done $0x0  }
0x5e: {  	[sflag:s14] =	ssyncadd.s32 $0xFFFFFF80  }
0x5f: {  	_ =	swait.ge [sflag:s14], $0x80  }
0x60: {  	[sflag:s14] =	ssyncset.done $0x0  }
0x61: {  	[sflag:s14] =	ssyncadd.s32 $0xFFFFFF80  }
0x62: {  	_ =	swait.ge [sflag:s14], $0x80  }
0x63: {  	[sflag:s14] =	ssyncset.done $0x0  }
0x64: {  	[sflag:s14] =	ssyncadd.s32 $0xFFFFFF80  }
0x65: {  	_ =	swait.ge [sflag:s14], $0x80  }
0x66: {  	[sflag:s14] =	ssyncset.done $0x0  }
0x67: {  	[sflag:s14] =	ssyncadd.s32 $0xFFFFFF80  }
0x68: {  	_ =	swait.ge [sflag:s14], $0x80  }
0x69: {  	[sflag:s14] =	ssyncset.done $0x0  }
0x6a: {  	[sflag:s14] =	ssyncadd.s32 $0xFFFFFF80  }
.Ltmp0:
0x6b: {  	_ =	swait.ge [sflag:s14], $0x80;
	(pc) =	sbr.rel @p0 .LBB2_2-.Ltmp0, $4  }
0x6c: {  	[sflag:s14] =	ssyncset.done $0x0  }
0x6d: {  	[sflag:s14] =	ssyncadd.s32 $0xFFFFFF80  }
0x6e: {  	_ =	swait.ge [sflag:s14], $0x80  }
0x6f: {  	s21 =	smov.u32 s18;
	s20 =	sshra.s32 s19, $0x2;
	[sflag:s14] =	ssyncset.done $0x0  }
0x70: {  	s18 =	sadd.s32 $0x280, s20;
	[sflag:s14] =	ssyncadd.s32 $0xFFFFFF80  }
0x71: {  	[spmem:s2] =	stream.indirect.scatter.add.f32 [tilespmem:s13], [sflag:$0x1], $0x1, s18, s12, $0xb8;
	[tilespmem:$0x2B00] =	vst v63  }
0x72: {  	s24 =	sadd.s32 $0x300, s20  }
0x73: {  	[spmem:s2] =	stream.indirect.scatter.add.f32 [tilespmem:s13], [sflag:$0x1], $0x1, s24, s12, $0xb8;
	[tilespmem:$0x2B00] =	vst v63  }
0x74: {  	s25 =	sadd.s32 $0x380, s20  }
0x75: {  	[spmem:s2] =	stream.indirect.scatter.add.f32 [tilespmem:s13], [sflag:$0x1], $0x1, s25, s12, $0xb8;
	[tilespmem:$0x2B00] =	vst v63  }
0x76: {  	s26 =	sadd.s32 $0x400, s20  }
0x77: {  	[spmem:s2] =	stream.indirect.scatter.add.f32 [tilespmem:s13], [sflag:$0x1], $0x1, s26, s12, $0xb8;
	[tilespmem:$0x2B00] =	vst v63  }
0x78: {  	s28 =	sadd.s32 $0x480, s20  }
0x79: {  	[spmem:s2] =	stream.indirect.scatter.add.f32 [tilespmem:s13], [sflag:$0x1], $0x1, s28, s12, $0xb8;
	[tilespmem:$0x2B00] =	vst v63  }
0x7a: {  	s29 =	sadd.s32 $0x500, s20  }
0x7b: {  	[spmem:s2] =	stream.indirect.scatter.add.f32 [tilespmem:s13], [sflag:$0x1], $0x1, s29, s12, $0xb8;
	[tilespmem:$0x2B00] =	vst v63  }
0x7c: {  	s30 =	sadd.s32 $0x580, s20  }
0x7d: {  	[spmem:s2] =	stream.indirect.scatter.add.f32 [tilespmem:s13], [sflag:$0x1], $0x1, s30, s12, $0xb8;
	[tilespmem:$0x2B00] =	vst v63  }
0x7e: {  	s31 =	sadd.s32 $0x600, s20  }
0x7f: {  	[spmem:s2] =	stream.indirect.scatter.add.f32 [tilespmem:s13], [sflag:$0x1], $0x1, s31, s12, $0xb8;
	[tilespmem:$0x2B00] =	vst v63  }
0x80: {  	_ =	swait.ge [sflag:s14], $0x80  }
0x81: {  	[sflag:s14] =	ssyncset.done $0x0  }
0x82: {  	[sflag:s14] =	ssyncadd.s32 $0xFFFFFF80  }
0x83: {  	_ =	swait.ge [sflag:s14], $0x80  }
0x84: {  	[sflag:s14] =	ssyncset.done $0x0  }
0x85: {  	[sflag:s14] =	ssyncadd.s32 $0xFFFFFF80  }
0x86: {  	_ =	swait.ge [sflag:s14], $0x80  }
0x87: {  	[sflag:s14] =	ssyncset.done $0x0  }
0x88: {  	[sflag:s14] =	ssyncadd.s32 $0xFFFFFF80  }
0x89: {  	_ =	swait.ge [sflag:s14], $0x80  }
0x8a: {  	[sflag:s14] =	ssyncset.done $0x0  }
0x8b: {  	[sflag:s14] =	ssyncadd.s32 $0xFFFFFF80  }
0x8c: {  	_ =	swait.ge [sflag:s14], $0x80  }
0x8d: {  	[sflag:s14] =	ssyncset.done $0x0  }
0x8e: {  	[sflag:s14] =	ssyncadd.s32 $0xFFFFFF80  }
0x8f: {  	_ =	swait.ge [sflag:s14], $0x80  }
0x90: {  	[sflag:s14] =	ssyncset.done $0x0  }
0x91: {  	[sflag:s14] =	ssyncadd.s32 $0xFFFFFF80  }
0x92: {  	_ =	swait.ge [sflag:s14], $0x80  }
0x93: {  	[sflag:s14] =	ssyncset.done $0x0  }
0x94: {  	[sflag:s14] =	ssyncadd.s32 $0xFFFFFF80  }
0x95: {  	_ =	swait.ge [sflag:s14], $0x80  }
0x96: {  	s17 =	sadd.s32 $0x1, s17;
	[sflag:s14] =	ssyncset.done $0x0  }
0x97: {  	p0 =	sne.s32 s17, s8;
	[sflag:s14] =	ssyncadd.s32 $0xFFFFFF80  }
.Ltmp1:
0x98: {  	[bflag:$0x0] =	sbarrier.arrive $0xFFFF;
	(pc) =	sbr.rel @p0 .LBB2_1-.Ltmp1, $4  }
0x99: {  	[hbm:s7@s15], [sflag:s5] =	dma.strided [spmem:s9@s16], $0x50, s14, $0x10   }
0x9a: {  	_ =	swait.ge [sflag:s10], $0x50  }
0x9b: {  	[sflag:s10] =	ssyncset.done $0x0  }
0x9c: {  	[sflag:s10] =	ssyncadd.s32 $0xFFFFFFB0  }
0x9d: {  	_ =	sfence.sel $0x180000  }
0x9e: {  	[bflag:$0x0] =	sbarrier.arrive $0xFFFF  }
0x9f: {  	p0 =	sne.s32 s1, $0x0;
	_ =	strace $0x90000047  }
0xa0: {  	s0 =	sadd.s32 @!p0 $0x100000, s0;
	[bflag:$0x2] =	sbarrier.arrive $0xFFFF  }
0xa1: {  	[sflag:s0] =	ssyncadd.tile.s32 @!p0 $0x1;
	_ =	shalt  }
.Lfunc_end2:
_tile_overlayer_lowered:
.L_overlay_start_2:
0xa2: {  	(tag) =	ssettag $0x2  }
0xa3: {  	s0 =	rddreg [dreg:$0x0];
	s2 =	stileid.u32  }
0xa4: {  	s1 =	rddreg [dreg:$0x1];
	p0 =	sne.s32 s2, $0x0  }
0xa5: {  	s3 =	rddreg [dreg:$0x2];
	[bflag:$0x3] =	sbarrier.arrive $0xFFFF;
	s2 =	simm.s32 @!p0 $0x1C02  }
0xa6: {  	[timem:s3], [sflag:s2] =	dma.local @!p0 [hbm:s0], s1  }
0xa7: {  	s0 =	simm.s32 @!p0 $0x2  }
0xa8: {  	_ =	swait.ge @!p0 [sflag:s0], s1  }
0xa9: {  	s1 =	ssub.s32 @!p0 $0x0, s1;
	[sflag:s0] =	ssyncset.done @!p0 $0x0  }
0xaa: {  	[sflag:s0] =	ssyncadd.s32 @!p0 s1  }
0xab: {  	[bflag:$0x3] =	sbarrier.arrive $0xFFFF  }
0xac: {  	_ =	shalt  }

// kernel: kernel.13.cloned.1.call-start
scs
__scs_entry_jumppad:
0x0: {  	(pc) =	sbr.rel $0x88, $3  }
0x1: {  	(tag) =	ssettag $0x0;
	lr =	simm.s32 $0x1  }
0x2: {  	[smem:$0x3F99] =	sst lr;
	_ =	strace $0xD0000000  }
0x3: {  	_ = 	snop  }
0x4: {  	_ = 	snop  }
0x5: {  	_ = 	snop  }
0x6: {  	_ = 	snop  }
0x7: {  	_ = 	snop  }
__scs_overlays_trampoline_lowered:
0x8: {  	[smem:$0x3FA8] =	sst s0  }
0x9: {  	[smem:$0x3FA9] =	sst s1  }
0xa: {  	[smem:$0x3FAA] =	sst s2  }
0xb: {  	[smem:$0x3FAB] =	sst s3  }
0xc: {  	[smem:$0x3FAC] =	sst s4  }
0xd: {  	[smem:$0x3FAD] =	sst s5  }
0xe: {  	[smem:$0x3FAE] =	sst s6  }
0xf: {  	[smem:$0x3FAF] =	sst s7  }
0x10: {  	[smem:$0x3FB0] =	sst s8  }
0x11: {  	[smem:$0x3FB1] =	sst s9;
	s0 =	simm.s32 @!p0 $0x0  }
0x12: {  	s1 =	sld [smem:$0x3F97];
	s0 =	simm.s32 @p0 $0x1  }
0x13: {  	[smem:$0x3FB2] =	sst s0;
	s0 =	simm.s32 @!p1 $0x0  }
0x14: {  	s2 =	sld [smem:$0x3F96];
	s0 =	simm.s32 @p1 $0x1  }
0x15: {  	[smem:$0x3FB3] =	sst s0;
	s0 =	simm.s32 @!p2 $0x0  }
0x16: {  	s3 =	sld [smem:$0x3FDB];
	s0 =	simm.s32 @p2 $0x1  }
0x17: {  	s4 =	simm.s32 $0x1BF5;
	[smem:$0x3FB5] =	sst s0  }
0x18: {  	s0 =	sld [smem:$0x3F98];
	_ =	swait.ge [sflag:s4], $0x0  }
0x19: {  	s7 =	sld [smem:$0x3F99]  }
0x1a: {  	s8 =	sadd.s32 $0xFFFFE003, lr  }
0x1b: {  	s9 =	sadd.s32 $0xFFFFFEF7, lr;
	s5 =	simm.s32 $0xFFFFFFFF;
	p2 =	slt.u32 s8, $0xFFFFF086  }
0x1c: {  	p1 =	slt.u32 s9, $0xF7A;
	s5 =	simm.s32 @!p2 $0x0  }
0x1d: {  	s5 =	simm.s32 @p1 $0x1;
	p0 =	seq.s32 s7, s2  }
0x1e: {  	s7 =	smul.u32 @!p0 $0xF7A, s2;
	p2 =	seq.s32 @!p0 s5, $0x0  }
0x1f: {  	s9 =	smul.u32 $0xF7A, s1;
	s8 =	simm.s32 @!p0 $0x1BF5;
	p2 =	por !p2, p0  }
0x20: {  	[sflag:s8] =	ssyncset.s32 @!p0 $0xFFFFF086;
	s6 =	sadd.s32 @!p0 s3, s7;
	s7 =	simm.s32 @!p0 $0x108  }
0x21: {  	s3 =	sadd.s32 s3, s9;
	s6 =	sadd.s32 @!p0 $0x88, s6;
	s7 =	simm.s32 @p2 $0x1082  }
0x22: {  	[simem:s7], [sflag:s8] =	dma.local @!p0 [hbm:s6], $0xF7A  }
0x23: {  	s9 =	sor.u32 $0xD0000000, s2;
	s6 =	simm.s32 $0x108;
	_ =	swait.ge @!p0 [sflag:s8], $0x0  }
0x24: {  	s3 =	sadd.s32 $0x88, s3;
	s6 =	simm.s32 @!p1 $0x1082;
	[sflag:s4] =	ssyncset.s32 $0xFFFFF086  }
0x25: {  	[simem:s6], [sflag:s4] =	dma.local [hbm:s3], $0xF7A  }
0x26: {  	[smem:$0x3F99] =	sst s1;
	(tag) =	ssettag s2;
	_ =	strace s9  }
0x27: {  	s1 =	sld [smem:$0x3FA9]  }
0x28: {  	s2 =	sld [smem:$0x3FAA]  }
0x29: {  	s4 =	sld [smem:$0x3FAC]  }
0x2a: {  	p0 =	seq.s32 s5, $0x0;
	s5 =	sld [smem:$0x3FAD]  }
0x2b: {  	s6 =	sld [smem:$0x3FAE]  }
0x2c: {  	s7 =	sld [smem:$0x3FAF]  }
0x2d: {  	s3 =	simm.s32 $0x108;
	s8 =	sld [smem:$0x3FB0]  }
0x2e: {  	s3 =	simm.s32 @!p0 $0x1082;
	s9 =	sld [smem:$0x3FB1]  }
0x2f: {  	lr =	sadd.s32 s0, s3;
	s0 =	sld [smem:$0x3FA8]  }
0x30: {  	s3 =	sld [smem:$0x3FAB]  }
0x31: {  	[smem:$0x3FB4] =	sst s10  }
0x32: {  	s10 =	sld [smem:$0x3FB2];
	_ =	sdelay $0x3  }
0x33: {  	p0 =	seq.s32 s10, $0x1;
	s10 =	sld [smem:$0x3FB4];
	_ =	sdelay $0x3  }
0x34: {  	[smem:$0x3FB4] =	sst s10  }
0x35: {  	s10 =	sld [smem:$0x3FB3];
	_ =	sdelay $0x3  }
0x36: {  	p1 =	seq.s32 s10, $0x1;
	s10 =	sld [smem:$0x3FB4];
	_ =	sdelay $0x3  }
0x37: {  	[smem:$0x3FB4] =	sst s10  }
0x38: {  	s10 =	sld [smem:$0x3FB5]  }
0x39: {  	_ = 	snop;
	(pc) =	sbr.ind lr, $3  }
0x3a: {  	_ = 	snop  }
0x3b: {  	_ = 	snop  }
0x3c: {  	p2 =	seq.s32 s10, $0x1;
	s10 =	sld [smem:$0x3FB4]  }
0x3d: {  	_ =	shalt  }
0x3e: {  	_ =	shalt  }
0x3f: {  	_ =	shalt  }
0x40: {  	_ =	shalt  }
0x41: {  	_ =	shalt  }
0x42: {  	_ =	shalt  }
0x43: {  	_ =	shalt  }
0x44: {  	_ =	shalt  }
0x45: {  	_ =	shalt  }
0x46: {  	_ =	shalt  }
0x47: {  	_ =	shalt  }
0x48: {  	_ =	shalt  }
0x49: {  	_ =	shalt  }
0x4a: {  	_ =	shalt  }
0x4b: {  	_ =	shalt  }
0x4c: {  	_ =	shalt  }
0x4d: {  	_ =	shalt  }
0x4e: {  	_ =	shalt  }
0x4f: {  	_ =	shalt  }
0x50: {  	_ =	shalt  }
0x51: {  	_ =	shalt  }
0x52: {  	_ =	shalt  }
0x53: {  	_ =	shalt  }
0x54: {  	_ =	shalt  }
0x55: {  	_ =	shalt  }
0x56: {  	_ =	shalt  }
0x57: {  	_ =	shalt  }
0x58: {  	_ =	shalt  }
0x59: {  	_ =	shalt  }
0x5a: {  	_ =	shalt  }
0x5b: {  	_ =	shalt  }
0x5c: {  	_ =	shalt  }
0x5d: {  	_ =	shalt  }
0x5e: {  	_ =	shalt  }
0x5f: {  	_ =	shalt  }
0x60: {  	_ =	shalt  }
0x61: {  	_ =	shalt  }
0x62: {  	_ =	shalt  }
0x63: {  	_ =	shalt  }
0x64: {  	_ =	shalt  }
0x65: {  	_ =	shalt  }
0x66: {  	_ =	shalt  }
0x67: {  	_ =	shalt  }
0x68: {  	_ =	shalt  }
0x69: {  	_ =	shalt  }
0x6a: {  	_ =	shalt  }
0x6b: {  	_ =	shalt  }
0x6c: {  	_ =	shalt  }
0x6d: {  	_ =	shalt  }
0x6e: {  	_ =	shalt  }
0x6f: {  	_ =	shalt  }
0x70: {  	_ =	shalt  }
0x71: {  	_ =	shalt  }
0x72: {  	_ =	shalt  }
0x73: {  	_ =	shalt  }
0x74: {  	_ =	shalt  }
0x75: {  	_ =	shalt  }
0x76: {  	_ =	shalt  }
0x77: {  	_ =	shalt  }
0x78: {  	_ =	shalt  }
0x79: {  	_ =	shalt  }
0x7a: {  	_ =	shalt  }
0x7b: {  	_ =	shalt  }
0x7c: {  	_ =	shalt  }
0x7d: {  	_ =	shalt  }
0x7e: {  	_ =	shalt  }
0x7f: {  	_ =	shalt  }
0x80: {  	_ =	shalt  }
0x81: {  	_ =	shalt  }
0x82: {  	_ =	shalt  }
0x83: {  	_ =	shalt  }
0x84: {  	_ =	shalt  }
0x85: {  	_ =	shalt  }
0x86: {  	_ =	shalt  }
0x87: {  	_ =	shalt  }
.Lfunc_end0:
.L_simem_size_0:
called_computation.1_lowered:
.L_overlay_start_0:
0x88: {  	s2 =	sld [smem:$0x3FD9]  }
0x89: {  	s3 =	sld [smem:$0x3FFE];
	_ =	sdelay $0x1  }
0x8a: {  	s1 =	srdreg.scid  }
0x8b: {  	s0 =	sand.u32 $0x1, s1  }
0x8c: {  	s17 =	sshll.u32 s0, $0xA;
	s2 =	sadd.s32 s3, s2  }
0x8d: {  	s2 =	sadd.s32 s2, s17  }
0x8e: {  	[smem:$0x3FC0] =	sst s2  }
0x8f: {  	_ = 	snop  }
0x90: {  	s2 =	sld [smem:$0x3FD0];
	(tm) =	ssettm $0x1  }
0x91: {  	s18 =	sld [smem:$0x3FFB];
	_ =	sdelay $0x3  }
0x92: {  	_ =	strace s18  }
0x93: {  	s3 =	sld [smem:$0x3FFC];
	_ =	sdelay $0x3  }
0x94: {  	_ =	strace s3  }
0x95: {  	s3 =	sld [smem:$0x3FFD];
	_ =	sdelay $0x3  }
0x96: {  	_ =	strace s3  }
0x97: {  	_ =	strace $0x8FFFFFFF  }
0x98: {  	s19 =	sld [smem:$0x3FDB];
	_ =	sdelay $0x1  }
0x99: {  	s4 =	simm.s32 $_scs_section_size  }
0x9a: {  	s5 =	simm.s32 $_size__tile_overlayer_lowered;
	s6 =	simm.s32 $_tile_overlayer_lowered  }
0x9b: {  	s22 =	simm.s32 $0x1BFF;
	s21 =	sshll.u32 s6, $0x1;
	s3 =	sadd.s32 s4, s19  }
0x9c: {  	s7 =	simm.s32 $0x0;
	s20 =	sshll.u32 s5, $0x1;
	s5 =	sadd.s32 s21, s3  }
0x9d: {  	[timem:s7], [sflag:s22] =	dma.local [hbm:s5], s20  }
0x9e: {  	_ =	swait.ge [sflag:s22], s20  }
0x9f: {  	s4 =	ssub.s32 $0x0, s20;
	[sflag:s22] =	ssyncset.done $0x0  }
0xa0: {  	[sflag:s22] =	ssyncadd.s32 s4;
	_ =	sdelay $0x1  }
0xa1: {  	s23 =	simm.s32 $0x1B8B  }
0xa2: {  	_ =	swait.ge [sflag:s23], $0x1  }
0xa3: {  	[sflag:s23] =	ssyncset.done $0x0  }
0xa4: {  	s25 =	simm.s32 $0x1B8E;
	s24 =	sld [smem:$0x3FFE];
	[sflag:s23] =	ssyncadd.s32 $0xFFFFFFFF  }
0xa5: {  	s26 =	simm.s32 $execute0_lowered;
	[smem:$0x3FD2] =	sst s25  }
0xa6: {  	s5 =	sshll.u32 s26, $0x1;
	_ =	strace $0x80000049;
	[dreg:$0x1] =	wrdreg $0xFFFFFFFF  }
0xa7: {  	s28 =	simm.s32 $_size_execute0_lowered;
	s3 =	sadd.s32 s3, s5;
	[dreg:$0x0] =	wrdreg $0x0  }
0xa8: {  	s5 =	sshll.u32 s28, $0x1;
	[dreg:$0x2] =	wrdreg s3  }
0xa9: {  	[dreg:$0x3] =	wrdreg s5  }
0xaa: {  	[dreg:$0x4] =	wrdreg $0xC0  }
0xab: {  	_ =	task [dreg:s7], $0x5FFFF  }
0xac: {  	[dreg:$0x1] =	wrdreg $0xFFFFFFFF  }
0xad: {  	[dreg:$0x0] =	wrdreg $0x60  }
0xae: {  	[dreg:$0x2] =	wrdreg s24  }
0xaf: {  	[dreg:$0x3] =	wrdreg s2  }
0xb0: {  	[dreg:$0x4] =	wrdreg $0x0  }
0xb1: {  	[dreg:$0x5] =	wrdreg $0x9  }
0xb2: {  	_ =	task.clear_ibuf [dreg:s7], $0x6FFFF;
	_ =	strace $0x90000049  }
0xb3: {  	s29 =	simm.s32 $0x9;
	_ =	strace $0x8000004B  }
0xb4: {  	_ =	swait.ge [sflag:s29], $0x1  }
0xb5: {  	[sflag:s29] =	ssyncadd.s32 $0xFFFFFFFF  }
0xb6: {  	_ =	strace $0x9000004B  }
0xb7: {  	_ =	sfence  }
0xb8: {  	s30 =	sld [smem:$0x0];
	_ =	sdelay $0x2  }
0xb9: {  	s31 =	sshll.u32 s1, $0xD;
	s1 =	sshrl.u32 s1, $0x2  }
0xba: {  	s3 =	sand.u32 $0x4000, s31;
	s1 =	sadd.s32 s1, s30  }
0xbb: {  	s0 =	sor.u32 s3, s0;
	s1 =	sshll.u32 s1, $0x11  }
0xbc: {  	s0 =	sor.u32 s1, s0  }
0xbd: {  	s0 =	sadd.s32 $0x8F2B, s0  }
0xbe: {  	[sflag:s0] =	ssyncadd.remote.s32 $0x1  }
0xbf: {  	_ =	sfence.sel $0xFFFF  }
0xc0: {  	[dreg:$0x0] =	wrdreg $0xFFFFFFFF;
	(pc) =	sbr.abs _section_cstart, $3  }
0xc1: {  	[dreg:$0x1] =	wrdreg $0xFFFFFFFF  }
0xc2: {  	_ =	task.clear_ibuf [dreg:s7], $0x2FFFF;
	_ =	strace $0x9FFFFFFF  }
0xc3: {  	(tm) =	ssettm $0x7FFFFFFF  }
tec
execute0_lowered:
.L_overlay_start_1:
0x0: {  	(tag) =	ssettag $0x1  }
0x1: {  	s0 =	rddreg [dreg:$0x0]  }
0x2: {  	s1 =	rddreg [dreg:$0x1];
	s19 =	stileid.u32  }
0x3: {  	s3 =	srdreg.scid;
	s2 =	rddreg [dreg:$0x2];
	s20 =	simm.s32 $0x14000  }
0x4: {  	s21 =	simm.s32 $0x15400;
	s28 =	simm.s32 $0x2;
	s11 =	smul.u32 $0x2800, s19  }
0x5: {  	s29 =	simm.s32 $0x16700;
	s30 =	simm.s32 $0x16780;
	s6 =	smul.u32 $0x14000, s19  }
0x6: {  	s18 =	sand.u32 $0x1, s3;
	s3 =	simm.s32 $0x0;
	s8 =	smul.u32 $0x50000, s19  }
0x7: {  	s14 =	sadd.s32 $0x2A00, s0;
	s4 =	sadd.s32 $0xCA00, s0;
	s13 =	smul.u32 $0x500, s19  }
0x8: {  	s31 =	sshll.u32 s19, $0x6;
	s19 =	simm.s32 $0x3;
	s5 =	smul.u32 $0x140000, s18  }
0x9: {  	[smem:$0x7FF] =	sst s3;
	s22 =	ssub.s32 $0x2, s18;
	p0 =	sne.s32 s18, $0x0  }
0xa: {  	s18 =	sor.u32 $0x1C03, s31;
	_ =	strace $0x8000004A;
	s7 =	sadd.s32 s11, s0  }
0xb: {  	s23 =	sshrl.u32 s22, $0x1;
	s15 =	sshrl.u32 s11, $0x3;
	s24 =	sshrl.u32 s8, $0x2  }
0xc: {  	s11 =	sadd.s32 s4, s11;
	s12 =	sadd.s32 s14, s13;
	s13 =	sadd.s32 s1, s13  }
0xd: {  	s5 =	sadd.s32 s6, s5;
	s17 =	ssub.s32 s22, s23;
	s25 =	sadd.s32 $0x5000, s15  }
0xe: {  	s26 =	sadd.s32 $0x34A00, s7;
	s10 =	sadd.s32 $0x5280, s15;
	s15 =	sadd.s32 $0x280, s15  }
0xf: {  	s22 =	simm.s32 $0x80;
	s23 =	simm.s32 $0x16800;
	s5 =	sshrl.u32 s5, $0x3  }
.Ltmp0:
0x10: {  	[dreg:$0x4] =	wrdreg s26;
	s7 =	sadd.s32 s14, s25;
	(pc) =	sbr.rel .LBB2_1-.Ltmp0, $4  }
0x11: {  	s8 =	sadd.s32 s1, s25;
	s9 =	sadd.s32 s14, s10;
	s10 =	sadd.s32 s1, s10  }
0x12: {  	s14 =	sadd.s32 s14, s15;
	s15 =	sadd.s32 s1, s15;
	s17 =	smax.u32 s17, $0x1  }
0x13: {  	s25 =	simm.s32 $0x1A800;
	s26 =	simm.s32 $0x1;
	s0 =	sadd.s32 s5, s0  }
0x14: {  	s5 =	sadd.s32 s24, s2;
	s24 =	simm.s32 $0x14080;
	s16 =	sadd.s32 $0x5CA00, s0  }
.LBB2_11:
0x15: {  	[tilespmem:s25], [sflag:$0x2] =	stream.indirect.gather [hbm4b:s4+s22], $0x80, s0, s22, $0xb8;
	[tilespmem:$0x1E800] =	vst v63  }
.LBB2_12:
0x16: {  	_ =	swait.ge [sflag:s26], $0x4000  }
0x17: {  	[sflag:s26] =	ssyncset.done $0x0  }
0x18: {  	[sflag:s26] =	ssyncadd.s32 $0xFFFFC000  }
0x19: {  	[spmem:s2] =	stream.indirect.scatter.add.f32 [tilespmem:s23], [sflag:$0x3], $0x80, s29, s22, $0xb8;
	[tilespmem:$0x1E800] =	vst v63  }
0x1a: {  	_ =	swait.ge [sflag:s19], $0x4000  }
0x1b: {  	[sflag:s19] =	ssyncset.done $0x0  }
0x1c: {  	[sflag:s19] =	ssyncadd.s32 $0xFFFFC000  }
0x1d: {  	_ =	swait.ge [sflag:s28], $0x4000  }
0x1e: {  	[sflag:s28] =	ssyncset.done $0x0  }
0x1f: {  	[sflag:s28] =	ssyncadd.s32 $0xFFFFC000  }
0x20: {  	[spmem:s2] =	stream.indirect.scatter.add.f32 [tilespmem:s25], [sflag:$0x3], $0x80, s30, s22, $0xb8;
	[tilespmem:$0x1E800] =	vst v63  }
0x21: {  	_ =	swait.ge [sflag:s19], $0x4000  }
0x22: {  	s3 =	sadd.s32 $0x1, s3;
	[sflag:s19] =	ssyncset.done $0x0  }
0x23: {  	p1 =	sne.s32 s3, s17;
	[sflag:s19] =	ssyncadd.s32 $0xFFFFC000  }
.Ltmp1:
0x24: {  	[bflag:$0x0] =	sbarrier.arrive $0xFFFF;
	(pc) =	sbr.rel @!p1 .LBB2_13-.Ltmp1, $4  }
0x25: {  	[hbm:s16], [sflag:s18] =	dma.local [spmem:s31], $0x2800  }
0x26: {  	_ =	swait.ge [sflag:s19], $0x2800  }
0x27: {  	[sflag:s19] =	ssyncset.done $0x0  }
0x28: {  	[sflag:s19] =	ssyncadd.s32 $0xFFFFD800  }
.LBB2_1:
.Ltmp2:
0x29: {  	(pc) =	sbr.rel @p0 .LBB2_7-.Ltmp2, $2  }
0x2a: {  	_ =	sdelay $0x2  }
0x2b: {  	s31 =	sshrl.u32 s5, $0x3  }
0x2c: {  	[spmem:s31], [sflag:s18] =	dma.local [hbm:s11], $0x2800  }
0x2d: {  	_ =	swait.ge [sflag:s19], $0x2800  }
0x2e: {  	[sflag:s19] =	ssyncset.done $0x0  }
0x2f: {  	s0 =	simm.s32 $0x0;
	[sflag:s19] =	ssyncadd.s32 $0xFFFFD800  }
0x30: {  	[tilespmem:s20], [sflag:$0x3] =	stream.linear.gather [hbm4b:s12+s0], $0x1400, $0x38;
	[tilespmem:$0x1E800] =	vst v63  }
0x31: {  	_ =	swait.ge [sflag:s19], $0x1400  }
0x32: {  	[sflag:s19] =	ssyncset.done $0x0  }
0x33: {  	[sflag:s19] =	ssyncadd.s32 $0xFFFFEC00  }
0x34: {  	[tilespmem:s21], [sflag:$0x3] =	stream.linear.gather [hbm4b:s13+s0], $0x1400, $0x38;
	[tilespmem:$0x1E800] =	vst v63  }
0x35: {  	_ =	swait.ge [sflag:s19], $0x1400  }
0x36: {  	[sflag:s19] =	ssyncset.done $0x0  }
0x37: {  	[sflag:s19] =	ssyncadd.s32 $0xFFFFEC00  }
0x38: {  	[bflag:$0x0] =	sbarrier.arrive $0xFFFF  }
0x39: {  	[tilespmem:s23], [sflag:$0x1] =	stream.indirect.gather [hbm4b:s4+s22], $0x80, s20, s22, $0xb8;
	[tilespmem:$0x1E800] =	vst v63  }
0x3a: {  	_ = 	snop  }
0x3b: {  	[tilespmem:s25], [sflag:$0x2] =	stream.indirect.gather [hbm4b:s4+s22], $0x80, s24, s22, $0xb8;
	[tilespmem:$0x1E800] =	vst v63  }
0x3c: {  	_ =	swait.ge [sflag:s26], $0x4000  }
0x3d: {  	[sflag:s26] =	ssyncset.done $0x0  }
0x3e: {  	s6 =	simm.s32 $0x15400;
	[sflag:s26] =	ssyncadd.s32 $0xFFFFC000  }
0x3f: {  	[spmem:s2] =	stream.indirect.scatter.add.f32 [tilespmem:s23], [sflag:$0x3], $0x80, s6, s22, $0xb8;
	[tilespmem:$0x1E800] =	vst v63  }
0x40: {  	_ =	swait.ge [sflag:s19], $0x4000  }
0x41: {  	[sflag:s19] =	ssyncset.done $0x0  }
0x42: {  	s1 =	simm.s32 $0x14100;
	[sflag:s19] =	ssyncadd.s32 $0xFFFFC000  }
0x43: {  	[tilespmem:s23], [sflag:$0x1] =	stream.indirect.gather [hbm4b:s4+s22], $0x80, s1, s22, $0xb8;
	[tilespmem:$0x1E800] =	vst v63  }
0x44: {  	_ =	swait.ge [sflag:s28], $0x4000  }
0x45: {  	[sflag:s28] =	ssyncset.done $0x0  }
0x46: {  	s6 =	simm.s32 $0x15480;
	[sflag:s28] =	ssyncadd.s32 $0xFFFFC000  }
0x47: {  	[spmem:s2] =	stream.indirect.scatter.add.f32 [tilespmem:s25], [sflag:$0x3], $0x80, s6, s22, $0xb8;
	[tilespmem:$0x1E800] =	vst v63  }
0x48: {  	_ =	swait.ge [sflag:s19], $0x4000  }
0x49: {  	[sflag:s19] =	ssyncset.done $0x0  }
0x4a: {  	s0 =	simm.s32 $0x14180;
	s1 =	simm.s32 $0x400;
	[sflag:s19] =	ssyncadd.s32 $0xFFFFC000  }
.LBB2_3:
0x4b: {  	[tilespmem:s25], [sflag:$0x2] =	stream.indirect.gather [hbm4b:s4+s22], $0x80, s0, s22, $0xb8;
	[tilespmem:$0x1E800] =	vst v63  }
0x4c: {  	s0 =	smov.u32 s1  }
0x4d: {  	p1 =	sne.s32 s1, $0x4800;
	s1 =	sadd.s32 $0x400, s1;
	_ =	swait.ge [sflag:s26], $0x4000  }
0x4e: {  	s0 =	sshra.s32 s0, $0x2;
	[sflag:s26] =	ssyncset.done $0x0  }
0x4f: {  	s6 =	sadd.s32 $0x15400, s0;
	[sflag:s26] =	ssyncadd.s32 $0xFFFFC000  }
0x50: {  	[spmem:s2] =	stream.indirect.scatter.add.f32 [tilespmem:s23], [sflag:$0x3], $0x80, s6, s22, $0xb8;
	[tilespmem:$0x1E800] =	vst v63  }
0x51: {  	_ =	swait.ge [sflag:s19], $0x4000  }
0x52: {  	[sflag:s19] =	ssyncset.done $0x0  }
0x53: {  	s6 =	sadd.s32 $0x14100, s0;
	[sflag:s19] =	ssyncadd.s32 $0xFFFFC000  }
0x54: {  	[tilespmem:s23], [sflag:$0x1] =	stream.indirect.gather [hbm4b:s4+s22], $0x80, s6, s22, $0xb8;
	[tilespmem:$0x1E800] =	vst v63  }
0x55: {  	_ =	swait.ge [sflag:s28], $0x4000  }
0x56: {  	[sflag:s28] =	ssyncset.done $0x0  }
.Ltmp3:
0x57: {  	s6 =	sadd.s32 $0x15480, s0;
	[sflag:s28] =	ssyncadd.s32 $0xFFFFC000;
	(pc) =	sbr.rel @p1 .LBB2_3-.Ltmp3, $4  }
0x58: {  	[spmem:s2] =	stream.indirect.scatter.add.f32 [tilespmem:s25], [sflag:$0x3], $0x80, s6, s22, $0xb8;
	[tilespmem:$0x1E800] =	vst v63  }
0x59: {  	_ =	swait.ge [sflag:s19], $0x4000  }
0x5a: {  	[sflag:s19] =	ssyncset.done $0x0  }
0x5b: {  	s0 =	sadd.s32 $0x14180, s0;
	[sflag:s19] =	ssyncadd.s32 $0xFFFFC000  }
0x5c: {  	[tilespmem:s25], [sflag:$0x2] =	stream.indirect.gather [hbm4b:s4+s22], $0x80, s0, s22, $0xb8;
	[tilespmem:$0x1E800] =	vst v63  }
0x5d: {  	_ =	swait.ge [sflag:s26], $0x4000  }
0x5e: {  	[sflag:s26] =	ssyncset.done $0x0  }
0x5f: {  	[sflag:s26] =	ssyncadd.s32 $0xFFFFC000  }
0x60: {  	[spmem:s2] =	stream.indirect.scatter.add.f32 [tilespmem:s23], [sflag:$0x3], $0x80, s29, s22, $0xb8;
	[tilespmem:$0x1E800] =	vst v63  }
0x61: {  	_ =	swait.ge [sflag:s19], $0x4000  }
0x62: {  	[sflag:s19] =	ssyncset.done $0x0  }
0x63: {  	[sflag:s19] =	ssyncadd.s32 $0xFFFFC000  }
0x64: {  	_ =	swait.ge [sflag:s28], $0x4000  }
0x65: {  	[sflag:s28] =	ssyncset.done $0x0  }
0x66: {  	[sflag:s28] =	ssyncadd.s32 $0xFFFFC000  }
0x67: {  	[spmem:s2] =	stream.indirect.scatter.add.f32 [tilespmem:s25], [sflag:$0x3], $0x80, s30, s22, $0xb8;
	[tilespmem:$0x1E800] =	vst v63  }
0x68: {  	_ =	swait.ge [sflag:s19], $0x4000  }
0x69: {  	[sflag:s19] =	ssyncset.done $0x0  }
0x6a: {  	s1 =	simm.s32 $0x0;
	[sflag:s19] =	ssyncadd.s32 $0xFFFFC000  }
0x6b: {  	[tilespmem:s20], [sflag:$0x3] =	stream.linear.gather [hbm4b:s14+s1], $0x1400, $0x38;
	[tilespmem:$0x1E800] =	vst v63  }
0x6c: {  	_ =	swait.ge [sflag:s19], $0x1400  }
0x6d: {  	[sflag:s19] =	ssyncset.done $0x0  }
0x6e: {  	[sflag:s19] =	ssyncadd.s32 $0xFFFFEC00  }
0x6f: {  	[tilespmem:s21], [sflag:$0x3] =	stream.linear.gather [hbm4b:s15+s1], $0x1400, $0x38;
	[tilespmem:$0x1E800] =	vst v63  }
0x70: {  	_ =	swait.ge [sflag:s19], $0x1400  }
0x71: {  	[sflag:s19] =	ssyncset.done $0x0  }
0x72: {  	[sflag:s19] =	ssyncadd.s32 $0xFFFFEC00  }
0x73: {  	[tilespmem:s23], [sflag:$0x1] =	stream.indirect.gather [hbm4b:s4+s22], $0x80, s20, s22, $0xb8;
	[tilespmem:$0x1E800] =	vst v63  }
0x74: {  	_ = 	snop  }
0x75: {  	[tilespmem:s25], [sflag:$0x2] =	stream.indirect.gather [hbm4b:s4+s22], $0x80, s24, s22, $0xb8;
	[tilespmem:$0x1E800] =	vst v63  }
0x76: {  	_ =	swait.ge [sflag:s26], $0x4000  }
0x77: {  	[sflag:s26] =	ssyncset.done $0x0  }
0x78: {  	s6 =	simm.s32 $0x15400;
	[sflag:s26] =	ssyncadd.s32 $0xFFFFC000  }
0x79: {  	[spmem:s2] =	stream.indirect.scatter.add.f32 [tilespmem:s23], [sflag:$0x3], $0x80, s6, s22, $0xb8;
	[tilespmem:$0x1E800] =	vst v63  }
0x7a: {  	_ =	swait.ge [sflag:s19], $0x4000  }
0x7b: {  	[sflag:s19] =	ssyncset.done $0x0  }
0x7c: {  	s1 =	simm.s32 $0x14100;
	[sflag:s19] =	ssyncadd.s32 $0xFFFFC000  }
0x7d: {  	[tilespmem:s23], [sflag:$0x1] =	stream.indirect.gather [hbm4b:s4+s22], $0x80, s1, s22, $0xb8;
	[tilespmem:$0x1E800] =	vst v63  }
0x7e: {  	_ =	swait.ge [sflag:s28], $0x4000  }
0x7f: {  	[sflag:s28] =	ssyncset.done $0x0  }
0x80: {  	s6 =	simm.s32 $0x15480;
	[sflag:s28] =	ssyncadd.s32 $0xFFFFC000  }
0x81: {  	[spmem:s2] =	stream.indirect.scatter.add.f32 [tilespmem:s25], [sflag:$0x3], $0x80, s6, s22, $0xb8;
	[tilespmem:$0x1E800] =	vst v63  }
0x82: {  	_ =	swait.ge [sflag:s19], $0x4000  }
0x83: {  	[sflag:s19] =	ssyncset.done $0x0  }
0x84: {  	s0 =	simm.s32 $0x14180;
	s1 =	simm.s32 $0x400;
	[sflag:s19] =	ssyncadd.s32 $0xFFFFC000  }
.LBB2_5:
0x85: {  	[tilespmem:s25], [sflag:$0x2] =	stream.indirect.gather [hbm4b:s4+s22], $0x80, s0, s22, $0xb8;
	[tilespmem:$0x1E800] =	vst v63  }
0x86: {  	s0 =	smov.u32 s1  }
0x87: {  	p1 =	seq.s32 s1, $0x4800;
	s1 =	sadd.s32 $0x400, s1;
	_ =	swait.ge [sflag:s26], $0x4000  }
0x88: {  	s0 =	sshra.s32 s0, $0x2;
	[sflag:s26] =	ssyncset.done $0x0  }
0x89: {  	s6 =	sadd.s32 $0x15400, s0;
	[sflag:s26] =	ssyncadd.s32 $0xFFFFC000  }
0x8a: {  	[spmem:s2] =	stream.indirect.scatter.add.f32 [tilespmem:s23], [sflag:$0x3], $0x80, s6, s22, $0xb8;
	[tilespmem:$0x1E800] =	vst v63  }
0x8b: {  	_ =	swait.ge [sflag:s19], $0x4000  }
0x8c: {  	[sflag:s19] =	ssyncset.done $0x0  }
0x8d: {  	s6 =	sadd.s32 $0x14100, s0;
	[sflag:s19] =	ssyncadd.s32 $0xFFFFC000  }
0x8e: {  	[tilespmem:s23], [sflag:$0x1] =	stream.indirect.gather [hbm4b:s4+s22], $0x80, s6, s22, $0xb8;
	[tilespmem:$0x1E800] =	vst v63  }
0x8f: {  	_ =	swait.ge [sflag:s28], $0x4000  }
0x90: {  	[sflag:s28] =	ssyncset.done $0x0  }
.Ltmp4:
0x91: {  	s6 =	sadd.s32 $0x15480, s0;
	[sflag:s28] =	ssyncadd.s32 $0xFFFFC000;
	(pc) =	sbr.rel @!p1 .LBB2_5-.Ltmp4, $4  }
0x92: {  	[spmem:s2] =	stream.indirect.scatter.add.f32 [tilespmem:s25], [sflag:$0x3], $0x80, s6, s22, $0xb8;
	[tilespmem:$0x1E800] =	vst v63  }
0x93: {  	_ =	swait.ge [sflag:s19], $0x4000  }
0x94: {  	[sflag:s19] =	ssyncset.done $0x0  }
0x95: {  	s0 =	sadd.s32 $0x14180, s0;
	[sflag:s19] =	ssyncadd.s32 $0xFFFFC000  }
.Ltmp5:
0x96: {  	(pc) =	sbr.rel .LBB2_12-.Ltmp5, $2  }
0x97: {  	_ =	sdelay $0x2  }
0x98: {  	[tilespmem:s25], [sflag:$0x2] =	stream.indirect.gather [hbm4b:s4+s22], $0x80, s0, s22, $0xb8;
	[tilespmem:$0x1E800] =	vst v63  }
.LBB2_7:
0x99: {  	s0 =	rddreg [dreg:$0x4]  }
0x9a: {  	[spmem:s31], [sflag:s18] =	dma.local [hbm:s0], $0x2800  }
0x9b: {  	_ =	swait.ge [sflag:s19], $0x2800  }
0x9c: {  	[sflag:s19] =	ssyncset.done $0x0  }
0x9d: {  	s1 =	simm.s32 $0x0;
	[sflag:s19] =	ssyncadd.s32 $0xFFFFD800  }
0x9e: {  	[tilespmem:s20], [sflag:$0x3] =	stream.linear.gather [hbm4b:s7+s1], $0x1400, $0x38;
	[tilespmem:$0x1E800] =	vst v63  }
0x9f: {  	_ =	swait.ge [sflag:s19], $0x1400  }
0xa0: {  	[sflag:s19] =	ssyncset.done $0x0  }
0xa1: {  	[sflag:s19] =	ssyncadd.s32 $0xFFFFEC00  }
0xa2: {  	[tilespmem:s21], [sflag:$0x3] =	stream.linear.gather [hbm4b:s8+s1], $0x1400, $0x38;
	[tilespmem:$0x1E800] =	vst v63  }
0xa3: {  	_ =	swait.ge [sflag:s19], $0x1400  }
0xa4: {  	[sflag:s19] =	ssyncset.done $0x0  }
0xa5: {  	[sflag:s19] =	ssyncadd.s32 $0xFFFFEC00  }
0xa6: {  	[bflag:$0x0] =	sbarrier.arrive $0xFFFF  }
0xa7: {  	[tilespmem:s23], [sflag:$0x1] =	stream.indirect.gather [hbm4b:s4+s22], $0x80, s20, s22, $0xb8;
	[tilespmem:$0x1E800] =	vst v63  }
0xa8: {  	_ = 	snop  }
0xa9: {  	[tilespmem:s25], [sflag:$0x2] =	stream.indirect.gather [hbm4b:s4+s22], $0x80, s24, s22, $0xb8;
	[tilespmem:$0x1E800] =	vst v63  }
0xaa: {  	_ =	swait.ge [sflag:s26], $0x4000  }
0xab: {  	[sflag:s26] =	ssyncset.done $0x0  }
0xac: {  	s6 =	simm.s32 $0x15400;
	[sflag:s26] =	ssyncadd.s32 $0xFFFFC000  }
0xad: {  	[spmem:s2] =	stream.indirect.scatter.add.f32 [tilespmem:s23], [sflag:$0x3], $0x80, s6, s22, $0xb8;
	[tilespmem:$0x1E800] =	vst v63  }
0xae: {  	_ =	swait.ge [sflag:s19], $0x4000  }
0xaf: {  	[sflag:s19] =	ssyncset.done $0x0  }
0xb0: {  	s1 =	simm.s32 $0x14100;
	[sflag:s19] =	ssyncadd.s32 $0xFFFFC000  }
0xb1: {  	[tilespmem:s23], [sflag:$0x1] =	stream.indirect.gather [hbm4b:s4+s22], $0x80, s1, s22, $0xb8;
	[tilespmem:$0x1E800] =	vst v63  }
0xb2: {  	_ =	swait.ge [sflag:s28], $0x4000  }
0xb3: {  	[sflag:s28] =	ssyncset.done $0x0  }
0xb4: {  	s6 =	simm.s32 $0x15480;
	[sflag:s28] =	ssyncadd.s32 $0xFFFFC000  }
0xb5: {  	[spmem:s2] =	stream.indirect.scatter.add.f32 [tilespmem:s25], [sflag:$0x3], $0x80, s6, s22, $0xb8;
	[tilespmem:$0x1E800] =	vst v63  }
0xb6: {  	_ =	swait.ge [sflag:s19], $0x4000  }
0xb7: {  	[sflag:s19] =	ssyncset.done $0x0  }
0xb8: {  	s0 =	simm.s32 $0x14180;
	s1 =	simm.s32 $0x400;
	[sflag:s19] =	ssyncadd.s32 $0xFFFFC000  }
.LBB2_8:
0xb9: {  	[tilespmem:s25], [sflag:$0x2] =	stream.indirect.gather [hbm4b:s4+s22], $0x80, s0, s22, $0xb8;
	[tilespmem:$0x1E800] =	vst v63  }
0xba: {  	s0 =	smov.u32 s1  }
0xbb: {  	p1 =	sne.s32 s1, $0x4800;
	s1 =	sadd.s32 $0x400, s1;
	_ =	swait.ge [sflag:s26], $0x4000  }
0xbc: {  	s0 =	sshra.s32 s0, $0x2;
	[sflag:s26] =	ssyncset.done $0x0  }
0xbd: {  	s6 =	sadd.s32 $0x15400, s0;
	[sflag:s26] =	ssyncadd.s32 $0xFFFFC000  }
0xbe: {  	[spmem:s2] =	stream.indirect.scatter.add.f32 [tilespmem:s23], [sflag:$0x3], $0x80, s6, s22, $0xb8;
	[tilespmem:$0x1E800] =	vst v63  }
0xbf: {  	_ =	swait.ge [sflag:s19], $0x4000  }
0xc0: {  	[sflag:s19] =	ssyncset.done $0x0  }
0xc1: {  	s6 =	sadd.s32 $0x14100, s0;
	[sflag:s19] =	ssyncadd.s32 $0xFFFFC000  }
0xc2: {  	[tilespmem:s23], [sflag:$0x1] =	stream.indirect.gather [hbm4b:s4+s22], $0x80, s6, s22, $0xb8;
	[tilespmem:$0x1E800] =	vst v63  }
0xc3: {  	_ =	swait.ge [sflag:s28], $0x4000  }
0xc4: {  	[sflag:s28] =	ssyncset.done $0x0  }
.Ltmp6:
0xc5: {  	s6 =	sadd.s32 $0x15480, s0;
	[sflag:s28] =	ssyncadd.s32 $0xFFFFC000;
	(pc) =	sbr.rel @p1 .LBB2_8-.Ltmp6, $4  }
0xc6: {  	[spmem:s2] =	stream.indirect.scatter.add.f32 [tilespmem:s25], [sflag:$0x3], $0x80, s6, s22, $0xb8;
	[tilespmem:$0x1E800] =	vst v63  }
0xc7: {  	_ =	swait.ge [sflag:s19], $0x4000  }
0xc8: {  	[sflag:s19] =	ssyncset.done $0x0  }
0xc9: {  	s0 =	sadd.s32 $0x14180, s0;
	[sflag:s19] =	ssyncadd.s32 $0xFFFFC000  }
0xca: {  	[tilespmem:s25], [sflag:$0x2] =	stream.indirect.gather [hbm4b:s4+s22], $0x80, s0, s22, $0xb8;
	[tilespmem:$0x1E800] =	vst v63  }
0xcb: {  	_ =	swait.ge [sflag:s26], $0x4000  }
0xcc: {  	[sflag:s26] =	ssyncset.done $0x0  }
0xcd: {  	[sflag:s26] =	ssyncadd.s32 $0xFFFFC000  }
0xce: {  	[spmem:s2] =	stream.indirect.scatter.add.f32 [tilespmem:s23], [sflag:$0x3], $0x80, s29, s22, $0xb8;
	[tilespmem:$0x1E800] =	vst v63  }
0xcf: {  	_ =	swait.ge [sflag:s19], $0x4000  }
0xd0: {  	[sflag:s19] =	ssyncset.done $0x0  }
0xd1: {  	[sflag:s19] =	ssyncadd.s32 $0xFFFFC000  }
0xd2: {  	_ =	swait.ge [sflag:s28], $0x4000  }
0xd3: {  	[sflag:s28] =	ssyncset.done $0x0  }
0xd4: {  	[sflag:s28] =	ssyncadd.s32 $0xFFFFC000  }
0xd5: {  	[spmem:s2] =	stream.indirect.scatter.add.f32 [tilespmem:s25], [sflag:$0x3], $0x80, s30, s22, $0xb8;
	[tilespmem:$0x1E800] =	vst v63  }
0xd6: {  	_ =	swait.ge [sflag:s19], $0x4000  }
0xd7: {  	[sflag:s19] =	ssyncset.done $0x0  }
0xd8: {  	s1 =	simm.s32 $0x0;
	[sflag:s19] =	ssyncadd.s32 $0xFFFFC000  }
0xd9: {  	[tilespmem:s20], [sflag:$0x3] =	stream.linear.gather [hbm4b:s9+s1], $0x1400, $0x38;
	[tilespmem:$0x1E800] =	vst v63  }
0xda: {  	_ =	swait.ge [sflag:s19], $0x1400  }
0xdb: {  	[sflag:s19] =	ssyncset.done $0x0  }
0xdc: {  	[sflag:s19] =	ssyncadd.s32 $0xFFFFEC00  }
0xdd: {  	[tilespmem:s21], [sflag:$0x3] =	stream.linear.gather [hbm4b:s10+s1], $0x1400, $0x38;
	[tilespmem:$0x1E800] =	vst v63  }
0xde: {  	_ =	swait.ge [sflag:s19], $0x1400  }
0xdf: {  	[sflag:s19] =	ssyncset.done $0x0  }
0xe0: {  	[sflag:s19] =	ssyncadd.s32 $0xFFFFEC00  }
0xe1: {  	[tilespmem:s23], [sflag:$0x1] =	stream.indirect.gather [hbm4b:s4+s22], $0x80, s20, s22, $0xb8;
	[tilespmem:$0x1E800] =	vst v63  }
0xe2: {  	_ = 	snop  }
0xe3: {  	[tilespmem:s25], [sflag:$0x2] =	stream.indirect.gather [hbm4b:s4+s22], $0x80, s24, s22, $0xb8;
	[tilespmem:$0x1E800] =	vst v63  }
0xe4: {  	_ =	swait.ge [sflag:s26], $0x4000  }
0xe5: {  	[sflag:s26] =	ssyncset.done $0x0  }
0xe6: {  	s6 =	simm.s32 $0x15400;
	[sflag:s26] =	ssyncadd.s32 $0xFFFFC000  }
0xe7: {  	[spmem:s2] =	stream.indirect.scatter.add.f32 [tilespmem:s23], [sflag:$0x3], $0x80, s6, s22, $0xb8;
	[tilespmem:$0x1E800] =	vst v63  }
0xe8: {  	_ =	swait.ge [sflag:s19], $0x4000  }
0xe9: {  	[sflag:s19] =	ssyncset.done $0x0  }
0xea: {  	s1 =	simm.s32 $0x14100;
	[sflag:s19] =	ssyncadd.s32 $0xFFFFC000  }
0xeb: {  	[tilespmem:s23], [sflag:$0x1] =	stream.indirect.gather [hbm4b:s4+s22], $0x80, s1, s22, $0xb8;
	[tilespmem:$0x1E800] =	vst v63  }
0xec: {  	_ =	swait.ge [sflag:s28], $0x4000  }
0xed: {  	[sflag:s28] =	ssyncset.done $0x0  }
0xee: {  	s6 =	simm.s32 $0x15480;
	[sflag:s28] =	ssyncadd.s32 $0xFFFFC000  }
0xef: {  	[spmem:s2] =	stream.indirect.scatter.add.f32 [tilespmem:s25], [sflag:$0x3], $0x80, s6, s22, $0xb8;
	[tilespmem:$0x1E800] =	vst v63  }
0xf0: {  	_ =	swait.ge [sflag:s19], $0x4000  }
0xf1: {  	[sflag:s19] =	ssyncset.done $0x0  }
0xf2: {  	s0 =	simm.s32 $0x14180;
	s1 =	simm.s32 $0x400;
	[sflag:s19] =	ssyncadd.s32 $0xFFFFC000  }
.LBB2_10:
0xf3: {  	[tilespmem:s25], [sflag:$0x2] =	stream.indirect.gather [hbm4b:s4+s22], $0x80, s0, s22, $0xb8;
	[tilespmem:$0x1E800] =	vst v63  }
0xf4: {  	s0 =	smov.u32 s1  }
0xf5: {  	p1 =	sne.s32 s1, $0x4800;
	s1 =	sadd.s32 $0x400, s1;
	_ =	swait.ge [sflag:s26], $0x4000  }
0xf6: {  	s0 =	sshra.s32 s0, $0x2;
	[sflag:s26] =	ssyncset.done $0x0  }
0xf7: {  	s6 =	sadd.s32 $0x15400, s0;
	[sflag:s26] =	ssyncadd.s32 $0xFFFFC000  }
0xf8: {  	[spmem:s2] =	stream.indirect.scatter.add.f32 [tilespmem:s23], [sflag:$0x3], $0x80, s6, s22, $0xb8;
	[tilespmem:$0x1E800] =	vst v63  }
0xf9: {  	_ =	swait.ge [sflag:s19], $0x4000  }
0xfa: {  	[sflag:s19] =	ssyncset.done $0x0  }
0xfb: {  	s6 =	sadd.s32 $0x14100, s0;
	[sflag:s19] =	ssyncadd.s32 $0xFFFFC000  }
0xfc: {  	[tilespmem:s23], [sflag:$0x1] =	stream.indirect.gather [hbm4b:s4+s22], $0x80, s6, s22, $0xb8;
	[tilespmem:$0x1E800] =	vst v63  }
0xfd: {  	_ =	swait.ge [sflag:s28], $0x4000  }
0xfe: {  	[sflag:s28] =	ssyncset.done $0x0  }
.Ltmp7:
0xff: {  	s6 =	sadd.s32 $0x15480, s0;
	[sflag:s28] =	ssyncadd.s32 $0xFFFFC000;
	(pc) =	sbr.rel @p1 .LBB2_10-.Ltmp7, $4  }
0x100: {  	[spmem:s2] =	stream.indirect.scatter.add.f32 [tilespmem:s25], [sflag:$0x3], $0x80, s6, s22, $0xb8;
	[tilespmem:$0x1E800] =	vst v63  }
0x101: {  	_ =	swait.ge [sflag:s19], $0x4000  }
0x102: {  	[sflag:s19] =	ssyncset.done $0x0  }
0x103: {  	s0 =	sadd.s32 $0x14180, s0;
	[sflag:s19] =	ssyncadd.s32 $0xFFFFC000  }
.Ltmp8:
0x104: {  	_ = 	snop;
	(pc) =	sbr.rel .LBB2_11-.Ltmp8, $1  }
0x105: {  	_ =	sdelay $0x3  }
.LBB2_13:
0x106: {  	_ =	sfence.sel $0x180000  }
0x107: {  	[bflag:$0x0] =	sbarrier.arrive $0xFFFF  }
0x108: {  	_ =	strace $0x9000004A  }
0x109: {  	s0 =	stileid.u32;
	[bflag:$0x2] =	sbarrier.arrive $0xFFFF  }
0x10a: {  	p0 =	sne.s32 s0, $0x0;
	s0 =	rddreg [dreg:$0x3]  }
0x10b: {  	s0 =	sadd.s32 @!p0 $0x100000, s0  }
0x10c: {  	[sflag:s0] =	ssyncadd.tile.s32 @!p0 $0x1;
	_ =	shalt  }
.Lfunc_end2:
_tile_overlayer_lowered:
.L_overlay_start_2:
0x10d: {  	(tag) =	ssettag $0x2  }
0x10e: {  	s0 =	rddreg [dreg:$0x0];
	s2 =	stileid.u32  }
0x10f: {  	s1 =	rddreg [dreg:$0x1];
	p0 =	sne.s32 s2, $0x0  }
0x110: {  	s3 =	rddreg [dreg:$0x2];
	[bflag:$0x3] =	sbarrier.arrive $0xFFFF;
	s2 =	simm.s32 @!p0 $0x1C03  }
0x111: {  	[timem:s3], [sflag:s2] =	dma.local @!p0 [hbm:s0], s1  }
0x112: {  	s0 =	simm.s32 @!p0 $0x3  }
0x113: {  	_ =	swait.ge @!p0 [sflag:s0], s1  }
0x114: {  	s1 =	ssub.s32 @!p0 $0x0, s1;
	[sflag:s0] =	ssyncset.done @!p0 $0x0  }
0x115: {  	[sflag:s0] =	ssyncadd.s32 @!p0 s1  }
0x116: {  	[bflag:$0x3] =	sbarrier.arrive $0xFFFF  }
0x117: {  	_ =	shalt  }

// kernel: kernel.16.cloned.1.call-start
scs
__scs_entry_jumppad:
0x0: {  	(pc) =	sbr.rel $0x88, $3  }
0x1: {  	(tag) =	ssettag $0x0;
	lr =	simm.s32 $0x1  }
0x2: {  	[smem:$0x3F99] =	sst lr;
	_ =	strace $0xD0000000  }
0x3: {  	_ = 	snop  }
0x4: {  	_ = 	snop  }
0x5: {  	_ = 	snop  }
0x6: {  	_ = 	snop  }
0x7: {  	_ = 	snop  }
__scs_overlays_trampoline_lowered:
0x8: {  	[smem:$0x3FA8] =	sst s0  }
0x9: {  	[smem:$0x3FA9] =	sst s1  }
0xa: {  	[smem:$0x3FAA] =	sst s2  }
0xb: {  	[smem:$0x3FAB] =	sst s3  }
0xc: {  	[smem:$0x3FAC] =	sst s4  }
0xd: {  	[smem:$0x3FAD] =	sst s5  }
0xe: {  	[smem:$0x3FAE] =	sst s6  }
0xf: {  	[smem:$0x3FAF] =	sst s7  }
0x10: {  	[smem:$0x3FB0] =	sst s8  }
0x11: {  	[smem:$0x3FB1] =	sst s9;
	s0 =	simm.s32 @!p0 $0x0  }
0x12: {  	s1 =	sld [smem:$0x3F97];
	s0 =	simm.s32 @p0 $0x1  }
0x13: {  	[smem:$0x3FB2] =	sst s0;
	s0 =	simm.s32 @!p1 $0x0  }
0x14: {  	s2 =	sld [smem:$0x3F96];
	s0 =	simm.s32 @p1 $0x1  }
0x15: {  	[smem:$0x3FB3] =	sst s0;
	s0 =	simm.s32 @!p2 $0x0  }
0x16: {  	s3 =	sld [smem:$0x3FDB];
	s0 =	simm.s32 @p2 $0x1  }
0x17: {  	s4 =	simm.s32 $0x1BF5;
	[smem:$0x3FB5] =	sst s0  }
0x18: {  	s0 =	sld [smem:$0x3F98];
	_ =	swait.ge [sflag:s4], $0x0  }
0x19: {  	s7 =	sld [smem:$0x3F99]  }
0x1a: {  	s8 =	sadd.s32 $0xFFFFE003, lr  }
0x1b: {  	s9 =	sadd.s32 $0xFFFFFEF7, lr;
	s5 =	simm.s32 $0xFFFFFFFF;
	p2 =	slt.u32 s8, $0xFFFFF086  }
0x1c: {  	p1 =	slt.u32 s9, $0xF7A;
	s5 =	simm.s32 @!p2 $0x0  }
0x1d: {  	s5 =	simm.s32 @p1 $0x1;
	p0 =	seq.s32 s7, s2  }
0x1e: {  	s7 =	smul.u32 @!p0 $0xF7A, s2;
	p2 =	seq.s32 @!p0 s5, $0x0  }
0x1f: {  	s9 =	smul.u32 $0xF7A, s1;
	s8 =	simm.s32 @!p0 $0x1BF5;
	p2 =	por !p2, p0  }
0x20: {  	[sflag:s8] =	ssyncset.s32 @!p0 $0xFFFFF086;
	s6 =	sadd.s32 @!p0 s3, s7;
	s7 =	simm.s32 @!p0 $0x108  }
0x21: {  	s3 =	sadd.s32 s3, s9;
	s6 =	sadd.s32 @!p0 $0x88, s6;
	s7 =	simm.s32 @p2 $0x1082  }
0x22: {  	[simem:s7], [sflag:s8] =	dma.local @!p0 [hbm:s6], $0xF7A  }
0x23: {  	s9 =	sor.u32 $0xD0000000, s2;
	s6 =	simm.s32 $0x108;
	_ =	swait.ge @!p0 [sflag:s8], $0x0  }
0x24: {  	s3 =	sadd.s32 $0x88, s3;
	s6 =	simm.s32 @!p1 $0x1082;
	[sflag:s4] =	ssyncset.s32 $0xFFFFF086  }
0x25: {  	[simem:s6], [sflag:s4] =	dma.local [hbm:s3], $0xF7A  }
0x26: {  	[smem:$0x3F99] =	sst s1;
	(tag) =	ssettag s2;
	_ =	strace s9  }
0x27: {  	s1 =	sld [smem:$0x3FA9]  }
0x28: {  	s2 =	sld [smem:$0x3FAA]  }
0x29: {  	s4 =	sld [smem:$0x3FAC]  }
0x2a: {  	p0 =	seq.s32 s5, $0x0;
	s5 =	sld [smem:$0x3FAD]  }
0x2b: {  	s6 =	sld [smem:$0x3FAE]  }
0x2c: {  	s7 =	sld [smem:$0x3FAF]  }
0x2d: {  	s3 =	simm.s32 $0x108;
	s8 =	sld [smem:$0x3FB0]  }
0x2e: {  	s3 =	simm.s32 @!p0 $0x1082;
	s9 =	sld [smem:$0x3FB1]  }
0x2f: {  	lr =	sadd.s32 s0, s3;
	s0 =	sld [smem:$0x3FA8]  }
0x30: {  	s3 =	sld [smem:$0x3FAB]  }
0x31: {  	[smem:$0x3FB4] =	sst s10  }
0x32: {  	s10 =	sld [smem:$0x3FB2];
	_ =	sdelay $0x3  }
0x33: {  	p0 =	seq.s32 s10, $0x1;
	s10 =	sld [smem:$0x3FB4];
	_ =	sdelay $0x3  }
0x34: {  	[smem:$0x3FB4] =	sst s10  }
0x35: {  	s10 =	sld [smem:$0x3FB3];
	_ =	sdelay $0x3  }
0x36: {  	p1 =	seq.s32 s10, $0x1;
	s10 =	sld [smem:$0x3FB4];
	_ =	sdelay $0x3  }
0x37: {  	[smem:$0x3FB4] =	sst s10  }
0x38: {  	s10 =	sld [smem:$0x3FB5]  }
0x39: {  	_ = 	snop;
	(pc) =	sbr.ind lr, $3  }
0x3a: {  	_ = 	snop  }
0x3b: {  	_ = 	snop  }
0x3c: {  	p2 =	seq.s32 s10, $0x1;
	s10 =	sld [smem:$0x3FB4]  }
0x3d: {  	_ =	shalt  }
0x3e: {  	_ =	shalt  }
0x3f: {  	_ =	shalt  }
0x40: {  	_ =	shalt  }
0x41: {  	_ =	shalt  }
0x42: {  	_ =	shalt  }
0x43: {  	_ =	shalt  }
0x44: {  	_ =	shalt  }
0x45: {  	_ =	shalt  }
0x46: {  	_ =	shalt  }
0x47: {  	_ =	shalt  }
0x48: {  	_ =	shalt  }
0x49: {  	_ =	shalt  }
0x4a: {  	_ =	shalt  }
0x4b: {  	_ =	shalt  }
0x4c: {  	_ =	shalt  }
0x4d: {  	_ =	shalt  }
0x4e: {  	_ =	shalt  }
0x4f: {  	_ =	shalt  }
0x50: {  	_ =	shalt  }
0x51: {  	_ =	shalt  }
0x52: {  	_ =	shalt  }
0x53: {  	_ =	shalt  }
0x54: {  	_ =	shalt  }
0x55: {  	_ =	shalt  }
0x56: {  	_ =	shalt  }
0x57: {  	_ =	shalt  }
0x58: {  	_ =	shalt  }
0x59: {  	_ =	shalt  }
0x5a: {  	_ =	shalt  }
0x5b: {  	_ =	shalt  }
0x5c: {  	_ =	shalt  }
0x5d: {  	_ =	shalt  }
0x5e: {  	_ =	shalt  }
0x5f: {  	_ =	shalt  }
0x60: {  	_ =	shalt  }
0x61: {  	_ =	shalt  }
0x62: {  	_ =	shalt  }
0x63: {  	_ =	shalt  }
0x64: {  	_ =	shalt  }
0x65: {  	_ =	shalt  }
0x66: {  	_ =	shalt  }
0x67: {  	_ =	shalt  }
0x68: {  	_ =	shalt  }
0x69: {  	_ =	shalt  }
0x6a: {  	_ =	shalt  }
0x6b: {  	_ =	shalt  }
0x6c: {  	_ =	shalt  }
0x6d: {  	_ =	shalt  }
0x6e: {  	_ =	shalt  }
0x6f: {  	_ =	shalt  }
0x70: {  	_ =	shalt  }
0x71: {  	_ =	shalt  }
0x72: {  	_ =	shalt  }
0x73: {  	_ =	shalt  }
0x74: {  	_ =	shalt  }
0x75: {  	_ =	shalt  }
0x76: {  	_ =	shalt  }
0x77: {  	_ =	shalt  }
0x78: {  	_ =	shalt  }
0x79: {  	_ =	shalt  }
0x7a: {  	_ =	shalt  }
0x7b: {  	_ =	shalt  }
0x7c: {  	_ =	shalt  }
0x7d: {  	_ =	shalt  }
0x7e: {  	_ =	shalt  }
0x7f: {  	_ =	shalt  }
0x80: {  	_ =	shalt  }
0x81: {  	_ =	shalt  }
0x82: {  	_ =	shalt  }
0x83: {  	_ =	shalt  }
0x84: {  	_ =	shalt  }
0x85: {  	_ =	shalt  }
0x86: {  	_ =	shalt  }
0x87: {  	_ =	shalt  }
.Lfunc_end0:
.L_simem_size_0:
called_computation.2_lowered:
.L_overlay_start_0:
0x88: {  	s2 =	sld [smem:$0x3FD9]  }
0x89: {  	s3 =	sld [smem:$0x3FFE];
	_ =	sdelay $0x1  }
0x8a: {  	s1 =	srdreg.scid  }
0x8b: {  	s0 =	sand.u32 $0x1, s1  }
0x8c: {  	s17 =	sshll.u32 s0, $0xA;
	s2 =	sadd.s32 s3, s2  }
0x8d: {  	s2 =	sadd.s32 s2, s17  }
0x8e: {  	[smem:$0x3FC0] =	sst s2  }
0x8f: {  	_ = 	snop  }
0x90: {  	s2 =	sld [smem:$0x3FD0];
	(tm) =	ssettm $0x1  }
0x91: {  	s18 =	sld [smem:$0x3FFB];
	_ =	sdelay $0x3  }
0x92: {  	_ =	strace s18  }
0x93: {  	s3 =	sld [smem:$0x3FFC];
	_ =	sdelay $0x3  }
0x94: {  	_ =	strace s3  }
0x95: {  	s3 =	sld [smem:$0x3FFD];
	_ =	sdelay $0x3  }
0x96: {  	_ =	strace s3  }
0x97: {  	_ =	strace $0x8FFFFFFF  }
0x98: {  	s19 =	sld [smem:$0x3FDB];
	_ =	sdelay $0x1  }
0x99: {  	s4 =	simm.s32 $_scs_section_size  }
0x9a: {  	s5 =	simm.s32 $_size__tile_overlayer_lowered;
	s6 =	simm.s32 $_tile_overlayer_lowered  }
0x9b: {  	s22 =	simm.s32 $0x1BFF;
	s21 =	sshll.u32 s6, $0x1;
	s3 =	sadd.s32 s4, s19  }
0x9c: {  	s7 =	simm.s32 $0x0;
	s20 =	sshll.u32 s5, $0x1;
	s5 =	sadd.s32 s21, s3  }
0x9d: {  	[timem:s7], [sflag:s22] =	dma.local [hbm:s5], s20  }
0x9e: {  	_ =	swait.ge [sflag:s22], s20  }
0x9f: {  	s4 =	ssub.s32 $0x0, s20;
	[sflag:s22] =	ssyncset.done $0x0  }
0xa0: {  	[sflag:s22] =	ssyncadd.s32 s4;
	_ =	sdelay $0x1  }
0xa1: {  	s23 =	simm.s32 $0x1B8B  }
0xa2: {  	_ =	swait.ge [sflag:s23], $0x1  }
0xa3: {  	[sflag:s23] =	ssyncset.done $0x0  }
0xa4: {  	s25 =	simm.s32 $0x1B8E;
	s24 =	sld [smem:$0x3FFE];
	[sflag:s23] =	ssyncadd.s32 $0xFFFFFFFF  }
0xa5: {  	s26 =	simm.s32 $execute0_lowered;
	[smem:$0x3FD2] =	sst s25  }
0xa6: {  	s5 =	sshll.u32 s26, $0x1;
	_ =	strace $0x8000004C;
	[dreg:$0x1] =	wrdreg $0xFFFFFFFF  }
0xa7: {  	s28 =	simm.s32 $_size_execute0_lowered;
	s3 =	sadd.s32 s3, s5;
	[dreg:$0x0] =	wrdreg $0x0  }
0xa8: {  	s5 =	sshll.u32 s28, $0x1;
	[dreg:$0x2] =	wrdreg s3  }
0xa9: {  	[dreg:$0x3] =	wrdreg s5  }
0xaa: {  	[dreg:$0x4] =	wrdreg $0xC0  }
0xab: {  	_ =	task [dreg:s7], $0x5FFFF  }
0xac: {  	[dreg:$0x1] =	wrdreg $0xFFFFFFFF  }
0xad: {  	[dreg:$0x0] =	wrdreg $0x60  }
0xae: {  	[dreg:$0x2] =	wrdreg s24  }
0xaf: {  	[dreg:$0x3] =	wrdreg s2  }
0xb0: {  	[dreg:$0x4] =	wrdreg $0x0  }
0xb1: {  	[dreg:$0x5] =	wrdreg $0x9  }
0xb2: {  	_ =	task.clear_ibuf [dreg:s7], $0x6FFFF;
	_ =	strace $0x9000004C  }
0xb3: {  	s29 =	simm.s32 $0x9;
	_ =	strace $0x8000004E  }
0xb4: {  	_ =	swait.ge [sflag:s29], $0x1  }
0xb5: {  	[sflag:s29] =	ssyncadd.s32 $0xFFFFFFFF  }
0xb6: {  	_ =	strace $0x9000004E  }
0xb7: {  	_ =	sfence  }
0xb8: {  	s30 =	sld [smem:$0x0];
	_ =	sdelay $0x2  }
0xb9: {  	s31 =	sshll.u32 s1, $0xD;
	s1 =	sshrl.u32 s1, $0x2  }
0xba: {  	s3 =	sand.u32 $0x4000, s31;
	s1 =	sadd.s32 s1, s30  }
0xbb: {  	s0 =	sor.u32 s3, s0;
	s1 =	sshll.u32 s1, $0x11  }
0xbc: {  	s0 =	sor.u32 s1, s0  }
0xbd: {  	s0 =	sadd.s32 $0x8F2B, s0  }
0xbe: {  	[sflag:s0] =	ssyncadd.remote.s32 $0x1  }
0xbf: {  	_ =	sfence.sel $0xFFFF  }
0xc0: {  	[dreg:$0x0] =	wrdreg $0xFFFFFFFF;
	(pc) =	sbr.abs _section_cstart, $3  }
0xc1: {  	[dreg:$0x1] =	wrdreg $0xFFFFFFFF  }
0xc2: {  	_ =	task.clear_ibuf [dreg:s7], $0x2FFFF;
	_ =	strace $0x9FFFFFFF  }
0xc3: {  	(tm) =	ssettm $0x7FFFFFFF  }
tec
execute0_lowered:
.L_overlay_start_1:
0x0: {  	(tag) =	ssettag $0x1  }
0x1: {  	s0 =	rddreg [dreg:$0x0]  }
0x2: {  	s1 =	rddreg [dreg:$0x1];
	s19 =	stileid.u32  }
0x3: {  	s3 =	srdreg.scid;
	s2 =	rddreg [dreg:$0x2];
	s20 =	simm.s32 $0x14000  }
0x4: {  	s21 =	simm.s32 $0x15400;
	s28 =	simm.s32 $0x2;
	s11 =	smul.u32 $0x2800, s19  }
0x5: {  	s29 =	simm.s32 $0x16700;
	s30 =	simm.s32 $0x16780;
	s6 =	smul.u32 $0x14000, s19  }
0x6: {  	s18 =	sand.u32 $0x1, s3;
	s3 =	simm.s32 $0x0;
	s8 =	smul.u32 $0x50000, s19  }
0x7: {  	s14 =	sadd.s32 $0x2A00, s0;
	s4 =	sadd.s32 $0xCA00, s0;
	s13 =	smul.u32 $0x500, s19  }
0x8: {  	s31 =	sshll.u32 s19, $0x6;
	s19 =	simm.s32 $0x3;
	s5 =	smul.u32 $0x140000, s18  }
0x9: {  	[smem:$0x7FF] =	sst s3;
	s22 =	ssub.s32 $0x2, s18;
	p0 =	sne.s32 s18, $0x0  }
0xa: {  	s18 =	sor.u32 $0x1C03, s31;
	_ =	strace $0x8000004D;
	s7 =	sadd.s32 s11, s0  }
0xb: {  	s23 =	sshrl.u32 s22, $0x1;
	s15 =	sshrl.u32 s11, $0x3;
	s24 =	sshrl.u32 s8, $0x2  }
0xc: {  	s11 =	sadd.s32 s4, s11;
	s12 =	sadd.s32 s14, s13;
	s13 =	sadd.s32 s1, s13  }
0xd: {  	s5 =	sadd.s32 s6, s5;
	s17 =	ssub.s32 s22, s23;
	s25 =	sadd.s32 $0x5000, s15  }
0xe: {  	s26 =	sadd.s32 $0x34A00, s7;
	s10 =	sadd.s32 $0x5280, s15;
	s15 =	sadd.s32 $0x280, s15  }
0xf: {  	s22 =	simm.s32 $0x80;
	s23 =	simm.s32 $0x16800;
	s5 =	sshrl.u32 s5, $0x3  }
.Ltmp0:
0x10: {  	[dreg:$0x4] =	wrdreg s26;
	s7 =	sadd.s32 s14, s25;
	(pc) =	sbr.rel .LBB2_1-.Ltmp0, $4  }
0x11: {  	s8 =	sadd.s32 s1, s25;
	s9 =	sadd.s32 s14, s10;
	s10 =	sadd.s32 s1, s10  }
0x12: {  	s14 =	sadd.s32 s14, s15;
	s15 =	sadd.s32 s1, s15;
	s17 =	smax.u32 s17, $0x1  }
0x13: {  	s25 =	simm.s32 $0x1A800;
	s26 =	simm.s32 $0x1;
	s0 =	sadd.s32 s5, s0  }
0x14: {  	s5 =	sadd.s32 s24, s2;
	s24 =	simm.s32 $0x14080;
	s16 =	sadd.s32 $0x5CA00, s0  }
.LBB2_11:
0x15: {  	[tilespmem:s25], [sflag:$0x2] =	stream.indirect.gather [hbm4b:s4+s22], $0x80, s0, s22, $0xb8;
	[tilespmem:$0x1E800] =	vst v63  }
.LBB2_12:
0x16: {  	_ =	swait.ge [sflag:s26], $0x4000  }
0x17: {  	[sflag:s26] =	ssyncset.done $0x0  }
0x18: {  	[sflag:s26] =	ssyncadd.s32 $0xFFFFC000  }
0x19: {  	[spmem:s2] =	stream.indirect.scatter.add.f32 [tilespmem:s23], [sflag:$0x3], $0x80, s29, s22, $0xb8;
	[tilespmem:$0x1E800] =	vst v63  }
0x1a: {  	_ =	swait.ge [sflag:s19], $0x4000  }
0x1b: {  	[sflag:s19] =	ssyncset.done $0x0  }
0x1c: {  	[sflag:s19] =	ssyncadd.s32 $0xFFFFC000  }
0x1d: {  	_ =	swait.ge [sflag:s28], $0x4000  }
0x1e: {  	[sflag:s28] =	ssyncset.done $0x0  }
0x1f: {  	[sflag:s28] =	ssyncadd.s32 $0xFFFFC000  }
0x20: {  	[spmem:s2] =	stream.indirect.scatter.add.f32 [tilespmem:s25], [sflag:$0x3], $0x80, s30, s22, $0xb8;
	[tilespmem:$0x1E800] =	vst v63  }
0x21: {  	_ =	swait.ge [sflag:s19], $0x4000  }
0x22: {  	s3 =	sadd.s32 $0x1, s3;
	[sflag:s19] =	ssyncset.done $0x0  }
0x23: {  	p1 =	sne.s32 s3, s17;
	[sflag:s19] =	ssyncadd.s32 $0xFFFFC000  }
.Ltmp1:
0x24: {  	[bflag:$0x0] =	sbarrier.arrive $0xFFFF;
	(pc) =	sbr.rel @!p1 .LBB2_13-.Ltmp1, $4  }
0x25: {  	[hbm:s16], [sflag:s18] =	dma.local [spmem:s31], $0x2800  }
0x26: {  	_ =	swait.ge [sflag:s19], $0x2800  }
0x27: {  	[sflag:s19] =	ssyncset.done $0x0  }
0x28: {  	[sflag:s19] =	ssyncadd.s32 $0xFFFFD800  }
.LBB2_1:
.Ltmp2:
0x29: {  	(pc) =	sbr.rel @p0 .LBB2_7-.Ltmp2, $2  }
0x2a: {  	_ =	sdelay $0x2  }
0x2b: {  	s31 =	sshrl.u32 s5, $0x3  }
0x2c: {  	[spmem:s31], [sflag:s18] =	dma.local [hbm:s11], $0x2800  }
0x2d: {  	_ =	swait.ge [sflag:s19], $0x2800  }
0x2e: {  	[sflag:s19] =	ssyncset.done $0x0  }
0x2f: {  	s0 =	simm.s32 $0x0;
	[sflag:s19] =	ssyncadd.s32 $0xFFFFD800  }
0x30: {  	[tilespmem:s20], [sflag:$0x3] =	stream.linear.gather [hbm4b:s12+s0], $0x1400, $0x38;
	[tilespmem:$0x1E800] =	vst v63  }
0x31: {  	_ =	swait.ge [sflag:s19], $0x1400  }
0x32: {  	[sflag:s19] =	ssyncset.done $0x0  }
0x33: {  	[sflag:s19] =	ssyncadd.s32 $0xFFFFEC00  }
0x34: {  	[tilespmem:s21], [sflag:$0x3] =	stream.linear.gather [hbm4b:s13+s0], $0x1400, $0x38;
	[tilespmem:$0x1E800] =	vst v63  }
0x35: {  	_ =	swait.ge [sflag:s19], $0x1400  }
0x36: {  	[sflag:s19] =	ssyncset.done $0x0  }
0x37: {  	[sflag:s19] =	ssyncadd.s32 $0xFFFFEC00  }
0x38: {  	[bflag:$0x0] =	sbarrier.arrive $0xFFFF  }
0x39: {  	[tilespmem:s23], [sflag:$0x1] =	stream.indirect.gather [hbm4b:s4+s22], $0x80, s20, s22, $0xb8;
	[tilespmem:$0x1E800] =	vst v63  }
0x3a: {  	_ = 	snop  }
0x3b: {  	[tilespmem:s25], [sflag:$0x2] =	stream.indirect.gather [hbm4b:s4+s22], $0x80, s24, s22, $0xb8;
	[tilespmem:$0x1E800] =	vst v63  }
0x3c: {  	_ =	swait.ge [sflag:s26], $0x4000  }
0x3d: {  	[sflag:s26] =	ssyncset.done $0x0  }
0x3e: {  	s6 =	simm.s32 $0x15400;
	[sflag:s26] =	ssyncadd.s32 $0xFFFFC000  }
0x3f: {  	[spmem:s2] =	stream.indirect.scatter.add.f32 [tilespmem:s23], [sflag:$0x3], $0x80, s6, s22, $0xb8;
	[tilespmem:$0x1E800] =	vst v63  }
0x40: {  	_ =	swait.ge [sflag:s19], $0x4000  }
0x41: {  	[sflag:s19] =	ssyncset.done $0x0  }
0x42: {  	s1 =	simm.s32 $0x14100;
	[sflag:s19] =	ssyncadd.s32 $0xFFFFC000  }
0x43: {  	[tilespmem:s23], [sflag:$0x1] =	stream.indirect.gather [hbm4b:s4+s22], $0x80, s1, s22, $0xb8;
	[tilespmem:$0x1E800] =	vst v63  }
0x44: {  	_ =	swait.ge [sflag:s28], $0x4000  }
0x45: {  	[sflag:s28] =	ssyncset.done $0x0  }
0x46: {  	s6 =	simm.s32 $0x15480;
	[sflag:s28] =	ssyncadd.s32 $0xFFFFC000  }
0x47: {  	[spmem:s2] =	stream.indirect.scatter.add.f32 [tilespmem:s25], [sflag:$0x3], $0x80, s6, s22, $0xb8;
	[tilespmem:$0x1E800] =	vst v63  }
0x48: {  	_ =	swait.ge [sflag:s19], $0x4000  }
0x49: {  	[sflag:s19] =	ssyncset.done $0x0  }
0x4a: {  	s0 =	simm.s32 $0x14180;
	s1 =	simm.s32 $0x400;
	[sflag:s19] =	ssyncadd.s32 $0xFFFFC000  }
.LBB2_3:
0x4b: {  	[tilespmem:s25], [sflag:$0x2] =	stream.indirect.gather [hbm4b:s4+s22], $0x80, s0, s22, $0xb8;
	[tilespmem:$0x1E800] =	vst v63  }
0x4c: {  	s0 =	smov.u32 s1  }
0x4d: {  	p1 =	sne.s32 s1, $0x4800;
	s1 =	sadd.s32 $0x400, s1;
	_ =	swait.ge [sflag:s26], $0x4000  }
0x4e: {  	s0 =	sshra.s32 s0, $0x2;
	[sflag:s26] =	ssyncset.done $0x0  }
0x4f: {  	s6 =	sadd.s32 $0x15400, s0;
	[sflag:s26] =	ssyncadd.s32 $0xFFFFC000  }
0x50: {  	[spmem:s2] =	stream.indirect.scatter.add.f32 [tilespmem:s23], [sflag:$0x3], $0x80, s6, s22, $0xb8;
	[tilespmem:$0x1E800] =	vst v63  }
0x51: {  	_ =	swait.ge [sflag:s19], $0x4000  }
0x52: {  	[sflag:s19] =	ssyncset.done $0x0  }
0x53: {  	s6 =	sadd.s32 $0x14100, s0;
	[sflag:s19] =	ssyncadd.s32 $0xFFFFC000  }
0x54: {  	[tilespmem:s23], [sflag:$0x1] =	stream.indirect.gather [hbm4b:s4+s22], $0x80, s6, s22, $0xb8;
	[tilespmem:$0x1E800] =	vst v63  }
0x55: {  	_ =	swait.ge [sflag:s28], $0x4000  }
0x56: {  	[sflag:s28] =	ssyncset.done $0x0  }
.Ltmp3:
0x57: {  	s6 =	sadd.s32 $0x15480, s0;
	[sflag:s28] =	ssyncadd.s32 $0xFFFFC000;
	(pc) =	sbr.rel @p1 .LBB2_3-.Ltmp3, $4  }
0x58: {  	[spmem:s2] =	stream.indirect.scatter.add.f32 [tilespmem:s25], [sflag:$0x3], $0x80, s6, s22, $0xb8;
	[tilespmem:$0x1E800] =	vst v63  }
0x59: {  	_ =	swait.ge [sflag:s19], $0x4000  }
0x5a: {  	[sflag:s19] =	ssyncset.done $0x0  }
0x5b: {  	s0 =	sadd.s32 $0x14180, s0;
	[sflag:s19] =	ssyncadd.s32 $0xFFFFC000  }
0x5c: {  	[tilespmem:s25], [sflag:$0x2] =	stream.indirect.gather [hbm4b:s4+s22], $0x80, s0, s22, $0xb8;
	[tilespmem:$0x1E800] =	vst v63  }
0x5d: {  	_ =	swait.ge [sflag:s26], $0x4000  }
0x5e: {  	[sflag:s26] =	ssyncset.done $0x0  }
0x5f: {  	[sflag:s26] =	ssyncadd.s32 $0xFFFFC000  }
0x60: {  	[spmem:s2] =	stream.indirect.scatter.add.f32 [tilespmem:s23], [sflag:$0x3], $0x80, s29, s22, $0xb8;
	[tilespmem:$0x1E800] =	vst v63  }
0x61: {  	_ =	swait.ge [sflag:s19], $0x4000  }
0x62: {  	[sflag:s19] =	ssyncset.done $0x0  }
0x63: {  	[sflag:s19] =	ssyncadd.s32 $0xFFFFC000  }
0x64: {  	_ =	swait.ge [sflag:s28], $0x4000  }
0x65: {  	[sflag:s28] =	ssyncset.done $0x0  }
0x66: {  	[sflag:s28] =	ssyncadd.s32 $0xFFFFC000  }
0x67: {  	[spmem:s2] =	stream.indirect.scatter.add.f32 [tilespmem:s25], [sflag:$0x3], $0x80, s30, s22, $0xb8;
	[tilespmem:$0x1E800] =	vst v63  }
0x68: {  	_ =	swait.ge [sflag:s19], $0x4000  }
0x69: {  	[sflag:s19] =	ssyncset.done $0x0  }
0x6a: {  	s1 =	simm.s32 $0x0;
	[sflag:s19] =	ssyncadd.s32 $0xFFFFC000  }
0x6b: {  	[tilespmem:s20], [sflag:$0x3] =	stream.linear.gather [hbm4b:s14+s1], $0x1400, $0x38;
	[tilespmem:$0x1E800] =	vst v63  }
0x6c: {  	_ =	swait.ge [sflag:s19], $0x1400  }
0x6d: {  	[sflag:s19] =	ssyncset.done $0x0  }
0x6e: {  	[sflag:s19] =	ssyncadd.s32 $0xFFFFEC00  }
0x6f: {  	[tilespmem:s21], [sflag:$0x3] =	stream.linear.gather [hbm4b:s15+s1], $0x1400, $0x38;
	[tilespmem:$0x1E800] =	vst v63  }
0x70: {  	_ =	swait.ge [sflag:s19], $0x1400  }
0x71: {  	[sflag:s19] =	ssyncset.done $0x0  }
0x72: {  	[sflag:s19] =	ssyncadd.s32 $0xFFFFEC00  }
0x73: {  	[tilespmem:s23], [sflag:$0x1] =	stream.indirect.gather [hbm4b:s4+s22], $0x80, s20, s22, $0xb8;
	[tilespmem:$0x1E800] =	vst v63  }
0x74: {  	_ = 	snop  }
0x75: {  	[tilespmem:s25], [sflag:$0x2] =	stream.indirect.gather [hbm4b:s4+s22], $0x80, s24, s22, $0xb8;
	[tilespmem:$0x1E800] =	vst v63  }
0x76: {  	_ =	swait.ge [sflag:s26], $0x4000  }
0x77: {  	[sflag:s26] =	ssyncset.done $0x0  }
0x78: {  	s6 =	simm.s32 $0x15400;
	[sflag:s26] =	ssyncadd.s32 $0xFFFFC000  }
0x79: {  	[spmem:s2] =	stream.indirect.scatter.add.f32 [tilespmem:s23], [sflag:$0x3], $0x80, s6, s22, $0xb8;
	[tilespmem:$0x1E800] =	vst v63  }
0x7a: {  	_ =	swait.ge [sflag:s19], $0x4000  }
0x7b: {  	[sflag:s19] =	ssyncset.done $0x0  }
0x7c: {  	s1 =	simm.s32 $0x14100;
	[sflag:s19] =	ssyncadd.s32 $0xFFFFC000  }
0x7d: {  	[tilespmem:s23], [sflag:$0x1] =	stream.indirect.gather [hbm4b:s4+s22], $0x80, s1, s22, $0xb8;
	[tilespmem:$0x1E800] =	vst v63  }
0x7e: {  	_ =	swait.ge [sflag:s28], $0x4000  }
0x7f: {  	[sflag:s28] =	ssyncset.done $0x0  }
0x80: {  	s6 =	simm.s32 $0x15480;
	[sflag:s28] =	ssyncadd.s32 $0xFFFFC000  }
0x81: {  	[spmem:s2] =	stream.indirect.scatter.add.f32 [tilespmem:s25], [sflag:$0x3], $0x80, s6, s22, $0xb8;
	[tilespmem:$0x1E800] =	vst v63  }
0x82: {  	_ =	swait.ge [sflag:s19], $0x4000  }
0x83: {  	[sflag:s19] =	ssyncset.done $0x0  }
0x84: {  	s0 =	simm.s32 $0x14180;
	s1 =	simm.s32 $0x400;
	[sflag:s19] =	ssyncadd.s32 $0xFFFFC000  }
.LBB2_5:
0x85: {  	[tilespmem:s25], [sflag:$0x2] =	stream.indirect.gather [hbm4b:s4+s22], $0x80, s0, s22, $0xb8;
	[tilespmem:$0x1E800] =	vst v63  }
0x86: {  	s0 =	smov.u32 s1  }
0x87: {  	p1 =	seq.s32 s1, $0x4800;
	s1 =	sadd.s32 $0x400, s1;
	_ =	swait.ge [sflag:s26], $0x4000  }
0x88: {  	s0 =	sshra.s32 s0, $0x2;
	[sflag:s26] =	ssyncset.done $0x0  }
0x89: {  	s6 =	sadd.s32 $0x15400, s0;
	[sflag:s26] =	ssyncadd.s32 $0xFFFFC000  }
0x8a: {  	[spmem:s2] =	stream.indirect.scatter.add.f32 [tilespmem:s23], [sflag:$0x3], $0x80, s6, s22, $0xb8;
	[tilespmem:$0x1E800] =	vst v63  }
0x8b: {  	_ =	swait.ge [sflag:s19], $0x4000  }
0x8c: {  	[sflag:s19] =	ssyncset.done $0x0  }
0x8d: {  	s6 =	sadd.s32 $0x14100, s0;
	[sflag:s19] =	ssyncadd.s32 $0xFFFFC000  }
0x8e: {  	[tilespmem:s23], [sflag:$0x1] =	stream.indirect.gather [hbm4b:s4+s22], $0x80, s6, s22, $0xb8;
	[tilespmem:$0x1E800] =	vst v63  }
0x8f: {  	_ =	swait.ge [sflag:s28], $0x4000  }
0x90: {  	[sflag:s28] =	ssyncset.done $0x0  }
.Ltmp4:
0x91: {  	s6 =	sadd.s32 $0x15480, s0;
	[sflag:s28] =	ssyncadd.s32 $0xFFFFC000;
	(pc) =	sbr.rel @!p1 .LBB2_5-.Ltmp4, $4  }
0x92: {  	[spmem:s2] =	stream.indirect.scatter.add.f32 [tilespmem:s25], [sflag:$0x3], $0x80, s6, s22, $0xb8;
	[tilespmem:$0x1E800] =	vst v63  }
0x93: {  	_ =	swait.ge [sflag:s19], $0x4000  }
0x94: {  	[sflag:s19] =	ssyncset.done $0x0  }
0x95: {  	s0 =	sadd.s32 $0x14180, s0;
	[sflag:s19] =	ssyncadd.s32 $0xFFFFC000  }
.Ltmp5:
0x96: {  	(pc) =	sbr.rel .LBB2_12-.Ltmp5, $2  }
0x97: {  	_ =	sdelay $0x2  }
0x98: {  	[tilespmem:s25], [sflag:$0x2] =	stream.indirect.gather [hbm4b:s4+s22], $0x80, s0, s22, $0xb8;
	[tilespmem:$0x1E800] =	vst v63  }
.LBB2_7:
0x99: {  	s0 =	rddreg [dreg:$0x4]  }
0x9a: {  	[spmem:s31], [sflag:s18] =	dma.local [hbm:s0], $0x2800  }
0x9b: {  	_ =	swait.ge [sflag:s19], $0x2800  }
0x9c: {  	[sflag:s19] =	ssyncset.done $0x0  }
0x9d: {  	s1 =	simm.s32 $0x0;
	[sflag:s19] =	ssyncadd.s32 $0xFFFFD800  }
0x9e: {  	[tilespmem:s20], [sflag:$0x3] =	stream.linear.gather [hbm4b:s7+s1], $0x1400, $0x38;
	[tilespmem:$0x1E800] =	vst v63  }
0x9f: {  	_ =	swait.ge [sflag:s19], $0x1400  }
0xa0: {  	[sflag:s19] =	ssyncset.done $0x0  }
0xa1: {  	[sflag:s19] =	ssyncadd.s32 $0xFFFFEC00  }
0xa2: {  	[tilespmem:s21], [sflag:$0x3] =	stream.linear.gather [hbm4b:s8+s1], $0x1400, $0x38;
	[tilespmem:$0x1E800] =	vst v63  }
0xa3: {  	_ =	swait.ge [sflag:s19], $0x1400  }
0xa4: {  	[sflag:s19] =	ssyncset.done $0x0  }
0xa5: {  	[sflag:s19] =	ssyncadd.s32 $0xFFFFEC00  }
0xa6: {  	[bflag:$0x0] =	sbarrier.arrive $0xFFFF  }
0xa7: {  	[tilespmem:s23], [sflag:$0x1] =	stream.indirect.gather [hbm4b:s4+s22], $0x80, s20, s22, $0xb8;
	[tilespmem:$0x1E800] =	vst v63  }
0xa8: {  	_ = 	snop  }
0xa9: {  	[tilespmem:s25], [sflag:$0x2] =	stream.indirect.gather [hbm4b:s4+s22], $0x80, s24, s22, $0xb8;
	[tilespmem:$0x1E800] =	vst v63  }
0xaa: {  	_ =	swait.ge [sflag:s26], $0x4000  }
0xab: {  	[sflag:s26] =	ssyncset.done $0x0  }
0xac: {  	s6 =	simm.s32 $0x15400;
	[sflag:s26] =	ssyncadd.s32 $0xFFFFC000  }
0xad: {  	[spmem:s2] =	stream.indirect.scatter.add.f32 [tilespmem:s23], [sflag:$0x3], $0x80, s6, s22, $0xb8;
	[tilespmem:$0x1E800] =	vst v63  }
0xae: {  	_ =	swait.ge [sflag:s19], $0x4000  }
0xaf: {  	[sflag:s19] =	ssyncset.done $0x0  }
0xb0: {  	s1 =	simm.s32 $0x14100;
	[sflag:s19] =	ssyncadd.s32 $0xFFFFC000  }
0xb1: {  	[tilespmem:s23], [sflag:$0x1] =	stream.indirect.gather [hbm4b:s4+s22], $0x80, s1, s22, $0xb8;
	[tilespmem:$0x1E800] =	vst v63  }
0xb2: {  	_ =	swait.ge [sflag:s28], $0x4000  }
0xb3: {  	[sflag:s28] =	ssyncset.done $0x0  }
0xb4: {  	s6 =	simm.s32 $0x15480;
	[sflag:s28] =	ssyncadd.s32 $0xFFFFC000  }
0xb5: {  	[spmem:s2] =	stream.indirect.scatter.add.f32 [tilespmem:s25], [sflag:$0x3], $0x80, s6, s22, $0xb8;
	[tilespmem:$0x1E800] =	vst v63  }
0xb6: {  	_ =	swait.ge [sflag:s19], $0x4000  }
0xb7: {  	[sflag:s19] =	ssyncset.done $0x0  }
0xb8: {  	s0 =	simm.s32 $0x14180;
	s1 =	simm.s32 $0x400;
	[sflag:s19] =	ssyncadd.s32 $0xFFFFC000  }
.LBB2_8:
0xb9: {  	[tilespmem:s25], [sflag:$0x2] =	stream.indirect.gather [hbm4b:s4+s22], $0x80, s0, s22, $0xb8;
	[tilespmem:$0x1E800] =	vst v63  }
0xba: {  	s0 =	smov.u32 s1  }
0xbb: {  	p1 =	sne.s32 s1, $0x4800;
	s1 =	sadd.s32 $0x400, s1;
	_ =	swait.ge [sflag:s26], $0x4000  }
0xbc: {  	s0 =	sshra.s32 s0, $0x2;
	[sflag:s26] =	ssyncset.done $0x0  }
0xbd: {  	s6 =	sadd.s32 $0x15400, s0;
	[sflag:s26] =	ssyncadd.s32 $0xFFFFC000  }
0xbe: {  	[spmem:s2] =	stream.indirect.scatter.add.f32 [tilespmem:s23], [sflag:$0x3], $0x80, s6, s22, $0xb8;
	[tilespmem:$0x1E800] =	vst v63  }
0xbf: {  	_ =	swait.ge [sflag:s19], $0x4000  }
0xc0: {  	[sflag:s19] =	ssyncset.done $0x0  }
0xc1: {  	s6 =	sadd.s32 $0x14100, s0;
	[sflag:s19] =	ssyncadd.s32 $0xFFFFC000  }
0xc2: {  	[tilespmem:s23], [sflag:$0x1] =	stream.indirect.gather [hbm4b:s4+s22], $0x80, s6, s22, $0xb8;
	[tilespmem:$0x1E800] =	vst v63  }
0xc3: {  	_ =	swait.ge [sflag:s28], $0x4000  }
0xc4: {  	[sflag:s28] =	ssyncset.done $0x0  }
.Ltmp6:
0xc5: {  	s6 =	sadd.s32 $0x15480, s0;
	[sflag:s28] =	ssyncadd.s32 $0xFFFFC000;
	(pc) =	sbr.rel @p1 .LBB2_8-.Ltmp6, $4  }
0xc6: {  	[spmem:s2] =	stream.indirect.scatter.add.f32 [tilespmem:s25], [sflag:$0x3], $0x80, s6, s22, $0xb8;
	[tilespmem:$0x1E800] =	vst v63  }
0xc7: {  	_ =	swait.ge [sflag:s19], $0x4000  }
0xc8: {  	[sflag:s19] =	ssyncset.done $0x0  }
0xc9: {  	s0 =	sadd.s32 $0x14180, s0;
	[sflag:s19] =	ssyncadd.s32 $0xFFFFC000  }
0xca: {  	[tilespmem:s25], [sflag:$0x2] =	stream.indirect.gather [hbm4b:s4+s22], $0x80, s0, s22, $0xb8;
	[tilespmem:$0x1E800] =	vst v63  }
0xcb: {  	_ =	swait.ge [sflag:s26], $0x4000  }
0xcc: {  	[sflag:s26] =	ssyncset.done $0x0  }
0xcd: {  	[sflag:s26] =	ssyncadd.s32 $0xFFFFC000  }
0xce: {  	[spmem:s2] =	stream.indirect.scatter.add.f32 [tilespmem:s23], [sflag:$0x3], $0x80, s29, s22, $0xb8;
	[tilespmem:$0x1E800] =	vst v63  }
0xcf: {  	_ =	swait.ge [sflag:s19], $0x4000  }
0xd0: {  	[sflag:s19] =	ssyncset.done $0x0  }
0xd1: {  	[sflag:s19] =	ssyncadd.s32 $0xFFFFC000  }
0xd2: {  	_ =	swait.ge [sflag:s28], $0x4000  }
0xd3: {  	[sflag:s28] =	ssyncset.done $0x0  }
0xd4: {  	[sflag:s28] =	ssyncadd.s32 $0xFFFFC000  }
0xd5: {  	[spmem:s2] =	stream.indirect.scatter.add.f32 [tilespmem:s25], [sflag:$0x3], $0x80, s30, s22, $0xb8;
	[tilespmem:$0x1E800] =	vst v63  }
0xd6: {  	_ =	swait.ge [sflag:s19], $0x4000  }
0xd7: {  	[sflag:s19] =	ssyncset.done $0x0  }
0xd8: {  	s1 =	simm.s32 $0x0;
	[sflag:s19] =	ssyncadd.s32 $0xFFFFC000  }
0xd9: {  	[tilespmem:s20], [sflag:$0x3] =	stream.linear.gather [hbm4b:s9+s1], $0x1400, $0x38;
	[tilespmem:$0x1E800] =	vst v63  }
0xda: {  	_ =	swait.ge [sflag:s19], $0x1400  }
0xdb: {  	[sflag:s19] =	ssyncset.done $0x0  }
0xdc: {  	[sflag:s19] =	ssyncadd.s32 $0xFFFFEC00  }
0xdd: {  	[tilespmem:s21], [sflag:$0x3] =	stream.linear.gather [hbm4b:s10+s1], $0x1400, $0x38;
	[tilespmem:$0x1E800] =	vst v63  }
0xde: {  	_ =	swait.ge [sflag:s19], $0x1400  }
0xdf: {  	[sflag:s19] =	ssyncset.done $0x0  }
0xe0: {  	[sflag:s19] =	ssyncadd.s32 $0xFFFFEC00  }
0xe1: {  	[tilespmem:s23], [sflag:$0x1] =	stream.indirect.gather [hbm4b:s4+s22], $0x80, s20, s22, $0xb8;
	[tilespmem:$0x1E800] =	vst v63  }
0xe2: {  	_ = 	snop  }
0xe3: {  	[tilespmem:s25], [sflag:$0x2] =	stream.indirect.gather [hbm4b:s4+s22], $0x80, s24, s22, $0xb8;
	[tilespmem:$0x1E800] =	vst v63  }
0xe4: {  	_ =	swait.ge [sflag:s26], $0x4000  }
0xe5: {  	[sflag:s26] =	ssyncset.done $0x0  }
0xe6: {  	s6 =	simm.s32 $0x15400;
	[sflag:s26] =	ssyncadd.s32 $0xFFFFC000  }
0xe7: {  	[spmem:s2] =	stream.indirect.scatter.add.f32 [tilespmem:s23], [sflag:$0x3], $0x80, s6, s22, $0xb8;
	[tilespmem:$0x1E800] =	vst v63  }
0xe8: {  	_ =	swait.ge [sflag:s19], $0x4000  }
0xe9: {  	[sflag:s19] =	ssyncset.done $0x0  }
0xea: {  	s1 =	simm.s32 $0x14100;
	[sflag:s19] =	ssyncadd.s32 $0xFFFFC000  }
0xeb: {  	[tilespmem:s23], [sflag:$0x1] =	stream.indirect.gather [hbm4b:s4+s22], $0x80, s1, s22, $0xb8;
	[tilespmem:$0x1E800] =	vst v63  }
0xec: {  	_ =	swait.ge [sflag:s28], $0x4000  }
0xed: {  	[sflag:s28] =	ssyncset.done $0x0  }
0xee: {  	s6 =	simm.s32 $0x15480;
	[sflag:s28] =	ssyncadd.s32 $0xFFFFC000  }
0xef: {  	[spmem:s2] =	stream.indirect.scatter.add.f32 [tilespmem:s25], [sflag:$0x3], $0x80, s6, s22, $0xb8;
	[tilespmem:$0x1E800] =	vst v63  }
0xf0: {  	_ =	swait.ge [sflag:s19], $0x4000  }
0xf1: {  	[sflag:s19] =	ssyncset.done $0x0  }
0xf2: {  	s0 =	simm.s32 $0x14180;
	s1 =	simm.s32 $0x400;
	[sflag:s19] =	ssyncadd.s32 $0xFFFFC000  }
.LBB2_10:
0xf3: {  	[tilespmem:s25], [sflag:$0x2] =	stream.indirect.gather [hbm4b:s4+s22], $0x80, s0, s22, $0xb8;
	[tilespmem:$0x1E800] =	vst v63  }
0xf4: {  	s0 =	smov.u32 s1  }
0xf5: {  	p1 =	sne.s32 s1, $0x4800;
	s1 =	sadd.s32 $0x400, s1;
	_ =	swait.ge [sflag:s26], $0x4000  }
0xf6: {  	s0 =	sshra.s32 s0, $0x2;
	[sflag:s26] =	ssyncset.done $0x0  }
0xf7: {  	s6 =	sadd.s32 $0x15400, s0;
	[sflag:s26] =	ssyncadd.s32 $0xFFFFC000  }
0xf8: {  	[spmem:s2] =	stream.indirect.scatter.add.f32 [tilespmem:s23], [sflag:$0x3], $0x80, s6, s22, $0xb8;
	[tilespmem:$0x1E800] =	vst v63  }
0xf9: {  	_ =	swait.ge [sflag:s19], $0x4000  }
0xfa: {  	[sflag:s19] =	ssyncset.done $0x0  }
0xfb: {  	s6 =	sadd.s32 $0x14100, s0;
	[sflag:s19] =	ssyncadd.s32 $0xFFFFC000  }
0xfc: {  	[tilespmem:s23], [sflag:$0x1] =	stream.indirect.gather [hbm4b:s4+s22], $0x80, s6, s22, $0xb8;
	[tilespmem:$0x1E800] =	vst v63  }
0xfd: {  	_ =	swait.ge [sflag:s28], $0x4000  }
0xfe: {  	[sflag:s28] =	ssyncset.done $0x0  }
.Ltmp7:
0xff: {  	s6 =	sadd.s32 $0x15480, s0;
	[sflag:s28] =	ssyncadd.s32 $0xFFFFC000;
	(pc) =	sbr.rel @p1 .LBB2_10-.Ltmp7, $4  }
0x100: {  	[spmem:s2] =	stream.indirect.scatter.add.f32 [tilespmem:s25], [sflag:$0x3], $0x80, s6, s22, $0xb8;
	[tilespmem:$0x1E800] =	vst v63  }
0x101: {  	_ =	swait.ge [sflag:s19], $0x4000  }
0x102: {  	[sflag:s19] =	ssyncset.done $0x0  }
0x103: {  	s0 =	sadd.s32 $0x14180, s0;
	[sflag:s19] =	ssyncadd.s32 $0xFFFFC000  }
.Ltmp8:
0x104: {  	_ = 	snop;
	(pc) =	sbr.rel .LBB2_11-.Ltmp8, $1  }
0x105: {  	_ =	sdelay $0x3  }
.LBB2_13:
0x106: {  	_ =	sfence.sel $0x180000  }
0x107: {  	[bflag:$0x0] =	sbarrier.arrive $0xFFFF  }
0x108: {  	_ =	strace $0x9000004D  }
0x109: {  	s0 =	stileid.u32;
	[bflag:$0x2] =	sbarrier.arrive $0xFFFF  }
0x10a: {  	p0 =	sne.s32 s0, $0x0;
	s0 =	rddreg [dreg:$0x3]  }
0x10b: {  	s0 =	sadd.s32 @!p0 $0x100000, s0  }
0x10c: {  	[sflag:s0] =	ssyncadd.tile.s32 @!p0 $0x1;
	_ =	shalt  }
.Lfunc_end2:
_tile_overlayer_lowered:
.L_overlay_start_2:
0x10d: {  	(tag) =	ssettag $0x2  }
0x10e: {  	s0 =	rddreg [dreg:$0x0];
	s2 =	stileid.u32  }
0x10f: {  	s1 =	rddreg [dreg:$0x1];
	p0 =	sne.s32 s2, $0x0  }
0x110: {  	s3 =	rddreg [dreg:$0x2];
	[bflag:$0x3] =	sbarrier.arrive $0xFFFF;
	s2 =	simm.s32 @!p0 $0x1C03  }
0x111: {  	[timem:s3], [sflag:s2] =	dma.local @!p0 [hbm:s0], s1  }
0x112: {  	s0 =	simm.s32 @!p0 $0x3  }
0x113: {  	_ =	swait.ge @!p0 [sflag:s0], s1  }
0x114: {  	s1 =	ssub.s32 @!p0 $0x0, s1;
	[sflag:s0] =	ssyncset.done @!p0 $0x0  }
0x115: {  	[sflag:s0] =	ssyncadd.s32 @!p0 s1  }
0x116: {  	[bflag:$0x3] =	sbarrier.arrive $0xFFFF  }
0x117: {  	_ =	shalt  }

// kernel: kernel.19.cloned.1.call-start
scs
__scs_entry_jumppad:
0x0: {  	(pc) =	sbr.rel $0x88, $3  }
0x1: {  	(tag) =	ssettag $0x0;
	lr =	simm.s32 $0x1  }
0x2: {  	[smem:$0x3F99] =	sst lr;
	_ =	strace $0xD0000000  }
0x3: {  	_ = 	snop  }
0x4: {  	_ = 	snop  }
0x5: {  	_ = 	snop  }
0x6: {  	_ = 	snop  }
0x7: {  	_ = 	snop  }
__scs_overlays_trampoline_lowered:
0x8: {  	[smem:$0x3FA8] =	sst s0  }
0x9: {  	[smem:$0x3FA9] =	sst s1  }
0xa: {  	[smem:$0x3FAA] =	sst s2  }
0xb: {  	[smem:$0x3FAB] =	sst s3  }
0xc: {  	[smem:$0x3FAC] =	sst s4  }
0xd: {  	[smem:$0x3FAD] =	sst s5  }
0xe: {  	[smem:$0x3FAE] =	sst s6  }
0xf: {  	[smem:$0x3FAF] =	sst s7  }
0x10: {  	[smem:$0x3FB0] =	sst s8  }
0x11: {  	[smem:$0x3FB1] =	sst s9;
	s0 =	simm.s32 @!p0 $0x0  }
0x12: {  	s1 =	sld [smem:$0x3F97];
	s0 =	simm.s32 @p0 $0x1  }
0x13: {  	[smem:$0x3FB2] =	sst s0;
	s0 =	simm.s32 @!p1 $0x0  }
0x14: {  	s2 =	sld [smem:$0x3F96];
	s0 =	simm.s32 @p1 $0x1  }
0x15: {  	[smem:$0x3FB3] =	sst s0;
	s0 =	simm.s32 @!p2 $0x0  }
0x16: {  	s3 =	sld [smem:$0x3FDB];
	s0 =	simm.s32 @p2 $0x1  }
0x17: {  	s4 =	simm.s32 $0x1BF5;
	[smem:$0x3FB5] =	sst s0  }
0x18: {  	s0 =	sld [smem:$0x3F98];
	_ =	swait.ge [sflag:s4], $0x0  }
0x19: {  	s7 =	sld [smem:$0x3F99]  }
0x1a: {  	s8 =	sadd.s32 $0xFFFFE003, lr  }
0x1b: {  	s9 =	sadd.s32 $0xFFFFFEF7, lr;
	s5 =	simm.s32 $0xFFFFFFFF;
	p2 =	slt.u32 s8, $0xFFFFF086  }
0x1c: {  	p1 =	slt.u32 s9, $0xF7A;
	s5 =	simm.s32 @!p2 $0x0  }
0x1d: {  	s5 =	simm.s32 @p1 $0x1;
	p0 =	seq.s32 s7, s2  }
0x1e: {  	s7 =	smul.u32 @!p0 $0xF7A, s2;
	p2 =	seq.s32 @!p0 s5, $0x0  }
0x1f: {  	s9 =	smul.u32 $0xF7A, s1;
	s8 =	simm.s32 @!p0 $0x1BF5;
	p2 =	por !p2, p0  }
0x20: {  	[sflag:s8] =	ssyncset.s32 @!p0 $0xFFFFF086;
	s6 =	sadd.s32 @!p0 s3, s7;
	s7 =	simm.s32 @!p0 $0x108  }
0x21: {  	s3 =	sadd.s32 s3, s9;
	s6 =	sadd.s32 @!p0 $0x88, s6;
	s7 =	simm.s32 @p2 $0x1082  }
0x22: {  	[simem:s7], [sflag:s8] =	dma.local @!p0 [hbm:s6], $0xF7A  }
0x23: {  	s9 =	sor.u32 $0xD0000000, s2;
	s6 =	simm.s32 $0x108;
	_ =	swait.ge @!p0 [sflag:s8], $0x0  }
0x24: {  	s3 =	sadd.s32 $0x88, s3;
	s6 =	simm.s32 @!p1 $0x1082;
	[sflag:s4] =	ssyncset.s32 $0xFFFFF086  }
0x25: {  	[simem:s6], [sflag:s4] =	dma.local [hbm:s3], $0xF7A  }
0x26: {  	[smem:$0x3F99] =	sst s1;
	(tag) =	ssettag s2;
	_ =	strace s9  }
0x27: {  	s1 =	sld [smem:$0x3FA9]  }
0x28: {  	s2 =	sld [smem:$0x3FAA]  }
0x29: {  	s4 =	sld [smem:$0x3FAC]  }
0x2a: {  	p0 =	seq.s32 s5, $0x0;
	s5 =	sld [smem:$0x3FAD]  }
0x2b: {  	s6 =	sld [smem:$0x3FAE]  }
0x2c: {  	s7 =	sld [smem:$0x3FAF]  }
0x2d: {  	s3 =	simm.s32 $0x108;
	s8 =	sld [smem:$0x3FB0]  }
0x2e: {  	s3 =	simm.s32 @!p0 $0x1082;
	s9 =	sld [smem:$0x3FB1]  }
0x2f: {  	lr =	sadd.s32 s0, s3;
	s0 =	sld [smem:$0x3FA8]  }
0x30: {  	s3 =	sld [smem:$0x3FAB]  }
0x31: {  	[smem:$0x3FB4] =	sst s10  }
0x32: {  	s10 =	sld [smem:$0x3FB2];
	_ =	sdelay $0x3  }
0x33: {  	p0 =	seq.s32 s10, $0x1;
	s10 =	sld [smem:$0x3FB4];
	_ =	sdelay $0x3  }
0x34: {  	[smem:$0x3FB4] =	sst s10  }
0x35: {  	s10 =	sld [smem:$0x3FB3];
	_ =	sdelay $0x3  }
0x36: {  	p1 =	seq.s32 s10, $0x1;
	s10 =	sld [smem:$0x3FB4];
	_ =	sdelay $0x3  }
0x37: {  	[smem:$0x3FB4] =	sst s10  }
0x38: {  	s10 =	sld [smem:$0x3FB5]  }
0x39: {  	_ = 	snop;
	(pc) =	sbr.ind lr, $3  }
0x3a: {  	_ = 	snop  }
0x3b: {  	_ = 	snop  }
0x3c: {  	p2 =	seq.s32 s10, $0x1;
	s10 =	sld [smem:$0x3FB4]  }
0x3d: {  	_ =	shalt  }
0x3e: {  	_ =	shalt  }
0x3f: {  	_ =	shalt  }
0x40: {  	_ =	shalt  }
0x41: {  	_ =	shalt  }
0x42: {  	_ =	shalt  }
0x43: {  	_ =	shalt  }
0x44: {  	_ =	shalt  }
0x45: {  	_ =	shalt  }
0x46: {  	_ =	shalt  }
0x47: {  	_ =	shalt  }
0x48: {  	_ =	shalt  }
0x49: {  	_ =	shalt  }
0x4a: {  	_ =	shalt  }
0x4b: {  	_ =	shalt  }
0x4c: {  	_ =	shalt  }
0x4d: {  	_ =	shalt  }
0x4e: {  	_ =	shalt  }
0x4f: {  	_ =	shalt  }
0x50: {  	_ =	shalt  }
0x51: {  	_ =	shalt  }
0x52: {  	_ =	shalt  }
0x53: {  	_ =	shalt  }
0x54: {  	_ =	shalt  }
0x55: {  	_ =	shalt  }
0x56: {  	_ =	shalt  }
0x57: {  	_ =	shalt  }
0x58: {  	_ =	shalt  }
0x59: {  	_ =	shalt  }
0x5a: {  	_ =	shalt  }
0x5b: {  	_ =	shalt  }
0x5c: {  	_ =	shalt  }
0x5d: {  	_ =	shalt  }
0x5e: {  	_ =	shalt  }
0x5f: {  	_ =	shalt  }
0x60: {  	_ =	shalt  }
0x61: {  	_ =	shalt  }
0x62: {  	_ =	shalt  }
0x63: {  	_ =	shalt  }
0x64: {  	_ =	shalt  }
0x65: {  	_ =	shalt  }
0x66: {  	_ =	shalt  }
0x67: {  	_ =	shalt  }
0x68: {  	_ =	shalt  }
0x69: {  	_ =	shalt  }
0x6a: {  	_ =	shalt  }
0x6b: {  	_ =	shalt  }
0x6c: {  	_ =	shalt  }
0x6d: {  	_ =	shalt  }
0x6e: {  	_ =	shalt  }
0x6f: {  	_ =	shalt  }
0x70: {  	_ =	shalt  }
0x71: {  	_ =	shalt  }
0x72: {  	_ =	shalt  }
0x73: {  	_ =	shalt  }
0x74: {  	_ =	shalt  }
0x75: {  	_ =	shalt  }
0x76: {  	_ =	shalt  }
0x77: {  	_ =	shalt  }
0x78: {  	_ =	shalt  }
0x79: {  	_ =	shalt  }
0x7a: {  	_ =	shalt  }
0x7b: {  	_ =	shalt  }
0x7c: {  	_ =	shalt  }
0x7d: {  	_ =	shalt  }
0x7e: {  	_ =	shalt  }
0x7f: {  	_ =	shalt  }
0x80: {  	_ =	shalt  }
0x81: {  	_ =	shalt  }
0x82: {  	_ =	shalt  }
0x83: {  	_ =	shalt  }
0x84: {  	_ =	shalt  }
0x85: {  	_ =	shalt  }
0x86: {  	_ =	shalt  }
0x87: {  	_ =	shalt  }
.Lfunc_end0:
.L_simem_size_0:
called_computation.3_lowered:
.L_overlay_start_0:
0x88: {  	s2 =	sld [smem:$0x3FD9]  }
0x89: {  	s3 =	sld [smem:$0x3FFE];
	_ =	sdelay $0x1  }
0x8a: {  	s1 =	srdreg.scid  }
0x8b: {  	s0 =	sand.u32 $0x1, s1  }
0x8c: {  	s17 =	sshll.u32 s0, $0xA;
	s2 =	sadd.s32 s3, s2  }
0x8d: {  	s2 =	sadd.s32 s2, s17  }
0x8e: {  	[smem:$0x3FC0] =	sst s2  }
0x8f: {  	_ = 	snop  }
0x90: {  	s2 =	sld [smem:$0x3FD0];
	(tm) =	ssettm $0x1  }
0x91: {  	s18 =	sld [smem:$0x3FFB];
	_ =	sdelay $0x3  }
0x92: {  	_ =	strace s18  }
0x93: {  	s3 =	sld [smem:$0x3FFC];
	_ =	sdelay $0x3  }
0x94: {  	_ =	strace s3  }
0x95: {  	s3 =	sld [smem:$0x3FFD];
	_ =	sdelay $0x3  }
0x96: {  	_ =	strace s3  }
0x97: {  	_ =	strace $0x8FFFFFFF  }
0x98: {  	s19 =	sld [smem:$0x3FDB];
	_ =	sdelay $0x1  }
0x99: {  	s4 =	simm.s32 $_scs_section_size  }
0x9a: {  	s5 =	simm.s32 $_size__tile_overlayer_lowered;
	s6 =	simm.s32 $_tile_overlayer_lowered  }
0x9b: {  	s22 =	simm.s32 $0x1BFF;
	s21 =	sshll.u32 s6, $0x1;
	s3 =	sadd.s32 s4, s19  }
0x9c: {  	s7 =	simm.s32 $0x0;
	s20 =	sshll.u32 s5, $0x1;
	s5 =	sadd.s32 s21, s3  }
0x9d: {  	[timem:s7], [sflag:s22] =	dma.local [hbm:s5], s20  }
0x9e: {  	_ =	swait.ge [sflag:s22], s20  }
0x9f: {  	s4 =	ssub.s32 $0x0, s20;
	[sflag:s22] =	ssyncset.done $0x0  }
0xa0: {  	[sflag:s22] =	ssyncadd.s32 s4;
	_ =	sdelay $0x1  }
0xa1: {  	s23 =	simm.s32 $0x1B8B  }
0xa2: {  	_ =	swait.ge [sflag:s23], $0x1  }
0xa3: {  	[sflag:s23] =	ssyncset.done $0x0  }
0xa4: {  	s25 =	simm.s32 $0x1B8E;
	s24 =	sld [smem:$0x3FFE];
	[sflag:s23] =	ssyncadd.s32 $0xFFFFFFFF  }
0xa5: {  	s26 =	simm.s32 $execute0_lowered;
	[smem:$0x3FD2] =	sst s25  }
0xa6: {  	s5 =	sshll.u32 s26, $0x1;
	_ =	strace $0x8000004F;
	[dreg:$0x1] =	wrdreg $0xFFFFFFFF  }
0xa7: {  	s28 =	simm.s32 $_size_execute0_lowered;
	s3 =	sadd.s32 s3, s5;
	[dreg:$0x0] =	wrdreg $0x0  }
0xa8: {  	s5 =	sshll.u32 s28, $0x1;
	[dreg:$0x2] =	wrdreg s3  }
0xa9: {  	[dreg:$0x3] =	wrdreg s5  }
0xaa: {  	[dreg:$0x4] =	wrdreg $0xC0  }
0xab: {  	_ =	task [dreg:s7], $0x5FFFF  }
0xac: {  	[dreg:$0x1] =	wrdreg $0xFFFFFFFF  }
0xad: {  	[dreg:$0x0] =	wrdreg $0x60  }
0xae: {  	[dreg:$0x2] =	wrdreg s24  }
0xaf: {  	[dreg:$0x3] =	wrdreg s2  }
0xb0: {  	[dreg:$0x4] =	wrdreg $0x0  }
0xb1: {  	[dreg:$0x5] =	wrdreg $0x9  }
0xb2: {  	_ =	task.clear_ibuf [dreg:s7], $0x6FFFF;
	_ =	strace $0x9000004F  }
0xb3: {  	s29 =	simm.s32 $0x9;
	_ =	strace $0x80000051  }
0xb4: {  	_ =	swait.ge [sflag:s29], $0x1  }
0xb5: {  	[sflag:s29] =	ssyncadd.s32 $0xFFFFFFFF  }
0xb6: {  	_ =	strace $0x90000051  }
0xb7: {  	_ =	sfence  }
0xb8: {  	s30 =	sld [smem:$0x0];
	_ =	sdelay $0x2  }
0xb9: {  	s31 =	sshll.u32 s1, $0xD;
	s1 =	sshrl.u32 s1, $0x2  }
0xba: {  	s3 =	sand.u32 $0x4000, s31;
	s1 =	sadd.s32 s1, s30  }
0xbb: {  	s0 =	sor.u32 s3, s0;
	s1 =	sshll.u32 s1, $0x11  }
0xbc: {  	s0 =	sor.u32 s1, s0  }
0xbd: {  	s0 =	sadd.s32 $0x8F2B, s0  }
0xbe: {  	[sflag:s0] =	ssyncadd.remote.s32 $0x1  }
0xbf: {  	_ =	sfence.sel $0xFFFF  }
0xc0: {  	[dreg:$0x0] =	wrdreg $0xFFFFFFFF;
	(pc) =	sbr.abs _section_cstart, $3  }
0xc1: {  	[dreg:$0x1] =	wrdreg $0xFFFFFFFF  }
0xc2: {  	_ =	task.clear_ibuf [dreg:s7], $0x2FFFF;
	_ =	strace $0x9FFFFFFF  }
0xc3: {  	(tm) =	ssettm $0x7FFFFFFF  }
tec
execute0_lowered:
.L_overlay_start_1:
0x0: {  	(tag) =	ssettag $0x1  }
0x1: {  	s0 =	rddreg [dreg:$0x0]  }
0x2: {  	s1 =	rddreg [dreg:$0x1];
	s19 =	stileid.u32  }
0x3: {  	s3 =	srdreg.scid;
	s2 =	rddreg [dreg:$0x2];
	s20 =	simm.s32 $0x14000  }
0x4: {  	s21 =	simm.s32 $0x15400;
	s28 =	simm.s32 $0x2;
	s11 =	smul.u32 $0x2800, s19  }
0x5: {  	s29 =	simm.s32 $0x16700;
	s30 =	simm.s32 $0x16780;
	s6 =	smul.u32 $0x14000, s19  }
0x6: {  	s18 =	sand.u32 $0x1, s3;
	s3 =	simm.s32 $0x0;
	s8 =	smul.u32 $0x50000, s19  }
0x7: {  	s14 =	sadd.s32 $0x2A00, s0;
	s4 =	sadd.s32 $0xCA00, s0;
	s13 =	smul.u32 $0x500, s19  }
0x8: {  	s31 =	sshll.u32 s19, $0x6;
	s19 =	simm.s32 $0x3;
	s5 =	smul.u32 $0x140000, s18  }
0x9: {  	[smem:$0x7FF] =	sst s3;
	s22 =	ssub.s32 $0x2, s18;
	p0 =	sne.s32 s18, $0x0  }
0xa: {  	s18 =	sor.u32 $0x1C03, s31;
	_ =	strace $0x80000050;
	s7 =	sadd.s32 s11, s0  }
0xb: {  	s23 =	sshrl.u32 s22, $0x1;
	s15 =	sshrl.u32 s11, $0x3;
	s24 =	sshrl.u32 s8, $0x2  }
0xc: {  	s11 =	sadd.s32 s4, s11;
	s12 =	sadd.s32 s14, s13;
	s13 =	sadd.s32 s1, s13  }
0xd: {  	s5 =	sadd.s32 s6, s5;
	s17 =	ssub.s32 s22, s23;
	s25 =	sadd.s32 $0x5000, s15  }
0xe: {  	s26 =	sadd.s32 $0x34A00, s7;
	s10 =	sadd.s32 $0x5280, s15;
	s15 =	sadd.s32 $0x280, s15  }
0xf: {  	s22 =	simm.s32 $0x80;
	s23 =	simm.s32 $0x16800;
	s5 =	sshrl.u32 s5, $0x3  }
.Ltmp0:
0x10: {  	[dreg:$0x4] =	wrdreg s26;
	s7 =	sadd.s32 s14, s25;
	(pc) =	sbr.rel .LBB2_1-.Ltmp0, $4  }
0x11: {  	s8 =	sadd.s32 s1, s25;
	s9 =	sadd.s32 s14, s10;
	s10 =	sadd.s32 s1, s10  }
0x12: {  	s14 =	sadd.s32 s14, s15;
	s15 =	sadd.s32 s1, s15;
	s17 =	smax.u32 s17, $0x1  }
0x13: {  	s25 =	simm.s32 $0x1A800;
	s26 =	simm.s32 $0x1;
	s0 =	sadd.s32 s5, s0  }
0x14: {  	s5 =	sadd.s32 s24, s2;
	s24 =	simm.s32 $0x14080;
	s16 =	sadd.s32 $0x5CA00, s0  }
.LBB2_11:
0x15: {  	[tilespmem:s25], [sflag:$0x2] =	stream.indirect.gather [hbm4b:s4+s22], $0x80, s0, s22, $0xb8;
	[tilespmem:$0x1E800] =	vst v63  }
.LBB2_12:
0x16: {  	_ =	swait.ge [sflag:s26], $0x4000  }
0x17: {  	[sflag:s26] =	ssyncset.done $0x0  }
0x18: {  	[sflag:s26] =	ssyncadd.s32 $0xFFFFC000  }
0x19: {  	[spmem:s2] =	stream.indirect.scatter.add.f32 [tilespmem:s23], [sflag:$0x3], $0x80, s29, s22, $0xb8;
	[tilespmem:$0x1E800] =	vst v63  }
0x1a: {  	_ =	swait.ge [sflag:s19], $0x4000  }
0x1b: {  	[sflag:s19] =	ssyncset.done $0x0  }
0x1c: {  	[sflag:s19] =	ssyncadd.s32 $0xFFFFC000  }
0x1d: {  	_ =	swait.ge [sflag:s28], $0x4000  }
0x1e: {  	[sflag:s28] =	ssyncset.done $0x0  }
0x1f: {  	[sflag:s28] =	ssyncadd.s32 $0xFFFFC000  }
0x20: {  	[spmem:s2] =	stream.indirect.scatter.add.f32 [tilespmem:s25], [sflag:$0x3], $0x80, s30, s22, $0xb8;
	[tilespmem:$0x1E800] =	vst v63  }
0x21: {  	_ =	swait.ge [sflag:s19], $0x4000  }
0x22: {  	s3 =	sadd.s32 $0x1, s3;
	[sflag:s19] =	ssyncset.done $0x0  }
0x23: {  	p1 =	sne.s32 s3, s17;
	[sflag:s19] =	ssyncadd.s32 $0xFFFFC000  }
.Ltmp1:
0x24: {  	[bflag:$0x0] =	sbarrier.arrive $0xFFFF;
	(pc) =	sbr.rel @!p1 .LBB2_13-.Ltmp1, $4  }
0x25: {  	[hbm:s16], [sflag:s18] =	dma.local [spmem:s31], $0x2800  }
0x26: {  	_ =	swait.ge [sflag:s19], $0x2800  }
0x27: {  	[sflag:s19] =	ssyncset.done $0x0  }
0x28: {  	[sflag:s19] =	ssyncadd.s32 $0xFFFFD800  }
.LBB2_1:
.Ltmp2:
0x29: {  	(pc) =	sbr.rel @p0 .LBB2_7-.Ltmp2, $2  }
0x2a: {  	_ =	sdelay $0x2  }
0x2b: {  	s31 =	sshrl.u32 s5, $0x3  }
0x2c: {  	[spmem:s31], [sflag:s18] =	dma.local [hbm:s11], $0x2800  }
0x2d: {  	_ =	swait.ge [sflag:s19], $0x2800  }
0x2e: {  	[sflag:s19] =	ssyncset.done $0x0  }
0x2f: {  	s0 =	simm.s32 $0x0;
	[sflag:s19] =	ssyncadd.s32 $0xFFFFD800  }
0x30: {  	[tilespmem:s20], [sflag:$0x3] =	stream.linear.gather [hbm4b:s12+s0], $0x1400, $0x38;
	[tilespmem:$0x1E800] =	vst v63  }
0x31: {  	_ =	swait.ge [sflag:s19], $0x1400  }
0x32: {  	[sflag:s19] =	ssyncset.done $0x0  }
0x33: {  	[sflag:s19] =	ssyncadd.s32 $0xFFFFEC00  }
0x34: {  	[tilespmem:s21], [sflag:$0x3] =	stream.linear.gather [hbm4b:s13+s0], $0x1400, $0x38;
	[tilespmem:$0x1E800] =	vst v63  }
0x35: {  	_ =	swait.ge [sflag:s19], $0x1400  }
0x36: {  	[sflag:s19] =	ssyncset.done $0x0  }
0x37: {  	[sflag:s19] =	ssyncadd.s32 $0xFFFFEC00  }
0x38: {  	[bflag:$0x0] =	sbarrier.arrive $0xFFFF  }
0x39: {  	[tilespmem:s23], [sflag:$0x1] =	stream.indirect.gather [hbm4b:s4+s22], $0x80, s20, s22, $0xb8;
	[tilespmem:$0x1E800] =	vst v63  }
0x3a: {  	_ = 	snop  }
0x3b: {  	[tilespmem:s25], [sflag:$0x2] =	stream.indirect.gather [hbm4b:s4+s22], $0x80, s24, s22, $0xb8;
	[tilespmem:$0x1E800] =	vst v63  }
0x3c: {  	_ =	swait.ge [sflag:s26], $0x4000  }
0x3d: {  	[sflag:s26] =	ssyncset.done $0x0  }
0x3e: {  	s6 =	simm.s32 $0x15400;
	[sflag:s26] =	ssyncadd.s32 $0xFFFFC000  }
0x3f: {  	[spmem:s2] =	stream.indirect.scatter.add.f32 [tilespmem:s23], [sflag:$0x3], $0x80, s6, s22, $0xb8;
	[tilespmem:$0x1E800] =	vst v63  }
0x40: {  	_ =	swait.ge [sflag:s19], $0x4000  }
0x41: {  	[sflag:s19] =	ssyncset.done $0x0  }
0x42: {  	s1 =	simm.s32 $0x14100;
	[sflag:s19] =	ssyncadd.s32 $0xFFFFC000  }
0x43: {  	[tilespmem:s23], [sflag:$0x1] =	stream.indirect.gather [hbm4b:s4+s22], $0x80, s1, s22, $0xb8;
	[tilespmem:$0x1E800] =	vst v63  }
0x44: {  	_ =	swait.ge [sflag:s28], $0x4000  }
0x45: {  	[sflag:s28] =	ssyncset.done $0x0  }
0x46: {  	s6 =	simm.s32 $0x15480;
	[sflag:s28] =	ssyncadd.s32 $0xFFFFC000  }
0x47: {  	[spmem:s2] =	stream.indirect.scatter.add.f32 [tilespmem:s25], [sflag:$0x3], $0x80, s6, s22, $0xb8;
	[tilespmem:$0x1E800] =	vst v63  }
0x48: {  	_ =	swait.ge [sflag:s19], $0x4000  }
0x49: {  	[sflag:s19] =	ssyncset.done $0x0  }
0x4a: {  	s0 =	simm.s32 $0x14180;
	s1 =	simm.s32 $0x400;
	[sflag:s19] =	ssyncadd.s32 $0xFFFFC000  }
.LBB2_3:
0x4b: {  	[tilespmem:s25], [sflag:$0x2] =	stream.indirect.gather [hbm4b:s4+s22], $0x80, s0, s22, $0xb8;
	[tilespmem:$0x1E800] =	vst v63  }
0x4c: {  	s0 =	smov.u32 s1  }
0x4d: {  	p1 =	sne.s32 s1, $0x4800;
	s1 =	sadd.s32 $0x400, s1;
	_ =	swait.ge [sflag:s26], $0x4000  }
0x4e: {  	s0 =	sshra.s32 s0, $0x2;
	[sflag:s26] =	ssyncset.done $0x0  }
0x4f: {  	s6 =	sadd.s32 $0x15400, s0;
	[sflag:s26] =	ssyncadd.s32 $0xFFFFC000  }
0x50: {  	[spmem:s2] =	stream.indirect.scatter.add.f32 [tilespmem:s23], [sflag:$0x3], $0x80, s6, s22, $0xb8;
	[tilespmem:$0x1E800] =	vst v63  }
0x51: {  	_ =	swait.ge [sflag:s19], $0x4000  }
0x52: {  	[sflag:s19] =	ssyncset.done $0x0  }
0x53: {  	s6 =	sadd.s32 $0x14100, s0;
	[sflag:s19] =	ssyncadd.s32 $0xFFFFC000  }
0x54: {  	[tilespmem:s23], [sflag:$0x1] =	stream.indirect.gather [hbm4b:s4+s22], $0x80, s6, s22, $0xb8;
	[tilespmem:$0x1E800] =	vst v63  }
0x55: {  	_ =	swait.ge [sflag:s28], $0x4000  }
0x56: {  	[sflag:s28] =	ssyncset.done $0x0  }
.Ltmp3:
0x57: {  	s6 =	sadd.s32 $0x15480, s0;
	[sflag:s28] =	ssyncadd.s32 $0xFFFFC000;
	(pc) =	sbr.rel @p1 .LBB2_3-.Ltmp3, $4  }
0x58: {  	[spmem:s2] =	stream.indirect.scatter.add.f32 [tilespmem:s25], [sflag:$0x3], $0x80, s6, s22, $0xb8;
	[tilespmem:$0x1E800] =	vst v63  }
0x59: {  	_ =	swait.ge [sflag:s19], $0x4000  }
0x5a: {  	[sflag:s19] =	ssyncset.done $0x0  }
0x5b: {  	s0 =	sadd.s32 $0x14180, s0;
	[sflag:s19] =	ssyncadd.s32 $0xFFFFC000  }
0x5c: {  	[tilespmem:s25], [sflag:$0x2] =	stream.indirect.gather [hbm4b:s4+s22], $0x80, s0, s22, $0xb8;
	[tilespmem:$0x1E800] =	vst v63  }
0x5d: {  	_ =	swait.ge [sflag:s26], $0x4000  }
0x5e: {  	[sflag:s26] =	ssyncset.done $0x0  }
0x5f: {  	[sflag:s26] =	ssyncadd.s32 $0xFFFFC000  }
0x60: {  	[spmem:s2] =	stream.indirect.scatter.add.f32 [tilespmem:s23], [sflag:$0x3], $0x80, s29, s22, $0xb8;
	[tilespmem:$0x1E800] =	vst v63  }
0x61: {  	_ =	swait.ge [sflag:s19], $0x4000  }
0x62: {  	[sflag:s19] =	ssyncset.done $0x0  }
0x63: {  	[sflag:s19] =	ssyncadd.s32 $0xFFFFC000  }
0x64: {  	_ =	swait.ge [sflag:s28], $0x4000  }
0x65: {  	[sflag:s28] =	ssyncset.done $0x0  }
0x66: {  	[sflag:s28] =	ssyncadd.s32 $0xFFFFC000  }
0x67: {  	[spmem:s2] =	stream.indirect.scatter.add.f32 [tilespmem:s25], [sflag:$0x3], $0x80, s30, s22, $0xb8;
	[tilespmem:$0x1E800] =	vst v63  }
0x68: {  	_ =	swait.ge [sflag:s19], $0x4000  }
0x69: {  	[sflag:s19] =	ssyncset.done $0x0  }
0x6a: {  	s1 =	simm.s32 $0x0;
	[sflag:s19] =	ssyncadd.s32 $0xFFFFC000  }
0x6b: {  	[tilespmem:s20], [sflag:$0x3] =	stream.linear.gather [hbm4b:s14+s1], $0x1400, $0x38;
	[tilespmem:$0x1E800] =	vst v63  }
0x6c: {  	_ =	swait.ge [sflag:s19], $0x1400  }
0x6d: {  	[sflag:s19] =	ssyncset.done $0x0  }
0x6e: {  	[sflag:s19] =	ssyncadd.s32 $0xFFFFEC00  }
0x6f: {  	[tilespmem:s21], [sflag:$0x3] =	stream.linear.gather [hbm4b:s15+s1], $0x1400, $0x38;
	[tilespmem:$0x1E800] =	vst v63  }
0x70: {  	_ =	swait.ge [sflag:s19], $0x1400  }
0x71: {  	[sflag:s19] =	ssyncset.done $0x0  }
0x72: {  	[sflag:s19] =	ssyncadd.s32 $0xFFFFEC00  }
0x73: {  	[tilespmem:s23], [sflag:$0x1] =	stream.indirect.gather [hbm4b:s4+s22], $0x80, s20, s22, $0xb8;
	[tilespmem:$0x1E800] =	vst v63  }
0x74: {  	_ = 	snop  }
0x75: {  	[tilespmem:s25], [sflag:$0x2] =	stream.indirect.gather [hbm4b:s4+s22], $0x80, s24, s22, $0xb8;
	[tilespmem:$0x1E800] =	vst v63  }
0x76: {  	_ =	swait.ge [sflag:s26], $0x4000  }
0x77: {  	[sflag:s26] =	ssyncset.done $0x0  }
0x78: {  	s6 =	simm.s32 $0x15400;
	[sflag:s26] =	ssyncadd.s32 $0xFFFFC000  }
0x79: {  	[spmem:s2] =	stream.indirect.scatter.add.f32 [tilespmem:s23], [sflag:$0x3], $0x80, s6, s22, $0xb8;
	[tilespmem:$0x1E800] =	vst v63  }
0x7a: {  	_ =	swait.ge [sflag:s19], $0x4000  }
0x7b: {  	[sflag:s19] =	ssyncset.done $0x0  }
0x7c: {  	s1 =	simm.s32 $0x14100;
	[sflag:s19] =	ssyncadd.s32 $0xFFFFC000  }
0x7d: {  	[tilespmem:s23], [sflag:$0x1] =	stream.indirect.gather [hbm4b:s4+s22], $0x80, s1, s22, $0xb8;
	[tilespmem:$0x1E800] =	vst v63  }
0x7e: {  	_ =	swait.ge [sflag:s28], $0x4000  }
0x7f: {  	[sflag:s28] =	ssyncset.done $0x0  }
0x80: {  	s6 =	simm.s32 $0x15480;
	[sflag:s28] =	ssyncadd.s32 $0xFFFFC000  }
0x81: {  	[spmem:s2] =	stream.indirect.scatter.add.f32 [tilespmem:s25], [sflag:$0x3], $0x80, s6, s22, $0xb8;
	[tilespmem:$0x1E800] =	vst v63  }
0x82: {  	_ =	swait.ge [sflag:s19], $0x4000  }
0x83: {  	[sflag:s19] =	ssyncset.done $0x0  }
0x84: {  	s0 =	simm.s32 $0x14180;
	s1 =	simm.s32 $0x400;
	[sflag:s19] =	ssyncadd.s32 $0xFFFFC000  }
.LBB2_5:
0x85: {  	[tilespmem:s25], [sflag:$0x2] =	stream.indirect.gather [hbm4b:s4+s22], $0x80, s0, s22, $0xb8;
	[tilespmem:$0x1E800] =	vst v63  }
0x86: {  	s0 =	smov.u32 s1  }
0x87: {  	p1 =	seq.s32 s1, $0x4800;
	s1 =	sadd.s32 $0x400, s1;
	_ =	swait.ge [sflag:s26], $0x4000  }
0x88: {  	s0 =	sshra.s32 s0, $0x2;
	[sflag:s26] =	ssyncset.done $0x0  }
0x89: {  	s6 =	sadd.s32 $0x15400, s0;
	[sflag:s26] =	ssyncadd.s32 $0xFFFFC000  }
0x8a: {  	[spmem:s2] =	stream.indirect.scatter.add.f32 [tilespmem:s23], [sflag:$0x3], $0x80, s6, s22, $0xb8;
	[tilespmem:$0x1E800] =	vst v63  }
0x8b: {  	_ =	swait.ge [sflag:s19], $0x4000  }
0x8c: {  	[sflag:s19] =	ssyncset.done $0x0  }
0x8d: {  	s6 =	sadd.s32 $0x14100, s0;
	[sflag:s19] =	ssyncadd.s32 $0xFFFFC000  }
0x8e: {  	[tilespmem:s23], [sflag:$0x1] =	stream.indirect.gather [hbm4b:s4+s22], $0x80, s6, s22, $0xb8;
	[tilespmem:$0x1E800] =	vst v63  }
0x8f: {  	_ =	swait.ge [sflag:s28], $0x4000  }
0x90: {  	[sflag:s28] =	ssyncset.done $0x0  }
.Ltmp4:
0x91: {  	s6 =	sadd.s32 $0x15480, s0;
	[sflag:s28] =	ssyncadd.s32 $0xFFFFC000;
	(pc) =	sbr.rel @!p1 .LBB2_5-.Ltmp4, $4  }
0x92: {  	[spmem:s2] =	stream.indirect.scatter.add.f32 [tilespmem:s25], [sflag:$0x3], $0x80, s6, s22, $0xb8;
	[tilespmem:$0x1E800] =	vst v63  }
0x93: {  	_ =	swait.ge [sflag:s19], $0x4000  }
0x94: {  	[sflag:s19] =	ssyncset.done $0x0  }
0x95: {  	s0 =	sadd.s32 $0x14180, s0;
	[sflag:s19] =	ssyncadd.s32 $0xFFFFC000  }
.Ltmp5:
0x96: {  	(pc) =	sbr.rel .LBB2_12-.Ltmp5, $2  }
0x97: {  	_ =	sdelay $0x2  }
0x98: {  	[tilespmem:s25], [sflag:$0x2] =	stream.indirect.gather [hbm4b:s4+s22], $0x80, s0, s22, $0xb8;
	[tilespmem:$0x1E800] =	vst v63  }
.LBB2_7:
0x99: {  	s0 =	rddreg [dreg:$0x4]  }
0x9a: {  	[spmem:s31], [sflag:s18] =	dma.local [hbm:s0], $0x2800  }
0x9b: {  	_ =	swait.ge [sflag:s19], $0x2800  }
0x9c: {  	[sflag:s19] =	ssyncset.done $0x0  }
0x9d: {  	s1 =	simm.s32 $0x0;
	[sflag:s19] =	ssyncadd.s32 $0xFFFFD800  }
0x9e: {  	[tilespmem:s20], [sflag:$0x3] =	stream.linear.gather [hbm4b:s7+s1], $0x1400, $0x38;
	[tilespmem:$0x1E800] =	vst v63  }
0x9f: {  	_ =	swait.ge [sflag:s19], $0x1400  }
0xa0: {  	[sflag:s19] =	ssyncset.done $0x0  }
0xa1: {  	[sflag:s19] =	ssyncadd.s32 $0xFFFFEC00  }
0xa2: {  	[tilespmem:s21], [sflag:$0x3] =	stream.linear.gather [hbm4b:s8+s1], $0x1400, $0x38;
	[tilespmem:$0x1E800] =	vst v63  }
0xa3: {  	_ =	swait.ge [sflag:s19], $0x1400  }
0xa4: {  	[sflag:s19] =	ssyncset.done $0x0  }
0xa5: {  	[sflag:s19] =	ssyncadd.s32 $0xFFFFEC00  }
0xa6: {  	[bflag:$0x0] =	sbarrier.arrive $0xFFFF  }
0xa7: {  	[tilespmem:s23], [sflag:$0x1] =	stream.indirect.gather [hbm4b:s4+s22], $0x80, s20, s22, $0xb8;
	[tilespmem:$0x1E800] =	vst v63  }
0xa8: {  	_ = 	snop  }
0xa9: {  	[tilespmem:s25], [sflag:$0x2] =	stream.indirect.gather [hbm4b:s4+s22], $0x80, s24, s22, $0xb8;
	[tilespmem:$0x1E800] =	vst v63  }
0xaa: {  	_ =	swait.ge [sflag:s26], $0x4000  }
0xab: {  	[sflag:s26] =	ssyncset.done $0x0  }
0xac: {  	s6 =	simm.s32 $0x15400;
	[sflag:s26] =	ssyncadd.s32 $0xFFFFC000  }
0xad: {  	[spmem:s2] =	stream.indirect.scatter.add.f32 [tilespmem:s23], [sflag:$0x3], $0x80, s6, s22, $0xb8;
	[tilespmem:$0x1E800] =	vst v63  }
0xae: {  	_ =	swait.ge [sflag:s19], $0x4000  }
0xaf: {  	[sflag:s19] =	ssyncset.done $0x0  }
0xb0: {  	s1 =	simm.s32 $0x14100;
	[sflag:s19] =	ssyncadd.s32 $0xFFFFC000  }
0xb1: {  	[tilespmem:s23], [sflag:$0x1] =	stream.indirect.gather [hbm4b:s4+s22], $0x80, s1, s22, $0xb8;
	[tilespmem:$0x1E800] =	vst v63  }
0xb2: {  	_ =	swait.ge [sflag:s28], $0x4000  }
0xb3: {  	[sflag:s28] =	ssyncset.done $0x0  }
0xb4: {  	s6 =	simm.s32 $0x15480;
	[sflag:s28] =	ssyncadd.s32 $0xFFFFC000  }
0xb5: {  	[spmem:s2] =	stream.indirect.scatter.add.f32 [tilespmem:s25], [sflag:$0x3], $0x80, s6, s22, $0xb8;
	[tilespmem:$0x1E800] =	vst v63  }
0xb6: {  	_ =	swait.ge [sflag:s19], $0x4000  }
0xb7: {  	[sflag:s19] =	ssyncset.done $0x0  }
0xb8: {  	s0 =	simm.s32 $0x14180;
	s1 =	simm.s32 $0x400;
	[sflag:s19] =	ssyncadd.s32 $0xFFFFC000  }
.LBB2_8:
0xb9: {  	[tilespmem:s25], [sflag:$0x2] =	stream.indirect.gather [hbm4b:s4+s22], $0x80, s0, s22, $0xb8;
	[tilespmem:$0x1E800] =	vst v63  }
0xba: {  	s0 =	smov.u32 s1  }
0xbb: {  	p1 =	sne.s32 s1, $0x4800;
	s1 =	sadd.s32 $0x400, s1;
	_ =	swait.ge [sflag:s26], $0x4000  }
0xbc: {  	s0 =	sshra.s32 s0, $0x2;
	[sflag:s26] =	ssyncset.done $0x0  }
0xbd: {  	s6 =	sadd.s32 $0x15400, s0;
	[sflag:s26] =	ssyncadd.s32 $0xFFFFC000  }
0xbe: {  	[spmem:s2] =	stream.indirect.scatter.add.f32 [tilespmem:s23], [sflag:$0x3], $0x80, s6, s22, $0xb8;
	[tilespmem:$0x1E800] =	vst v63  }
0xbf: {  	_ =	swait.ge [sflag:s19], $0x4000  }
0xc0: {  	[sflag:s19] =	ssyncset.done $0x0  }
0xc1: {  	s6 =	sadd.s32 $0x14100, s0;
	[sflag:s19] =	ssyncadd.s32 $0xFFFFC000  }
0xc2: {  	[tilespmem:s23], [sflag:$0x1] =	stream.indirect.gather [hbm4b:s4+s22], $0x80, s6, s22, $0xb8;
	[tilespmem:$0x1E800] =	vst v63  }
0xc3: {  	_ =	swait.ge [sflag:s28], $0x4000  }
0xc4: {  	[sflag:s28] =	ssyncset.done $0x0  }
.Ltmp6:
0xc5: {  	s6 =	sadd.s32 $0x15480, s0;
	[sflag:s28] =	ssyncadd.s32 $0xFFFFC000;
	(pc) =	sbr.rel @p1 .LBB2_8-.Ltmp6, $4  }
0xc6: {  	[spmem:s2] =	stream.indirect.scatter.add.f32 [tilespmem:s25], [sflag:$0x3], $0x80, s6, s22, $0xb8;
	[tilespmem:$0x1E800] =	vst v63  }
0xc7: {  	_ =	swait.ge [sflag:s19], $0x4000  }
0xc8: {  	[sflag:s19] =	ssyncset.done $0x0  }
0xc9: {  	s0 =	sadd.s32 $0x14180, s0;
	[sflag:s19] =	ssyncadd.s32 $0xFFFFC000  }
0xca: {  	[tilespmem:s25], [sflag:$0x2] =	stream.indirect.gather [hbm4b:s4+s22], $0x80, s0, s22, $0xb8;
	[tilespmem:$0x1E800] =	vst v63  }
0xcb: {  	_ =	swait.ge [sflag:s26], $0x4000  }
0xcc: {  	[sflag:s26] =	ssyncset.done $0x0  }
0xcd: {  	[sflag:s26] =	ssyncadd.s32 $0xFFFFC000  }
0xce: {  	[spmem:s2] =	stream.indirect.scatter.add.f32 [tilespmem:s23], [sflag:$0x3], $0x80, s29, s22, $0xb8;
	[tilespmem:$0x1E800] =	vst v63  }
0xcf: {  	_ =	swait.ge [sflag:s19], $0x4000  }
0xd0: {  	[sflag:s19] =	ssyncset.done $0x0  }
0xd1: {  	[sflag:s19] =	ssyncadd.s32 $0xFFFFC000  }
0xd2: {  	_ =	swait.ge [sflag:s28], $0x4000  }
0xd3: {  	[sflag:s28] =	ssyncset.done $0x0  }
0xd4: {  	[sflag:s28] =	ssyncadd.s32 $0xFFFFC000  }
0xd5: {  	[spmem:s2] =	stream.indirect.scatter.add.f32 [tilespmem:s25], [sflag:$0x3], $0x80, s30, s22, $0xb8;
	[tilespmem:$0x1E800] =	vst v63  }
0xd6: {  	_ =	swait.ge [sflag:s19], $0x4000  }
0xd7: {  	[sflag:s19] =	ssyncset.done $0x0  }
0xd8: {  	s1 =	simm.s32 $0x0;
	[sflag:s19] =	ssyncadd.s32 $0xFFFFC000  }
0xd9: {  	[tilespmem:s20], [sflag:$0x3] =	stream.linear.gather [hbm4b:s9+s1], $0x1400, $0x38;
	[tilespmem:$0x1E800] =	vst v63  }
0xda: {  	_ =	swait.ge [sflag:s19], $0x1400  }
0xdb: {  	[sflag:s19] =	ssyncset.done $0x0  }
0xdc: {  	[sflag:s19] =	ssyncadd.s32 $0xFFFFEC00  }
0xdd: {  	[tilespmem:s21], [sflag:$0x3] =	stream.linear.gather [hbm4b:s10+s1], $0x1400, $0x38;
	[tilespmem:$0x1E800] =	vst v63  }
0xde: {  	_ =	swait.ge [sflag:s19], $0x1400  }
0xdf: {  	[sflag:s19] =	ssyncset.done $0x0  }
0xe0: {  	[sflag:s19] =	ssyncadd.s32 $0xFFFFEC00  }
0xe1: {  	[tilespmem:s23], [sflag:$0x1] =	stream.indirect.gather [hbm4b:s4+s22], $0x80, s20, s22, $0xb8;
	[tilespmem:$0x1E800] =	vst v63  }
0xe2: {  	_ = 	snop  }
0xe3: {  	[tilespmem:s25], [sflag:$0x2] =	stream.indirect.gather [hbm4b:s4+s22], $0x80, s24, s22, $0xb8;
	[tilespmem:$0x1E800] =	vst v63  }
0xe4: {  	_ =	swait.ge [sflag:s26], $0x4000  }
0xe5: {  	[sflag:s26] =	ssyncset.done $0x0  }
0xe6: {  	s6 =	simm.s32 $0x15400;
	[sflag:s26] =	ssyncadd.s32 $0xFFFFC000  }
0xe7: {  	[spmem:s2] =	stream.indirect.scatter.add.f32 [tilespmem:s23], [sflag:$0x3], $0x80, s6, s22, $0xb8;
	[tilespmem:$0x1E800] =	vst v63  }
0xe8: {  	_ =	swait.ge [sflag:s19], $0x4000  }
0xe9: {  	[sflag:s19] =	ssyncset.done $0x0  }
0xea: {  	s1 =	simm.s32 $0x14100;
	[sflag:s19] =	ssyncadd.s32 $0xFFFFC000  }
0xeb: {  	[tilespmem:s23], [sflag:$0x1] =	stream.indirect.gather [hbm4b:s4+s22], $0x80, s1, s22, $0xb8;
	[tilespmem:$0x1E800] =	vst v63  }
0xec: {  	_ =	swait.ge [sflag:s28], $0x4000  }
0xed: {  	[sflag:s28] =	ssyncset.done $0x0  }
0xee: {  	s6 =	simm.s32 $0x15480;
	[sflag:s28] =	ssyncadd.s32 $0xFFFFC000  }
0xef: {  	[spmem:s2] =	stream.indirect.scatter.add.f32 [tilespmem:s25], [sflag:$0x3], $0x80, s6, s22, $0xb8;
	[tilespmem:$0x1E800] =	vst v63  }
0xf0: {  	_ =	swait.ge [sflag:s19], $0x4000  }
0xf1: {  	[sflag:s19] =	ssyncset.done $0x0  }
0xf2: {  	s0 =	simm.s32 $0x14180;
	s1 =	simm.s32 $0x400;
	[sflag:s19] =	ssyncadd.s32 $0xFFFFC000  }
.LBB2_10:
0xf3: {  	[tilespmem:s25], [sflag:$0x2] =	stream.indirect.gather [hbm4b:s4+s22], $0x80, s0, s22, $0xb8;
	[tilespmem:$0x1E800] =	vst v63  }
0xf4: {  	s0 =	smov.u32 s1  }
0xf5: {  	p1 =	sne.s32 s1, $0x4800;
	s1 =	sadd.s32 $0x400, s1;
	_ =	swait.ge [sflag:s26], $0x4000  }
0xf6: {  	s0 =	sshra.s32 s0, $0x2;
	[sflag:s26] =	ssyncset.done $0x0  }
0xf7: {  	s6 =	sadd.s32 $0x15400, s0;
	[sflag:s26] =	ssyncadd.s32 $0xFFFFC000  }
0xf8: {  	[spmem:s2] =	stream.indirect.scatter.add.f32 [tilespmem:s23], [sflag:$0x3], $0x80, s6, s22, $0xb8;
	[tilespmem:$0x1E800] =	vst v63  }
0xf9: {  	_ =	swait.ge [sflag:s19], $0x4000  }
0xfa: {  	[sflag:s19] =	ssyncset.done $0x0  }
0xfb: {  	s6 =	sadd.s32 $0x14100, s0;
	[sflag:s19] =	ssyncadd.s32 $0xFFFFC000  }
0xfc: {  	[tilespmem:s23], [sflag:$0x1] =	stream.indirect.gather [hbm4b:s4+s22], $0x80, s6, s22, $0xb8;
	[tilespmem:$0x1E800] =	vst v63  }
0xfd: {  	_ =	swait.ge [sflag:s28], $0x4000  }
0xfe: {  	[sflag:s28] =	ssyncset.done $0x0  }
.Ltmp7:
0xff: {  	s6 =	sadd.s32 $0x15480, s0;
	[sflag:s28] =	ssyncadd.s32 $0xFFFFC000;
	(pc) =	sbr.rel @p1 .LBB2_10-.Ltmp7, $4  }
0x100: {  	[spmem:s2] =	stream.indirect.scatter.add.f32 [tilespmem:s25], [sflag:$0x3], $0x80, s6, s22, $0xb8;
	[tilespmem:$0x1E800] =	vst v63  }
0x101: {  	_ =	swait.ge [sflag:s19], $0x4000  }
0x102: {  	[sflag:s19] =	ssyncset.done $0x0  }
0x103: {  	s0 =	sadd.s32 $0x14180, s0;
	[sflag:s19] =	ssyncadd.s32 $0xFFFFC000  }
.Ltmp8:
0x104: {  	_ = 	snop;
	(pc) =	sbr.rel .LBB2_11-.Ltmp8, $1  }
0x105: {  	_ =	sdelay $0x3  }
.LBB2_13:
0x106: {  	_ =	sfence.sel $0x180000  }
0x107: {  	[bflag:$0x0] =	sbarrier.arrive $0xFFFF  }
0x108: {  	_ =	strace $0x90000050  }
0x109: {  	s0 =	stileid.u32;
	[bflag:$0x2] =	sbarrier.arrive $0xFFFF  }
0x10a: {  	p0 =	sne.s32 s0, $0x0;
	s0 =	rddreg [dreg:$0x3]  }
0x10b: {  	s0 =	sadd.s32 @!p0 $0x100000, s0  }
0x10c: {  	[sflag:s0] =	ssyncadd.tile.s32 @!p0 $0x1;
	_ =	shalt  }
.Lfunc_end2:
_tile_overlayer_lowered:
.L_overlay_start_2:
0x10d: {  	(tag) =	ssettag $0x2  }
0x10e: {  	s0 =	rddreg [dreg:$0x0];
	s2 =	stileid.u32  }
0x10f: {  	s1 =	rddreg [dreg:$0x1];
	p0 =	sne.s32 s2, $0x0  }
0x110: {  	s3 =	rddreg [dreg:$0x2];
	[bflag:$0x3] =	sbarrier.arrive $0xFFFF;
	s2 =	simm.s32 @!p0 $0x1C03  }
0x111: {  	[timem:s3], [sflag:s2] =	dma.local @!p0 [hbm:s0], s1  }
0x112: {  	s0 =	simm.s32 @!p0 $0x3  }
0x113: {  	_ =	swait.ge @!p0 [sflag:s0], s1  }
0x114: {  	s1 =	ssub.s32 @!p0 $0x0, s1;
	[sflag:s0] =	ssyncset.done @!p0 $0x0  }
0x115: {  	[sflag:s0] =	ssyncadd.s32 @!p0 s1  }
0x116: {  	[bflag:$0x3] =	sbarrier.arrive $0xFFFF  }
0x117: {  	_ =	shalt  }

</sc_bundles>
